<compile_context>
chip_gen: v7x
topology: tpu7x:2x2x1
jax: 0.10.2.dev20260603
libtpu: 0.0.44.dev20260713+nightly
codegen_flags: <defaults>
</compile_context>

<pallas_src>
import functools

import jax
import jax.numpy as jnp
import numpy as np
from jax import lax
from jax.experimental import pallas as pl
from jax.experimental.pallas import tpu as pltpu
from jax.experimental.pallas import tpu_sc as plsc

NC = 2
NS = 16
NW = NC * NS
CHUNK = 128
LW = 128

GS_MF = 1 << 15
GS_ML = 1 << 17


def _repack2(tTu, tTi, gs):
    d, n = tTu.shape
    ng = 2 * LW // d
    rows = 4096
    cols = rows
    grid = gs // rows
    nblk = -(-n // cols)

    def one(xs):
        x = jnp.concatenate([x[...] for x in xs], axis=0)
        y = x.astype(jnp.bfloat16).T
        return pltpu.bitcast(y.reshape(2 * cols, LW), jnp.float32)

    def body(*refs):
        xs, ou, oi = refs[:-2], refs[-2], refs[-1]
        ou[...] = one(xs[:ng])
        oi[...] = one(xs[ng:])

    spec = lambda q: pl.BlockSpec(
        (d, cols),
        functools.partial(
            lambda i, q=q: (0, jnp.minimum(q * (gs // cols) + i, nblk - 1))))
    in_specs = [spec(q) for q in range(ng)] * 2
    out_spec = pl.BlockSpec((rows, LW), lambda i: (i, 0))
    out_sds = jax.ShapeDtypeStruct((gs, LW), jnp.float32)
    return pl.pallas_call(
        body,
        grid=(grid,),
        in_specs=in_specs,
        out_specs=[out_spec, out_spec],
        out_shape=[out_sds, out_sds],
    )(*([tTu] * ng), *([tTi] * ng))


def _sc_gather2(user, item, tbl_u, tbl_i, gs):
    B = user.shape[0]
    bpw = B // NW
    nch = bpw // CHUNK
    mesh = plsc.VectorSubcoreMesh(core_axis_name="c", subcore_axis_name="s")
    out_sds = jax.ShapeDtypeStruct((B, LW), jnp.float32)

    @functools.partial(
        pl.kernel,
        mesh=mesh,
        compiler_params=pltpu.CompilerParams(use_tc_tiling_on_sc=True),
        out_type=[out_sds] * 2,
        scratch_types=[
            pltpu.VMEM((nch, CHUNK), jnp.int32),
            pltpu.VMEM((nch, CHUNK), jnp.int32),
            pltpu.VMEM((nch, CHUNK, LW), jnp.float32),
            pltpu.SemaphoreType.DMA,
            pltpu.SemaphoreType.DMA,
        ],
    )
    def k(user_hbm, item_hbm, h_u, h_i, o_u, o_i,
          ridx_u, ridx_i, ring, sem_g, sem_o):
        wid = lax.axis_index("s") * NC + lax.axis_index("c")
        base = wid * bpw
        for j in range(nch):
            pltpu.sync_copy(user_hbm.at[pl.ds(base + j * CHUNK, CHUNK)], ridx_u.at[j])
            pltpu.sync_copy(item_hbm.at[pl.ds(base + j * CHUNK, CHUNK)], ridx_i.at[j])
        for j in range(nch):
            for o in range(0, CHUNK, 16):
                s = pl.ds(o, 16)
                ridx_u[j, s] = ridx_u[j, s] & (gs - 1)
                ridx_i[j, s] = ridx_i[j, s] & (gs - 1)
        work = [(h_u, ridx_u, o_u, c) for c in range(nch)]
        work += [(h_i, ridx_i, o_i, c) for c in range(nch)]

        def gather(w):
            tbl, ridx, _, c = w
            return pltpu.async_copy(tbl.at[ridx.at[c]], ring.at[c % nch], sem_g)

        def outcopy(w):
            _, _, out, c = w
            return pltpu.async_copy(ring.at[c % nch],
                                    out.at[pl.ds(base + c * CHUNK, CHUNK)], sem_o)

        gs_ = [gather(w) for w in work[:nch]]
        os_ = []
        for k_ in range(len(work)):
            gs_[k_].wait()
            os_.append(outcopy(work[k_]))
            nxt = k_ + nch
            if nxt < len(work):
                os_[k_].wait()
                gs_.append(gather(work[nxt]))
        for k_ in range(len(work) - nch, len(work)):
            os_[k_].wait()

    return k(user, item, tbl_u, tbl_i)


def _unpack(ref):
    x = pltpu.bitcast(ref[...], jnp.bfloat16)
    return x.reshape(x.shape[0] // 2, 2 * LW).astype(jnp.float32)


def _tc_body(u_ref, it_ref, mfu_ref, mfi_ref, mlu_ref, mli_ref,
             w0u_ref, w0i_ref, b0_ref, w1_ref, b1_ref, w2_ref, b2_ref,
             s8_ref, wpm_ref, wph_ref, bp_ref, out_ref):
    f32 = jnp.float32
    R = mfu_ref.shape[0]
    col = lax.broadcasted_iota(jnp.int32, (R, 2 * LW), 1)
    u = u_ref[...]
    it = it_ref[...]
    zero = jnp.zeros((), f32)
    xu = jnp.where((col >> 5) == (u >> 17), _unpack(mlu_ref), zero)
    xi = jnp.where((col >> 5) == (it >> 17), _unpack(mli_ref), zero)
    h = jnp.dot(xu, w0u_ref[...], preferred_element_type=f32)
    h = h + jnp.dot(xi, w0i_ref[...], preferred_element_type=f32)
    h = jnp.maximum(h + b0_ref[...], 0.0)
    h = jnp.maximum(jnp.dot(h, w1_ref[...], preferred_element_type=f32) + b1_ref[...], 0.0)
    h = jnp.maximum(jnp.dot(h, w2_ref[...], preferred_element_type=f32) + b2_ref[...], 0.0)
    gu = jnp.where((col >> 3) == (u >> 15), _unpack(mfu_ref), zero)
    gi = jnp.where((col >> 3) == (it >> 15), _unpack(mfi_ref), zero)
    mfu_x = jnp.dot(gu, s8_ref[...], preferred_element_type=f32)
    mfi_x = jnp.dot(gi, s8_ref[...], preferred_element_type=f32)
    mf = mfu_x * mfi_x
    logit = (jnp.dot(mf, wpm_ref[...], preferred_element_type=f32)
             + jnp.dot(h, wph_ref[...], preferred_element_type=f32)
             + bp_ref[...])
    out_ref[...] = jax.nn.sigmoid(logit) * 4.5 + 0.5


def kernel(user, item, mf_user_emb, mf_item_emb, mlp_user_emb, mlp_item_emb,
           w0, b0, w1, b1, w2, b2, wp, bp):
    B = user.shape[0]
    dmf = mf_user_emb.shape[1]
    dml = mlp_user_emb.shape[1]

    p_mlu, p_mli = _repack2(mlp_user_emb.T, mlp_item_emb.T, GS_ML)
    mlu, mli = _sc_gather2(user, item, p_mlu, p_mli, GS_ML)
    p_mfu, p_mfi = _repack2(mf_user_emb.T, mf_item_emb.T, GS_MF)
    mfu, mfi = _sc_gather2(user, item, p_mfu, p_mfi, GS_MF)

    w0u = jnp.tile(w0[:, :dml].T, (2 * LW // dml, 1))
    w0i = jnp.tile(w0[:, dml:].T, (2 * LW // dml, 1))
    s8 = jnp.asarray(np.tile(np.eye(dmf, dtype=np.float32),
                             (2 * LW // dmf, 1)))
    w1t = w1.T
    w2t = w2.T
    wpm = wp[:, :dmf].T
    wph = wp[:, dmf:].T
    b0r = b0.reshape(1, -1)
    b1r = b1.reshape(1, -1)
    b2r = b2.reshape(1, -1)
    bpr = bp.reshape(1, 1)
    u2d = user.reshape(B, 1)
    i2d = item.reshape(B, 1)

    R = 4096
    d0 = w0.shape[0]
    d1 = w1.shape[0]
    d2 = w2.shape[0]
    data = lambda c: pl.BlockSpec((R, c), lambda i: (i, 0))
    full = lambda a, b: pl.BlockSpec((a, b), lambda i: (0, 0))
    out2 = pl.pallas_call(
        _tc_body,
        grid=(B // R,),
        in_specs=[
            data(1), data(1), data(LW), data(LW), data(LW), data(LW),
            full(2 * LW, d0), full(2 * LW, d0), full(1, d0),
            full(d0, d1), full(1, d1),
            full(d1, d2), full(1, d2),
            full(2 * LW, dmf),
            full(dmf, 1), full(d2, 1), full(1, 1),
        ],
        out_specs=pl.BlockSpec((R, 1), lambda i: (i, 0)),
        out_shape=jax.ShapeDtypeStruct((B, 1), jnp.float32),
    )(u2d, i2d, mfu, mfi, mlu, mli, w0u, w0i, b0r, w1t, b1r, w2t, b2r,
      s8, wpm, wph, bpr)
    return out2.reshape(B)

# --- scband reference (transcript-rebuilt; emitter-appended) ---
"""Pipeline reference for scband-neu-mf-55035710931645 (READ-ONLY COPY).

The authoritative reference and input builder live on the scoring server;
editing this copy changes nothing except your own understanding.
"""

import jax, jax.numpy as jnp
import numpy as np

B = 16384
NU = 1000000
NI = 1000000
MF_DIM = 8
MLP_DIM = 32
LAYERS = [64, 32, 16]


def setup_inputs(seed: int = 0) -> dict:
    key = jax.random.key(seed)
    ks = jax.random.split(key, 16)
    user = jax.random.randint(ks[0], (B,), 0, NU, dtype=jnp.int64 if jax.config.jax_enable_x64 else jnp.int32)
    item = jax.random.randint(ks[1], (B,), 0, NI, dtype=jnp.int64 if jax.config.jax_enable_x64 else jnp.int32)
    mf_user_emb = jax.random.normal(ks[2], (NU, MF_DIM), dtype=jnp.float32) * 0.01
    mf_item_emb = jax.random.normal(ks[3], (NI, MF_DIM), dtype=jnp.float32) * 0.01
    mlp_user_emb = jax.random.normal(ks[4], (NU, MLP_DIM), dtype=jnp.float32) * 0.01
    mlp_item_emb = jax.random.normal(ks[5], (NI, MLP_DIM), dtype=jnp.float32) * 0.01
    # MLP: Linear(64->64), Linear(64->32), Linear(32->16)
    w0 = jax.random.normal(ks[6], (LAYERS[0], MLP_DIM * 2), dtype=jnp.float32) * (1.0 / np.sqrt(MLP_DIM * 2))
    b0 = jnp.zeros((LAYERS[0],), dtype=jnp.float32)
    w1 = jax.random.normal(ks[7], (LAYERS[1], LAYERS[0]), dtype=jnp.float32) * (1.0 / np.sqrt(LAYERS[0]))
    b1 = jnp.zeros((LAYERS[1],), dtype=jnp.float32)
    w2 = jax.random.normal(ks[8], (LAYERS[2], LAYERS[1]), dtype=jnp.float32) * (1.0 / np.sqrt(LAYERS[1]))
    b2 = jnp.zeros((LAYERS[2],), dtype=jnp.float32)
    wp = jax.random.normal(ks[9], (1, MF_DIM + LAYERS[2]), dtype=jnp.float32) * (1.0 / np.sqrt(MF_DIM + LAYERS[2]))
    bp = jnp.zeros((1,), dtype=jnp.float32)
    return {
        'user': user, 'item': item,
        'mf_user_emb': mf_user_emb, 'mf_item_emb': mf_item_emb,
        'mlp_user_emb': mlp_user_emb, 'mlp_item_emb': mlp_item_emb,
        'w0': w0, 'b0': b0, 'w1': w1, 'b1': b1, 'w2': w2, 'b2': b2,
        'wp': wp, 'bp': bp,
    }


def reference(user, item, mf_user_emb, mf_item_emb, mlp_user_emb, mlp_item_emb,
              w0, b0, w1, b1, w2, b2, wp, bp):
    # GMF branch: embedding lookups + elementwise product
    mf_user_latent = jnp.take(mf_user_emb, user, axis=0)
    mf_item_latent = jnp.take(mf_item_emb, item, axis=0)
    mf_vector = mf_user_latent * mf_item_latent
    # MLP branch: embedding lookups + concat + MLP (dropout is identity in eval)
    mlp_user_latent = jnp.take(mlp_user_emb, user, axis=0)
    mlp_item_latent = jnp.take(mlp_item_emb, item, axis=0)
    mlp_vector = jnp.concatenate([mlp_user_latent, mlp_item_latent], axis=-1)
    h = jax.nn.relu(mlp_vector @ w0.T + b0)
    h = jax.nn.relu(h @ w1.T + b1)
    h = jax.nn.relu(h @ w2.T + b2)
    vector = jnp.concatenate([mf_vector, h], axis=-1)
    prediction = vector @ wp.T + bp
    prediction = jax.nn.sigmoid(prediction) * 4.5 + 0.5
    return jnp.squeeze(prediction)

if __name__ == "__main__":
    import jax
    _d = setup_inputs()
    print(jax.jit(kernel)(*tuple(_d.values())))

</pallas_src>

<mosaic_0001>
#map = affine_map<(d0, d1) -> (0)>
#map1 = affine_map<(d0, d1) -> (0, 0)>
module attributes {stable_mosaic.version = 14 : i64} {
  func.func @k(%arg0: i32, %arg1: i32, %arg2: memref<16384xi32, #tpu.memory_space<hbm>>, %arg3: memref<16384xi32, #tpu.memory_space<hbm>>, %arg4: memref<32768x128xf32, #tpu.memory_space<hbm>>, %arg5: memref<32768x128xf32, #tpu.memory_space<hbm>>, %arg6: memref<16384x128xf32, #tpu.memory_space<hbm>>, %arg7: memref<16384x128xf32, #tpu.memory_space<hbm>>, %arg8: memref<4x128xi32, #tpu.memory_space<vmem>>, %arg9: memref<4x128xi32, #tpu.memory_space<vmem>>, %arg10: memref<4x128x128xf32, #tpu.memory_space<vmem>>, %arg11: memref<!tpu.dma_semaphore, #tpu.memory_space<semaphore_mem>>, %arg12: memref<!tpu.dma_semaphore, #tpu.memory_space<semaphore_mem>>) attributes {dimension_semantics = [#tpu.dimension_semantics<core_parallel>, #tpu.dimension_semantics<subcore_parallel>], iteration_bounds = array<i64: 2, 16>, scalar_prefetch = 0 : i64, scratch_operands = 5 : i64, tpu.core_type = #tpu.core_type<sc_vector_subcore>, window_params = [{transform_indices = #map}, {transform_indices = #map}, {transform_indices = #map1}, {transform_indices = #map1}, {transform_indices = #map1}, {transform_indices = #map1}]} {
    %mul3A = arith.constant 2 : i32
    %mul3A_0 = arith.muli %arg1, %mul3A : i32
    %add3A = arith.addi %mul3A_0, %arg0 : i32
    %mul3A_1 = arith.constant 512 : i32
    %mul3A_2 = arith.muli %add3A, %mul3A_1 : i32
    %add3A_3 = arith.constant 0 : i32
    %add3A_4 = arith.addi %mul3A_2, %add3A_3 : i32
    %run_scoped3A = arith.constant 0 : i32
    "tpu.region"() ({
      %run_scoped3A_1333 = tpu.sem_alloc : memref<!tpu.dma_semaphore, #tpu.memory_space<semaphore_mem>>
      %dma_start3A_1334 = arith.constant 0 : i32
      %dma_start3A_1335 = tpu.memref_slice %arg8[%run_scoped3A, %dma_start3A_1334] : memref<4x128xi32, #tpu.memory_space<vmem>> -> memref<1x128xi32, #tpu.memory_space<vmem>>
      %dma_start3A_1336 = tpu.memref_squeeze %dma_start3A_1335 : memref<1x128xi32, #tpu.memory_space<vmem>> -> memref<128xi32, #tpu.memory_space<vmem>>
      %dma_start3A_1337 = tpu.memref_slice %arg2[%add3A_4] : memref<16384xi32, #tpu.memory_space<hbm>> -> memref<128xi32, #tpu.memory_space<hbm>>
      %dma_start3A_1338 = arith.constant 0 : i32
      %dma_start3A_1339 = tpu.memref_slice %arg8[%run_scoped3A, %dma_start3A_1338] : memref<4x128xi32, #tpu.memory_space<vmem>> -> memref<1x128xi32, #tpu.memory_space<vmem>>
      %dma_start3A_1340 = tpu.memref_squeeze %dma_start3A_1339 : memref<1x128xi32, #tpu.memory_space<vmem>> -> memref<128xi32, #tpu.memory_space<vmem>>
      %dma_start3A_1341 = tpu.memref_slice %arg2[%add3A_4] : memref<16384xi32, #tpu.memory_space<hbm>> -> memref<128xi32, #tpu.memory_space<hbm>>
      tpu.enqueue_dma source(%dma_start3A_1341 : memref<128xi32, #tpu.memory_space<hbm>>) target(%dma_start3A_1340 : memref<128xi32, #tpu.memory_space<vmem>>) target_semaphore(%run_scoped3A_1333 : memref<!tpu.dma_semaphore, #tpu.memory_space<semaphore_mem>>)
      %dma_wait3A_1342 = arith.constant 0 : i32
      %dma_wait3A_1343 = tpu.memref_slice %arg8[%run_scoped3A, %dma_wait3A_1342] : memref<4x128xi32, #tpu.memory_space<vmem>> -> memref<1x128xi32, #tpu.memory_space<vmem>>
      %dma_wait3A_1344 = tpu.memref_squeeze %dma_wait3A_1343 : memref<1x128xi32, #tpu.memory_space<vmem>> -> memref<128xi32, #tpu.memory_space<vmem>>
      %dma_wait3A_1345 = tpu.memref_slice %arg2[%add3A_4] : memref<16384xi32, #tpu.memory_space<hbm>> -> memref<128xi32, #tpu.memory_space<hbm>>
      %dma_wait3A_1346 = arith.constant 0 : i32
      %dma_wait3A_1347 = tpu.memref_slice %arg8[%run_scoped3A, %dma_wait3A_1346] : memref<4x128xi32, #tpu.memory_space<vmem>> -> memref<1x128xi32, #tpu.memory_space<vmem>>
      %dma_wait3A_1348 = tpu.memref_squeeze %dma_wait3A_1347 : memref<1x128xi32, #tpu.memory_space<vmem>> -> memref<128xi32, #tpu.memory_space<vmem>>
      %dma_wait3A_1349 = tpu.memref_slice %arg2[%add3A_4] : memref<16384xi32, #tpu.memory_space<hbm>> -> memref<128xi32, #tpu.memory_space<hbm>>
      tpu.wait_dma2 semaphore(%run_scoped3A_1333 : memref<!tpu.dma_semaphore, #tpu.memory_space<semaphore_mem>>) src(%dma_wait3A_1349 : memref<128xi32, #tpu.memory_space<hbm>>) dst(%dma_wait3A_1348 : memref<128xi32, #tpu.memory_space<vmem>>)
      tpu.yield
    }) : () -> ()
    %add3A_5 = arith.constant 0 : i32
    %add3A_6 = arith.addi %mul3A_2, %add3A_5 : i32
    %run_scoped3A_7 = arith.constant 0 : i32
    "tpu.region"() ({
      %run_scoped3A_1333 = tpu.sem_alloc : memref<!tpu.dma_semaphore, #tpu.memory_space<semaphore_mem>>
      %dma_start3A_1334 = arith.constant 0 : i32
      %dma_start3A_1335 = tpu.memref_slice %arg9[%run_scoped3A_7, %dma_start3A_1334] : memref<4x128xi32, #tpu.memory_space<vmem>> -> memref<1x128xi32, #tpu.memory_space<vmem>>
      %dma_start3A_1336 = tpu.memref_squeeze %dma_start3A_1335 : memref<1x128xi32, #tpu.memory_space<vmem>> -> memref<128xi32, #tpu.memory_space<vmem>>
      %dma_start3A_1337 = tpu.memref_slice %arg3[%add3A_6] : memref<16384xi32, #tpu.memory_space<hbm>> -> memref<128xi32, #tpu.memory_space<hbm>>
      %dma_start3A_1338 = arith.constant 0 : i32
      %dma_start3A_1339 = tpu.memref_slice %arg9[%run_scoped3A_7, %dma_start3A_1338] : memref<4x128xi32, #tpu.memory_space<vmem>> -> memref<1x128xi32, #tpu.memory_space<vmem>>
      %dma_start3A_1340 = tpu.memref_squeeze %dma_start3A_1339 : memref<1x128xi32, #tpu.memory_space<vmem>> -> memref<128xi32, #tpu.memory_space<vmem>>
      %dma_start3A_1341 = tpu.memref_slice %arg3[%add3A_6] : memref<16384xi32, #tpu.memory_space<hbm>> -> memref<128xi32, #tpu.memory_space<hbm>>
      tpu.enqueue_dma source(%dma_start3A_1341 : memref<128xi32, #tpu.memory_space<hbm>>) target(%dma_start3A_1340 : memref<128xi32, #tpu.memory_space<vmem>>) target_semaphore(%run_scoped3A_1333 : memref<!tpu.dma_semaphore, #tpu.memory_space<semaphore_mem>>)
      %dma_wait3A_1342 = arith.constant 0 : i32
      %dma_wait3A_1343 = tpu.memref_slice %arg9[%run_scoped3A_7, %dma_wait3A_1342] : memref<4x128xi32, #tpu.memory_space<vmem>> -> memref<1x128xi32, #tpu.memory_space<vmem>>
      %dma_wait3A_1344 = tpu.memref_squeeze %dma_wait3A_1343 : memref<1x128xi32, #tpu.memory_space<vmem>> -> memref<128xi32, #tpu.memory_space<vmem>>
      %dma_wait3A_1345 = tpu.memref_slice %arg3[%add3A_6] : memref<16384xi32, #tpu.memory_space<hbm>> -> memref<128xi32, #tpu.memory_space<hbm>>
      %dma_wait3A_1346 = arith.constant 0 : i32
      %dma_wait3A_1347 = tpu.memref_slice %arg9[%run_scoped3A_7, %dma_wait3A_1346] : memref<4x128xi32, #tpu.memory_space<vmem>> -> memref<1x128xi32, #tpu.memory_space<vmem>>
      %dma_wait3A_1348 = tpu.memref_squeeze %dma_wait3A_1347 : memref<1x128xi32, #tpu.memory_space<vmem>> -> memref<128xi32, #tpu.memory_space<vmem>>
      %dma_wait3A_1349 = tpu.memref_slice %arg3[%add3A_6] : memref<16384xi32, #tpu.memory_space<hbm>> -> memref<128xi32, #tpu.memory_space<hbm>>
      tpu.wait_dma2 semaphore(%run_scoped3A_1333 : memref<!tpu.dma_semaphore, #tpu.memory_space<semaphore_mem>>) src(%dma_wait3A_1349 : memref<128xi32, #tpu.memory_space<hbm>>) dst(%dma_wait3A_1348 : memref<128xi32, #tpu.memory_space<vmem>>)
      tpu.yield
    }) : () -> ()
    %add3A_8 = arith.constant 128 : i32
    %add3A_9 = arith.addi %mul3A_2, %add3A_8 : i32
    %run_scoped3A_10 = arith.constant 1 : i32
    "tpu.region"() ({
      %run_scoped3A_1333 = tpu.sem_alloc : memref<!tpu.dma_semaphore, #tpu.memory_space<semaphore_mem>>
      %dma_start3A_1334 = arith.constant 0 : i32
      %dma_start3A_1335 = tpu.memref_slice %arg8[%run_scoped3A_10, %dma_start3A_1334] : memref<4x128xi32, #tpu.memory_space<vmem>> -> memref<1x128xi32, #tpu.memory_space<vmem>>
      %dma_start3A_1336 = tpu.memref_squeeze %dma_start3A_1335 : memref<1x128xi32, #tpu.memory_space<vmem>> -> memref<128xi32, #tpu.memory_space<vmem>>
      %dma_start3A_1337 = tpu.memref_slice %arg2[%add3A_9] : memref<16384xi32, #tpu.memory_space<hbm>> -> memref<128xi32, #tpu.memory_space<hbm>>
      %dma_start3A_1338 = arith.constant 0 : i32
      %dma_start3A_1339 = tpu.memref_slice %arg8[%run_scoped3A_10, %dma_start3A_1338] : memref<4x128xi32, #tpu.memory_space<vmem>> -> memref<1x128xi32, #tpu.memory_space<vmem>>
      %dma_start3A_1340 = tpu.memref_squeeze %dma_start3A_1339 : memref<1x128xi32, #tpu.memory_space<vmem>> -> memref<128xi32, #tpu.memory_space<vmem>>
      %dma_start3A_1341 = tpu.memref_slice %arg2[%add3A_9] : memref<16384xi32, #tpu.memory_space<hbm>> -> memref<128xi32, #tpu.memory_space<hbm>>
      tpu.enqueue_dma source(%dma_start3A_1341 : memref<128xi32, #tpu.memory_space<hbm>>) target(%dma_start3A_1340 : memref<128xi32, #tpu.memory_space<vmem>>) target_semaphore(%run_scoped3A_1333 : memref<!tpu.dma_semaphore, #tpu.memory_space<semaphore_mem>>)
      %dma_wait3A_1342 = arith.constant 0 : i32
      %dma_wait3A_1343 = tpu.memref_slice %arg8[%run_scoped3A_10, %dma_wait3A_1342] : memref<4x128xi32, #tpu.memory_space<vmem>> -> memref<1x128xi32, #tpu.memory_space<vmem>>
      %dma_wait3A_1344 = tpu.memref_squeeze %dma_wait3A_1343 : memref<1x128xi32, #tpu.memory_space<vmem>> -> memref<128xi32, #tpu.memory_space<vmem>>
      %dma_wait3A_1345 = tpu.memref_slice %arg2[%add3A_9] : memref<16384xi32, #tpu.memory_space<hbm>> -> memref<128xi32, #tpu.memory_space<hbm>>
      %dma_wait3A_1346 = arith.constant 0 : i32
      %dma_wait3A_1347 = tpu.memref_slice %arg8[%run_scoped3A_10, %dma_wait3A_1346] : memref<4x128xi32, #tpu.memory_space<vmem>> -> memref<1x128xi32, #tpu.memory_space<vmem>>
      %dma_wait3A_1348 = tpu.memref_squeeze %dma_wait3A_1347 : memref<1x128xi32, #tpu.memory_space<vmem>> -> memref<128xi32, #tpu.memory_space<vmem>>
      %dma_wait3A_1349 = tpu.memref_slice %arg2[%add3A_9] : memref<16384xi32, #tpu.memory_space<hbm>> -> memref<128xi32, #tpu.memory_space<hbm>>
      tpu.wait_dma2 semaphore(%run_scoped3A_1333 : memref<!tpu.dma_semaphore, #tpu.memory_space<semaphore_mem>>) src(%dma_wait3A_1349 : memref<128xi32, #tpu.memory_space<hbm>>) dst(%dma_wait3A_1348 : memref<128xi32, #tpu.memory_space<vmem>>)
      tpu.yield
    }) : () -> ()
    %add3A_11 = arith.constant 128 : i32
    %add3A_12 = arith.addi %mul3A_2, %add3A_11 : i32
    %run_scoped3A_13 = arith.constant 1 : i32
    "tpu.region"() ({
      %run_scoped3A_1333 = tpu.sem_alloc : memref<!tpu.dma_semaphore, #tpu.memory_space<semaphore_mem>>
      %dma_start3A_1334 = arith.constant 0 : i32
      %dma_start3A_1335 = tpu.memref_slice %arg9[%run_scoped3A_13, %dma_start3A_1334] : memref<4x128xi32, #tpu.memory_space<vmem>> -> memref<1x128xi32, #tpu.memory_space<vmem>>
      %dma_start3A_1336 = tpu.memref_squeeze %dma_start3A_1335 : memref<1x128xi32, #tpu.memory_space<vmem>> -> memref<128xi32, #tpu.memory_space<vmem>>
      %dma_start3A_1337 = tpu.memref_slice %arg3[%add3A_12] : memref<16384xi32, #tpu.memory_space<hbm>> -> memref<128xi32, #tpu.memory_space<hbm>>
      %dma_start3A_1338 = arith.constant 0 : i32
      %dma_start3A_1339 = tpu.memref_slice %arg9[%run_scoped3A_13, %dma_start3A_1338] : memref<4x128xi32, #tpu.memory_space<vmem>> -> memref<1x128xi32, #tpu.memory_space<vmem>>
      %dma_start3A_1340 = tpu.memref_squeeze %dma_start3A_1339 : memref<1x128xi32, #tpu.memory_space<vmem>> -> memref<128xi32, #tpu.memory_space<vmem>>
      %dma_start3A_1341 = tpu.memref_slice %arg3[%add3A_12] : memref<16384xi32, #tpu.memory_space<hbm>> -> memref<128xi32, #tpu.memory_space<hbm>>
      tpu.enqueue_dma source(%dma_start3A_1341 : memref<128xi32, #tpu.memory_space<hbm>>) target(%dma_start3A_1340 : memref<128xi32, #tpu.memory_space<vmem>>) target_semaphore(%run_scoped3A_1333 : memref<!tpu.dma_semaphore, #tpu.memory_space<semaphore_mem>>)
      %dma_wait3A_1342 = arith.constant 0 : i32
      %dma_wait3A_1343 = tpu.memref_slice %arg9[%run_scoped3A_13, %dma_wait3A_1342] : memref<4x128xi32, #tpu.memory_space<vmem>> -> memref<1x128xi32, #tpu.memory_space<vmem>>
      %dma_wait3A_1344 = tpu.memref_squeeze %dma_wait3A_1343 : memref<1x128xi32, #tpu.memory_space<vmem>> -> memref<128xi32, #tpu.memory_space<vmem>>
      %dma_wait3A_1345 = tpu.memref_slice %arg3[%add3A_12] : memref<16384xi32, #tpu.memory_space<hbm>> -> memref<128xi32, #tpu.memory_space<hbm>>
      %dma_wait3A_1346 = arith.constant 0 : i32
      %dma_wait3A_1347 = tpu.memref_slice %arg9[%run_scoped3A_13, %dma_wait3A_1346] : memref<4x128xi32, #tpu.memory_space<vmem>> -> memref<1x128xi32, #tpu.memory_space<vmem>>
      %dma_wait3A_1348 = tpu.memref_squeeze %dma_wait3A_1347 : memref<1x128xi32, #tpu.memory_space<vmem>> -> memref<128xi32, #tpu.memory_space<vmem>>
      %dma_wait3A_1349 = tpu.memref_slice %arg3[%add3A_12] : memref<16384xi32, #tpu.memory_space<hbm>> -> memref<128xi32, #tpu.memory_space<hbm>>
      tpu.wait_dma2 semaphore(%run_scoped3A_1333 : memref<!tpu.dma_semaphore, #tpu.memory_space<semaphore_mem>>) src(%dma_wait3A_1349 : memref<128xi32, #tpu.memory_space<hbm>>) dst(%dma_wait3A_1348 : memref<128xi32, #tpu.memory_space<vmem>>)
      tpu.yield
    }) : () -> ()
    %add3A_14 = arith.constant 256 : i32
    %add3A_15 = arith.addi %mul3A_2, %add3A_14 : i32
    %run_scoped3A_16 = arith.constant 2 : i32
    "tpu.region"() ({
      %run_scoped3A_1333 = tpu.sem_alloc : memref<!tpu.dma_semaphore, #tpu.memory_space<semaphore_mem>>
      %dma_start3A_1334 = arith.constant 0 : i32
      %dma_start3A_1335 = tpu.memref_slice %arg8[%run_scoped3A_16, %dma_start3A_1334] : memref<4x128xi32, #tpu.memory_space<vmem>> -> memref<1x128xi32, #tpu.memory_space<vmem>>
      %dma_start3A_1336 = tpu.memref_squeeze %dma_start3A_1335 : memref<1x128xi32, #tpu.memory_space<vmem>> -> memref<128xi32, #tpu.memory_space<vmem>>
      %dma_start3A_1337 = tpu.memref_slice %arg2[%add3A_15] : memref<16384xi32, #tpu.memory_space<hbm>> -> memref<128xi32, #tpu.memory_space<hbm>>
      %dma_start3A_1338 = arith.constant 0 : i32
      %dma_start3A_1339 = tpu.memref_slice %arg8[%run_scoped3A_16, %dma_start3A_1338] : memref<4x128xi32, #tpu.memory_space<vmem>> -> memref<1x128xi32, #tpu.memory_space<vmem>>
      %dma_start3A_1340 = tpu.memref_squeeze %dma_start3A_1339 : memref<1x128xi32, #tpu.memory_space<vmem>> -> memref<128xi32, #tpu.memory_space<vmem>>
      %dma_start3A_1341 = tpu.memref_slice %arg2[%add3A_15] : memref<16384xi32, #tpu.memory_space<hbm>> -> memref<128xi32, #tpu.memory_space<hbm>>
      tpu.enqueue_dma source(%dma_start3A_1341 : memref<128xi32, #tpu.memory_space<hbm>>) target(%dma_start3A_1340 : memref<128xi32, #tpu.memory_space<vmem>>) target_semaphore(%run_scoped3A_1333 : memref<!tpu.dma_semaphore, #tpu.memory_space<semaphore_mem>>)
      %dma_wait3A_1342 = arith.constant 0 : i32
      %dma_wait3A_1343 = tpu.memref_slice %arg8[%run_scoped3A_16, %dma_wait3A_1342] : memref<4x128xi32, #tpu.memory_space<vmem>> -> memref<1x128xi32, #tpu.memory_space<vmem>>
      %dma_wait3A_1344 = tpu.memref_squeeze %dma_wait3A_1343 : memref<1x128xi32, #tpu.memory_space<vmem>> -> memref<128xi32, #tpu.memory_space<vmem>>
      %dma_wait3A_1345 = tpu.memref_slice %arg2[%add3A_15] : memref<16384xi32, #tpu.memory_space<hbm>> -> memref<128xi32, #tpu.memory_space<hbm>>
      %dma_wait3A_1346 = arith.constant 0 : i32
      %dma_wait3A_1347 = tpu.memref_slice %arg8[%run_scoped3A_16, %dma_wait3A_1346] : memref<4x128xi32, #tpu.memory_space<vmem>> -> memref<1x128xi32, #tpu.memory_space<vmem>>
      %dma_wait3A_1348 = tpu.memref_squeeze %dma_wait3A_1347 : memref<1x128xi32, #tpu.memory_space<vmem>> -> memref<128xi32, #tpu.memory_space<vmem>>
      %dma_wait3A_1349 = tpu.memref_slice %arg2[%add3A_15] : memref<16384xi32, #tpu.memory_space<hbm>> -> memref<128xi32, #tpu.memory_space<hbm>>
      tpu.wait_dma2 semaphore(%run_scoped3A_1333 : memref<!tpu.dma_semaphore, #tpu.memory_space<semaphore_mem>>) src(%dma_wait3A_1349 : memref<128xi32, #tpu.memory_space<hbm>>) dst(%dma_wait3A_1348 : memref<128xi32, #tpu.memory_space<vmem>>)
      tpu.yield
    }) : () -> ()
    %add3A_17 = arith.constant 256 : i32
    %add3A_18 = arith.addi %mul3A_2, %add3A_17 : i32
    %run_scoped3A_19 = arith.constant 2 : i32
    "tpu.region"() ({
      %run_scoped3A_1333 = tpu.sem_alloc : memref<!tpu.dma_semaphore, #tpu.memory_space<semaphore_mem>>
      %dma_start3A_1334 = arith.constant 0 : i32
      %dma_start3A_1335 = tpu.memref_slice %arg9[%run_scoped3A_19, %dma_start3A_1334] : memref<4x128xi32, #tpu.memory_space<vmem>> -> memref<1x128xi32, #tpu.memory_space<vmem>>
      %dma_start3A_1336 = tpu.memref_squeeze %dma_start3A_1335 : memref<1x128xi32, #tpu.memory_space<vmem>> -> memref<128xi32, #tpu.memory_space<vmem>>
      %dma_start3A_1337 = tpu.memref_slice %arg3[%add3A_18] : memref<16384xi32, #tpu.memory_space<hbm>> -> memref<128xi32, #tpu.memory_space<hbm>>
      %dma_start3A_1338 = arith.constant 0 : i32
      %dma_start3A_1339 = tpu.memref_slice %arg9[%run_scoped3A_19, %dma_start3A_1338] : memref<4x128xi32, #tpu.memory_space<vmem>> -> memref<1x128xi32, #tpu.memory_space<vmem>>
      %dma_start3A_1340 = tpu.memref_squeeze %dma_start3A_1339 : memref<1x128xi32, #tpu.memory_space<vmem>> -> memref<128xi32, #tpu.memory_space<vmem>>
      %dma_start3A_1341 = tpu.memref_slice %arg3[%add3A_18] : memref<16384xi32, #tpu.memory_space<hbm>> -> memref<128xi32, #tpu.memory_space<hbm>>
      tpu.enqueue_dma source(%dma_start3A_1341 : memref<128xi32, #tpu.memory_space<hbm>>) target(%dma_start3A_1340 : memref<128xi32, #tpu.memory_space<vmem>>) target_semaphore(%run_scoped3A_1333 : memref<!tpu.dma_semaphore, #tpu.memory_space<semaphore_mem>>)
      %dma_wait3A_1342 = arith.constant 0 : i32
      %dma_wait3A_1343 = tpu.memref_slice %arg9[%run_scoped3A_19, %dma_wait3A_1342] : memref<4x128xi32, #tpu.memory_space<vmem>> -> memref<1x128xi32, #tpu.memory_space<vmem>>
      %dma_wait3A_1344 = tpu.memref_squeeze %dma_wait3A_1343 : memref<1x128xi32, #tpu.memory_space<vmem>> -> memref<128xi32, #tpu.memory_space<vmem>>
      %dma_wait3A_1345 = tpu.memref_slice %arg3[%add3A_18] : memref<16384xi32, #tpu.memory_space<hbm>> -> memref<128xi32, #tpu.memory_space<hbm>>
      %dma_wait3A_1346 = arith.constant 0 : i32
      %dma_wait3A_1347 = tpu.memref_slice %arg9[%run_scoped3A_19, %dma_wait3A_1346] : memref<4x128xi32, #tpu.memory_space<vmem>> -> memref<1x128xi32, #tpu.memory_space<vmem>>
      %dma_wait3A_1348 = tpu.memref_squeeze %dma_wait3A_1347 : memref<1x128xi32, #tpu.memory_space<vmem>> -> memref<128xi32, #tpu.memory_space<vmem>>
      %dma_wait3A_1349 = tpu.memref_slice %arg3[%add3A_18] : memref<16384xi32, #tpu.memory_space<hbm>> -> memref<128xi32, #tpu.memory_space<hbm>>
      tpu.wait_dma2 semaphore(%run_scoped3A_1333 : memref<!tpu.dma_semaphore, #tpu.memory_space<semaphore_mem>>) src(%dma_wait3A_1349 : memref<128xi32, #tpu.memory_space<hbm>>) dst(%dma_wait3A_1348 : memref<128xi32, #tpu.memory_space<vmem>>)
      tpu.yield
    }) : () -> ()
    %add3A_20 = arith.constant 384 : i32
    %add3A_21 = arith.addi %mul3A_2, %add3A_20 : i32
    %run_scoped3A_22 = arith.constant 3 : i32
    "tpu.region"() ({
      %run_scoped3A_1333 = tpu.sem_alloc : memref<!tpu.dma_semaphore, #tpu.memory_space<semaphore_mem>>
      %dma_start3A_1334 = arith.constant 0 : i32
      %dma_start3A_1335 = tpu.memref_slice %arg8[%run_scoped3A_22, %dma_start3A_1334] : memref<4x128xi32, #tpu.memory_space<vmem>> -> memref<1x128xi32, #tpu.memory_space<vmem>>
      %dma_start3A_1336 = tpu.memref_squeeze %dma_start3A_1335 : memref<1x128xi32, #tpu.memory_space<vmem>> -> memref<128xi32, #tpu.memory_space<vmem>>
      %dma_start3A_1337 = tpu.memref_slice %arg2[%add3A_21] : memref<16384xi32, #tpu.memory_space<hbm>> -> memref<128xi32, #tpu.memory_space<hbm>>
      %dma_start3A_1338 = arith.constant 0 : i32
      %dma_start3A_1339 = tpu.memref_slice %arg8[%run_scoped3A_22, %dma_start3A_1338] : memref<4x128xi32, #tpu.memory_space<vmem>> -> memref<1x128xi32, #tpu.memory_space<vmem>>
      %dma_start3A_1340 = tpu.memref_squeeze %dma_start3A_1339 : memref<1x128xi32, #tpu.memory_space<vmem>> -> memref<128xi32, #tpu.memory_space<vmem>>
      %dma_start3A_1341 = tpu.memref_slice %arg2[%add3A_21] : memref<16384xi32, #tpu.memory_space<hbm>> -> memref<128xi32, #tpu.memory_space<hbm>>
      tpu.enqueue_dma source(%dma_start3A_1341 : memref<128xi32, #tpu.memory_space<hbm>>) target(%dma_start3A_1340 : memref<128xi32, #tpu.memory_space<vmem>>) target_semaphore(%run_scoped3A_1333 : memref<!tpu.dma_semaphore, #tpu.memory_space<semaphore_mem>>)
      %dma_wait3A_1342 = arith.constant 0 : i32
      %dma_wait3A_1343 = tpu.memref_slice %arg8[%run_scoped3A_22, %dma_wait3A_1342] : memref<4x128xi32, #tpu.memory_space<vmem>> -> memref<1x128xi32, #tpu.memory_space<vmem>>
      %dma_wait3A_1344 = tpu.memref_squeeze %dma_wait3A_1343 : memref<1x128xi32, #tpu.memory_space<vmem>> -> memref<128xi32, #tpu.memory_space<vmem>>
      %dma_wait3A_1345 = tpu.memref_slice %arg2[%add3A_21] : memref<16384xi32, #tpu.memory_space<hbm>> -> memref<128xi32, #tpu.memory_space<hbm>>
      %dma_wait3A_1346 = arith.constant 0 : i32
      %dma_wait3A_1347 = tpu.memref_slice %arg8[%run_scoped3A_22, %dma_wait3A_1346] : memref<4x128xi32, #tpu.memory_space<vmem>> -> memref<1x128xi32, #tpu.memory_space<vmem>>
      %dma_wait3A_1348 = tpu.memref_squeeze %dma_wait3A_1347 : memref<1x128xi32, #tpu.memory_space<vmem>> -> memref<128xi32, #tpu.memory_space<vmem>>
      %dma_wait3A_1349 = tpu.memref_slice %arg2[%add3A_21] : memref<16384xi32, #tpu.memory_space<hbm>> -> memref<128xi32, #tpu.memory_space<hbm>>
      tpu.wait_dma2 semaphore(%run_scoped3A_1333 : memref<!tpu.dma_semaphore, #tpu.memory_space<semaphore_mem>>) src(%dma_wait3A_1349 : memref<128xi32, #tpu.memory_space<hbm>>) dst(%dma_wait3A_1348 : memref<128xi32, #tpu.memory_space<vmem>>)
      tpu.yield
    }) : () -> ()
    %add3A_23 = arith.constant 384 : i32
    %add3A_24 = arith.addi %mul3A_2, %add3A_23 : i32
    %run_scoped3A_25 = arith.constant 3 : i32
    "tpu.region"() ({
      %run_scoped3A_1333 = tpu.sem_alloc : memref<!tpu.dma_semaphore, #tpu.memory_space<semaphore_mem>>
      %dma_start3A_1334 = arith.constant 0 : i32
      %dma_start3A_1335 = tpu.memref_slice %arg9[%run_scoped3A_25, %dma_start3A_1334] : memref<4x128xi32, #tpu.memory_space<vmem>> -> memref<1x128xi32, #tpu.memory_space<vmem>>
      %dma_start3A_1336 = tpu.memref_squeeze %dma_start3A_1335 : memref<1x128xi32, #tpu.memory_space<vmem>> -> memref<128xi32, #tpu.memory_space<vmem>>
      %dma_start3A_1337 = tpu.memref_slice %arg3[%add3A_24] : memref<16384xi32, #tpu.memory_space<hbm>> -> memref<128xi32, #tpu.memory_space<hbm>>
      %dma_start3A_1338 = arith.constant 0 : i32
      %dma_start3A_1339 = tpu.memref_slice %arg9[%run_scoped3A_25, %dma_start3A_1338] : memref<4x128xi32, #tpu.memory_space<vmem>> -> memref<1x128xi32, #tpu.memory_space<vmem>>
      %dma_start3A_1340 = tpu.memref_squeeze %dma_start3A_1339 : memref<1x128xi32, #tpu.memory_space<vmem>> -> memref<128xi32, #tpu.memory_space<vmem>>
      %dma_start3A_1341 = tpu.memref_slice %arg3[%add3A_24] : memref<16384xi32, #tpu.memory_space<hbm>> -> memref<128xi32, #tpu.memory_space<hbm>>
      tpu.enqueue_dma source(%dma_start3A_1341 : memref<128xi32, #tpu.memory_space<hbm>>) target(%dma_start3A_1340 : memref<128xi32, #tpu.memory_space<vmem>>) target_semaphore(%run_scoped3A_1333 : memref<!tpu.dma_semaphore, #tpu.memory_space<semaphore_mem>>)
      %dma_wait3A_1342 = arith.constant 0 : i32
      %dma_wait3A_1343 = tpu.memref_slice %arg9[%run_scoped3A_25, %dma_wait3A_1342] : memref<4x128xi32, #tpu.memory_space<vmem>> -> memref<1x128xi32, #tpu.memory_space<vmem>>
      %dma_wait3A_1344 = tpu.memref_squeeze %dma_wait3A_1343 : memref<1x128xi32, #tpu.memory_space<vmem>> -> memref<128xi32, #tpu.memory_space<vmem>>
      %dma_wait3A_1345 = tpu.memref_slice %arg3[%add3A_24] : memref<16384xi32, #tpu.memory_space<hbm>> -> memref<128xi32, #tpu.memory_space<hbm>>
      %dma_wait3A_1346 = arith.constant 0 : i32
      %dma_wait3A_1347 = tpu.memref_slice %arg9[%run_scoped3A_25, %dma_wait3A_1346] : memref<4x128xi32, #tpu.memory_space<vmem>> -> memref<1x128xi32, #tpu.memory_space<vmem>>
      %dma_wait3A_1348 = tpu.memref_squeeze %dma_wait3A_1347 : memref<1x128xi32, #tpu.memory_space<vmem>> -> memref<128xi32, #tpu.memory_space<vmem>>
      %dma_wait3A_1349 = tpu.memref_slice %arg3[%add3A_24] : memref<16384xi32, #tpu.memory_space<hbm>> -> memref<128xi32, #tpu.memory_space<hbm>>
      tpu.wait_dma2 semaphore(%run_scoped3A_1333 : memref<!tpu.dma_semaphore, #tpu.memory_space<semaphore_mem>>) src(%dma_wait3A_1349 : memref<128xi32, #tpu.memory_space<hbm>>) dst(%dma_wait3A_1348 : memref<128xi32, #tpu.memory_space<vmem>>)
      tpu.yield
    }) : () -> ()
    %get3A = arith.constant 0 : i32
    %get3A_26 = arith.index_cast %get3A : i32 to index
    %get3A_27 = arith.constant 0 : index
    %get3A_28 = tpu.vector_load %arg8[%get3A_26, %get3A_27] {strides = array<i32>} : memref<4x128xi32, #tpu.memory_space<vmem>>, vector<1x16xi32>,
    %get3A_29 = vector.shape_cast %get3A_28 : vector<1x16xi32> to vector<16xi32>
    %and3A = arith.constant 32767 : i32
    %and3A_30 = vector.broadcast %and3A : i32 to vector<16xi32>
    %and3A_31 = arith.andi %get3A_29, %and3A_30 : vector<16xi32>
    %swap3A = arith.constant 0 : i32
    %swap3A_32 = arith.index_cast %swap3A : i32 to index
    %swap3A_33 = arith.constant 0 : index
    %swap3A_34 = tpu.vector_load %arg8[%swap3A_32, %swap3A_33] {strides = array<i32>} : memref<4x128xi32, #tpu.memory_space<vmem>>, vector<1x16xi32>,
    %swap3A_35 = vector.shape_cast %swap3A_34 : vector<1x16xi32> to vector<16xi32>
    %swap3A_36 = vector.shape_cast %and3A_31 : vector<16xi32> to vector<1x16xi32>
    tpu.vector_store %arg8[%swap3A_32, %swap3A_33], %swap3A_36 {strides = array<i32>} : memref<4x128xi32, #tpu.memory_space<vmem>>, vector<1x16xi32>,
    %get3A_37 = arith.constant 0 : i32
    %get3A_38 = arith.index_cast %get3A_37 : i32 to index
    %get3A_39 = arith.constant 0 : index
    %get3A_40 = tpu.vector_load %arg9[%get3A_38, %get3A_39] {strides = array<i32>} : memref<4x128xi32, #tpu.memory_space<vmem>>, vector<1x16xi32>,
    %get3A_41 = vector.shape_cast %get3A_40 : vector<1x16xi32> to vector<16xi32>
    %and3A_42 = arith.constant 32767 : i32
    %and3A_43 = vector.broadcast %and3A_42 : i32 to vector<16xi32>
    %and3A_44 = arith.andi %get3A_41, %and3A_43 : vector<16xi32>
    %swap3A_45 = arith.constant 0 : i32
    %swap3A_46 = arith.index_cast %swap3A_45 : i32 to index
    %swap3A_47 = arith.constant 0 : index
    %swap3A_48 = tpu.vector_load %arg9[%swap3A_46, %swap3A_47] {strides = array<i32>} : memref<4x128xi32, #tpu.memory_space<vmem>>, vector<1x16xi32>,
    %swap3A_49 = vector.shape_cast %swap3A_48 : vector<1x16xi32> to vector<16xi32>
    %swap3A_50 = vector.shape_cast %and3A_44 : vector<16xi32> to vector<1x16xi32>
    tpu.vector_store %arg9[%swap3A_46, %swap3A_47], %swap3A_50 {strides = array<i32>} : memref<4x128xi32, #tpu.memory_space<vmem>>, vector<1x16xi32>,
    %get3A_51 = arith.constant 0 : i32
    %get3A_52 = arith.index_cast %get3A_51 : i32 to index
    %get3A_53 = arith.constant 16 : index
    %get3A_54 = tpu.vector_load %arg8[%get3A_52, %get3A_53] {strides = array<i32>} : memref<4x128xi32, #tpu.memory_space<vmem>>, vector<1x16xi32>,
    %get3A_55 = vector.shape_cast %get3A_54 : vector<1x16xi32> to vector<16xi32>
    %and3A_56 = arith.constant 32767 : i32
    %and3A_57 = vector.broadcast %and3A_56 : i32 to vector<16xi32>
    %and3A_58 = arith.andi %get3A_55, %and3A_57 : vector<16xi32>
    %swap3A_59 = arith.constant 0 : i32
    %swap3A_60 = arith.index_cast %swap3A_59 : i32 to index
    %swap3A_61 = arith.constant 16 : index
    %swap3A_62 = tpu.vector_load %arg8[%swap3A_60, %swap3A_61] {strides = array<i32>} : memref<4x128xi32, #tpu.memory_space<vmem>>, vector<1x16xi32>,
    %swap3A_63 = vector.shape_cast %swap3A_62 : vector<1x16xi32> to vector<16xi32>
    %swap3A_64 = vector.shape_cast %and3A_58 : vector<16xi32> to vector<1x16xi32>
    tpu.vector_store %arg8[%swap3A_60, %swap3A_61], %swap3A_64 {strides = array<i32>} : memref<4x128xi32, #tpu.memory_space<vmem>>, vector<1x16xi32>,
    %get3A_65 = arith.constant 0 : i32
    %get3A_66 = arith.index_cast %get3A_65 : i32 to index
    %get3A_67 = arith.constant 16 : index
    %get3A_68 = tpu.vector_load %arg9[%get3A_66, %get3A_67] {strides = array<i32>} : memref<4x128xi32, #tpu.memory_space<vmem>>, vector<1x16xi32>,
    %get3A_69 = vector.shape_cast %get3A_68 : vector<1x16xi32> to vector<16xi32>
    %and3A_70 = arith.constant 32767 : i32
    %and3A_71 = vector.broadcast %and3A_70 : i32 to vector<16xi32>
    %and3A_72 = arith.andi %get3A_69, %and3A_71 : vector<16xi32>
    %swap3A_73 = arith.constant 0 : i32
    %swap3A_74 = arith.index_cast %swap3A_73 : i32 to index
    %swap3A_75 = arith.constant 16 : index
    %swap3A_76 = tpu.vector_load %arg9[%swap3A_74, %swap3A_75] {strides = array<i32>} : memref<4x128xi32, #tpu.memory_space<vmem>>, vector<1x16xi32>,
    %swap3A_77 = vector.shape_cast %swap3A_76 : vector<1x16xi32> to vector<16xi32>
    %swap3A_78 = vector.shape_cast %and3A_72 : vector<16xi32> to vector<1x16xi32>
    tpu.vector_store %arg9[%swap3A_74, %swap3A_75], %swap3A_78 {strides = array<i32>} : memref<4x128xi32, #tpu.memory_space<vmem>>, vector<1x16xi32>,
    %get3A_79 = arith.constant 0 : i32
    %get3A_80 = arith.index_cast %get3A_79 : i32 to index
    %get3A_81 = arith.constant 32 : index
    %get3A_82 = tpu.vector_load %arg8[%get3A_80, %get3A_81] {strides = array<i32>} : memref<4x128xi32, #tpu.memory_space<vmem>>, vector<1x16xi32>,
    %get3A_83 = vector.shape_cast %get3A_82 : vector<1x16xi32> to vector<16xi32>
    %and3A_84 = arith.constant 32767 : i32
    %and3A_85 = vector.broadcast %and3A_84 : i32 to vector<16xi32>
    %and3A_86 = arith.andi %get3A_83, %and3A_85 : vector<16xi32>
    %swap3A_87 = arith.constant 0 : i32
    %swap3A_88 = arith.index_cast %swap3A_87 : i32 to index
    %swap3A_89 = arith.constant 32 : index
    %swap3A_90 = tpu.vector_load %arg8[%swap3A_88, %swap3A_89] {strides = array<i32>} : memref<4x128xi32, #tpu.memory_space<vmem>>, vector<1x16xi32>,
    %swap3A_91 = vector.shape_cast %swap3A_90 : vector<1x16xi32> to vector<16xi32>
    %swap3A_92 = vector.shape_cast %and3A_86 : vector<16xi32> to vector<1x16xi32>
    tpu.vector_store %arg8[%swap3A_88, %swap3A_89], %swap3A_92 {strides = array<i32>} : memref<4x128xi32, #tpu.memory_space<vmem>>, vector<1x16xi32>,
    %get3A_93 = arith.constant 0 : i32
    %get3A_94 = arith.index_cast %get3A_93 : i32 to index
    %get3A_95 = arith.constant 32 : index
    %get3A_96 = tpu.vector_load %arg9[%get3A_94, %get3A_95] {strides = array<i32>} : memref<4x128xi32, #tpu.memory_space<vmem>>, vector<1x16xi32>,
    %get3A_97 = vector.shape_cast %get3A_96 : vector<1x16xi32> to vector<16xi32>
    %and3A_98 = arith.constant 32767 : i32
    %and3A_99 = vector.broadcast %and3A_98 : i32 to vector<16xi32>
    %and3A_100 = arith.andi %get3A_97, %and3A_99 : vector<16xi32>
    %swap3A_101 = arith.constant 0 : i32
    %swap3A_102 = arith.index_cast %swap3A_101 : i32 to index
    %swap3A_103 = arith.constant 32 : index
    %swap3A_104 = tpu.vector_load %arg9[%swap3A_102, %swap3A_103] {strides = array<i32>} : memref<4x128xi32, #tpu.memory_space<vmem>>, vector<1x16xi32>,
    %swap3A_105 = vector.shape_cast %swap3A_104 : vector<1x16xi32> to vector<16xi32>
    %swap3A_106 = vector.shape_cast %and3A_100 : vector<16xi32> to vector<1x16xi32>
    tpu.vector_store %arg9[%swap3A_102, %swap3A_103], %swap3A_106 {strides = array<i32>} : memref<4x128xi32, #tpu.memory_space<vmem>>, vector<1x16xi32>,
    %get3A_107 = arith.constant 0 : i32
    %get3A_108 = arith.index_cast %get3A_107 : i32 to index
    %get3A_109 = arith.constant 48 : index
    %get3A_110 = tpu.vector_load %arg8[%get3A_108, %get3A_109] {strides = array<i32>} : memref<4x128xi32, #tpu.memory_space<vmem>>, vector<1x16xi32>,
    %get3A_111 = vector.shape_cast %get3A_110 : vector<1x16xi32> to vector<16xi32>
    %and3A_112 = arith.constant 32767 : i32
    %and3A_113 = vector.broadcast %and3A_112 : i32 to vector<16xi32>
    %and3A_114 = arith.andi %get3A_111, %and3A_113 : vector<16xi32>
    %swap3A_115 = arith.constant 0 : i32
    %swap3A_116 = arith.index_cast %swap3A_115 : i32 to index
    %swap3A_117 = arith.constant 48 : index
    %swap3A_118 = tpu.vector_load %arg8[%swap3A_116, %swap3A_117] {strides = array<i32>} : memref<4x128xi32, #tpu.memory_space<vmem>>, vector<1x16xi32>,
    %swap3A_119 = vector.shape_cast %swap3A_118 : vector<1x16xi32> to vector<16xi32>
    %swap3A_120 = vector.shape_cast %and3A_114 : vector<16xi32> to vector<1x16xi32>
    tpu.vector_store %arg8[%swap3A_116, %swap3A_117], %swap3A_120 {strides = array<i32>} : memref<4x128xi32, #tpu.memory_space<vmem>>, vector<1x16xi32>,
    %get3A_121 = arith.constant 0 : i32
    %get3A_122 = arith.index_cast %get3A_121 : i32 to index
    %get3A_123 = arith.constant 48 : index
    %get3A_124 = tpu.vector_load %arg9[%get3A_122, %get3A_123] {strides = array<i32>} : memref<4x128xi32, #tpu.memory_space<vmem>>, vector<1x16xi32>,
    %get3A_125 = vector.shape_cast %get3A_124 : vector<1x16xi32> to vector<16xi32>
    %and3A_126 = arith.constant 32767 : i32
    %and3A_127 = vector.broadcast %and3A_126 : i32 to vector<16xi32>
    %and3A_128 = arith.andi %get3A_125, %and3A_127 : vector<16xi32>
    %swap3A_129 = arith.constant 0 : i32
    %swap3A_130 = arith.index_cast %swap3A_129 : i32 to index
    %swap3A_131 = arith.constant 48 : index
    %swap3A_132 = tpu.vector_load %arg9[%swap3A_130, %swap3A_131] {strides = array<i32>} : memref<4x128xi32, #tpu.memory_space<vmem>>, vector<1x16xi32>,
    %swap3A_133 = vector.shape_cast %swap3A_132 : vector<1x16xi32> to vector<16xi32>
    %swap3A_134 = vector.shape_cast %and3A_128 : vector<16xi32> to vector<1x16xi32>
    tpu.vector_store %arg9[%swap3A_130, %swap3A_131], %swap3A_134 {strides = array<i32>} : memref<4x128xi32, #tpu.memory_space<vmem>>, vector<1x16xi32>,
    %get3A_135 = arith.constant 0 : i32
    %get3A_136 = arith.index_cast %get3A_135 : i32 to index
    %get3A_137 = arith.constant 64 : index
    %get3A_138 = tpu.vector_load %arg8[%get3A_136, %get3A_137] {strides = array<i32>} : memref<4x128xi32, #tpu.memory_space<vmem>>, vector<1x16xi32>,
    %get3A_139 = vector.shape_cast %get3A_138 : vector<1x16xi32> to vector<16xi32>
    %and3A_140 = arith.constant 32767 : i32
    %and3A_141 = vector.broadcast %and3A_140 : i32 to vector<16xi32>
    %and3A_142 = arith.andi %get3A_139, %and3A_141 : vector<16xi32>
    %swap3A_143 = arith.constant 0 : i32
    %swap3A_144 = arith.index_cast %swap3A_143 : i32 to index
    %swap3A_145 = arith.constant 64 : index
    %swap3A_146 = tpu.vector_load %arg8[%swap3A_144, %swap3A_145] {strides = array<i32>} : memref<4x128xi32, #tpu.memory_space<vmem>>, vector<1x16xi32>,
    %swap3A_147 = vector.shape_cast %swap3A_146 : vector<1x16xi32> to vector<16xi32>
    %swap3A_148 = vector.shape_cast %and3A_142 : vector<16xi32> to vector<1x16xi32>
    tpu.vector_store %arg8[%swap3A_144, %swap3A_145], %swap3A_148 {strides = array<i32>} : memref<4x128xi32, #tpu.memory_space<vmem>>, vector<1x16xi32>,
    %get3A_149 = arith.constant 0 : i32
    %get3A_150 = arith.index_cast %get3A_149 : i32 to index
    %get3A_151 = arith.constant 64 : index
    %get3A_152 = tpu.vector_load %arg9[%get3A_150, %get3A_151] {strides = array<i32>} : memref<4x128xi32, #tpu.memory_space<vmem>>, vector<1x16xi32>,
    %get3A_153 = vector.shape_cast %get3A_152 : vector<1x16xi32> to vector<16xi32>
    %and3A_154 = arith.constant 32767 : i32
    %and3A_155 = vector.broadcast %and3A_154 : i32 to vector<16xi32>
    %and3A_156 = arith.andi %get3A_153, %and3A_155 : vector<16xi32>
    %swap3A_157 = arith.constant 0 : i32
    %swap3A_158 = arith.index_cast %swap3A_157 : i32 to index
    %swap3A_159 = arith.constant 64 : index
    %swap3A_160 = tpu.vector_load %arg9[%swap3A_158, %swap3A_159] {strides = array<i32>} : memref<4x128xi32, #tpu.memory_space<vmem>>, vector<1x16xi32>,
    %swap3A_161 = vector.shape_cast %swap3A_160 : vector<1x16xi32> to vector<16xi32>
    %swap3A_162 = vector.shape_cast %and3A_156 : vector<16xi32> to vector<1x16xi32>
    tpu.vector_store %arg9[%swap3A_158, %swap3A_159], %swap3A_162 {strides = array<i32>} : memref<4x128xi32, #tpu.memory_space<vmem>>, vector<1x16xi32>,
    %get3A_163 = arith.constant 0 : i32
    %get3A_164 = arith.index_cast %get3A_163 : i32 to index
    %get3A_165 = arith.constant 80 : index
    %get3A_166 = tpu.vector_load %arg8[%get3A_164, %get3A_165] {strides = array<i32>} : memref<4x128xi32, #tpu.memory_space<vmem>>, vector<1x16xi32>,
    %get3A_167 = vector.shape_cast %get3A_166 : vector<1x16xi32> to vector<16xi32>
    %and3A_168 = arith.constant 32767 : i32
    %and3A_169 = vector.broadcast %and3A_168 : i32 to vector<16xi32>
    %and3A_170 = arith.andi %get3A_167, %and3A_169 : vector<16xi32>
    %swap3A_171 = arith.constant 0 : i32
    %swap3A_172 = arith.index_cast %swap3A_171 : i32 to index
    %swap3A_173 = arith.constant 80 : index
    %swap3A_174 = tpu.vector_load %arg8[%swap3A_172, %swap3A_173] {strides = array<i32>} : memref<4x128xi32, #tpu.memory_space<vmem>>, vector<1x16xi32>,
    %swap3A_175 = vector.shape_cast %swap3A_174 : vector<1x16xi32> to vector<16xi32>
    %swap3A_176 = vector.shape_cast %and3A_170 : vector<16xi32> to vector<1x16xi32>
    tpu.vector_store %arg8[%swap3A_172, %swap3A_173], %swap3A_176 {strides = array<i32>} : memref<4x128xi32, #tpu.memory_space<vmem>>, vector<1x16xi32>,
    %get3A_177 = arith.constant 0 : i32
    %get3A_178 = arith.index_cast %get3A_177 : i32 to index
    %get3A_179 = arith.constant 80 : index
    %get3A_180 = tpu.vector_load %arg9[%get3A_178, %get3A_179] {strides = array<i32>} : memref<4x128xi32, #tpu.memory_space<vmem>>, vector<1x16xi32>,
    %get3A_181 = vector.shape_cast %get3A_180 : vector<1x16xi32> to vector<16xi32>
    %and3A_182 = arith.constant 32767 : i32
    %and3A_183 = vector.broadcast %and3A_182 : i32 to vector<16xi32>
    %and3A_184 = arith.andi %get3A_181, %and3A_183 : vector<16xi32>
    %swap3A_185 = arith.constant 0 : i32
    %swap3A_186 = arith.index_cast %swap3A_185 : i32 to index
    %swap3A_187 = arith.constant 80 : index
    %swap3A_188 = tpu.vector_load %arg9[%swap3A_186, %swap3A_187] {strides = array<i32>} : memref<4x128xi32, #tpu.memory_space<vmem>>, vector<1x16xi32>,
    %swap3A_189 = vector.shape_cast %swap3A_188 : vector<1x16xi32> to vector<16xi32>
    %swap3A_190 = vector.shape_cast %and3A_184 : vector<16xi32> to vector<1x16xi32>
    tpu.vector_store %arg9[%swap3A_186, %swap3A_187], %swap3A_190 {strides = array<i32>} : memref<4x128xi32, #tpu.memory_space<vmem>>, vector<1x16xi32>,
    %get3A_191 = arith.constant 0 : i32
    %get3A_192 = arith.index_cast %get3A_191 : i32 to index
    %get3A_193 = arith.constant 96 : index
    %get3A_194 = tpu.vector_load %arg8[%get3A_192, %get3A_193] {strides = array<i32>} : memref<4x128xi32, #tpu.memory_space<vmem>>, vector<1x16xi32>,
    %get3A_195 = vector.shape_cast %get3A_194 : vector<1x16xi32> to vector<16xi32>
    %and3A_196 = arith.constant 32767 : i32
    %and3A_197 = vector.broadcast %and3A_196 : i32 to vector<16xi32>
    %and3A_198 = arith.andi %get3A_195, %and3A_197 : vector<16xi32>
    %swap3A_199 = arith.constant 0 : i32
    %swap3A_200 = arith.index_cast %swap3A_199 : i32 to index
    %swap3A_201 = arith.constant 96 : index
    %swap3A_202 = tpu.vector_load %arg8[%swap3A_200, %swap3A_201] {strides = array<i32>} : memref<4x128xi32, #tpu.memory_space<vmem>>, vector<1x16xi32>,
    %swap3A_203 = vector.shape_cast %swap3A_202 : vector<1x16xi32> to vector<16xi32>
    %swap3A_204 = vector.shape_cast %and3A_198 : vector<16xi32> to vector<1x16xi32>
    tpu.vector_store %arg8[%swap3A_200, %swap3A_201], %swap3A_204 {strides = array<i32>} : memref<4x128xi32, #tpu.memory_space<vmem>>, vector<1x16xi32>,
    %get3A_205 = arith.constant 0 : i32
    %get3A_206 = arith.index_cast %get3A_205 : i32 to index
    %get3A_207 = arith.constant 96 : index
    %get3A_208 = tpu.vector_load %arg9[%get3A_206, %get3A_207] {strides = array<i32>} : memref<4x128xi32, #tpu.memory_space<vmem>>, vector<1x16xi32>,
    %get3A_209 = vector.shape_cast %get3A_208 : vector<1x16xi32> to vector<16xi32>
    %and3A_210 = arith.constant 32767 : i32
    %and3A_211 = vector.broadcast %and3A_210 : i32 to vector<16xi32>
    %and3A_212 = arith.andi %get3A_209, %and3A_211 : vector<16xi32>
    %swap3A_213 = arith.constant 0 : i32
    %swap3A_214 = arith.index_cast %swap3A_213 : i32 to index
    %swap3A_215 = arith.constant 96 : index
    %swap3A_216 = tpu.vector_load %arg9[%swap3A_214, %swap3A_215] {strides = array<i32>} : memref<4x128xi32, #tpu.memory_space<vmem>>, vector<1x16xi32>,
    %swap3A_217 = vector.shape_cast %swap3A_216 : vector<1x16xi32> to vector<16xi32>
    %swap3A_218 = vector.shape_cast %and3A_212 : vector<16xi32> to vector<1x16xi32>
    tpu.vector_store %arg9[%swap3A_214, %swap3A_215], %swap3A_218 {strides = array<i32>} : memref<4x128xi32, #tpu.memory_space<vmem>>, vector<1x16xi32>,
    %get3A_219 = arith.constant 0 : i32
    %get3A_220 = arith.index_cast %get3A_219 : i32 to index
    %get3A_221 = arith.constant 112 : index
    %get3A_222 = tpu.vector_load %arg8[%get3A_220, %get3A_221] {strides = array<i32>} : memref<4x128xi32, #tpu.memory_space<vmem>>, vector<1x16xi32>,
    %get3A_223 = vector.shape_cast %get3A_222 : vector<1x16xi32> to vector<16xi32>
    %and3A_224 = arith.constant 32767 : i32
    %and3A_225 = vector.broadcast %and3A_224 : i32 to vector<16xi32>
    %and3A_226 = arith.andi %get3A_223, %and3A_225 : vector<16xi32>
    %swap3A_227 = arith.constant 0 : i32
    %swap3A_228 = arith.index_cast %swap3A_227 : i32 to index
    %swap3A_229 = arith.constant 112 : index
    %swap3A_230 = tpu.vector_load %arg8[%swap3A_228, %swap3A_229] {strides = array<i32>} : memref<4x128xi32, #tpu.memory_space<vmem>>, vector<1x16xi32>,
    %swap3A_231 = vector.shape_cast %swap3A_230 : vector<1x16xi32> to vector<16xi32>
    %swap3A_232 = vector.shape_cast %and3A_226 : vector<16xi32> to vector<1x16xi32>
    tpu.vector_store %arg8[%swap3A_228, %swap3A_229], %swap3A_232 {strides = array<i32>} : memref<4x128xi32, #tpu.memory_space<vmem>>, vector<1x16xi32>,
    %get3A_233 = arith.constant 0 : i32
    %get3A_234 = arith.index_cast %get3A_233 : i32 to index
    %get3A_235 = arith.constant 112 : index
    %get3A_236 = tpu.vector_load %arg9[%get3A_234, %get3A_235] {strides = array<i32>} : memref<4x128xi32, #tpu.memory_space<vmem>>, vector<1x16xi32>,
    %get3A_237 = vector.shape_cast %get3A_236 : vector<1x16xi32> to vector<16xi32>
    %and3A_238 = arith.constant 32767 : i32
    %and3A_239 = vector.broadcast %and3A_238 : i32 to vector<16xi32>
    %and3A_240 = arith.andi %get3A_237, %and3A_239 : vector<16xi32>
    %swap3A_241 = arith.constant 0 : i32
    %swap3A_242 = arith.index_cast %swap3A_241 : i32 to index
    %swap3A_243 = arith.constant 112 : index
    %swap3A_244 = tpu.vector_load %arg9[%swap3A_242, %swap3A_243] {strides = array<i32>} : memref<4x128xi32, #tpu.memory_space<vmem>>, vector<1x16xi32>,
    %swap3A_245 = vector.shape_cast %swap3A_244 : vector<1x16xi32> to vector<16xi32>
    %swap3A_246 = vector.shape_cast %and3A_240 : vector<16xi32> to vector<1x16xi32>
    tpu.vector_store %arg9[%swap3A_242, %swap3A_243], %swap3A_246 {strides = array<i32>} : memref<4x128xi32, #tpu.memory_space<vmem>>, vector<1x16xi32>,
    %get3A_247 = arith.constant 1 : i32
    %get3A_248 = arith.index_cast %get3A_247 : i32 to index
    %get3A_249 = arith.constant 0 : index
    %get3A_250 = tpu.vector_load %arg8[%get3A_248, %get3A_249] {strides = array<i32>} : memref<4x128xi32, #tpu.memory_space<vmem>>, vector<1x16xi32>,
    %get3A_251 = vector.shape_cast %get3A_250 : vector<1x16xi32> to vector<16xi32>
    %and3A_252 = arith.constant 32767 : i32
    %and3A_253 = vector.broadcast %and3A_252 : i32 to vector<16xi32>
    %and3A_254 = arith.andi %get3A_251, %and3A_253 : vector<16xi32>
    %swap3A_255 = arith.constant 1 : i32
    %swap3A_256 = arith.index_cast %swap3A_255 : i32 to index
    %swap3A_257 = arith.constant 0 : index
    %swap3A_258 = tpu.vector_load %arg8[%swap3A_256, %swap3A_257] {strides = array<i32>} : memref<4x128xi32, #tpu.memory_space<vmem>>, vector<1x16xi32>,
    %swap3A_259 = vector.shape_cast %swap3A_258 : vector<1x16xi32> to vector<16xi32>
    %swap3A_260 = vector.shape_cast %and3A_254 : vector<16xi32> to vector<1x16xi32>
    tpu.vector_store %arg8[%swap3A_256, %swap3A_257], %swap3A_260 {strides = array<i32>} : memref<4x128xi32, #tpu.memory_space<vmem>>, vector<1x16xi32>,
    %get3A_261 = arith.constant 1 : i32
    %get3A_262 = arith.index_cast %get3A_261 : i32 to index
    %get3A_263 = arith.constant 0 : index
    %get3A_264 = tpu.vector_load %arg9[%get3A_262, %get3A_263] {strides = array<i32>} : memref<4x128xi32, #tpu.memory_space<vmem>>, vector<1x16xi32>,
    %get3A_265 = vector.shape_cast %get3A_264 : vector<1x16xi32> to vector<16xi32>
    %and3A_266 = arith.constant 32767 : i32
    %and3A_267 = vector.broadcast %and3A_266 : i32 to vector<16xi32>
    %and3A_268 = arith.andi %get3A_265, %and3A_267 : vector<16xi32>
    %swap3A_269 = arith.constant 1 : i32
    %swap3A_270 = arith.index_cast %swap3A_269 : i32 to index
    %swap3A_271 = arith.constant 0 : index
    %swap3A_272 = tpu.vector_load %arg9[%swap3A_270, %swap3A_271] {strides = array<i32>} : memref<4x128xi32, #tpu.memory_space<vmem>>, vector<1x16xi32>,
    %swap3A_273 = vector.shape_cast %swap3A_272 : vector<1x16xi32> to vector<16xi32>
    %swap3A_274 = vector.shape_cast %and3A_268 : vector<16xi32> to vector<1x16xi32>
    tpu.vector_store %arg9[%swap3A_270, %swap3A_271], %swap3A_274 {strides = array<i32>} : memref<4x128xi32, #tpu.memory_space<vmem>>, vector<1x16xi32>,
    %get3A_275 = arith.constant 1 : i32
    %get3A_276 = arith.index_cast %get3A_275 : i32 to index
    %get3A_277 = arith.constant 16 : index
    %get3A_278 = tpu.vector_load %arg8[%get3A_276, %get3A_277] {strides = array<i32>} : memref<4x128xi32, #tpu.memory_space<vmem>>, vector<1x16xi32>,
    %get3A_279 = vector.shape_cast %get3A_278 : vector<1x16xi32> to vector<16xi32>
    %and3A_280 = arith.constant 32767 : i32
    %and3A_281 = vector.broadcast %and3A_280 : i32 to vector<16xi32>
    %and3A_282 = arith.andi %get3A_279, %and3A_281 : vector<16xi32>
    %swap3A_283 = arith.constant 1 : i32
    %swap3A_284 = arith.index_cast %swap3A_283 : i32 to index
    %swap3A_285 = arith.constant 16 : index
    %swap3A_286 = tpu.vector_load %arg8[%swap3A_284, %swap3A_285] {strides = array<i32>} : memref<4x128xi32, #tpu.memory_space<vmem>>, vector<1x16xi32>,
    %swap3A_287 = vector.shape_cast %swap3A_286 : vector<1x16xi32> to vector<16xi32>
    %swap3A_288 = vector.shape_cast %and3A_282 : vector<16xi32> to vector<1x16xi32>
    tpu.vector_store %arg8[%swap3A_284, %swap3A_285], %swap3A_288 {strides = array<i32>} : memref<4x128xi32, #tpu.memory_space<vmem>>, vector<1x16xi32>,
    %get3A_289 = arith.constant 1 : i32
    %get3A_290 = arith.index_cast %get3A_289 : i32 to index
    %get3A_291 = arith.constant 16 : index
    %get3A_292 = tpu.vector_load %arg9[%get3A_290, %get3A_291] {strides = array<i32>} : memref<4x128xi32, #tpu.memory_space<vmem>>, vector<1x16xi32>,
    %get3A_293 = vector.shape_cast %get3A_292 : vector<1x16xi32> to vector<16xi32>
    %and3A_294 = arith.constant 32767 : i32
    %and3A_295 = vector.broadcast %and3A_294 : i32 to vector<16xi32>
    %and3A_296 = arith.andi %get3A_293, %and3A_295 : vector<16xi32>
    %swap3A_297 = arith.constant 1 : i32
    %swap3A_298 = arith.index_cast %swap3A_297 : i32 to index
    %swap3A_299 = arith.constant 16 : index
    %swap3A_300 = tpu.vector_load %arg9[%swap3A_298, %swap3A_299] {strides = array<i32>} : memref<4x128xi32, #tpu.memory_space<vmem>>, vector<1x16xi32>,
    %swap3A_301 = vector.shape_cast %swap3A_300 : vector<1x16xi32> to vector<16xi32>
    %swap3A_302 = vector.shape_cast %and3A_296 : vector<16xi32> to vector<1x16xi32>
    tpu.vector_store %arg9[%swap3A_298, %swap3A_299], %swap3A_302 {strides = array<i32>} : memref<4x128xi32, #tpu.memory_space<vmem>>, vector<1x16xi32>,
    %get3A_303 = arith.constant 1 : i32
    %get3A_304 = arith.index_cast %get3A_303 : i32 to index
    %get3A_305 = arith.constant 32 : index
    %get3A_306 = tpu.vector_load %arg8[%get3A_304, %get3A_305] {strides = array<i32>} : memref<4x128xi32, #tpu.memory_space<vmem>>, vector<1x16xi32>,
    %get3A_307 = vector.shape_cast %get3A_306 : vector<1x16xi32> to vector<16xi32>
    %and3A_308 = arith.constant 32767 : i32
    %and3A_309 = vector.broadcast %and3A_308 : i32 to vector<16xi32>
    %and3A_310 = arith.andi %get3A_307, %and3A_309 : vector<16xi32>
    %swap3A_311 = arith.constant 1 : i32
    %swap3A_312 = arith.index_cast %swap3A_311 : i32 to index
    %swap3A_313 = arith.constant 32 : index
    %swap3A_314 = tpu.vector_load %arg8[%swap3A_312, %swap3A_313] {strides = array<i32>} : memref<4x128xi32, #tpu.memory_space<vmem>>, vector<1x16xi32>,
    %swap3A_315 = vector.shape_cast %swap3A_314 : vector<1x16xi32> to vector<16xi32>
    %swap3A_316 = vector.shape_cast %and3A_310 : vector<16xi32> to vector<1x16xi32>
    tpu.vector_store %arg8[%swap3A_312, %swap3A_313], %swap3A_316 {strides = array<i32>} : memref<4x128xi32, #tpu.memory_space<vmem>>, vector<1x16xi32>,
    %get3A_317 = arith.constant 1 : i32
    %get3A_318 = arith.index_cast %get3A_317 : i32 to index
    %get3A_319 = arith.constant 32 : index
    %get3A_320 = tpu.vector_load %arg9[%get3A_318, %get3A_319] {strides = array<i32>} : memref<4x128xi32, #tpu.memory_space<vmem>>, vector<1x16xi32>,
    %get3A_321 = vector.shape_cast %get3A_320 : vector<1x16xi32> to vector<16xi32>
    %and3A_322 = arith.constant 32767 : i32
    %and3A_323 = vector.broadcast %and3A_322 : i32 to vector<16xi32>
    %and3A_324 = arith.andi %get3A_321, %and3A_323 : vector<16xi32>
    %swap3A_325 = arith.constant 1 : i32
    %swap3A_326 = arith.index_cast %swap3A_325 : i32 to index
    %swap3A_327 = arith.constant 32 : index
    %swap3A_328 = tpu.vector_load %arg9[%swap3A_326, %swap3A_327] {strides = array<i32>} : memref<4x128xi32, #tpu.memory_space<vmem>>, vector<1x16xi32>,
    %swap3A_329 = vector.shape_cast %swap3A_328 : vector<1x16xi32> to vector<16xi32>
    %swap3A_330 = vector.shape_cast %and3A_324 : vector<16xi32> to vector<1x16xi32>
    tpu.vector_store %arg9[%swap3A_326, %swap3A_327], %swap3A_330 {strides = array<i32>} : memref<4x128xi32, #tpu.memory_space<vmem>>, vector<1x16xi32>,
    %get3A_331 = arith.constant 1 : i32
    %get3A_332 = arith.index_cast %get3A_331 : i32 to index
    %get3A_333 = arith.constant 48 : index
    %get3A_334 = tpu.vector_load %arg8[%get3A_332, %get3A_333] {strides = array<i32>} : memref<4x128xi32, #tpu.memory_space<vmem>>, vector<1x16xi32>,
    %get3A_335 = vector.shape_cast %get3A_334 : vector<1x16xi32> to vector<16xi32>
    %and3A_336 = arith.constant 32767 : i32
    %and3A_337 = vector.broadcast %and3A_336 : i32 to vector<16xi32>
    %and3A_338 = arith.andi %get3A_335, %and3A_337 : vector<16xi32>
    %swap3A_339 = arith.constant 1 : i32
    %swap3A_340 = arith.index_cast %swap3A_339 : i32 to index
    %swap3A_341 = arith.constant 48 : index
    %swap3A_342 = tpu.vector_load %arg8[%swap3A_340, %swap3A_341] {strides = array<i32>} : memref<4x128xi32, #tpu.memory_space<vmem>>, vector<1x16xi32>,
    %swap3A_343 = vector.shape_cast %swap3A_342 : vector<1x16xi32> to vector<16xi32>
    %swap3A_344 = vector.shape_cast %and3A_338 : vector<16xi32> to vector<1x16xi32>
    tpu.vector_store %arg8[%swap3A_340, %swap3A_341], %swap3A_344 {strides = array<i32>} : memref<4x128xi32, #tpu.memory_space<vmem>>, vector<1x16xi32>,
    %get3A_345 = arith.constant 1 : i32
    %get3A_346 = arith.index_cast %get3A_345 : i32 to index
    %get3A_347 = arith.constant 48 : index
    %get3A_348 = tpu.vector_load %arg9[%get3A_346, %get3A_347] {strides = array<i32>} : memref<4x128xi32, #tpu.memory_space<vmem>>, vector<1x16xi32>,
    %get3A_349 = vector.shape_cast %get3A_348 : vector<1x16xi32> to vector<16xi32>
    %and3A_350 = arith.constant 32767 : i32
    %and3A_351 = vector.broadcast %and3A_350 : i32 to vector<16xi32>
    %and3A_352 = arith.andi %get3A_349, %and3A_351 : vector<16xi32>
    %swap3A_353 = arith.constant 1 : i32
    %swap3A_354 = arith.index_cast %swap3A_353 : i32 to index
    %swap3A_355 = arith.constant 48 : index
    %swap3A_356 = tpu.vector_load %arg9[%swap3A_354, %swap3A_355] {strides = array<i32>} : memref<4x128xi32, #tpu.memory_space<vmem>>, vector<1x16xi32>,
    %swap3A_357 = vector.shape_cast %swap3A_356 : vector<1x16xi32> to vector<16xi32>
    %swap3A_358 = vector.shape_cast %and3A_352 : vector<16xi32> to vector<1x16xi32>
    tpu.vector_store %arg9[%swap3A_354, %swap3A_355], %swap3A_358 {strides = array<i32>} : memref<4x128xi32, #tpu.memory_space<vmem>>, vector<1x16xi32>,
    %get3A_359 = arith.constant 1 : i32
    %get3A_360 = arith.index_cast %get3A_359 : i32 to index
    %get3A_361 = arith.constant 64 : index
    %get3A_362 = tpu.vector_load %arg8[%get3A_360, %get3A_361] {strides = array<i32>} : memref<4x128xi32, #tpu.memory_space<vmem>>, vector<1x16xi32>,
    %get3A_363 = vector.shape_cast %get3A_362 : vector<1x16xi32> to vector<16xi32>
    %and3A_364 = arith.constant 32767 : i32
    %and3A_365 = vector.broadcast %and3A_364 : i32 to vector<16xi32>
    %and3A_366 = arith.andi %get3A_363, %and3A_365 : vector<16xi32>
    %swap3A_367 = arith.constant 1 : i32
    %swap3A_368 = arith.index_cast %swap3A_367 : i32 to index
    %swap3A_369 = arith.constant 64 : index
    %swap3A_370 = tpu.vector_load %arg8[%swap3A_368, %swap3A_369] {strides = array<i32>} : memref<4x128xi32, #tpu.memory_space<vmem>>, vector<1x16xi32>,
    %swap3A_371 = vector.shape_cast %swap3A_370 : vector<1x16xi32> to vector<16xi32>
    %swap3A_372 = vector.shape_cast %and3A_366 : vector<16xi32> to vector<1x16xi32>
    tpu.vector_store %arg8[%swap3A_368, %swap3A_369], %swap3A_372 {strides = array<i32>} : memref<4x128xi32, #tpu.memory_space<vmem>>, vector<1x16xi32>,
    %get3A_373 = arith.constant 1 : i32
    %get3A_374 = arith.index_cast %get3A_373 : i32 to index
    %get3A_375 = arith.constant 64 : index
    %get3A_376 = tpu.vector_load %arg9[%get3A_374, %get3A_375] {strides = array<i32>} : memref<4x128xi32, #tpu.memory_space<vmem>>, vector<1x16xi32>,
    %get3A_377 = vector.shape_cast %get3A_376 : vector<1x16xi32> to vector<16xi32>
    %and3A_378 = arith.constant 32767 : i32
    %and3A_379 = vector.broadcast %and3A_378 : i32 to vector<16xi32>
    %and3A_380 = arith.andi %get3A_377, %and3A_379 : vector<16xi32>
    %swap3A_381 = arith.constant 1 : i32
    %swap3A_382 = arith.index_cast %swap3A_381 : i32 to index
    %swap3A_383 = arith.constant 64 : index
    %swap3A_384 = tpu.vector_load %arg9[%swap3A_382, %swap3A_383] {strides = array<i32>} : memref<4x128xi32, #tpu.memory_space<vmem>>, vector<1x16xi32>,
    %swap3A_385 = vector.shape_cast %swap3A_384 : vector<1x16xi32> to vector<16xi32>
    %swap3A_386 = vector.shape_cast %and3A_380 : vector<16xi32> to vector<1x16xi32>
    tpu.vector_store %arg9[%swap3A_382, %swap3A_383], %swap3A_386 {strides = array<i32>} : memref<4x128xi32, #tpu.memory_space<vmem>>, vector<1x16xi32>,
    %get3A_387 = arith.constant 1 : i32
    %get3A_388 = arith.index_cast %get3A_387 : i32 to index
    %get3A_389 = arith.constant 80 : index
    %get3A_390 = tpu.vector_load %arg8[%get3A_388, %get3A_389] {strides = array<i32>} : memref<4x128xi32, #tpu.memory_space<vmem>>, vector<1x16xi32>,
    %get3A_391 = vector.shape_cast %get3A_390 : vector<1x16xi32> to vector<16xi32>
    %and3A_392 = arith.constant 32767 : i32
    %and3A_393 = vector.broadcast %and3A_392 : i32 to vector<16xi32>
    %and3A_394 = arith.andi %get3A_391, %and3A_393 : vector<16xi32>
    %swap3A_395 = arith.constant 1 : i32
    %swap3A_396 = arith.index_cast %swap3A_395 : i32 to index
    %swap3A_397 = arith.constant 80 : index
    %swap3A_398 = tpu.vector_load %arg8[%swap3A_396, %swap3A_397] {strides = array<i32>} : memref<4x128xi32, #tpu.memory_space<vmem>>, vector<1x16xi32>,
    %swap3A_399 = vector.shape_cast %swap3A_398 : vector<1x16xi32> to vector<16xi32>
    %swap3A_400 = vector.shape_cast %and3A_394 : vector<16xi32> to vector<1x16xi32>
    tpu.vector_store %arg8[%swap3A_396, %swap3A_397], %swap3A_400 {strides = array<i32>} : memref<4x128xi32, #tpu.memory_space<vmem>>, vector<1x16xi32>,
    %get3A_401 = arith.constant 1 : i32
    %get3A_402 = arith.index_cast %get3A_401 : i32 to index
    %get3A_403 = arith.constant 80 : index
    %get3A_404 = tpu.vector_load %arg9[%get3A_402, %get3A_403] {strides = array<i32>} : memref<4x128xi32, #tpu.memory_space<vmem>>, vector<1x16xi32>,
    %get3A_405 = vector.shape_cast %get3A_404 : vector<1x16xi32> to vector<16xi32>
    %and3A_406 = arith.constant 32767 : i32
    %and3A_407 = vector.broadcast %and3A_406 : i32 to vector<16xi32>
    %and3A_408 = arith.andi %get3A_405, %and3A_407 : vector<16xi32>
    %swap3A_409 = arith.constant 1 : i32
    %swap3A_410 = arith.index_cast %swap3A_409 : i32 to index
    %swap3A_411 = arith.constant 80 : index
    %swap3A_412 = tpu.vector_load %arg9[%swap3A_410, %swap3A_411] {strides = array<i32>} : memref<4x128xi32, #tpu.memory_space<vmem>>, vector<1x16xi32>,
    %swap3A_413 = vector.shape_cast %swap3A_412 : vector<1x16xi32> to vector<16xi32>
    %swap3A_414 = vector.shape_cast %and3A_408 : vector<16xi32> to vector<1x16xi32>
    tpu.vector_store %arg9[%swap3A_410, %swap3A_411], %swap3A_414 {strides = array<i32>} : memref<4x128xi32, #tpu.memory_space<vmem>>, vector<1x16xi32>,
    %get3A_415 = arith.constant 1 : i32
    %get3A_416 = arith.index_cast %get3A_415 : i32 to index
    %get3A_417 = arith.constant 96 : index
    %get3A_418 = tpu.vector_load %arg8[%get3A_416, %get3A_417] {strides = array<i32>} : memref<4x128xi32, #tpu.memory_space<vmem>>, vector<1x16xi32>,
    %get3A_419 = vector.shape_cast %get3A_418 : vector<1x16xi32> to vector<16xi32>
    %and3A_420 = arith.constant 32767 : i32
    %and3A_421 = vector.broadcast %and3A_420 : i32 to vector<16xi32>
    %and3A_422 = arith.andi %get3A_419, %and3A_421 : vector<16xi32>
    %swap3A_423 = arith.constant 1 : i32
    %swap3A_424 = arith.index_cast %swap3A_423 : i32 to index
    %swap3A_425 = arith.constant 96 : index
    %swap3A_426 = tpu.vector_load %arg8[%swap3A_424, %swap3A_425] {strides = array<i32>} : memref<4x128xi32, #tpu.memory_space<vmem>>, vector<1x16xi32>,
    %swap3A_427 = vector.shape_cast %swap3A_426 : vector<1x16xi32> to vector<16xi32>
    %swap3A_428 = vector.shape_cast %and3A_422 : vector<16xi32> to vector<1x16xi32>
    tpu.vector_store %arg8[%swap3A_424, %swap3A_425], %swap3A_428 {strides = array<i32>} : memref<4x128xi32, #tpu.memory_space<vmem>>, vector<1x16xi32>,
    %get3A_429 = arith.constant 1 : i32
    %get3A_430 = arith.index_cast %get3A_429 : i32 to index
    %get3A_431 = arith.constant 96 : index
    %get3A_432 = tpu.vector_load %arg9[%get3A_430, %get3A_431] {strides = array<i32>} : memref<4x128xi32, #tpu.memory_space<vmem>>, vector<1x16xi32>,
    %get3A_433 = vector.shape_cast %get3A_432 : vector<1x16xi32> to vector<16xi32>
    %and3A_434 = arith.constant 32767 : i32
    %and3A_435 = vector.broadcast %and3A_434 : i32 to vector<16xi32>
    %and3A_436 = arith.andi %get3A_433, %and3A_435 : vector<16xi32>
    %swap3A_437 = arith.constant 1 : i32
    %swap3A_438 = arith.index_cast %swap3A_437 : i32 to index
    %swap3A_439 = arith.constant 96 : index
    %swap3A_440 = tpu.vector_load %arg9[%swap3A_438, %swap3A_439] {strides = array<i32>} : memref<4x128xi32, #tpu.memory_space<vmem>>, vector<1x16xi32>,
    %swap3A_441 = vector.shape_cast %swap3A_440 : vector<1x16xi32> to vector<16xi32>
    %swap3A_442 = vector.shape_cast %and3A_436 : vector<16xi32> to vector<1x16xi32>
    tpu.vector_store %arg9[%swap3A_438, %swap3A_439], %swap3A_442 {strides = array<i32>} : memref<4x128xi32, #tpu.memory_space<vmem>>, vector<1x16xi32>,
    %get3A_443 = arith.constant 1 : i32
    %get3A_444 = arith.index_cast %get3A_443 : i32 to index
    %get3A_445 = arith.constant 112 : index
    %get3A_446 = tpu.vector_load %arg8[%get3A_444, %get3A_445] {strides = array<i32>} : memref<4x128xi32, #tpu.memory_space<vmem>>, vector<1x16xi32>,
    %get3A_447 = vector.shape_cast %get3A_446 : vector<1x16xi32> to vector<16xi32>
    %and3A_448 = arith.constant 32767 : i32
    %and3A_449 = vector.broadcast %and3A_448 : i32 to vector<16xi32>
    %and3A_450 = arith.andi %get3A_447, %and3A_449 : vector<16xi32>
    %swap3A_451 = arith.constant 1 : i32
    %swap3A_452 = arith.index_cast %swap3A_451 : i32 to index
    %swap3A_453 = arith.constant 112 : index
    %swap3A_454 = tpu.vector_load %arg8[%swap3A_452, %swap3A_453] {strides = array<i32>} : memref<4x128xi32, #tpu.memory_space<vmem>>, vector<1x16xi32>,
    %swap3A_455 = vector.shape_cast %swap3A_454 : vector<1x16xi32> to vector<16xi32>
    %swap3A_456 = vector.shape_cast %and3A_450 : vector<16xi32> to vector<1x16xi32>
    tpu.vector_store %arg8[%swap3A_452, %swap3A_453], %swap3A_456 {strides = array<i32>} : memref<4x128xi32, #tpu.memory_space<vmem>>, vector<1x16xi32>,
    %get3A_457 = arith.constant 1 : i32
    %get3A_458 = arith.index_cast %get3A_457 : i32 to index
    %get3A_459 = arith.constant 112 : index
    %get3A_460 = tpu.vector_load %arg9[%get3A_458, %get3A_459] {strides = array<i32>} : memref<4x128xi32, #tpu.memory_space<vmem>>, vector<1x16xi32>,
    %get3A_461 = vector.shape_cast %get3A_460 : vector<1x16xi32> to vector<16xi32>
    %and3A_462 = arith.constant 32767 : i32
    %and3A_463 = vector.broadcast %and3A_462 : i32 to vector<16xi32>
    %and3A_464 = arith.andi %get3A_461, %and3A_463 : vector<16xi32>
    %swap3A_465 = arith.constant 1 : i32
    %swap3A_466 = arith.index_cast %swap3A_465 : i32 to index
    %swap3A_467 = arith.constant 112 : index
    %swap3A_468 = tpu.vector_load %arg9[%swap3A_466, %swap3A_467] {strides = array<i32>} : memref<4x128xi32, #tpu.memory_space<vmem>>, vector<1x16xi32>,
    %swap3A_469 = vector.shape_cast %swap3A_468 : vector<1x16xi32> to vector<16xi32>
    %swap3A_470 = vector.shape_cast %and3A_464 : vector<16xi32> to vector<1x16xi32>
    tpu.vector_store %arg9[%swap3A_466, %swap3A_467], %swap3A_470 {strides = array<i32>} : memref<4x128xi32, #tpu.memory_space<vmem>>, vector<1x16xi32>,
    %get3A_471 = arith.constant 2 : i32
    %get3A_472 = arith.index_cast %get3A_471 : i32 to index
    %get3A_473 = arith.constant 0 : index
    %get3A_474 = tpu.vector_load %arg8[%get3A_472, %get3A_473] {strides = array<i32>} : memref<4x128xi32, #tpu.memory_space<vmem>>, vector<1x16xi32>,
    %get3A_475 = vector.shape_cast %get3A_474 : vector<1x16xi32> to vector<16xi32>
    %and3A_476 = arith.constant 32767 : i32
    %and3A_477 = vector.broadcast %and3A_476 : i32 to vector<16xi32>
    %and3A_478 = arith.andi %get3A_475, %and3A_477 : vector<16xi32>
    %swap3A_479 = arith.constant 2 : i32
    %swap3A_480 = arith.index_cast %swap3A_479 : i32 to index
    %swap3A_481 = arith.constant 0 : index
    %swap3A_482 = tpu.vector_load %arg8[%swap3A_480, %swap3A_481] {strides = array<i32>} : memref<4x128xi32, #tpu.memory_space<vmem>>, vector<1x16xi32>,
    %swap3A_483 = vector.shape_cast %swap3A_482 : vector<1x16xi32> to vector<16xi32>
    %swap3A_484 = vector.shape_cast %and3A_478 : vector<16xi32> to vector<1x16xi32>
    tpu.vector_store %arg8[%swap3A_480, %swap3A_481], %swap3A_484 {strides = array<i32>} : memref<4x128xi32, #tpu.memory_space<vmem>>, vector<1x16xi32>,
    %get3A_485 = arith.constant 2 : i32
    %get3A_486 = arith.index_cast %get3A_485 : i32 to index
    %get3A_487 = arith.constant 0 : index
    %get3A_488 = tpu.vector_load %arg9[%get3A_486, %get3A_487] {strides = array<i32>} : memref<4x128xi32, #tpu.memory_space<vmem>>, vector<1x16xi32>,
    %get3A_489 = vector.shape_cast %get3A_488 : vector<1x16xi32> to vector<16xi32>
    %and3A_490 = arith.constant 32767 : i32
    %and3A_491 = vector.broadcast %and3A_490 : i32 to vector<16xi32>
    %and3A_492 = arith.andi %get3A_489, %and3A_491 : vector<16xi32>
    %swap3A_493 = arith.constant 2 : i32
    %swap3A_494 = arith.index_cast %swap3A_493 : i32 to index
    %swap3A_495 = arith.constant 0 : index
    %swap3A_496 = tpu.vector_load %arg9[%swap3A_494, %swap3A_495] {strides = array<i32>} : memref<4x128xi32, #tpu.memory_space<vmem>>, vector<1x16xi32>,
    %swap3A_497 = vector.shape_cast %swap3A_496 : vector<1x16xi32> to vector<16xi32>
    %swap3A_498 = vector.shape_cast %and3A_492 : vector<16xi32> to vector<1x16xi32>
    tpu.vector_store %arg9[%swap3A_494, %swap3A_495], %swap3A_498 {strides = array<i32>} : memref<4x128xi32, #tpu.memory_space<vmem>>, vector<1x16xi32>,
    %get3A_499 = arith.constant 2 : i32
    %get3A_500 = arith.index_cast %get3A_499 : i32 to index
    %get3A_501 = arith.constant 16 : index
    %get3A_502 = tpu.vector_load %arg8[%get3A_500, %get3A_501] {strides = array<i32>} : memref<4x128xi32, #tpu.memory_space<vmem>>, vector<1x16xi32>,
    %get3A_503 = vector.shape_cast %get3A_502 : vector<1x16xi32> to vector<16xi32>
    %and3A_504 = arith.constant 32767 : i32
    %and3A_505 = vector.broadcast %and3A_504 : i32 to vector<16xi32>
    %and3A_506 = arith.andi %get3A_503, %and3A_505 : vector<16xi32>
    %swap3A_507 = arith.constant 2 : i32
    %swap3A_508 = arith.index_cast %swap3A_507 : i32 to index
    %swap3A_509 = arith.constant 16 : index
    %swap3A_510 = tpu.vector_load %arg8[%swap3A_508, %swap3A_509] {strides = array<i32>} : memref<4x128xi32, #tpu.memory_space<vmem>>, vector<1x16xi32>,
    %swap3A_511 = vector.shape_cast %swap3A_510 : vector<1x16xi32> to vector<16xi32>
    %swap3A_512 = vector.shape_cast %and3A_506 : vector<16xi32> to vector<1x16xi32>
    tpu.vector_store %arg8[%swap3A_508, %swap3A_509], %swap3A_512 {strides = array<i32>} : memref<4x128xi32, #tpu.memory_space<vmem>>, vector<1x16xi32>,
    %get3A_513 = arith.constant 2 : i32
    %get3A_514 = arith.index_cast %get3A_513 : i32 to index
    %get3A_515 = arith.constant 16 : index
    %get3A_516 = tpu.vector_load %arg9[%get3A_514, %get3A_515] {strides = array<i32>} : memref<4x128xi32, #tpu.memory_space<vmem>>, vector<1x16xi32>,
    %get3A_517 = vector.shape_cast %get3A_516 : vector<1x16xi32> to vector<16xi32>
    %and3A_518 = arith.constant 32767 : i32
    %and3A_519 = vector.broadcast %and3A_518 : i32 to vector<16xi32>
    %and3A_520 = arith.andi %get3A_517, %and3A_519 : vector<16xi32>
    %swap3A_521 = arith.constant 2 : i32
    %swap3A_522 = arith.index_cast %swap3A_521 : i32 to index
    %swap3A_523 = arith.constant 16 : index
    %swap3A_524 = tpu.vector_load %arg9[%swap3A_522, %swap3A_523] {strides = array<i32>} : memref<4x128xi32, #tpu.memory_space<vmem>>, vector<1x16xi32>,
    %swap3A_525 = vector.shape_cast %swap3A_524 : vector<1x16xi32> to vector<16xi32>
    %swap3A_526 = vector.shape_cast %and3A_520 : vector<16xi32> to vector<1x16xi32>
    tpu.vector_store %arg9[%swap3A_522, %swap3A_523], %swap3A_526 {strides = array<i32>} : memref<4x128xi32, #tpu.memory_space<vmem>>, vector<1x16xi32>,
    %get3A_527 = arith.constant 2 : i32
    %get3A_528 = arith.index_cast %get3A_527 : i32 to index
    %get3A_529 = arith.constant 32 : index
    %get3A_530 = tpu.vector_load %arg8[%get3A_528, %get3A_529] {strides = array<i32>} : memref<4x128xi32, #tpu.memory_space<vmem>>, vector<1x16xi32>,
    %get3A_531 = vector.shape_cast %get3A_530 : vector<1x16xi32> to vector<16xi32>
    %and3A_532 = arith.constant 32767 : i32
    %and3A_533 = vector.broadcast %and3A_532 : i32 to vector<16xi32>
    %and3A_534 = arith.andi %get3A_531, %and3A_533 : vector<16xi32>
    %swap3A_535 = arith.constant 2 : i32
    %swap3A_536 = arith.index_cast %swap3A_535 : i32 to index
    %swap3A_537 = arith.constant 32 : index
    %swap3A_538 = tpu.vector_load %arg8[%swap3A_536, %swap3A_537] {strides = array<i32>} : memref<4x128xi32, #tpu.memory_space<vmem>>, vector<1x16xi32>,
    %swap3A_539 = vector.shape_cast %swap3A_538 : vector<1x16xi32> to vector<16xi32>
    %swap3A_540 = vector.shape_cast %and3A_534 : vector<16xi32> to vector<1x16xi32>
    tpu.vector_store %arg8[%swap3A_536, %swap3A_537], %swap3A_540 {strides = array<i32>} : memref<4x128xi32, #tpu.memory_space<vmem>>, vector<1x16xi32>,
    %get3A_541 = arith.constant 2 : i32
    %get3A_542 = arith.index_cast %get3A_541 : i32 to index
    %get3A_543 = arith.constant 32 : index
    %get3A_544 = tpu.vector_load %arg9[%get3A_542, %get3A_543] {strides = array<i32>} : memref<4x128xi32, #tpu.memory_space<vmem>>, vector<1x16xi32>,
    %get3A_545 = vector.shape_cast %get3A_544 : vector<1x16xi32> to vector<16xi32>
    %and3A_546 = arith.constant 32767 : i32
    %and3A_547 = vector.broadcast %and3A_546 : i32 to vector<16xi32>
    %and3A_548 = arith.andi %get3A_545, %and3A_547 : vector<16xi32>
    %swap3A_549 = arith.constant 2 : i32
    %swap3A_550 = arith.index_cast %swap3A_549 : i32 to index
    %swap3A_551 = arith.constant 32 : index
    %swap3A_552 = tpu.vector_load %arg9[%swap3A_550, %swap3A_551] {strides = array<i32>} : memref<4x128xi32, #tpu.memory_space<vmem>>, vector<1x16xi32>,
    %swap3A_553 = vector.shape_cast %swap3A_552 : vector<1x16xi32> to vector<16xi32>
    %swap3A_554 = vector.shape_cast %and3A_548 : vector<16xi32> to vector<1x16xi32>
    tpu.vector_store %arg9[%swap3A_550, %swap3A_551], %swap3A_554 {strides = array<i32>} : memref<4x128xi32, #tpu.memory_space<vmem>>, vector<1x16xi32>,
    %get3A_555 = arith.constant 2 : i32
    %get3A_556 = arith.index_cast %get3A_555 : i32 to index
    %get3A_557 = arith.constant 48 : index
    %get3A_558 = tpu.vector_load %arg8[%get3A_556, %get3A_557] {strides = array<i32>} : memref<4x128xi32, #tpu.memory_space<vmem>>, vector<1x16xi32>,
    %get3A_559 = vector.shape_cast %get3A_558 : vector<1x16xi32> to vector<16xi32>
    %and3A_560 = arith.constant 32767 : i32
    %and3A_561 = vector.broadcast %and3A_560 : i32 to vector<16xi32>
    %and3A_562 = arith.andi %get3A_559, %and3A_561 : vector<16xi32>
    %swap3A_563 = arith.constant 2 : i32
    %swap3A_564 = arith.index_cast %swap3A_563 : i32 to index
    %swap3A_565 = arith.constant 48 : index
    %swap3A_566 = tpu.vector_load %arg8[%swap3A_564, %swap3A_565] {strides = array<i32>} : memref<4x128xi32, #tpu.memory_space<vmem>>, vector<1x16xi32>,
    %swap3A_567 = vector.shape_cast %swap3A_566 : vector<1x16xi32> to vector<16xi32>
    %swap3A_568 = vector.shape_cast %and3A_562 : vector<16xi32> to vector<1x16xi32>
    tpu.vector_store %arg8[%swap3A_564, %swap3A_565], %swap3A_568 {strides = array<i32>} : memref<4x128xi32, #tpu.memory_space<vmem>>, vector<1x16xi32>,
    %get3A_569 = arith.constant 2 : i32
    %get3A_570 = arith.index_cast %get3A_569 : i32 to index
    %get3A_571 = arith.constant 48 : index
    %get3A_572 = tpu.vector_load %arg9[%get3A_570, %get3A_571] {strides = array<i32>} : memref<4x128xi32, #tpu.memory_space<vmem>>, vector<1x16xi32>,
    %get3A_573 = vector.shape_cast %get3A_572 : vector<1x16xi32> to vector<16xi32>
    %and3A_574 = arith.constant 32767 : i32
    %and3A_575 = vector.broadcast %and3A_574 : i32 to vector<16xi32>
    %and3A_576 = arith.andi %get3A_573, %and3A_575 : vector<16xi32>
    %swap3A_577 = arith.constant 2 : i32
    %swap3A_578 = arith.index_cast %swap3A_577 : i32 to index
    %swap3A_579 = arith.constant 48 : index
    %swap3A_580 = tpu.vector_load %arg9[%swap3A_578, %swap3A_579] {strides = array<i32>} : memref<4x128xi32, #tpu.memory_space<vmem>>, vector<1x16xi32>,
    %swap3A_581 = vector.shape_cast %swap3A_580 : vector<1x16xi32> to vector<16xi32>
    %swap3A_582 = vector.shape_cast %and3A_576 : vector<16xi32> to vector<1x16xi32>
    tpu.vector_store %arg9[%swap3A_578, %swap3A_579], %swap3A_582 {strides = array<i32>} : memref<4x128xi32, #tpu.memory_space<vmem>>, vector<1x16xi32>,
    %get3A_583 = arith.constant 2 : i32
    %get3A_584 = arith.index_cast %get3A_583 : i32 to index
    %get3A_585 = arith.constant 64 : index
    %get3A_586 = tpu.vector_load %arg8[%get3A_584, %get3A_585] {strides = array<i32>} : memref<4x128xi32, #tpu.memory_space<vmem>>, vector<1x16xi32>,
    %get3A_587 = vector.shape_cast %get3A_586 : vector<1x16xi32> to vector<16xi32>
    %and3A_588 = arith.constant 32767 : i32
    %and3A_589 = vector.broadcast %and3A_588 : i32 to vector<16xi32>
    %and3A_590 = arith.andi %get3A_587, %and3A_589 : vector<16xi32>
    %swap3A_591 = arith.constant 2 : i32
    %swap3A_592 = arith.index_cast %swap3A_591 : i32 to index
    %swap3A_593 = arith.constant 64 : index
    %swap3A_594 = tpu.vector_load %arg8[%swap3A_592, %swap3A_593] {strides = array<i32>} : memref<4x128xi32, #tpu.memory_space<vmem>>, vector<1x16xi32>,
    %swap3A_595 = vector.shape_cast %swap3A_594 : vector<1x16xi32> to vector<16xi32>
    %swap3A_596 = vector.shape_cast %and3A_590 : vector<16xi32> to vector<1x16xi32>
    tpu.vector_store %arg8[%swap3A_592, %swap3A_593], %swap3A_596 {strides = array<i32>} : memref<4x128xi32, #tpu.memory_space<vmem>>, vector<1x16xi32>,
    %get3A_597 = arith.constant 2 : i32
    %get3A_598 = arith.index_cast %get3A_597 : i32 to index
    %get3A_599 = arith.constant 64 : index
    %get3A_600 = tpu.vector_load %arg9[%get3A_598, %get3A_599] {strides = array<i32>} : memref<4x128xi32, #tpu.memory_space<vmem>>, vector<1x16xi32>,
    %get3A_601 = vector.shape_cast %get3A_600 : vector<1x16xi32> to vector<16xi32>
    %and3A_602 = arith.constant 32767 : i32
    %and3A_603 = vector.broadcast %and3A_602 : i32 to vector<16xi32>
    %and3A_604 = arith.andi %get3A_601, %and3A_603 : vector<16xi32>
    %swap3A_605 = arith.constant 2 : i32
    %swap3A_606 = arith.index_cast %swap3A_605 : i32 to index
    %swap3A_607 = arith.constant 64 : index
    %swap3A_608 = tpu.vector_load %arg9[%swap3A_606, %swap3A_607] {strides = array<i32>} : memref<4x128xi32, #tpu.memory_space<vmem>>, vector<1x16xi32>,
    %swap3A_609 = vector.shape_cast %swap3A_608 : vector<1x16xi32> to vector<16xi32>
    %swap3A_610 = vector.shape_cast %and3A_604 : vector<16xi32> to vector<1x16xi32>
    tpu.vector_store %arg9[%swap3A_606, %swap3A_607], %swap3A_610 {strides = array<i32>} : memref<4x128xi32, #tpu.memory_space<vmem>>, vector<1x16xi32>,
    %get3A_611 = arith.constant 2 : i32
    %get3A_612 = arith.index_cast %get3A_611 : i32 to index
    %get3A_613 = arith.constant 80 : index
    %get3A_614 = tpu.vector_load %arg8[%get3A_612, %get3A_613] {strides = array<i32>} : memref<4x128xi32, #tpu.memory_space<vmem>>, vector<1x16xi32>,
    %get3A_615 = vector.shape_cast %get3A_614 : vector<1x16xi32> to vector<16xi32>
    %and3A_616 = arith.constant 32767 : i32
    %and3A_617 = vector.broadcast %and3A_616 : i32 to vector<16xi32>
    %and3A_618 = arith.andi %get3A_615, %and3A_617 : vector<16xi32>
    %swap3A_619 = arith.constant 2 : i32
    %swap3A_620 = arith.index_cast %swap3A_619 : i32 to index
    %swap3A_621 = arith.constant 80 : index
    %swap3A_622 = tpu.vector_load %arg8[%swap3A_620, %swap3A_621] {strides = array<i32>} : memref<4x128xi32, #tpu.memory_space<vmem>>, vector<1x16xi32>,
    %swap3A_623 = vector.shape_cast %swap3A_622 : vector<1x16xi32> to vector<16xi32>
    %swap3A_624 = vector.shape_cast %and3A_618 : vector<16xi32> to vector<1x16xi32>
    tpu.vector_store %arg8[%swap3A_620, %swap3A_621], %swap3A_624 {strides = array<i32>} : memref<4x128xi32, #tpu.memory_space<vmem>>, vector<1x16xi32>,
    %get3A_625 = arith.constant 2 : i32
    %get3A_626 = arith.index_cast %get3A_625 : i32 to index
    %get3A_627 = arith.constant 80 : index
    %get3A_628 = tpu.vector_load %arg9[%get3A_626, %get3A_627] {strides = array<i32>} : memref<4x128xi32, #tpu.memory_space<vmem>>, vector<1x16xi32>,
    %get3A_629 = vector.shape_cast %get3A_628 : vector<1x16xi32> to vector<16xi32>
    %and3A_630 = arith.constant 32767 : i32
    %and3A_631 = vector.broadcast %and3A_630 : i32 to vector<16xi32>
    %and3A_632 = arith.andi %get3A_629, %and3A_631 : vector<16xi32>
    %swap3A_633 = arith.constant 2 : i32
    %swap3A_634 = arith.index_cast %swap3A_633 : i32 to index
    %swap3A_635 = arith.constant 80 : index
    %swap3A_636 = tpu.vector_load %arg9[%swap3A_634, %swap3A_635] {strides = array<i32>} : memref<4x128xi32, #tpu.memory_space<vmem>>, vector<1x16xi32>,
    %swap3A_637 = vector.shape_cast %swap3A_636 : vector<1x16xi32> to vector<16xi32>
    %swap3A_638 = vector.shape_cast %and3A_632 : vector<16xi32> to vector<1x16xi32>
    tpu.vector_store %arg9[%swap3A_634, %swap3A_635], %swap3A_638 {strides = array<i32>} : memref<4x128xi32, #tpu.memory_space<vmem>>, vector<1x16xi32>,
    %get3A_639 = arith.constant 2 : i32
    %get3A_640 = arith.index_cast %get3A_639 : i32 to index
    %get3A_641 = arith.constant 96 : index
    %get3A_642 = tpu.vector_load %arg8[%get3A_640, %get3A_641] {strides = array<i32>} : memref<4x128xi32, #tpu.memory_space<vmem>>, vector<1x16xi32>,
    %get3A_643 = vector.shape_cast %get3A_642 : vector<1x16xi32> to vector<16xi32>
    %and3A_644 = arith.constant 32767 : i32
    %and3A_645 = vector.broadcast %and3A_644 : i32 to vector<16xi32>
    %and3A_646 = arith.andi %get3A_643, %and3A_645 : vector<16xi32>
    %swap3A_647 = arith.constant 2 : i32
    %swap3A_648 = arith.index_cast %swap3A_647 : i32 to index
    %swap3A_649 = arith.constant 96 : index
    %swap3A_650 = tpu.vector_load %arg8[%swap3A_648, %swap3A_649] {strides = array<i32>} : memref<4x128xi32, #tpu.memory_space<vmem>>, vector<1x16xi32>,
    %swap3A_651 = vector.shape_cast %swap3A_650 : vector<1x16xi32> to vector<16xi32>
    %swap3A_652 = vector.shape_cast %and3A_646 : vector<16xi32> to vector<1x16xi32>
    tpu.vector_store %arg8[%swap3A_648, %swap3A_649], %swap3A_652 {strides = array<i32>} : memref<4x128xi32, #tpu.memory_space<vmem>>, vector<1x16xi32>,
    %get3A_653 = arith.constant 2 : i32
    %get3A_654 = arith.index_cast %get3A_653 : i32 to index
    %get3A_655 = arith.constant 96 : index
    %get3A_656 = tpu.vector_load %arg9[%get3A_654, %get3A_655] {strides = array<i32>} : memref<4x128xi32, #tpu.memory_space<vmem>>, vector<1x16xi32>,
    %get3A_657 = vector.shape_cast %get3A_656 : vector<1x16xi32> to vector<16xi32>
    %and3A_658 = arith.constant 32767 : i32
    %and3A_659 = vector.broadcast %and3A_658 : i32 to vector<16xi32>
    %and3A_660 = arith.andi %get3A_657, %and3A_659 : vector<16xi32>
    %swap3A_661 = arith.constant 2 : i32
    %swap3A_662 = arith.index_cast %swap3A_661 : i32 to index
    %swap3A_663 = arith.constant 96 : index
    %swap3A_664 = tpu.vector_load %arg9[%swap3A_662, %swap3A_663] {strides = array<i32>} : memref<4x128xi32, #tpu.memory_space<vmem>>, vector<1x16xi32>,
    %swap3A_665 = vector.shape_cast %swap3A_664 : vector<1x16xi32> to vector<16xi32>
    %swap3A_666 = vector.shape_cast %and3A_660 : vector<16xi32> to vector<1x16xi32>
    tpu.vector_store %arg9[%swap3A_662, %swap3A_663], %swap3A_666 {strides = array<i32>} : memref<4x128xi32, #tpu.memory_space<vmem>>, vector<1x16xi32>,
    %get3A_667 = arith.constant 2 : i32
    %get3A_668 = arith.index_cast %get3A_667 : i32 to index
    %get3A_669 = arith.constant 112 : index
    %get3A_670 = tpu.vector_load %arg8[%get3A_668, %get3A_669] {strides = array<i32>} : memref<4x128xi32, #tpu.memory_space<vmem>>, vector<1x16xi32>,
    %get3A_671 = vector.shape_cast %get3A_670 : vector<1x16xi32> to vector<16xi32>
    %and3A_672 = arith.constant 32767 : i32
    %and3A_673 = vector.broadcast %and3A_672 : i32 to vector<16xi32>
    %and3A_674 = arith.andi %get3A_671, %and3A_673 : vector<16xi32>
    %swap3A_675 = arith.constant 2 : i32
    %swap3A_676 = arith.index_cast %swap3A_675 : i32 to index
    %swap3A_677 = arith.constant 112 : index
    %swap3A_678 = tpu.vector_load %arg8[%swap3A_676, %swap3A_677] {strides = array<i32>} : memref<4x128xi32, #tpu.memory_space<vmem>>, vector<1x16xi32>,
    %swap3A_679 = vector.shape_cast %swap3A_678 : vector<1x16xi32> to vector<16xi32>
    %swap3A_680 = vector.shape_cast %and3A_674 : vector<16xi32> to vector<1x16xi32>
    tpu.vector_store %arg8[%swap3A_676, %swap3A_677], %swap3A_680 {strides = array<i32>} : memref<4x128xi32, #tpu.memory_space<vmem>>, vector<1x16xi32>,
    %get3A_681 = arith.constant 2 : i32
    %get3A_682 = arith.index_cast %get3A_681 : i32 to index
    %get3A_683 = arith.constant 112 : index
    %get3A_684 = tpu.vector_load %arg9[%get3A_682, %get3A_683] {strides = array<i32>} : memref<4x128xi32, #tpu.memory_space<vmem>>, vector<1x16xi32>,
    %get3A_685 = vector.shape_cast %get3A_684 : vector<1x16xi32> to vector<16xi32>
    %and3A_686 = arith.constant 32767 : i32
    %and3A_687 = vector.broadcast %and3A_686 : i32 to vector<16xi32>
    %and3A_688 = arith.andi %get3A_685, %and3A_687 : vector<16xi32>
    %swap3A_689 = arith.constant 2 : i32
    %swap3A_690 = arith.index_cast %swap3A_689 : i32 to index
    %swap3A_691 = arith.constant 112 : index
    %swap3A_692 = tpu.vector_load %arg9[%swap3A_690, %swap3A_691] {strides = array<i32>} : memref<4x128xi32, #tpu.memory_space<vmem>>, vector<1x16xi32>,
    %swap3A_693 = vector.shape_cast %swap3A_692 : vector<1x16xi32> to vector<16xi32>
    %swap3A_694 = vector.shape_cast %and3A_688 : vector<16xi32> to vector<1x16xi32>
    tpu.vector_store %arg9[%swap3A_690, %swap3A_691], %swap3A_694 {strides = array<i32>} : memref<4x128xi32, #tpu.memory_space<vmem>>, vector<1x16xi32>,
    %get3A_695 = arith.constant 3 : i32
    %get3A_696 = arith.index_cast %get3A_695 : i32 to index
    %get3A_697 = arith.constant 0 : index
    %get3A_698 = tpu.vector_load %arg8[%get3A_696, %get3A_697] {strides = array<i32>} : memref<4x128xi32, #tpu.memory_space<vmem>>, vector<1x16xi32>,
    %get3A_699 = vector.shape_cast %get3A_698 : vector<1x16xi32> to vector<16xi32>
    %and3A_700 = arith.constant 32767 : i32
    %and3A_701 = vector.broadcast %and3A_700 : i32 to vector<16xi32>
    %and3A_702 = arith.andi %get3A_699, %and3A_701 : vector<16xi32>
    %swap3A_703 = arith.constant 3 : i32
    %swap3A_704 = arith.index_cast %swap3A_703 : i32 to index
    %swap3A_705 = arith.constant 0 : index
    %swap3A_706 = tpu.vector_load %arg8[%swap3A_704, %swap3A_705] {strides = array<i32>} : memref<4x128xi32, #tpu.memory_space<vmem>>, vector<1x16xi32>,
    %swap3A_707 = vector.shape_cast %swap3A_706 : vector<1x16xi32> to vector<16xi32>
    %swap3A_708 = vector.shape_cast %and3A_702 : vector<16xi32> to vector<1x16xi32>
    tpu.vector_store %arg8[%swap3A_704, %swap3A_705], %swap3A_708 {strides = array<i32>} : memref<4x128xi32, #tpu.memory_space<vmem>>, vector<1x16xi32>,
    %get3A_709 = arith.constant 3 : i32
    %get3A_710 = arith.index_cast %get3A_709 : i32 to index
    %get3A_711 = arith.constant 0 : index
    %get3A_712 = tpu.vector_load %arg9[%get3A_710, %get3A_711] {strides = array<i32>} : memref<4x128xi32, #tpu.memory_space<vmem>>, vector<1x16xi32>,
    %get3A_713 = vector.shape_cast %get3A_712 : vector<1x16xi32> to vector<16xi32>
    %and3A_714 = arith.constant 32767 : i32
    %and3A_715 = vector.broadcast %and3A_714 : i32 to vector<16xi32>
    %and3A_716 = arith.andi %get3A_713, %and3A_715 : vector<16xi32>
    %swap3A_717 = arith.constant 3 : i32
    %swap3A_718 = arith.index_cast %swap3A_717 : i32 to index
    %swap3A_719 = arith.constant 0 : index
    %swap3A_720 = tpu.vector_load %arg9[%swap3A_718, %swap3A_719] {strides = array<i32>} : memref<4x128xi32, #tpu.memory_space<vmem>>, vector<1x16xi32>,
    %swap3A_721 = vector.shape_cast %swap3A_720 : vector<1x16xi32> to vector<16xi32>
    %swap3A_722 = vector.shape_cast %and3A_716 : vector<16xi32> to vector<1x16xi32>
    tpu.vector_store %arg9[%swap3A_718, %swap3A_719], %swap3A_722 {strides = array<i32>} : memref<4x128xi32, #tpu.memory_space<vmem>>, vector<1x16xi32>,
    %get3A_723 = arith.constant 3 : i32
    %get3A_724 = arith.index_cast %get3A_723 : i32 to index
    %get3A_725 = arith.constant 16 : index
    %get3A_726 = tpu.vector_load %arg8[%get3A_724, %get3A_725] {strides = array<i32>} : memref<4x128xi32, #tpu.memory_space<vmem>>, vector<1x16xi32>,
    %get3A_727 = vector.shape_cast %get3A_726 : vector<1x16xi32> to vector<16xi32>
    %and3A_728 = arith.constant 32767 : i32
    %and3A_729 = vector.broadcast %and3A_728 : i32 to vector<16xi32>
    %and3A_730 = arith.andi %get3A_727, %and3A_729 : vector<16xi32>
    %swap3A_731 = arith.constant 3 : i32
    %swap3A_732 = arith.index_cast %swap3A_731 : i32 to index
    %swap3A_733 = arith.constant 16 : index
    %swap3A_734 = tpu.vector_load %arg8[%swap3A_732, %swap3A_733] {strides = array<i32>} : memref<4x128xi32, #tpu.memory_space<vmem>>, vector<1x16xi32>,
    %swap3A_735 = vector.shape_cast %swap3A_734 : vector<1x16xi32> to vector<16xi32>
    %swap3A_736 = vector.shape_cast %and3A_730 : vector<16xi32> to vector<1x16xi32>
    tpu.vector_store %arg8[%swap3A_732, %swap3A_733], %swap3A_736 {strides = array<i32>} : memref<4x128xi32, #tpu.memory_space<vmem>>, vector<1x16xi32>,
    %get3A_737 = arith.constant 3 : i32
    %get3A_738 = arith.index_cast %get3A_737 : i32 to index
    %get3A_739 = arith.constant 16 : index
    %get3A_740 = tpu.vector_load %arg9[%get3A_738, %get3A_739] {strides = array<i32>} : memref<4x128xi32, #tpu.memory_space<vmem>>, vector<1x16xi32>,
    %get3A_741 = vector.shape_cast %get3A_740 : vector<1x16xi32> to vector<16xi32>
    %and3A_742 = arith.constant 32767 : i32
    %and3A_743 = vector.broadcast %and3A_742 : i32 to vector<16xi32>
    %and3A_744 = arith.andi %get3A_741, %and3A_743 : vector<16xi32>
    %swap3A_745 = arith.constant 3 : i32
    %swap3A_746 = arith.index_cast %swap3A_745 : i32 to index
    %swap3A_747 = arith.constant 16 : index
    %swap3A_748 = tpu.vector_load %arg9[%swap3A_746, %swap3A_747] {strides = array<i32>} : memref<4x128xi32, #tpu.memory_space<vmem>>, vector<1x16xi32>,
    %swap3A_749 = vector.shape_cast %swap3A_748 : vector<1x16xi32> to vector<16xi32>
    %swap3A_750 = vector.shape_cast %and3A_744 : vector<16xi32> to vector<1x16xi32>
    tpu.vector_store %arg9[%swap3A_746, %swap3A_747], %swap3A_750 {strides = array<i32>} : memref<4x128xi32, #tpu.memory_space<vmem>>, vector<1x16xi32>,
    %get3A_751 = arith.constant 3 : i32
    %get3A_752 = arith.index_cast %get3A_751 : i32 to index
    %get3A_753 = arith.constant 32 : index
    %get3A_754 = tpu.vector_load %arg8[%get3A_752, %get3A_753] {strides = array<i32>} : memref<4x128xi32, #tpu.memory_space<vmem>>, vector<1x16xi32>,
    %get3A_755 = vector.shape_cast %get3A_754 : vector<1x16xi32> to vector<16xi32>
    %and3A_756 = arith.constant 32767 : i32
    %and3A_757 = vector.broadcast %and3A_756 : i32 to vector<16xi32>
    %and3A_758 = arith.andi %get3A_755, %and3A_757 : vector<16xi32>
    %swap3A_759 = arith.constant 3 : i32
    %swap3A_760 = arith.index_cast %swap3A_759 : i32 to index
    %swap3A_761 = arith.constant 32 : index
    %swap3A_762 = tpu.vector_load %arg8[%swap3A_760, %swap3A_761] {strides = array<i32>} : memref<4x128xi32, #tpu.memory_space<vmem>>, vector<1x16xi32>,
    %swap3A_763 = vector.shape_cast %swap3A_762 : vector<1x16xi32> to vector<16xi32>
    %swap3A_764 = vector.shape_cast %and3A_758 : vector<16xi32> to vector<1x16xi32>
    tpu.vector_store %arg8[%swap3A_760, %swap3A_761], %swap3A_764 {strides = array<i32>} : memref<4x128xi32, #tpu.memory_space<vmem>>, vector<1x16xi32>,
    %get3A_765 = arith.constant 3 : i32
    %get3A_766 = arith.index_cast %get3A_765 : i32 to index
    %get3A_767 = arith.constant 32 : index
    %get3A_768 = tpu.vector_load %arg9[%get3A_766, %get3A_767] {strides = array<i32>} : memref<4x128xi32, #tpu.memory_space<vmem>>, vector<1x16xi32>,
    %get3A_769 = vector.shape_cast %get3A_768 : vector<1x16xi32> to vector<16xi32>
    %and3A_770 = arith.constant 32767 : i32
    %and3A_771 = vector.broadcast %and3A_770 : i32 to vector<16xi32>
    %and3A_772 = arith.andi %get3A_769, %and3A_771 : vector<16xi32>
    %swap3A_773 = arith.constant 3 : i32
    %swap3A_774 = arith.index_cast %swap3A_773 : i32 to index
    %swap3A_775 = arith.constant 32 : index
    %swap3A_776 = tpu.vector_load %arg9[%swap3A_774, %swap3A_775] {strides = array<i32>} : memref<4x128xi32, #tpu.memory_space<vmem>>, vector<1x16xi32>,
    %swap3A_777 = vector.shape_cast %swap3A_776 : vector<1x16xi32> to vector<16xi32>
    %swap3A_778 = vector.shape_cast %and3A_772 : vector<16xi32> to vector<1x16xi32>
    tpu.vector_store %arg9[%swap3A_774, %swap3A_775], %swap3A_778 {strides = array<i32>} : memref<4x128xi32, #tpu.memory_space<vmem>>, vector<1x16xi32>,
    %get3A_779 = arith.constant 3 : i32
    %get3A_780 = arith.index_cast %get3A_779 : i32 to index
    %get3A_781 = arith.constant 48 : index
    %get3A_782 = tpu.vector_load %arg8[%get3A_780, %get3A_781] {strides = array<i32>} : memref<4x128xi32, #tpu.memory_space<vmem>>, vector<1x16xi32>,
    %get3A_783 = vector.shape_cast %get3A_782 : vector<1x16xi32> to vector<16xi32>
    %and3A_784 = arith.constant 32767 : i32
    %and3A_785 = vector.broadcast %and3A_784 : i32 to vector<16xi32>
    %and3A_786 = arith.andi %get3A_783, %and3A_785 : vector<16xi32>
    %swap3A_787 = arith.constant 3 : i32
    %swap3A_788 = arith.index_cast %swap3A_787 : i32 to index
    %swap3A_789 = arith.constant 48 : index
    %swap3A_790 = tpu.vector_load %arg8[%swap3A_788, %swap3A_789] {strides = array<i32>} : memref<4x128xi32, #tpu.memory_space<vmem>>, vector<1x16xi32>,
    %swap3A_791 = vector.shape_cast %swap3A_790 : vector<1x16xi32> to vector<16xi32>
    %swap3A_792 = vector.shape_cast %and3A_786 : vector<16xi32> to vector<1x16xi32>
    tpu.vector_store %arg8[%swap3A_788, %swap3A_789], %swap3A_792 {strides = array<i32>} : memref<4x128xi32, #tpu.memory_space<vmem>>, vector<1x16xi32>,
    %get3A_793 = arith.constant 3 : i32
    %get3A_794 = arith.index_cast %get3A_793 : i32 to index
    %get3A_795 = arith.constant 48 : index
    %get3A_796 = tpu.vector_load %arg9[%get3A_794, %get3A_795] {strides = array<i32>} : memref<4x128xi32, #tpu.memory_space<vmem>>, vector<1x16xi32>,
    %get3A_797 = vector.shape_cast %get3A_796 : vector<1x16xi32> to vector<16xi32>
    %and3A_798 = arith.constant 32767 : i32
    %and3A_799 = vector.broadcast %and3A_798 : i32 to vector<16xi32>
    %and3A_800 = arith.andi %get3A_797, %and3A_799 : vector<16xi32>
    %swap3A_801 = arith.constant 3 : i32
    %swap3A_802 = arith.index_cast %swap3A_801 : i32 to index
    %swap3A_803 = arith.constant 48 : index
    %swap3A_804 = tpu.vector_load %arg9[%swap3A_802, %swap3A_803] {strides = array<i32>} : memref<4x128xi32, #tpu.memory_space<vmem>>, vector<1x16xi32>,
    %swap3A_805 = vector.shape_cast %swap3A_804 : vector<1x16xi32> to vector<16xi32>
    %swap3A_806 = vector.shape_cast %and3A_800 : vector<16xi32> to vector<1x16xi32>
    tpu.vector_store %arg9[%swap3A_802, %swap3A_803], %swap3A_806 {strides = array<i32>} : memref<4x128xi32, #tpu.memory_space<vmem>>, vector<1x16xi32>,
    %get3A_807 = arith.constant 3 : i32
    %get3A_808 = arith.index_cast %get3A_807 : i32 to index
    %get3A_809 = arith.constant 64 : index
    %get3A_810 = tpu.vector_load %arg8[%get3A_808, %get3A_809] {strides = array<i32>} : memref<4x128xi32, #tpu.memory_space<vmem>>, vector<1x16xi32>,
    %get3A_811 = vector.shape_cast %get3A_810 : vector<1x16xi32> to vector<16xi32>
    %and3A_812 = arith.constant 32767 : i32
    %and3A_813 = vector.broadcast %and3A_812 : i32 to vector<16xi32>
    %and3A_814 = arith.andi %get3A_811, %and3A_813 : vector<16xi32>
    %swap3A_815 = arith.constant 3 : i32
    %swap3A_816 = arith.index_cast %swap3A_815 : i32 to index
    %swap3A_817 = arith.constant 64 : index
    %swap3A_818 = tpu.vector_load %arg8[%swap3A_816, %swap3A_817] {strides = array<i32>} : memref<4x128xi32, #tpu.memory_space<vmem>>, vector<1x16xi32>,
    %swap3A_819 = vector.shape_cast %swap3A_818 : vector<1x16xi32> to vector<16xi32>
    %swap3A_820 = vector.shape_cast %and3A_814 : vector<16xi32> to vector<1x16xi32>
    tpu.vector_store %arg8[%swap3A_816, %swap3A_817], %swap3A_820 {strides = array<i32>} : memref<4x128xi32, #tpu.memory_space<vmem>>, vector<1x16xi32>,
    %get3A_821 = arith.constant 3 : i32
    %get3A_822 = arith.index_cast %get3A_821 : i32 to index
    %get3A_823 = arith.constant 64 : index
    %get3A_824 = tpu.vector_load %arg9[%get3A_822, %get3A_823] {strides = array<i32>} : memref<4x128xi32, #tpu.memory_space<vmem>>, vector<1x16xi32>,
    %get3A_825 = vector.shape_cast %get3A_824 : vector<1x16xi32> to vector<16xi32>
    %and3A_826 = arith.constant 32767 : i32
    %and3A_827 = vector.broadcast %and3A_826 : i32 to vector<16xi32>
    %and3A_828 = arith.andi %get3A_825, %and3A_827 : vector<16xi32>
    %swap3A_829 = arith.constant 3 : i32
    %swap3A_830 = arith.index_cast %swap3A_829 : i32 to index
    %swap3A_831 = arith.constant 64 : index
    %swap3A_832 = tpu.vector_load %arg9[%swap3A_830, %swap3A_831] {strides = array<i32>} : memref<4x128xi32, #tpu.memory_space<vmem>>, vector<1x16xi32>,
    %swap3A_833 = vector.shape_cast %swap3A_832 : vector<1x16xi32> to vector<16xi32>
    %swap3A_834 = vector.shape_cast %and3A_828 : vector<16xi32> to vector<1x16xi32>
    tpu.vector_store %arg9[%swap3A_830, %swap3A_831], %swap3A_834 {strides = array<i32>} : memref<4x128xi32, #tpu.memory_space<vmem>>, vector<1x16xi32>,
    %get3A_835 = arith.constant 3 : i32
    %get3A_836 = arith.index_cast %get3A_835 : i32 to index
    %get3A_837 = arith.constant 80 : index
    %get3A_838 = tpu.vector_load %arg8[%get3A_836, %get3A_837] {strides = array<i32>} : memref<4x128xi32, #tpu.memory_space<vmem>>, vector<1x16xi32>,
    %get3A_839 = vector.shape_cast %get3A_838 : vector<1x16xi32> to vector<16xi32>
    %and3A_840 = arith.constant 32767 : i32
    %and3A_841 = vector.broadcast %and3A_840 : i32 to vector<16xi32>
    %and3A_842 = arith.andi %get3A_839, %and3A_841 : vector<16xi32>
    %swap3A_843 = arith.constant 3 : i32
    %swap3A_844 = arith.index_cast %swap3A_843 : i32 to index
    %swap3A_845 = arith.constant 80 : index
    %swap3A_846 = tpu.vector_load %arg8[%swap3A_844, %swap3A_845] {strides = array<i32>} : memref<4x128xi32, #tpu.memory_space<vmem>>, vector<1x16xi32>,
    %swap3A_847 = vector.shape_cast %swap3A_846 : vector<1x16xi32> to vector<16xi32>
    %swap3A_848 = vector.shape_cast %and3A_842 : vector<16xi32> to vector<1x16xi32>
    tpu.vector_store %arg8[%swap3A_844, %swap3A_845], %swap3A_848 {strides = array<i32>} : memref<4x128xi32, #tpu.memory_space<vmem>>, vector<1x16xi32>,
    %get3A_849 = arith.constant 3 : i32
    %get3A_850 = arith.index_cast %get3A_849 : i32 to index
    %get3A_851 = arith.constant 80 : index
    %get3A_852 = tpu.vector_load %arg9[%get3A_850, %get3A_851] {strides = array<i32>} : memref<4x128xi32, #tpu.memory_space<vmem>>, vector<1x16xi32>,
    %get3A_853 = vector.shape_cast %get3A_852 : vector<1x16xi32> to vector<16xi32>
    %and3A_854 = arith.constant 32767 : i32
    %and3A_855 = vector.broadcast %and3A_854 : i32 to vector<16xi32>
    %and3A_856 = arith.andi %get3A_853, %and3A_855 : vector<16xi32>
    %swap3A_857 = arith.constant 3 : i32
    %swap3A_858 = arith.index_cast %swap3A_857 : i32 to index
    %swap3A_859 = arith.constant 80 : index
    %swap3A_860 = tpu.vector_load %arg9[%swap3A_858, %swap3A_859] {strides = array<i32>} : memref<4x128xi32, #tpu.memory_space<vmem>>, vector<1x16xi32>,
    %swap3A_861 = vector.shape_cast %swap3A_860 : vector<1x16xi32> to vector<16xi32>
    %swap3A_862 = vector.shape_cast %and3A_856 : vector<16xi32> to vector<1x16xi32>
    tpu.vector_store %arg9[%swap3A_858, %swap3A_859], %swap3A_862 {strides = array<i32>} : memref<4x128xi32, #tpu.memory_space<vmem>>, vector<1x16xi32>,
    %get3A_863 = arith.constant 3 : i32
    %get3A_864 = arith.index_cast %get3A_863 : i32 to index
    %get3A_865 = arith.constant 96 : index
    %get3A_866 = tpu.vector_load %arg8[%get3A_864, %get3A_865] {strides = array<i32>} : memref<4x128xi32, #tpu.memory_space<vmem>>, vector<1x16xi32>,
    %get3A_867 = vector.shape_cast %get3A_866 : vector<1x16xi32> to vector<16xi32>
    %and3A_868 = arith.constant 32767 : i32
    %and3A_869 = vector.broadcast %and3A_868 : i32 to vector<16xi32>
    %and3A_870 = arith.andi %get3A_867, %and3A_869 : vector<16xi32>
    %swap3A_871 = arith.constant 3 : i32
    %swap3A_872 = arith.index_cast %swap3A_871 : i32 to index
    %swap3A_873 = arith.constant 96 : index
    %swap3A_874 = tpu.vector_load %arg8[%swap3A_872, %swap3A_873] {strides = array<i32>} : memref<4x128xi32, #tpu.memory_space<vmem>>, vector<1x16xi32>,
    %swap3A_875 = vector.shape_cast %swap3A_874 : vector<1x16xi32> to vector<16xi32>
    %swap3A_876 = vector.shape_cast %and3A_870 : vector<16xi32> to vector<1x16xi32>
    tpu.vector_store %arg8[%swap3A_872, %swap3A_873], %swap3A_876 {strides = array<i32>} : memref<4x128xi32, #tpu.memory_space<vmem>>, vector<1x16xi32>,
    %get3A_877 = arith.constant 3 : i32
    %get3A_878 = arith.index_cast %get3A_877 : i32 to index
    %get3A_879 = arith.constant 96 : index
    %get3A_880 = tpu.vector_load %arg9[%get3A_878, %get3A_879] {strides = array<i32>} : memref<4x128xi32, #tpu.memory_space<vmem>>, vector<1x16xi32>,
    %get3A_881 = vector.shape_cast %get3A_880 : vector<1x16xi32> to vector<16xi32>
    %and3A_882 = arith.constant 32767 : i32
    %and3A_883 = vector.broadcast %and3A_882 : i32 to vector<16xi32>
    %and3A_884 = arith.andi %get3A_881, %and3A_883 : vector<16xi32>
    %swap3A_885 = arith.constant 3 : i32
    %swap3A_886 = arith.index_cast %swap3A_885 : i32 to index
    %swap3A_887 = arith.constant 96 : index
    %swap3A_888 = tpu.vector_load %arg9[%swap3A_886, %swap3A_887] {strides = array<i32>} : memref<4x128xi32, #tpu.memory_space<vmem>>, vector<1x16xi32>,
    %swap3A_889 = vector.shape_cast %swap3A_888 : vector<1x16xi32> to vector<16xi32>
    %swap3A_890 = vector.shape_cast %and3A_884 : vector<16xi32> to vector<1x16xi32>
    tpu.vector_store %arg9[%swap3A_886, %swap3A_887], %swap3A_890 {strides = array<i32>} : memref<4x128xi32, #tpu.memory_space<vmem>>, vector<1x16xi32>,
    %get3A_891 = arith.constant 3 : i32
    %get3A_892 = arith.index_cast %get3A_891 : i32 to index
    %get3A_893 = arith.constant 112 : index
    %get3A_894 = tpu.vector_load %arg8[%get3A_892, %get3A_893] {strides = array<i32>} : memref<4x128xi32, #tpu.memory_space<vmem>>, vector<1x16xi32>,
    %get3A_895 = vector.shape_cast %get3A_894 : vector<1x16xi32> to vector<16xi32>
    %and3A_896 = arith.constant 32767 : i32
    %and3A_897 = vector.broadcast %and3A_896 : i32 to vector<16xi32>
    %and3A_898 = arith.andi %get3A_895, %and3A_897 : vector<16xi32>
    %swap3A_899 = arith.constant 3 : i32
    %swap3A_900 = arith.index_cast %swap3A_899 : i32 to index
    %swap3A_901 = arith.constant 112 : index
    %swap3A_902 = tpu.vector_load %arg8[%swap3A_900, %swap3A_901] {strides = array<i32>} : memref<4x128xi32, #tpu.memory_space<vmem>>, vector<1x16xi32>,
    %swap3A_903 = vector.shape_cast %swap3A_902 : vector<1x16xi32> to vector<16xi32>
    %swap3A_904 = vector.shape_cast %and3A_898 : vector<16xi32> to vector<1x16xi32>
    tpu.vector_store %arg8[%swap3A_900, %swap3A_901], %swap3A_904 {strides = array<i32>} : memref<4x128xi32, #tpu.memory_space<vmem>>, vector<1x16xi32>,
    %get3A_905 = arith.constant 3 : i32
    %get3A_906 = arith.index_cast %get3A_905 : i32 to index
    %get3A_907 = arith.constant 112 : index
    %get3A_908 = tpu.vector_load %arg9[%get3A_906, %get3A_907] {strides = array<i32>} : memref<4x128xi32, #tpu.memory_space<vmem>>, vector<1x16xi32>,
    %get3A_909 = vector.shape_cast %get3A_908 : vector<1x16xi32> to vector<16xi32>
    %and3A_910 = arith.constant 32767 : i32
    %and3A_911 = vector.broadcast %and3A_910 : i32 to vector<16xi32>
    %and3A_912 = arith.andi %get3A_909, %and3A_911 : vector<16xi32>
    %swap3A_913 = arith.constant 3 : i32
    %swap3A_914 = arith.index_cast %swap3A_913 : i32 to index
    %swap3A_915 = arith.constant 112 : index
    %swap3A_916 = tpu.vector_load %arg9[%swap3A_914, %swap3A_915] {strides = array<i32>} : memref<4x128xi32, #tpu.memory_space<vmem>>, vector<1x16xi32>,
    %swap3A_917 = vector.shape_cast %swap3A_916 : vector<1x16xi32> to vector<16xi32>
    %swap3A_918 = vector.shape_cast %and3A_912 : vector<16xi32> to vector<1x16xi32>
    tpu.vector_store %arg9[%swap3A_914, %swap3A_915], %swap3A_918 {strides = array<i32>} : memref<4x128xi32, #tpu.memory_space<vmem>>, vector<1x16xi32>,
    %dma_start3A = arith.constant 0 : i32
    %dma_start3A_919 = arith.constant 0 : i32
    %dma_start3A_920 = arith.constant 0 : i32
    %dma_start3A_921 = arith.constant 0 : i32
    %dma_start3A_922 = tpu.memref_slice %arg10[%dma_start3A_919, %dma_start3A_920, %dma_start3A_921] : memref<4x128x128xf32, #tpu.memory_space<vmem>> -> memref<1x128x128xf32, #tpu.memory_space<vmem>>
    %dma_start3A_923 = tpu.memref_squeeze %dma_start3A_922 : memref<1x128x128xf32, #tpu.memory_space<vmem>> -> memref<128x128xf32, #tpu.memory_space<vmem>>
    %dma_start3A_924 = arith.constant 0 : i32
    %dma_start3A_925 = tpu.memref_slice %arg8[%dma_start3A, %dma_start3A_924] : memref<4x128xi32, #tpu.memory_space<vmem>> -> memref<1x128xi32, #tpu.memory_space<vmem>>
    %dma_start3A_926 = tpu.memref_squeeze %dma_start3A_925 : memref<1x128xi32, #tpu.memory_space<vmem>> -> memref<128xi32, #tpu.memory_space<vmem>>
    %dma_start3A_927 = arith.constant 0 : i32
    %dma_start3A_928 = arith.constant 0 : i32
    %dma_start3A_929 = tpu.memref_slice %arg4[%dma_start3A_927, %dma_start3A_928] : memref<32768x128xf32, #tpu.memory_space<hbm>> -> memref<32768x128xf32, #tpu.memory_space<hbm>>
    tpu.enqueue_indirect_dma source(%dma_start3A_929 : memref<32768x128xf32, #tpu.memory_space<hbm>>) target(%dma_start3A_923 : memref<128x128xf32, #tpu.memory_space<vmem>>) offsets(%dma_start3A_926 : memref<128xi32, #tpu.memory_space<vmem>>) semaphore(%arg11 : memref<!tpu.dma_semaphore, #tpu.memory_space<semaphore_mem>>)
    %dma_start3A_930 = arith.constant 1 : i32
    %dma_start3A_931 = arith.constant 1 : i32
    %dma_start3A_932 = arith.constant 0 : i32
    %dma_start3A_933 = arith.constant 0 : i32
    %dma_start3A_934 = tpu.memref_slice %arg10[%dma_start3A_931, %dma_start3A_932, %dma_start3A_933] : memref<4x128x128xf32, #tpu.memory_space<vmem>> -> memref<1x128x128xf32, #tpu.memory_space<vmem>>
    %dma_start3A_935 = tpu.memref_squeeze %dma_start3A_934 : memref<1x128x128xf32, #tpu.memory_space<vmem>> -> memref<128x128xf32, #tpu.memory_space<vmem>>
    %dma_start3A_936 = arith.constant 0 : i32
    %dma_start3A_937 = tpu.memref_slice %arg8[%dma_start3A_930, %dma_start3A_936] : memref<4x128xi32, #tpu.memory_space<vmem>> -> memref<1x128xi32, #tpu.memory_space<vmem>>
    %dma_start3A_938 = tpu.memref_squeeze %dma_start3A_937 : memref<1x128xi32, #tpu.memory_space<vmem>> -> memref<128xi32, #tpu.memory_space<vmem>>
    %dma_start3A_939 = arith.constant 0 : i32
    %dma_start3A_940 = arith.constant 0 : i32
    %dma_start3A_941 = tpu.memref_slice %arg4[%dma_start3A_939, %dma_start3A_940] : memref<32768x128xf32, #tpu.memory_space<hbm>> -> memref<32768x128xf32, #tpu.memory_space<hbm>>
    tpu.enqueue_indirect_dma source(%dma_start3A_941 : memref<32768x128xf32, #tpu.memory_space<hbm>>) target(%dma_start3A_935 : memref<128x128xf32, #tpu.memory_space<vmem>>) offsets(%dma_start3A_938 : memref<128xi32, #tpu.memory_space<vmem>>) semaphore(%arg11 : memref<!tpu.dma_semaphore, #tpu.memory_space<semaphore_mem>>)
    %dma_start3A_942 = arith.constant 2 : i32
    %dma_start3A_943 = arith.constant 2 : i32
    %dma_start3A_944 = arith.constant 0 : i32
    %dma_start3A_945 = arith.constant 0 : i32
    %dma_start3A_946 = tpu.memref_slice %arg10[%dma_start3A_943, %dma_start3A_944, %dma_start3A_945] : memref<4x128x128xf32, #tpu.memory_space<vmem>> -> memref<1x128x128xf32, #tpu.memory_space<vmem>>
    %dma_start3A_947 = tpu.memref_squeeze %dma_start3A_946 : memref<1x128x128xf32, #tpu.memory_space<vmem>> -> memref<128x128xf32, #tpu.memory_space<vmem>>
    %dma_start3A_948 = arith.constant 0 : i32
    %dma_start3A_949 = tpu.memref_slice %arg8[%dma_start3A_942, %dma_start3A_948] : memref<4x128xi32, #tpu.memory_space<vmem>> -> memref<1x128xi32, #tpu.memory_space<vmem>>
    %dma_start3A_950 = tpu.memref_squeeze %dma_start3A_949 : memref<1x128xi32, #tpu.memory_space<vmem>> -> memref<128xi32, #tpu.memory_space<vmem>>
    %dma_start3A_951 = arith.constant 0 : i32
    %dma_start3A_952 = arith.constant 0 : i32
    %dma_start3A_953 = tpu.memref_slice %arg4[%dma_start3A_951, %dma_start3A_952] : memref<32768x128xf32, #tpu.memory_space<hbm>> -> memref<32768x128xf32, #tpu.memory_space<hbm>>
    tpu.enqueue_indirect_dma source(%dma_start3A_953 : memref<32768x128xf32, #tpu.memory_space<hbm>>) target(%dma_start3A_947 : memref<128x128xf32, #tpu.memory_space<vmem>>) offsets(%dma_start3A_950 : memref<128xi32, #tpu.memory_space<vmem>>) semaphore(%arg11 : memref<!tpu.dma_semaphore, #tpu.memory_space<semaphore_mem>>)
    %dma_start3A_954 = arith.constant 3 : i32
    %dma_start3A_955 = arith.constant 3 : i32
    %dma_start3A_956 = arith.constant 0 : i32
    %dma_start3A_957 = arith.constant 0 : i32
    %dma_start3A_958 = tpu.memref_slice %arg10[%dma_start3A_955, %dma_start3A_956, %dma_start3A_957] : memref<4x128x128xf32, #tpu.memory_space<vmem>> -> memref<1x128x128xf32, #tpu.memory_space<vmem>>
    %dma_start3A_959 = tpu.memref_squeeze %dma_start3A_958 : memref<1x128x128xf32, #tpu.memory_space<vmem>> -> memref<128x128xf32, #tpu.memory_space<vmem>>
    %dma_start3A_960 = arith.constant 0 : i32
    %dma_start3A_961 = tpu.memref_slice %arg8[%dma_start3A_954, %dma_start3A_960] : memref<4x128xi32, #tpu.memory_space<vmem>> -> memref<1x128xi32, #tpu.memory_space<vmem>>
    %dma_start3A_962 = tpu.memref_squeeze %dma_start3A_961 : memref<1x128xi32, #tpu.memory_space<vmem>> -> memref<128xi32, #tpu.memory_space<vmem>>
    %dma_start3A_963 = arith.constant 0 : i32
    %dma_start3A_964 = arith.constant 0 : i32
    %dma_start3A_965 = tpu.memref_slice %arg4[%dma_start3A_963, %dma_start3A_964] : memref<32768x128xf32, #tpu.memory_space<hbm>> -> memref<32768x128xf32, #tpu.memory_space<hbm>>
    tpu.enqueue_indirect_dma source(%dma_start3A_965 : memref<32768x128xf32, #tpu.memory_space<hbm>>) target(%dma_start3A_959 : memref<128x128xf32, #tpu.memory_space<vmem>>) offsets(%dma_start3A_962 : memref<128xi32, #tpu.memory_space<vmem>>) semaphore(%arg11 : memref<!tpu.dma_semaphore, #tpu.memory_space<semaphore_mem>>)
    %dma_wait3A = arith.constant 0 : i32
    %dma_wait3A_966 = arith.constant 0 : i32
    %dma_wait3A_967 = arith.constant 0 : i32
    %dma_wait3A_968 = arith.constant 0 : i32
    %dma_wait3A_969 = tpu.memref_slice %arg10[%dma_wait3A_966, %dma_wait3A_967, %dma_wait3A_968] : memref<4x128x128xf32, #tpu.memory_space<vmem>> -> memref<1x128x128xf32, #tpu.memory_space<vmem>>
    %dma_wait3A_970 = tpu.memref_squeeze %dma_wait3A_969 : memref<1x128x128xf32, #tpu.memory_space<vmem>> -> memref<128x128xf32, #tpu.memory_space<vmem>>
    %dma_wait3A_971 = arith.constant 0 : i32
    %dma_wait3A_972 = tpu.memref_slice %arg8[%dma_wait3A, %dma_wait3A_971] : memref<4x128xi32, #tpu.memory_space<vmem>> -> memref<1x128xi32, #tpu.memory_space<vmem>>
    %dma_wait3A_973 = tpu.memref_squeeze %dma_wait3A_972 : memref<1x128xi32, #tpu.memory_space<vmem>> -> memref<128xi32, #tpu.memory_space<vmem>>
    %dma_wait3A_974 = arith.constant 0 : i32
    %dma_wait3A_975 = arith.constant 0 : i32
    %dma_wait3A_976 = tpu.memref_slice %arg4[%dma_wait3A_974, %dma_wait3A_975] : memref<32768x128xf32, #tpu.memory_space<hbm>> -> memref<32768x128xf32, #tpu.memory_space<hbm>>
    tpu.wait_indirect_dma semaphore(%arg11 : memref<!tpu.dma_semaphore, #tpu.memory_space<semaphore_mem>>) src(%dma_wait3A_976 : memref<32768x128xf32, #tpu.memory_space<hbm>>) dst(%dma_wait3A_970 : memref<128x128xf32, #tpu.memory_space<vmem>>)
    %add3A_977 = arith.constant 0 : i32
    %add3A_978 = arith.addi %mul3A_2, %add3A_977 : i32
    %dma_start3A_979 = arith.constant 0 : i32
    %dma_start3A_980 = arith.constant 0 : i32
    %dma_start3A_981 = arith.constant 0 : i32
    %dma_start3A_982 = tpu.memref_slice %arg10[%dma_start3A_979, %dma_start3A_980, %dma_start3A_981] : memref<4x128x128xf32, #tpu.memory_space<vmem>> -> memref<1x128x128xf32, #tpu.memory_space<vmem>>
    %dma_start3A_983 = tpu.memref_squeeze %dma_start3A_982 : memref<1x128x128xf32, #tpu.memory_space<vmem>> -> memref<128x128xf32, #tpu.memory_space<vmem>>
    %dma_start3A_984 = arith.constant 0 : i32
    %dma_start3A_985 = tpu.memref_slice %arg6[%add3A_978, %dma_start3A_984] : memref<16384x128xf32, #tpu.memory_space<hbm>> -> memref<128x128xf32, #tpu.memory_space<hbm>>
    %dma_start3A_986 = arith.constant 0 : i32
    %dma_start3A_987 = tpu.memref_slice %arg6[%add3A_978, %dma_start3A_986] : memref<16384x128xf32, #tpu.memory_space<hbm>> -> memref<128x128xf32, #tpu.memory_space<hbm>>
    %dma_start3A_988 = arith.constant 0 : i32
    %dma_start3A_989 = arith.constant 0 : i32
    %dma_start3A_990 = tpu.memref_slice %arg10[%dma_start3A_979, %dma_start3A_988, %dma_start3A_989] : memref<4x128x128xf32, #tpu.memory_space<vmem>> -> memref<1x128x128xf32, #tpu.memory_space<vmem>>
    %dma_start3A_991 = tpu.memref_squeeze %dma_start3A_990 : memref<1x128x128xf32, #tpu.memory_space<vmem>> -> memref<128x128xf32, #tpu.memory_space<vmem>>
    tpu.enqueue_dma source(%dma_start3A_991 : memref<128x128xf32, #tpu.memory_space<vmem>>) target(%dma_start3A_987 : memref<128x128xf32, #tpu.memory_space<hbm>>) target_semaphore(%arg12 : memref<!tpu.dma_semaphore, #tpu.memory_space<semaphore_mem>>)
    %dma_wait3A_992 = arith.constant 0 : i32
    %dma_wait3A_993 = arith.constant 0 : i32
    %dma_wait3A_994 = arith.constant 0 : i32
    %dma_wait3A_995 = tpu.memref_slice %arg10[%dma_wait3A_992, %dma_wait3A_993, %dma_wait3A_994] : memref<4x128x128xf32, #tpu.memory_space<vmem>> -> memref<1x128x128xf32, #tpu.memory_space<vmem>>
    %dma_wait3A_996 = tpu.memref_squeeze %dma_wait3A_995 : memref<1x128x128xf32, #tpu.memory_space<vmem>> -> memref<128x128xf32, #tpu.memory_space<vmem>>
    %dma_wait3A_997 = arith.constant 0 : i32
    %dma_wait3A_998 = tpu.memref_slice %arg6[%add3A_978, %dma_wait3A_997] : memref<16384x128xf32, #tpu.memory_space<hbm>> -> memref<128x128xf32, #tpu.memory_space<hbm>>
    %dma_wait3A_999 = arith.constant 0 : i32
    %dma_wait3A_1000 = tpu.memref_slice %arg6[%add3A_978, %dma_wait3A_999] : memref<16384x128xf32, #tpu.memory_space<hbm>> -> memref<128x128xf32, #tpu.memory_space<hbm>>
    %dma_wait3A_1001 = arith.constant 0 : i32
    %dma_wait3A_1002 = arith.constant 0 : i32
    %dma_wait3A_1003 = tpu.memref_slice %arg10[%dma_wait3A_992, %dma_wait3A_1001, %dma_wait3A_1002] : memref<4x128x128xf32, #tpu.memory_space<vmem>> -> memref<1x128x128xf32, #tpu.memory_space<vmem>>
    %dma_wait3A_1004 = tpu.memref_squeeze %dma_wait3A_1003 : memref<1x128x128xf32, #tpu.memory_space<vmem>> -> memref<128x128xf32, #tpu.memory_space<vmem>>
    tpu.wait_dma2 semaphore(%arg12 : memref<!tpu.dma_semaphore, #tpu.memory_space<semaphore_mem>>) src(%dma_wait3A_1004 : memref<128x128xf32, #tpu.memory_space<vmem>>) dst(%dma_wait3A_1000 : memref<128x128xf32, #tpu.memory_space<hbm>>)
    %dma_start3A_1005 = arith.constant 0 : i32
    %dma_start3A_1006 = arith.constant 0 : i32
    %dma_start3A_1007 = arith.constant 0 : i32
    %dma_start3A_1008 = arith.constant 0 : i32
    %dma_start3A_1009 = tpu.memref_slice %arg10[%dma_start3A_1006, %dma_start3A_1007, %dma_start3A_1008] : memref<4x128x128xf32, #tpu.memory_space<vmem>> -> memref<1x128x128xf32, #tpu.memory_space<vmem>>
    %dma_start3A_1010 = tpu.memref_squeeze %dma_start3A_1009 : memref<1x128x128xf32, #tpu.memory_space<vmem>> -> memref<128x128xf32, #tpu.memory_space<vmem>>
    %dma_start3A_1011 = arith.constant 0 : i32
    %dma_start3A_1012 = tpu.memref_slice %arg9[%dma_start3A_1005, %dma_start3A_1011] : memref<4x128xi32, #tpu.memory_space<vmem>> -> memref<1x128xi32, #tpu.memory_space<vmem>>
    %dma_start3A_1013 = tpu.memref_squeeze %dma_start3A_1012 : memref<1x128xi32, #tpu.memory_space<vmem>> -> memref<128xi32, #tpu.memory_space<vmem>>
    %dma_start3A_1014 = arith.constant 0 : i32
    %dma_start3A_1015 = arith.constant 0 : i32
    %dma_start3A_1016 = tpu.memref_slice %arg5[%dma_start3A_1014, %dma_start3A_1015] : memref<32768x128xf32, #tpu.memory_space<hbm>> -> memref<32768x128xf32, #tpu.memory_space<hbm>>
    tpu.enqueue_indirect_dma source(%dma_start3A_1016 : memref<32768x128xf32, #tpu.memory_space<hbm>>) target(%dma_start3A_1010 : memref<128x128xf32, #tpu.memory_space<vmem>>) offsets(%dma_start3A_1013 : memref<128xi32, #tpu.memory_space<vmem>>) semaphore(%arg11 : memref<!tpu.dma_semaphore, #tpu.memory_space<semaphore_mem>>)
    %dma_wait3A_1017 = arith.constant 1 : i32
    %dma_wait3A_1018 = arith.constant 1 : i32
    %dma_wait3A_1019 = arith.constant 0 : i32
    %dma_wait3A_1020 = arith.constant 0 : i32
    %dma_wait3A_1021 = tpu.memref_slice %arg10[%dma_wait3A_1018, %dma_wait3A_1019, %dma_wait3A_1020] : memref<4x128x128xf32, #tpu.memory_space<vmem>> -> memref<1x128x128xf32, #tpu.memory_space<vmem>>
    %dma_wait3A_1022 = tpu.memref_squeeze %dma_wait3A_1021 : memref<1x128x128xf32, #tpu.memory_space<vmem>> -> memref<128x128xf32, #tpu.memory_space<vmem>>
    %dma_wait3A_1023 = arith.constant 0 : i32
    %dma_wait3A_1024 = tpu.memref_slice %arg8[%dma_wait3A_1017, %dma_wait3A_1023] : memref<4x128xi32, #tpu.memory_space<vmem>> -> memref<1x128xi32, #tpu.memory_space<vmem>>
    %dma_wait3A_1025 = tpu.memref_squeeze %dma_wait3A_1024 : memref<1x128xi32, #tpu.memory_space<vmem>> -> memref<128xi32, #tpu.memory_space<vmem>>
    %dma_wait3A_1026 = arith.constant 0 : i32
    %dma_wait3A_1027 = arith.constant 0 : i32
    %dma_wait3A_1028 = tpu.memref_slice %arg4[%dma_wait3A_1026, %dma_wait3A_1027] : memref<32768x128xf32, #tpu.memory_space<hbm>> -> memref<32768x128xf32, #tpu.memory_space<hbm>>
    tpu.wait_indirect_dma semaphore(%arg11 : memref<!tpu.dma_semaphore, #tpu.memory_space<semaphore_mem>>) src(%dma_wait3A_1028 : memref<32768x128xf32, #tpu.memory_space<hbm>>) dst(%dma_wait3A_1022 : memref<128x128xf32, #tpu.memory_space<vmem>>)
    %add3A_1029 = arith.constant 128 : i32
    %add3A_1030 = arith.addi %mul3A_2, %add3A_1029 : i32
    %dma_start3A_1031 = arith.constant 1 : i32
    %dma_start3A_1032 = arith.constant 0 : i32
    %dma_start3A_1033 = arith.constant 0 : i32
    %dma_start3A_1034 = tpu.memref_slice %arg10[%dma_start3A_1031, %dma_start3A_1032, %dma_start3A_1033] : memref<4x128x128xf32, #tpu.memory_space<vmem>> -> memref<1x128x128xf32, #tpu.memory_space<vmem>>
    %dma_start3A_1035 = tpu.memref_squeeze %dma_start3A_1034 : memref<1x128x128xf32, #tpu.memory_space<vmem>> -> memref<128x128xf32, #tpu.memory_space<vmem>>
    %dma_start3A_1036 = arith.constant 0 : i32
    %dma_start3A_1037 = tpu.memref_slice %arg6[%add3A_1030, %dma_start3A_1036] : memref<16384x128xf32, #tpu.memory_space<hbm>> -> memref<128x128xf32, #tpu.memory_space<hbm>>
    %dma_start3A_1038 = arith.constant 0 : i32
    %dma_start3A_1039 = tpu.memref_slice %arg6[%add3A_1030, %dma_start3A_1038] : memref<16384x128xf32, #tpu.memory_space<hbm>> -> memref<128x128xf32, #tpu.memory_space<hbm>>
    %dma_start3A_1040 = arith.constant 0 : i32
    %dma_start3A_1041 = arith.constant 0 : i32
    %dma_start3A_1042 = tpu.memref_slice %arg10[%dma_start3A_1031, %dma_start3A_1040, %dma_start3A_1041] : memref<4x128x128xf32, #tpu.memory_space<vmem>> -> memref<1x128x128xf32, #tpu.memory_space<vmem>>
    %dma_start3A_1043 = tpu.memref_squeeze %dma_start3A_1042 : memref<1x128x128xf32, #tpu.memory_space<vmem>> -> memref<128x128xf32, #tpu.memory_space<vmem>>
    tpu.enqueue_dma source(%dma_start3A_1043 : memref<128x128xf32, #tpu.memory_space<vmem>>) target(%dma_start3A_1039 : memref<128x128xf32, #tpu.memory_space<hbm>>) target_semaphore(%arg12 : memref<!tpu.dma_semaphore, #tpu.memory_space<semaphore_mem>>)
    %dma_wait3A_1044 = arith.constant 1 : i32
    %dma_wait3A_1045 = arith.constant 0 : i32
    %dma_wait3A_1046 = arith.constant 0 : i32
    %dma_wait3A_1047 = tpu.memref_slice %arg10[%dma_wait3A_1044, %dma_wait3A_1045, %dma_wait3A_1046] : memref<4x128x128xf32, #tpu.memory_space<vmem>> -> memref<1x128x128xf32, #tpu.memory_space<vmem>>
    %dma_wait3A_1048 = tpu.memref_squeeze %dma_wait3A_1047 : memref<1x128x128xf32, #tpu.memory_space<vmem>> -> memref<128x128xf32, #tpu.memory_space<vmem>>
    %dma_wait3A_1049 = arith.constant 0 : i32
    %dma_wait3A_1050 = tpu.memref_slice %arg6[%add3A_1030, %dma_wait3A_1049] : memref<16384x128xf32, #tpu.memory_space<hbm>> -> memref<128x128xf32, #tpu.memory_space<hbm>>
    %dma_wait3A_1051 = arith.constant 0 : i32
    %dma_wait3A_1052 = tpu.memref_slice %arg6[%add3A_1030, %dma_wait3A_1051] : memref<16384x128xf32, #tpu.memory_space<hbm>> -> memref<128x128xf32, #tpu.memory_space<hbm>>
    %dma_wait3A_1053 = arith.constant 0 : i32
    %dma_wait3A_1054 = arith.constant 0 : i32
    %dma_wait3A_1055 = tpu.memref_slice %arg10[%dma_wait3A_1044, %dma_wait3A_1053, %dma_wait3A_1054] : memref<4x128x128xf32, #tpu.memory_space<vmem>> -> memref<1x128x128xf32, #tpu.memory_space<vmem>>
    %dma_wait3A_1056 = tpu.memref_squeeze %dma_wait3A_1055 : memref<1x128x128xf32, #tpu.memory_space<vmem>> -> memref<128x128xf32, #tpu.memory_space<vmem>>
    tpu.wait_dma2 semaphore(%arg12 : memref<!tpu.dma_semaphore, #tpu.memory_space<semaphore_mem>>) src(%dma_wait3A_1056 : memref<128x128xf32, #tpu.memory_space<vmem>>) dst(%dma_wait3A_1052 : memref<128x128xf32, #tpu.memory_space<hbm>>)
    %dma_start3A_1057 = arith.constant 1 : i32
    %dma_start3A_1058 = arith.constant 1 : i32
    %dma_start3A_1059 = arith.constant 0 : i32
    %dma_start3A_1060 = arith.constant 0 : i32
    %dma_start3A_1061 = tpu.memref_slice %arg10[%dma_start3A_1058, %dma_start3A_1059, %dma_start3A_1060] : memref<4x128x128xf32, #tpu.memory_space<vmem>> -> memref<1x128x128xf32, #tpu.memory_space<vmem>>
    %dma_start3A_1062 = tpu.memref_squeeze %dma_start3A_1061 : memref<1x128x128xf32, #tpu.memory_space<vmem>> -> memref<128x128xf32, #tpu.memory_space<vmem>>
    %dma_start3A_1063 = arith.constant 0 : i32
    %dma_start3A_1064 = tpu.memref_slice %arg9[%dma_start3A_1057, %dma_start3A_1063] : memref<4x128xi32, #tpu.memory_space<vmem>> -> memref<1x128xi32, #tpu.memory_space<vmem>>
    %dma_start3A_1065 = tpu.memref_squeeze %dma_start3A_1064 : memref<1x128xi32, #tpu.memory_space<vmem>> -> memref<128xi32, #tpu.memory_space<vmem>>
    %dma_start3A_1066 = arith.constant 0 : i32
    %dma_start3A_1067 = arith.constant 0 : i32
    %dma_start3A_1068 = tpu.memref_slice %arg5[%dma_start3A_1066, %dma_start3A_1067] : memref<32768x128xf32, #tpu.memory_space<hbm>> -> memref<32768x128xf32, #tpu.memory_space<hbm>>
    tpu.enqueue_indirect_dma source(%dma_start3A_1068 : memref<32768x128xf32, #tpu.memory_space<hbm>>) target(%dma_start3A_1062 : memref<128x128xf32, #tpu.memory_space<vmem>>) offsets(%dma_start3A_1065 : memref<128xi32, #tpu.memory_space<vmem>>) semaphore(%arg11 : memref<!tpu.dma_semaphore, #tpu.memory_space<semaphore_mem>>)
    %dma_wait3A_1069 = arith.constant 2 : i32
    %dma_wait3A_1070 = arith.constant 2 : i32
    %dma_wait3A_1071 = arith.constant 0 : i32
    %dma_wait3A_1072 = arith.constant 0 : i32
    %dma_wait3A_1073 = tpu.memref_slice %arg10[%dma_wait3A_1070, %dma_wait3A_1071, %dma_wait3A_1072] : memref<4x128x128xf32, #tpu.memory_space<vmem>> -> memref<1x128x128xf32, #tpu.memory_space<vmem>>
    %dma_wait3A_1074 = tpu.memref_squeeze %dma_wait3A_1073 : memref<1x128x128xf32, #tpu.memory_space<vmem>> -> memref<128x128xf32, #tpu.memory_space<vmem>>
    %dma_wait3A_1075 = arith.constant 0 : i32
    %dma_wait3A_1076 = tpu.memref_slice %arg8[%dma_wait3A_1069, %dma_wait3A_1075] : memref<4x128xi32, #tpu.memory_space<vmem>> -> memref<1x128xi32, #tpu.memory_space<vmem>>
    %dma_wait3A_1077 = tpu.memref_squeeze %dma_wait3A_1076 : memref<1x128xi32, #tpu.memory_space<vmem>> -> memref<128xi32, #tpu.memory_space<vmem>>
    %dma_wait3A_1078 = arith.constant 0 : i32
    %dma_wait3A_1079 = arith.constant 0 : i32
    %dma_wait3A_1080 = tpu.memref_slice %arg4[%dma_wait3A_1078, %dma_wait3A_1079] : memref<32768x128xf32, #tpu.memory_space<hbm>> -> memref<32768x128xf32, #tpu.memory_space<hbm>>
    tpu.wait_indirect_dma semaphore(%arg11 : memref<!tpu.dma_semaphore, #tpu.memory_space<semaphore_mem>>) src(%dma_wait3A_1080 : memref<32768x128xf32, #tpu.memory_space<hbm>>) dst(%dma_wait3A_1074 : memref<128x128xf32, #tpu.memory_space<vmem>>)
    %add3A_1081 = arith.constant 256 : i32
    %add3A_1082 = arith.addi %mul3A_2, %add3A_1081 : i32
    %dma_start3A_1083 = arith.constant 2 : i32
    %dma_start3A_1084 = arith.constant 0 : i32
    %dma_start3A_1085 = arith.constant 0 : i32
    %dma_start3A_1086 = tpu.memref_slice %arg10[%dma_start3A_1083, %dma_start3A_1084, %dma_start3A_1085] : memref<4x128x128xf32, #tpu.memory_space<vmem>> -> memref<1x128x128xf32, #tpu.memory_space<vmem>>
    %dma_start3A_1087 = tpu.memref_squeeze %dma_start3A_1086 : memref<1x128x128xf32, #tpu.memory_space<vmem>> -> memref<128x128xf32, #tpu.memory_space<vmem>>
    %dma_start3A_1088 = arith.constant 0 : i32
    %dma_start3A_1089 = tpu.memref_slice %arg6[%add3A_1082, %dma_start3A_1088] : memref<16384x128xf32, #tpu.memory_space<hbm>> -> memref<128x128xf32, #tpu.memory_space<hbm>>
    %dma_start3A_1090 = arith.constant 0 : i32
    %dma_start3A_1091 = tpu.memref_slice %arg6[%add3A_1082, %dma_start3A_1090] : memref<16384x128xf32, #tpu.memory_space<hbm>> -> memref<128x128xf32, #tpu.memory_space<hbm>>
    %dma_start3A_1092 = arith.constant 0 : i32
    %dma_start3A_1093 = arith.constant 0 : i32
    %dma_start3A_1094 = tpu.memref_slice %arg10[%dma_start3A_1083, %dma_start3A_1092, %dma_start3A_1093] : memref<4x128x128xf32, #tpu.memory_space<vmem>> -> memref<1x128x128xf32, #tpu.memory_space<vmem>>
    %dma_start3A_1095 = tpu.memref_squeeze %dma_start3A_1094 : memref<1x128x128xf32, #tpu.memory_space<vmem>> -> memref<128x128xf32, #tpu.memory_space<vmem>>
    tpu.enqueue_dma source(%dma_start3A_1095 : memref<128x128xf32, #tpu.memory_space<vmem>>) target(%dma_start3A_1091 : memref<128x128xf32, #tpu.memory_space<hbm>>) target_semaphore(%arg12 : memref<!tpu.dma_semaphore, #tpu.memory_space<semaphore_mem>>)
    %dma_wait3A_1096 = arith.constant 2 : i32
    %dma_wait3A_1097 = arith.constant 0 : i32
    %dma_wait3A_1098 = arith.constant 0 : i32
    %dma_wait3A_1099 = tpu.memref_slice %arg10[%dma_wait3A_1096, %dma_wait3A_1097, %dma_wait3A_1098] : memref<4x128x128xf32, #tpu.memory_space<vmem>> -> memref<1x128x128xf32, #tpu.memory_space<vmem>>
    %dma_wait3A_1100 = tpu.memref_squeeze %dma_wait3A_1099 : memref<1x128x128xf32, #tpu.memory_space<vmem>> -> memref<128x128xf32, #tpu.memory_space<vmem>>
    %dma_wait3A_1101 = arith.constant 0 : i32
    %dma_wait3A_1102 = tpu.memref_slice %arg6[%add3A_1082, %dma_wait3A_1101] : memref<16384x128xf32, #tpu.memory_space<hbm>> -> memref<128x128xf32, #tpu.memory_space<hbm>>
    %dma_wait3A_1103 = arith.constant 0 : i32
    %dma_wait3A_1104 = tpu.memref_slice %arg6[%add3A_1082, %dma_wait3A_1103] : memref<16384x128xf32, #tpu.memory_space<hbm>> -> memref<128x128xf32, #tpu.memory_space<hbm>>
    %dma_wait3A_1105 = arith.constant 0 : i32
    %dma_wait3A_1106 = arith.constant 0 : i32
    %dma_wait3A_1107 = tpu.memref_slice %arg10[%dma_wait3A_1096, %dma_wait3A_1105, %dma_wait3A_1106] : memref<4x128x128xf32, #tpu.memory_space<vmem>> -> memref<1x128x128xf32, #tpu.memory_space<vmem>>
    %dma_wait3A_1108 = tpu.memref_squeeze %dma_wait3A_1107 : memref<1x128x128xf32, #tpu.memory_space<vmem>> -> memref<128x128xf32, #tpu.memory_space<vmem>>
    tpu.wait_dma2 semaphore(%arg12 : memref<!tpu.dma_semaphore, #tpu.memory_space<semaphore_mem>>) src(%dma_wait3A_1108 : memref<128x128xf32, #tpu.memory_space<vmem>>) dst(%dma_wait3A_1104 : memref<128x128xf32, #tpu.memory_space<hbm>>)
    %dma_start3A_1109 = arith.constant 2 : i32
    %dma_start3A_1110 = arith.constant 2 : i32
    %dma_start3A_1111 = arith.constant 0 : i32
    %dma_start3A_1112 = arith.constant 0 : i32
    %dma_start3A_1113 = tpu.memref_slice %arg10[%dma_start3A_1110, %dma_start3A_1111, %dma_start3A_1112] : memref<4x128x128xf32, #tpu.memory_space<vmem>> -> memref<1x128x128xf32, #tpu.memory_space<vmem>>
    %dma_start3A_1114 = tpu.memref_squeeze %dma_start3A_1113 : memref<1x128x128xf32, #tpu.memory_space<vmem>> -> memref<128x128xf32, #tpu.memory_space<vmem>>
    %dma_start3A_1115 = arith.constant 0 : i32
    %dma_start3A_1116 = tpu.memref_slice %arg9[%dma_start3A_1109, %dma_start3A_1115] : memref<4x128xi32, #tpu.memory_space<vmem>> -> memref<1x128xi32, #tpu.memory_space<vmem>>
    %dma_start3A_1117 = tpu.memref_squeeze %dma_start3A_1116 : memref<1x128xi32, #tpu.memory_space<vmem>> -> memref<128xi32, #tpu.memory_space<vmem>>
    %dma_start3A_1118 = arith.constant 0 : i32
    %dma_start3A_1119 = arith.constant 0 : i32
    %dma_start3A_1120 = tpu.memref_slice %arg5[%dma_start3A_1118, %dma_start3A_1119] : memref<32768x128xf32, #tpu.memory_space<hbm>> -> memref<32768x128xf32, #tpu.memory_space<hbm>>
    tpu.enqueue_indirect_dma source(%dma_start3A_1120 : memref<32768x128xf32, #tpu.memory_space<hbm>>) target(%dma_start3A_1114 : memref<128x128xf32, #tpu.memory_space<vmem>>) offsets(%dma_start3A_1117 : memref<128xi32, #tpu.memory_space<vmem>>) semaphore(%arg11 : memref<!tpu.dma_semaphore, #tpu.memory_space<semaphore_mem>>)
    %dma_wait3A_1121 = arith.constant 3 : i32
    %dma_wait3A_1122 = arith.constant 3 : i32
    %dma_wait3A_1123 = arith.constant 0 : i32
    %dma_wait3A_1124 = arith.constant 0 : i32
    %dma_wait3A_1125 = tpu.memref_slice %arg10[%dma_wait3A_1122, %dma_wait3A_1123, %dma_wait3A_1124] : memref<4x128x128xf32, #tpu.memory_space<vmem>> -> memref<1x128x128xf32, #tpu.memory_space<vmem>>
    %dma_wait3A_1126 = tpu.memref_squeeze %dma_wait3A_1125 : memref<1x128x128xf32, #tpu.memory_space<vmem>> -> memref<128x128xf32, #tpu.memory_space<vmem>>
    %dma_wait3A_1127 = arith.constant 0 : i32
    %dma_wait3A_1128 = tpu.memref_slice %arg8[%dma_wait3A_1121, %dma_wait3A_1127] : memref<4x128xi32, #tpu.memory_space<vmem>> -> memref<1x128xi32, #tpu.memory_space<vmem>>
    %dma_wait3A_1129 = tpu.memref_squeeze %dma_wait3A_1128 : memref<1x128xi32, #tpu.memory_space<vmem>> -> memref<128xi32, #tpu.memory_space<vmem>>
    %dma_wait3A_1130 = arith.constant 0 : i32
    %dma_wait3A_1131 = arith.constant 0 : i32
    %dma_wait3A_1132 = tpu.memref_slice %arg4[%dma_wait3A_1130, %dma_wait3A_1131] : memref<32768x128xf32, #tpu.memory_space<hbm>> -> memref<32768x128xf32, #tpu.memory_space<hbm>>
    tpu.wait_indirect_dma semaphore(%arg11 : memref<!tpu.dma_semaphore, #tpu.memory_space<semaphore_mem>>) src(%dma_wait3A_1132 : memref<32768x128xf32, #tpu.memory_space<hbm>>) dst(%dma_wait3A_1126 : memref<128x128xf32, #tpu.memory_space<vmem>>)
    %add3A_1133 = arith.constant 384 : i32
    %add3A_1134 = arith.addi %mul3A_2, %add3A_1133 : i32
    %dma_start3A_1135 = arith.constant 3 : i32
    %dma_start3A_1136 = arith.constant 0 : i32
    %dma_start3A_1137 = arith.constant 0 : i32
    %dma_start3A_1138 = tpu.memref_slice %arg10[%dma_start3A_1135, %dma_start3A_1136, %dma_start3A_1137] : memref<4x128x128xf32, #tpu.memory_space<vmem>> -> memref<1x128x128xf32, #tpu.memory_space<vmem>>
    %dma_start3A_1139 = tpu.memref_squeeze %dma_start3A_1138 : memref<1x128x128xf32, #tpu.memory_space<vmem>> -> memref<128x128xf32, #tpu.memory_space<vmem>>
    %dma_start3A_1140 = arith.constant 0 : i32
    %dma_start3A_1141 = tpu.memref_slice %arg6[%add3A_1134, %dma_start3A_1140] : memref<16384x128xf32, #tpu.memory_space<hbm>> -> memref<128x128xf32, #tpu.memory_space<hbm>>
    %dma_start3A_1142 = arith.constant 0 : i32
    %dma_start3A_1143 = tpu.memref_slice %arg6[%add3A_1134, %dma_start3A_1142] : memref<16384x128xf32, #tpu.memory_space<hbm>> -> memref<128x128xf32, #tpu.memory_space<hbm>>
    %dma_start3A_1144 = arith.constant 0 : i32
    %dma_start3A_1145 = arith.constant 0 : i32
    %dma_start3A_1146 = tpu.memref_slice %arg10[%dma_start3A_1135, %dma_start3A_1144, %dma_start3A_1145] : memref<4x128x128xf32, #tpu.memory_space<vmem>> -> memref<1x128x128xf32, #tpu.memory_space<vmem>>
    %dma_start3A_1147 = tpu.memref_squeeze %dma_start3A_1146 : memref<1x128x128xf32, #tpu.memory_space<vmem>> -> memref<128x128xf32, #tpu.memory_space<vmem>>
    tpu.enqueue_dma source(%dma_start3A_1147 : memref<128x128xf32, #tpu.memory_space<vmem>>) target(%dma_start3A_1143 : memref<128x128xf32, #tpu.memory_space<hbm>>) target_semaphore(%arg12 : memref<!tpu.dma_semaphore, #tpu.memory_space<semaphore_mem>>)
    %dma_wait3A_1148 = arith.constant 3 : i32
    %dma_wait3A_1149 = arith.constant 0 : i32
    %dma_wait3A_1150 = arith.constant 0 : i32
    %dma_wait3A_1151 = tpu.memref_slice %arg10[%dma_wait3A_1148, %dma_wait3A_1149, %dma_wait3A_1150] : memref<4x128x128xf32, #tpu.memory_space<vmem>> -> memref<1x128x128xf32, #tpu.memory_space<vmem>>
    %dma_wait3A_1152 = tpu.memref_squeeze %dma_wait3A_1151 : memref<1x128x128xf32, #tpu.memory_space<vmem>> -> memref<128x128xf32, #tpu.memory_space<vmem>>
    %dma_wait3A_1153 = arith.constant 0 : i32
    %dma_wait3A_1154 = tpu.memref_slice %arg6[%add3A_1134, %dma_wait3A_1153] : memref<16384x128xf32, #tpu.memory_space<hbm>> -> memref<128x128xf32, #tpu.memory_space<hbm>>
    %dma_wait3A_1155 = arith.constant 0 : i32
    %dma_wait3A_1156 = tpu.memref_slice %arg6[%add3A_1134, %dma_wait3A_1155] : memref<16384x128xf32, #tpu.memory_space<hbm>> -> memref<128x128xf32, #tpu.memory_space<hbm>>
    %dma_wait3A_1157 = arith.constant 0 : i32
    %dma_wait3A_1158 = arith.constant 0 : i32
    %dma_wait3A_1159 = tpu.memref_slice %arg10[%dma_wait3A_1148, %dma_wait3A_1157, %dma_wait3A_1158] : memref<4x128x128xf32, #tpu.memory_space<vmem>> -> memref<1x128x128xf32, #tpu.memory_space<vmem>>
    %dma_wait3A_1160 = tpu.memref_squeeze %dma_wait3A_1159 : memref<1x128x128xf32, #tpu.memory_space<vmem>> -> memref<128x128xf32, #tpu.memory_space<vmem>>
    tpu.wait_dma2 semaphore(%arg12 : memref<!tpu.dma_semaphore, #tpu.memory_space<semaphore_mem>>) src(%dma_wait3A_1160 : memref<128x128xf32, #tpu.memory_space<vmem>>) dst(%dma_wait3A_1156 : memref<128x128xf32, #tpu.memory_space<hbm>>)
    %dma_start3A_1161 = arith.constant 3 : i32
    %dma_start3A_1162 = arith.constant 3 : i32
    %dma_start3A_1163 = arith.constant 0 : i32
    %dma_start3A_1164 = arith.constant 0 : i32
    %dma_start3A_1165 = tpu.memref_slice %arg10[%dma_start3A_1162, %dma_start3A_1163, %dma_start3A_1164] : memref<4x128x128xf32, #tpu.memory_space<vmem>> -> memref<1x128x128xf32, #tpu.memory_space<vmem>>
    %dma_start3A_1166 = tpu.memref_squeeze %dma_start3A_1165 : memref<1x128x128xf32, #tpu.memory_space<vmem>> -> memref<128x128xf32, #tpu.memory_space<vmem>>
    %dma_start3A_1167 = arith.constant 0 : i32
    %dma_start3A_1168 = tpu.memref_slice %arg9[%dma_start3A_1161, %dma_start3A_1167] : memref<4x128xi32, #tpu.memory_space<vmem>> -> memref<1x128xi32, #tpu.memory_space<vmem>>
    %dma_start3A_1169 = tpu.memref_squeeze %dma_start3A_1168 : memref<1x128xi32, #tpu.memory_space<vmem>> -> memref<128xi32, #tpu.memory_space<vmem>>
    %dma_start3A_1170 = arith.constant 0 : i32
    %dma_start3A_1171 = arith.constant 0 : i32
    %dma_start3A_1172 = tpu.memref_slice %arg5[%dma_start3A_1170, %dma_start3A_1171] : memref<32768x128xf32, #tpu.memory_space<hbm>> -> memref<32768x128xf32, #tpu.memory_space<hbm>>
    tpu.enqueue_indirect_dma source(%dma_start3A_1172 : memref<32768x128xf32, #tpu.memory_space<hbm>>) target(%dma_start3A_1166 : memref<128x128xf32, #tpu.memory_space<vmem>>) offsets(%dma_start3A_1169 : memref<128xi32, #tpu.memory_space<vmem>>) semaphore(%arg11 : memref<!tpu.dma_semaphore, #tpu.memory_space<semaphore_mem>>)
    %dma_wait3A_1173 = arith.constant 0 : i32
    %dma_wait3A_1174 = arith.constant 0 : i32
    %dma_wait3A_1175 = arith.constant 0 : i32
    %dma_wait3A_1176 = arith.constant 0 : i32
    %dma_wait3A_1177 = tpu.memref_slice %arg10[%dma_wait3A_1174, %dma_wait3A_1175, %dma_wait3A_1176] : memref<4x128x128xf32, #tpu.memory_space<vmem>> -> memref<1x128x128xf32, #tpu.memory_space<vmem>>
    %dma_wait3A_1178 = tpu.memref_squeeze %dma_wait3A_1177 : memref<1x128x128xf32, #tpu.memory_space<vmem>> -> memref<128x128xf32, #tpu.memory_space<vmem>>
    %dma_wait3A_1179 = arith.constant 0 : i32
    %dma_wait3A_1180 = tpu.memref_slice %arg9[%dma_wait3A_1173, %dma_wait3A_1179] : memref<4x128xi32, #tpu.memory_space<vmem>> -> memref<1x128xi32, #tpu.memory_space<vmem>>
    %dma_wait3A_1181 = tpu.memref_squeeze %dma_wait3A_1180 : memref<1x128xi32, #tpu.memory_space<vmem>> -> memref<128xi32, #tpu.memory_space<vmem>>
    %dma_wait3A_1182 = arith.constant 0 : i32
    %dma_wait3A_1183 = arith.constant 0 : i32
    %dma_wait3A_1184 = tpu.memref_slice %arg5[%dma_wait3A_1182, %dma_wait3A_1183] : memref<32768x128xf32, #tpu.memory_space<hbm>> -> memref<32768x128xf32, #tpu.memory_space<hbm>>
    tpu.wait_indirect_dma semaphore(%arg11 : memref<!tpu.dma_semaphore, #tpu.memory_space<semaphore_mem>>) src(%dma_wait3A_1184 : memref<32768x128xf32, #tpu.memory_space<hbm>>) dst(%dma_wait3A_1178 : memref<128x128xf32, #tpu.memory_space<vmem>>)
    %add3A_1185 = arith.constant 0 : i32
    %add3A_1186 = arith.addi %mul3A_2, %add3A_1185 : i32
    %dma_start3A_1187 = arith.constant 0 : i32
    %dma_start3A_1188 = arith.constant 0 : i32
    %dma_start3A_1189 = arith.constant 0 : i32
    %dma_start3A_1190 = tpu.memref_slice %arg10[%dma_start3A_1187, %dma_start3A_1188, %dma_start3A_1189] : memref<4x128x128xf32, #tpu.memory_space<vmem>> -> memref<1x128x128xf32, #tpu.memory_space<vmem>>
    %dma_start3A_1191 = tpu.memref_squeeze %dma_start3A_1190 : memref<1x128x128xf32, #tpu.memory_space<vmem>> -> memref<128x128xf32, #tpu.memory_space<vmem>>
    %dma_start3A_1192 = arith.constant 0 : i32
    %dma_start3A_1193 = tpu.memref_slice %arg7[%add3A_1186, %dma_start3A_1192] : memref<16384x128xf32, #tpu.memory_space<hbm>> -> memref<128x128xf32, #tpu.memory_space<hbm>>
    %dma_start3A_1194 = arith.constant 0 : i32
    %dma_start3A_1195 = tpu.memref_slice %arg7[%add3A_1186, %dma_start3A_1194] : memref<16384x128xf32, #tpu.memory_space<hbm>> -> memref<128x128xf32, #tpu.memory_space<hbm>>
    %dma_start3A_1196 = arith.constant 0 : i32
    %dma_start3A_1197 = arith.constant 0 : i32
    %dma_start3A_1198 = tpu.memref_slice %arg10[%dma_start3A_1187, %dma_start3A_1196, %dma_start3A_1197] : memref<4x128x128xf32, #tpu.memory_space<vmem>> -> memref<1x128x128xf32, #tpu.memory_space<vmem>>
    %dma_start3A_1199 = tpu.memref_squeeze %dma_start3A_1198 : memref<1x128x128xf32, #tpu.memory_space<vmem>> -> memref<128x128xf32, #tpu.memory_space<vmem>>
    tpu.enqueue_dma source(%dma_start3A_1199 : memref<128x128xf32, #tpu.memory_space<vmem>>) target(%dma_start3A_1195 : memref<128x128xf32, #tpu.memory_space<hbm>>) target_semaphore(%arg12 : memref<!tpu.dma_semaphore, #tpu.memory_space<semaphore_mem>>)
    %dma_wait3A_1200 = arith.constant 1 : i32
    %dma_wait3A_1201 = arith.constant 1 : i32
    %dma_wait3A_1202 = arith.constant 0 : i32
    %dma_wait3A_1203 = arith.constant 0 : i32
    %dma_wait3A_1204 = tpu.memref_slice %arg10[%dma_wait3A_1201, %dma_wait3A_1202, %dma_wait3A_1203] : memref<4x128x128xf32, #tpu.memory_space<vmem>> -> memref<1x128x128xf32, #tpu.memory_space<vmem>>
    %dma_wait3A_1205 = tpu.memref_squeeze %dma_wait3A_1204 : memref<1x128x128xf32, #tpu.memory_space<vmem>> -> memref<128x128xf32, #tpu.memory_space<vmem>>
    %dma_wait3A_1206 = arith.constant 0 : i32
    %dma_wait3A_1207 = tpu.memref_slice %arg9[%dma_wait3A_1200, %dma_wait3A_1206] : memref<4x128xi32, #tpu.memory_space<vmem>> -> memref<1x128xi32, #tpu.memory_space<vmem>>
    %dma_wait3A_1208 = tpu.memref_squeeze %dma_wait3A_1207 : memref<1x128xi32, #tpu.memory_space<vmem>> -> memref<128xi32, #tpu.memory_space<vmem>>
    %dma_wait3A_1209 = arith.constant 0 : i32
    %dma_wait3A_1210 = arith.constant 0 : i32
    %dma_wait3A_1211 = tpu.memref_slice %arg5[%dma_wait3A_1209, %dma_wait3A_1210] : memref<32768x128xf32, #tpu.memory_space<hbm>> -> memref<32768x128xf32, #tpu.memory_space<hbm>>
    tpu.wait_indirect_dma semaphore(%arg11 : memref<!tpu.dma_semaphore, #tpu.memory_space<semaphore_mem>>) src(%dma_wait3A_1211 : memref<32768x128xf32, #tpu.memory_space<hbm>>) dst(%dma_wait3A_1205 : memref<128x128xf32, #tpu.memory_space<vmem>>)
    %add3A_1212 = arith.constant 128 : i32
    %add3A_1213 = arith.addi %mul3A_2, %add3A_1212 : i32
    %dma_start3A_1214 = arith.constant 1 : i32
    %dma_start3A_1215 = arith.constant 0 : i32
    %dma_start3A_1216 = arith.constant 0 : i32
    %dma_start3A_1217 = tpu.memref_slice %arg10[%dma_start3A_1214, %dma_start3A_1215, %dma_start3A_1216] : memref<4x128x128xf32, #tpu.memory_space<vmem>> -> memref<1x128x128xf32, #tpu.memory_space<vmem>>
    %dma_start3A_1218 = tpu.memref_squeeze %dma_start3A_1217 : memref<1x128x128xf32, #tpu.memory_space<vmem>> -> memref<128x128xf32, #tpu.memory_space<vmem>>
    %dma_start3A_1219 = arith.constant 0 : i32
    %dma_start3A_1220 = tpu.memref_slice %arg7[%add3A_1213, %dma_start3A_1219] : memref<16384x128xf32, #tpu.memory_space<hbm>> -> memref<128x128xf32, #tpu.memory_space<hbm>>
    %dma_start3A_1221 = arith.constant 0 : i32
    %dma_start3A_1222 = tpu.memref_slice %arg7[%add3A_1213, %dma_start3A_1221] : memref<16384x128xf32, #tpu.memory_space<hbm>> -> memref<128x128xf32, #tpu.memory_space<hbm>>
    %dma_start3A_1223 = arith.constant 0 : i32
    %dma_start3A_1224 = arith.constant 0 : i32
    %dma_start3A_1225 = tpu.memref_slice %arg10[%dma_start3A_1214, %dma_start3A_1223, %dma_start3A_1224] : memref<4x128x128xf32, #tpu.memory_space<vmem>> -> memref<1x128x128xf32, #tpu.memory_space<vmem>>
    %dma_start3A_1226 = tpu.memref_squeeze %dma_start3A_1225 : memref<1x128x128xf32, #tpu.memory_space<vmem>> -> memref<128x128xf32, #tpu.memory_space<vmem>>
    tpu.enqueue_dma source(%dma_start3A_1226 : memref<128x128xf32, #tpu.memory_space<vmem>>) target(%dma_start3A_1222 : memref<128x128xf32, #tpu.memory_space<hbm>>) target_semaphore(%arg12 : memref<!tpu.dma_semaphore, #tpu.memory_space<semaphore_mem>>)
    %dma_wait3A_1227 = arith.constant 2 : i32
    %dma_wait3A_1228 = arith.constant 2 : i32
    %dma_wait3A_1229 = arith.constant 0 : i32
    %dma_wait3A_1230 = arith.constant 0 : i32
    %dma_wait3A_1231 = tpu.memref_slice %arg10[%dma_wait3A_1228, %dma_wait3A_1229, %dma_wait3A_1230] : memref<4x128x128xf32, #tpu.memory_space<vmem>> -> memref<1x128x128xf32, #tpu.memory_space<vmem>>
    %dma_wait3A_1232 = tpu.memref_squeeze %dma_wait3A_1231 : memref<1x128x128xf32, #tpu.memory_space<vmem>> -> memref<128x128xf32, #tpu.memory_space<vmem>>
    %dma_wait3A_1233 = arith.constant 0 : i32
    %dma_wait3A_1234 = tpu.memref_slice %arg9[%dma_wait3A_1227, %dma_wait3A_1233] : memref<4x128xi32, #tpu.memory_space<vmem>> -> memref<1x128xi32, #tpu.memory_space<vmem>>
    %dma_wait3A_1235 = tpu.memref_squeeze %dma_wait3A_1234 : memref<1x128xi32, #tpu.memory_space<vmem>> -> memref<128xi32, #tpu.memory_space<vmem>>
    %dma_wait3A_1236 = arith.constant 0 : i32
    %dma_wait3A_1237 = arith.constant 0 : i32
    %dma_wait3A_1238 = tpu.memref_slice %arg5[%dma_wait3A_1236, %dma_wait3A_1237] : memref<32768x128xf32, #tpu.memory_space<hbm>> -> memref<32768x128xf32, #tpu.memory_space<hbm>>
    tpu.wait_indirect_dma semaphore(%arg11 : memref<!tpu.dma_semaphore, #tpu.memory_space<semaphore_mem>>) src(%dma_wait3A_1238 : memref<32768x128xf32, #tpu.memory_space<hbm>>) dst(%dma_wait3A_1232 : memref<128x128xf32, #tpu.memory_space<vmem>>)
    %add3A_1239 = arith.constant 256 : i32
    %add3A_1240 = arith.addi %mul3A_2, %add3A_1239 : i32
    %dma_start3A_1241 = arith.constant 2 : i32
    %dma_start3A_1242 = arith.constant 0 : i32
    %dma_start3A_1243 = arith.constant 0 : i32
    %dma_start3A_1244 = tpu.memref_slice %arg10[%dma_start3A_1241, %dma_start3A_1242, %dma_start3A_1243] : memref<4x128x128xf32, #tpu.memory_space<vmem>> -> memref<1x128x128xf32, #tpu.memory_space<vmem>>
    %dma_start3A_1245 = tpu.memref_squeeze %dma_start3A_1244 : memref<1x128x128xf32, #tpu.memory_space<vmem>> -> memref<128x128xf32, #tpu.memory_space<vmem>>
    %dma_start3A_1246 = arith.constant 0 : i32
    %dma_start3A_1247 = tpu.memref_slice %arg7[%add3A_1240, %dma_start3A_1246] : memref<16384x128xf32, #tpu.memory_space<hbm>> -> memref<128x128xf32, #tpu.memory_space<hbm>>
    %dma_start3A_1248 = arith.constant 0 : i32
    %dma_start3A_1249 = tpu.memref_slice %arg7[%add3A_1240, %dma_start3A_1248] : memref<16384x128xf32, #tpu.memory_space<hbm>> -> memref<128x128xf32, #tpu.memory_space<hbm>>
    %dma_start3A_1250 = arith.constant 0 : i32
    %dma_start3A_1251 = arith.constant 0 : i32
    %dma_start3A_1252 = tpu.memref_slice %arg10[%dma_start3A_1241, %dma_start3A_1250, %dma_start3A_1251] : memref<4x128x128xf32, #tpu.memory_space<vmem>> -> memref<1x128x128xf32, #tpu.memory_space<vmem>>
    %dma_start3A_1253 = tpu.memref_squeeze %dma_start3A_1252 : memref<1x128x128xf32, #tpu.memory_space<vmem>> -> memref<128x128xf32, #tpu.memory_space<vmem>>
    tpu.enqueue_dma source(%dma_start3A_1253 : memref<128x128xf32, #tpu.memory_space<vmem>>) target(%dma_start3A_1249 : memref<128x128xf32, #tpu.memory_space<hbm>>) target_semaphore(%arg12 : memref<!tpu.dma_semaphore, #tpu.memory_space<semaphore_mem>>)
    %dma_wait3A_1254 = arith.constant 3 : i32
    %dma_wait3A_1255 = arith.constant 3 : i32
    %dma_wait3A_1256 = arith.constant 0 : i32
    %dma_wait3A_1257 = arith.constant 0 : i32
    %dma_wait3A_1258 = tpu.memref_slice %arg10[%dma_wait3A_1255, %dma_wait3A_1256, %dma_wait3A_1257] : memref<4x128x128xf32, #tpu.memory_space<vmem>> -> memref<1x128x128xf32, #tpu.memory_space<vmem>>
    %dma_wait3A_1259 = tpu.memref_squeeze %dma_wait3A_1258 : memref<1x128x128xf32, #tpu.memory_space<vmem>> -> memref<128x128xf32, #tpu.memory_space<vmem>>
    %dma_wait3A_1260 = arith.constant 0 : i32
    %dma_wait3A_1261 = tpu.memref_slice %arg9[%dma_wait3A_1254, %dma_wait3A_1260] : memref<4x128xi32, #tpu.memory_space<vmem>> -> memref<1x128xi32, #tpu.memory_space<vmem>>
    %dma_wait3A_1262 = tpu.memref_squeeze %dma_wait3A_1261 : memref<1x128xi32, #tpu.memory_space<vmem>> -> memref<128xi32, #tpu.memory_space<vmem>>
    %dma_wait3A_1263 = arith.constant 0 : i32
    %dma_wait3A_1264 = arith.constant 0 : i32
    %dma_wait3A_1265 = tpu.memref_slice %arg5[%dma_wait3A_1263, %dma_wait3A_1264] : memref<32768x128xf32, #tpu.memory_space<hbm>> -> memref<32768x128xf32, #tpu.memory_space<hbm>>
    tpu.wait_indirect_dma semaphore(%arg11 : memref<!tpu.dma_semaphore, #tpu.memory_space<semaphore_mem>>) src(%dma_wait3A_1265 : memref<32768x128xf32, #tpu.memory_space<hbm>>) dst(%dma_wait3A_1259 : memref<128x128xf32, #tpu.memory_space<vmem>>)
    %add3A_1266 = arith.constant 384 : i32
    %add3A_1267 = arith.addi %mul3A_2, %add3A_1266 : i32
    %dma_start3A_1268 = arith.constant 3 : i32
    %dma_start3A_1269 = arith.constant 0 : i32
    %dma_start3A_1270 = arith.constant 0 : i32
    %dma_start3A_1271 = tpu.memref_slice %arg10[%dma_start3A_1268, %dma_start3A_1269, %dma_start3A_1270] : memref<4x128x128xf32, #tpu.memory_space<vmem>> -> memref<1x128x128xf32, #tpu.memory_space<vmem>>
    %dma_start3A_1272 = tpu.memref_squeeze %dma_start3A_1271 : memref<1x128x128xf32, #tpu.memory_space<vmem>> -> memref<128x128xf32, #tpu.memory_space<vmem>>
    %dma_start3A_1273 = arith.constant 0 : i32
    %dma_start3A_1274 = tpu.memref_slice %arg7[%add3A_1267, %dma_start3A_1273] : memref<16384x128xf32, #tpu.memory_space<hbm>> -> memref<128x128xf32, #tpu.memory_space<hbm>>
    %dma_start3A_1275 = arith.constant 0 : i32
    %dma_start3A_1276 = tpu.memref_slice %arg7[%add3A_1267, %dma_start3A_1275] : memref<16384x128xf32, #tpu.memory_space<hbm>> -> memref<128x128xf32, #tpu.memory_space<hbm>>
    %dma_start3A_1277 = arith.constant 0 : i32
    %dma_start3A_1278 = arith.constant 0 : i32
    %dma_start3A_1279 = tpu.memref_slice %arg10[%dma_start3A_1268, %dma_start3A_1277, %dma_start3A_1278] : memref<4x128x128xf32, #tpu.memory_space<vmem>> -> memref<1x128x128xf32, #tpu.memory_space<vmem>>
    %dma_start3A_1280 = tpu.memref_squeeze %dma_start3A_1279 : memref<1x128x128xf32, #tpu.memory_space<vmem>> -> memref<128x128xf32, #tpu.memory_space<vmem>>
    tpu.enqueue_dma source(%dma_start3A_1280 : memref<128x128xf32, #tpu.memory_space<vmem>>) target(%dma_start3A_1276 : memref<128x128xf32, #tpu.memory_space<hbm>>) target_semaphore(%arg12 : memref<!tpu.dma_semaphore, #tpu.memory_space<semaphore_mem>>)
    %dma_wait3A_1281 = arith.constant 0 : i32
    %dma_wait3A_1282 = arith.constant 0 : i32
    %dma_wait3A_1283 = arith.constant 0 : i32
    %dma_wait3A_1284 = tpu.memref_slice %arg10[%dma_wait3A_1281, %dma_wait3A_1282, %dma_wait3A_1283] : memref<4x128x128xf32, #tpu.memory_space<vmem>> -> memref<1x128x128xf32, #tpu.memory_space<vmem>>
    %dma_wait3A_1285 = tpu.memref_squeeze %dma_wait3A_1284 : memref<1x128x128xf32, #tpu.memory_space<vmem>> -> memref<128x128xf32, #tpu.memory_space<vmem>>
    %dma_wait3A_1286 = arith.constant 0 : i32
    %dma_wait3A_1287 = tpu.memref_slice %arg7[%add3A_1186, %dma_wait3A_1286] : memref<16384x128xf32, #tpu.memory_space<hbm>> -> memref<128x128xf32, #tpu.memory_space<hbm>>
    %dma_wait3A_1288 = arith.constant 0 : i32
    %dma_wait3A_1289 = tpu.memref_slice %arg7[%add3A_1186, %dma_wait3A_1288] : memref<16384x128xf32, #tpu.memory_space<hbm>> -> memref<128x128xf32, #tpu.memory_space<hbm>>
    %dma_wait3A_1290 = arith.constant 0 : i32
    %dma_wait3A_1291 = arith.constant 0 : i32
    %dma_wait3A_1292 = tpu.memref_slice %arg10[%dma_wait3A_1281, %dma_wait3A_1290, %dma_wait3A_1291] : memref<4x128x128xf32, #tpu.memory_space<vmem>> -> memref<1x128x128xf32, #tpu.memory_space<vmem>>
    %dma_wait3A_1293 = tpu.memref_squeeze %dma_wait3A_1292 : memref<1x128x128xf32, #tpu.memory_space<vmem>> -> memref<128x128xf32, #tpu.memory_space<vmem>>
    tpu.wait_dma2 semaphore(%arg12 : memref<!tpu.dma_semaphore, #tpu.memory_space<semaphore_mem>>) src(%dma_wait3A_1293 : memref<128x128xf32, #tpu.memory_space<vmem>>) dst(%dma_wait3A_1289 : memref<128x128xf32, #tpu.memory_space<hbm>>)
    %dma_wait3A_1294 = arith.constant 1 : i32
    %dma_wait3A_1295 = arith.constant 0 : i32
    %dma_wait3A_1296 = arith.constant 0 : i32
    %dma_wait3A_1297 = tpu.memref_slice %arg10[%dma_wait3A_1294, %dma_wait3A_1295, %dma_wait3A_1296] : memref<4x128x128xf32, #tpu.memory_space<vmem>> -> memref<1x128x128xf32, #tpu.memory_space<vmem>>
    %dma_wait3A_1298 = tpu.memref_squeeze %dma_wait3A_1297 : memref<1x128x128xf32, #tpu.memory_space<vmem>> -> memref<128x128xf32, #tpu.memory_space<vmem>>
    %dma_wait3A_1299 = arith.constant 0 : i32
    %dma_wait3A_1300 = tpu.memref_slice %arg7[%add3A_1213, %dma_wait3A_1299] : memref<16384x128xf32, #tpu.memory_space<hbm>> -> memref<128x128xf32, #tpu.memory_space<hbm>>
    %dma_wait3A_1301 = arith.constant 0 : i32
    %dma_wait3A_1302 = tpu.memref_slice %arg7[%add3A_1213, %dma_wait3A_1301] : memref<16384x128xf32, #tpu.memory_space<hbm>> -> memref<128x128xf32, #tpu.memory_space<hbm>>
    %dma_wait3A_1303 = arith.constant 0 : i32
    %dma_wait3A_1304 = arith.constant 0 : i32
    %dma_wait3A_1305 = tpu.memref_slice %arg10[%dma_wait3A_1294, %dma_wait3A_1303, %dma_wait3A_1304] : memref<4x128x128xf32, #tpu.memory_space<vmem>> -> memref<1x128x128xf32, #tpu.memory_space<vmem>>
    %dma_wait3A_1306 = tpu.memref_squeeze %dma_wait3A_1305 : memref<1x128x128xf32, #tpu.memory_space<vmem>> -> memref<128x128xf32, #tpu.memory_space<vmem>>
    tpu.wait_dma2 semaphore(%arg12 : memref<!tpu.dma_semaphore, #tpu.memory_space<semaphore_mem>>) src(%dma_wait3A_1306 : memref<128x128xf32, #tpu.memory_space<vmem>>) dst(%dma_wait3A_1302 : memref<128x128xf32, #tpu.memory_space<hbm>>)
    %dma_wait3A_1307 = arith.constant 2 : i32
    %dma_wait3A_1308 = arith.constant 0 : i32
    %dma_wait3A_1309 = arith.constant 0 : i32
    %dma_wait3A_1310 = tpu.memref_slice %arg10[%dma_wait3A_1307, %dma_wait3A_1308, %dma_wait3A_1309] : memref<4x128x128xf32, #tpu.memory_space<vmem>> -> memref<1x128x128xf32, #tpu.memory_space<vmem>>
    %dma_wait3A_1311 = tpu.memref_squeeze %dma_wait3A_1310 : memref<1x128x128xf32, #tpu.memory_space<vmem>> -> memref<128x128xf32, #tpu.memory_space<vmem>>
    %dma_wait3A_1312 = arith.constant 0 : i32
    %dma_wait3A_1313 = tpu.memref_slice %arg7[%add3A_1240, %dma_wait3A_1312] : memref<16384x128xf32, #tpu.memory_space<hbm>> -> memref<128x128xf32, #tpu.memory_space<hbm>>
    %dma_wait3A_1314 = arith.constant 0 : i32
    %dma_wait3A_1315 = tpu.memref_slice %arg7[%add3A_1240, %dma_wait3A_1314] : memref<16384x128xf32, #tpu.memory_space<hbm>> -> memref<128x128xf32, #tpu.memory_space<hbm>>
    %dma_wait3A_1316 = arith.constant 0 : i32
    %dma_wait3A_1317 = arith.constant 0 : i32
    %dma_wait3A_1318 = tpu.memref_slice %arg10[%dma_wait3A_1307, %dma_wait3A_1316, %dma_wait3A_1317] : memref<4x128x128xf32, #tpu.memory_space<vmem>> -> memref<1x128x128xf32, #tpu.memory_space<vmem>>
    %dma_wait3A_1319 = tpu.memref_squeeze %dma_wait3A_1318 : memref<1x128x128xf32, #tpu.memory_space<vmem>> -> memref<128x128xf32, #tpu.memory_space<vmem>>
    tpu.wait_dma2 semaphore(%arg12 : memref<!tpu.dma_semaphore, #tpu.memory_space<semaphore_mem>>) src(%dma_wait3A_1319 : memref<128x128xf32, #tpu.memory_space<vmem>>) dst(%dma_wait3A_1315 : memref<128x128xf32, #tpu.memory_space<hbm>>)
    %dma_wait3A_1320 = arith.constant 3 : i32
    %dma_wait3A_1321 = arith.constant 0 : i32
    %dma_wait3A_1322 = arith.constant 0 : i32
    %dma_wait3A_1323 = tpu.memref_slice %arg10[%dma_wait3A_1320, %dma_wait3A_1321, %dma_wait3A_1322] : memref<4x128x128xf32, #tpu.memory_space<vmem>> -> memref<1x128x128xf32, #tpu.memory_space<vmem>>
    %dma_wait3A_1324 = tpu.memref_squeeze %dma_wait3A_1323 : memref<1x128x128xf32, #tpu.memory_space<vmem>> -> memref<128x128xf32, #tpu.memory_space<vmem>>
    %dma_wait3A_1325 = arith.constant 0 : i32
    %dma_wait3A_1326 = tpu.memref_slice %arg7[%add3A_1267, %dma_wait3A_1325] : memref<16384x128xf32, #tpu.memory_space<hbm>> -> memref<128x128xf32, #tpu.memory_space<hbm>>
    %dma_wait3A_1327 = arith.constant 0 : i32
    %dma_wait3A_1328 = tpu.memref_slice %arg7[%add3A_1267, %dma_wait3A_1327] : memref<16384x128xf32, #tpu.memory_space<hbm>> -> memref<128x128xf32, #tpu.memory_space<hbm>>
    %dma_wait3A_1329 = arith.constant 0 : i32
    %dma_wait3A_1330 = arith.constant 0 : i32
    %dma_wait3A_1331 = tpu.memref_slice %arg10[%dma_wait3A_1320, %dma_wait3A_1329, %dma_wait3A_1330] : memref<4x128x128xf32, #tpu.memory_space<vmem>> -> memref<1x128x128xf32, #tpu.memory_space<vmem>>
    %dma_wait3A_1332 = tpu.memref_squeeze %dma_wait3A_1331 : memref<1x128x128xf32, #tpu.memory_space<vmem>> -> memref<128x128xf32, #tpu.memory_space<vmem>>
    tpu.wait_dma2 semaphore(%arg12 : memref<!tpu.dma_semaphore, #tpu.memory_space<semaphore_mem>>) src(%dma_wait3A_1332 : memref<128x128xf32, #tpu.memory_space<vmem>>) dst(%dma_wait3A_1328 : memref<128x128xf32, #tpu.memory_space<hbm>>)
    return
  }
}

#map = affine_map<(d0, d1) -> (0)>
#map1 = affine_map<(d0, d1) -> (0, 0)>
module attributes {stable_mosaic.version = 14 : i64} {
  func.func @k(%arg0: i32, %arg1: i32, %arg2: memref<16384xi32, #tpu.memory_space<hbm>>, %arg3: memref<16384xi32, #tpu.memory_space<hbm>>, %arg4: memref<131072x128xf32, #tpu.memory_space<hbm>>, %arg5: memref<131072x128xf32, #tpu.memory_space<hbm>>, %arg6: memref<16384x128xf32, #tpu.memory_space<hbm>>, %arg7: memref<16384x128xf32, #tpu.memory_space<hbm>>, %arg8: memref<4x128xi32, #tpu.memory_space<vmem>>, %arg9: memref<4x128xi32, #tpu.memory_space<vmem>>, %arg10: memref<4x128x128xf32, #tpu.memory_space<vmem>>, %arg11: memref<!tpu.dma_semaphore, #tpu.memory_space<semaphore_mem>>, %arg12: memref<!tpu.dma_semaphore, #tpu.memory_space<semaphore_mem>>) attributes {dimension_semantics = [#tpu.dimension_semantics<core_parallel>, #tpu.dimension_semantics<subcore_parallel>], iteration_bounds = array<i64: 2, 16>, scalar_prefetch = 0 : i64, scratch_operands = 5 : i64, tpu.core_type = #tpu.core_type<sc_vector_subcore>, window_params = [{transform_indices = #map}, {transform_indices = #map}, {transform_indices = #map1}, {transform_indices = #map1}, {transform_indices = #map1}, {transform_indices = #map1}]} {
    %mul3A = arith.constant 2 : i32
    %mul3A_0 = arith.muli %arg1, %mul3A : i32
    %add3A = arith.addi %mul3A_0, %arg0 : i32
    %mul3A_1 = arith.constant 512 : i32
    %mul3A_2 = arith.muli %add3A, %mul3A_1 : i32
    %add3A_3 = arith.constant 0 : i32
    %add3A_4 = arith.addi %mul3A_2, %add3A_3 : i32
    %run_scoped3A = arith.constant 0 : i32
    "tpu.region"() ({
      %run_scoped3A_1333 = tpu.sem_alloc : memref<!tpu.dma_semaphore, #tpu.memory_space<semaphore_mem>>
      %dma_start3A_1334 = arith.constant 0 : i32
      %dma_start3A_1335 = tpu.memref_slice %arg8[%run_scoped3A, %dma_start3A_1334] : memref<4x128xi32, #tpu.memory_space<vmem>> -> memref<1x128xi32, #tpu.memory_space<vmem>>
      %dma_start3A_1336 = tpu.memref_squeeze %dma_start3A_1335 : memref<1x128xi32, #tpu.memory_space<vmem>> -> memref<128xi32, #tpu.memory_space<vmem>>
      %dma_start3A_1337 = tpu.memref_slice %arg2[%add3A_4] : memref<16384xi32, #tpu.memory_space<hbm>> -> memref<128xi32, #tpu.memory_space<hbm>>
      %dma_start3A_1338 = arith.constant 0 : i32
      %dma_start3A_1339 = tpu.memref_slice %arg8[%run_scoped3A, %dma_start3A_1338] : memref<4x128xi32, #tpu.memory_space<vmem>> -> memref<1x128xi32, #tpu.memory_space<vmem>>
      %dma_start3A_1340 = tpu.memref_squeeze %dma_start3A_1339 : memref<1x128xi32, #tpu.memory_space<vmem>> -> memref<128xi32, #tpu.memory_space<vmem>>
      %dma_start3A_1341 = tpu.memref_slice %arg2[%add3A_4] : memref<16384xi32, #tpu.memory_space<hbm>> -> memref<128xi32, #tpu.memory_space<hbm>>
      tpu.enqueue_dma source(%dma_start3A_1341 : memref<128xi32, #tpu.memory_space<hbm>>) target(%dma_start3A_1340 : memref<128xi32, #tpu.memory_space<vmem>>) target_semaphore(%run_scoped3A_1333 : memref<!tpu.dma_semaphore, #tpu.memory_space<semaphore_mem>>)
      %dma_wait3A_1342 = arith.constant 0 : i32
      %dma_wait3A_1343 = tpu.memref_slice %arg8[%run_scoped3A, %dma_wait3A_1342] : memref<4x128xi32, #tpu.memory_space<vmem>> -> memref<1x128xi32, #tpu.memory_space<vmem>>
      %dma_wait3A_1344 = tpu.memref_squeeze %dma_wait3A_1343 : memref<1x128xi32, #tpu.memory_space<vmem>> -> memref<128xi32, #tpu.memory_space<vmem>>
      %dma_wait3A_1345 = tpu.memref_slice %arg2[%add3A_4] : memref<16384xi32, #tpu.memory_space<hbm>> -> memref<128xi32, #tpu.memory_space<hbm>>
      %dma_wait3A_1346 = arith.constant 0 : i32
      %dma_wait3A_1347 = tpu.memref_slice %arg8[%run_scoped3A, %dma_wait3A_1346] : memref<4x128xi32, #tpu.memory_space<vmem>> -> memref<1x128xi32, #tpu.memory_space<vmem>>
      %dma_wait3A_1348 = tpu.memref_squeeze %dma_wait3A_1347 : memref<1x128xi32, #tpu.memory_space<vmem>> -> memref<128xi32, #tpu.memory_space<vmem>>
      %dma_wait3A_1349 = tpu.memref_slice %arg2[%add3A_4] : memref<16384xi32, #tpu.memory_space<hbm>> -> memref<128xi32, #tpu.memory_space<hbm>>
      tpu.wait_dma2 semaphore(%run_scoped3A_1333 : memref<!tpu.dma_semaphore, #tpu.memory_space<semaphore_mem>>) src(%dma_wait3A_1349 : memref<128xi32, #tpu.memory_space<hbm>>) dst(%dma_wait3A_1348 : memref<128xi32, #tpu.memory_space<vmem>>)
      tpu.yield
    }) : () -> ()
    %add3A_5 = arith.constant 0 : i32
    %add3A_6 = arith.addi %mul3A_2, %add3A_5 : i32
    %run_scoped3A_7 = arith.constant 0 : i32
    "tpu.region"() ({
      %run_scoped3A_1333 = tpu.sem_alloc : memref<!tpu.dma_semaphore, #tpu.memory_space<semaphore_mem>>
      %dma_start3A_1334 = arith.constant 0 : i32
      %dma_start3A_1335 = tpu.memref_slice %arg9[%run_scoped3A_7, %dma_start3A_1334] : memref<4x128xi32, #tpu.memory_space<vmem>> -> memref<1x128xi32, #tpu.memory_space<vmem>>
      %dma_start3A_1336 = tpu.memref_squeeze %dma_start3A_1335 : memref<1x128xi32, #tpu.memory_space<vmem>> -> memref<128xi32, #tpu.memory_space<vmem>>
      %dma_start3A_1337 = tpu.memref_slice %arg3[%add3A_6] : memref<16384xi32, #tpu.memory_space<hbm>> -> memref<128xi32, #tpu.memory_space<hbm>>
      %dma_start3A_1338 = arith.constant 0 : i32
      %dma_start3A_1339 = tpu.memref_slice %arg9[%run_scoped3A_7, %dma_start3A_1338] : memref<4x128xi32, #tpu.memory_space<vmem>> -> memref<1x128xi32, #tpu.memory_space<vmem>>
      %dma_start3A_1340 = tpu.memref_squeeze %dma_start3A_1339 : memref<1x128xi32, #tpu.memory_space<vmem>> -> memref<128xi32, #tpu.memory_space<vmem>>
      %dma_start3A_1341 = tpu.memref_slice %arg3[%add3A_6] : memref<16384xi32, #tpu.memory_space<hbm>> -> memref<128xi32, #tpu.memory_space<hbm>>
      tpu.enqueue_dma source(%dma_start3A_1341 : memref<128xi32, #tpu.memory_space<hbm>>) target(%dma_start3A_1340 : memref<128xi32, #tpu.memory_space<vmem>>) target_semaphore(%run_scoped3A_1333 : memref<!tpu.dma_semaphore, #tpu.memory_space<semaphore_mem>>)
      %dma_wait3A_1342 = arith.constant 0 : i32
      %dma_wait3A_1343 = tpu.memref_slice %arg9[%run_scoped3A_7, %dma_wait3A_1342] : memref<4x128xi32, #tpu.memory_space<vmem>> -> memref<1x128xi32, #tpu.memory_space<vmem>>
      %dma_wait3A_1344 = tpu.memref_squeeze %dma_wait3A_1343 : memref<1x128xi32, #tpu.memory_space<vmem>> -> memref<128xi32, #tpu.memory_space<vmem>>
      %dma_wait3A_1345 = tpu.memref_slice %arg3[%add3A_6] : memref<16384xi32, #tpu.memory_space<hbm>> -> memref<128xi32, #tpu.memory_space<hbm>>
      %dma_wait3A_1346 = arith.constant 0 : i32
      %dma_wait3A_1347 = tpu.memref_slice %arg9[%run_scoped3A_7, %dma_wait3A_1346] : memref<4x128xi32, #tpu.memory_space<vmem>> -> memref<1x128xi32, #tpu.memory_space<vmem>>
      %dma_wait3A_1348 = tpu.memref_squeeze %dma_wait3A_1347 : memref<1x128xi32, #tpu.memory_space<vmem>> -> memref<128xi32, #tpu.memory_space<vmem>>
      %dma_wait3A_1349 = tpu.memref_slice %arg3[%add3A_6] : memref<16384xi32, #tpu.memory_space<hbm>> -> memref<128xi32, #tpu.memory_space<hbm>>
      tpu.wait_dma2 semaphore(%run_scoped3A_1333 : memref<!tpu.dma_semaphore, #tpu.memory_space<semaphore_mem>>) src(%dma_wait3A_1349 : memref<128xi32, #tpu.memory_space<hbm>>) dst(%dma_wait3A_1348 : memref<128xi32, #tpu.memory_space<vmem>>)
      tpu.yield
    }) : () -> ()
    %add3A_8 = arith.constant 128 : i32
    %add3A_9 = arith.addi %mul3A_2, %add3A_8 : i32
    %run_scoped3A_10 = arith.constant 1 : i32
    "tpu.region"() ({
      %run_scoped3A_1333 = tpu.sem_alloc : memref<!tpu.dma_semaphore, #tpu.memory_space<semaphore_mem>>
      %dma_start3A_1334 = arith.constant 0 : i32
      %dma_start3A_1335 = tpu.memref_slice %arg8[%run_scoped3A_10, %dma_start3A_1334] : memref<4x128xi32, #tpu.memory_space<vmem>> -> memref<1x128xi32, #tpu.memory_space<vmem>>
      %dma_start3A_1336 = tpu.memref_squeeze %dma_start3A_1335 : memref<1x128xi32, #tpu.memory_space<vmem>> -> memref<128xi32, #tpu.memory_space<vmem>>
      %dma_start3A_1337 = tpu.memref_slice %arg2[%add3A_9] : memref<16384xi32, #tpu.memory_space<hbm>> -> memref<128xi32, #tpu.memory_space<hbm>>
      %dma_start3A_1338 = arith.constant 0 : i32
      %dma_start3A_1339 = tpu.memref_slice %arg8[%run_scoped3A_10, %dma_start3A_1338] : memref<4x128xi32, #tpu.memory_space<vmem>> -> memref<1x128xi32, #tpu.memory_space<vmem>>
      %dma_start3A_1340 = tpu.memref_squeeze %dma_start3A_1339 : memref<1x128xi32, #tpu.memory_space<vmem>> -> memref<128xi32, #tpu.memory_space<vmem>>
      %dma_start3A_1341 = tpu.memref_slice %arg2[%add3A_9] : memref<16384xi32, #tpu.memory_space<hbm>> -> memref<128xi32, #tpu.memory_space<hbm>>
      tpu.enqueue_dma source(%dma_start3A_1341 : memref<128xi32, #tpu.memory_space<hbm>>) target(%dma_start3A_1340 : memref<128xi32, #tpu.memory_space<vmem>>) target_semaphore(%run_scoped3A_1333 : memref<!tpu.dma_semaphore, #tpu.memory_space<semaphore_mem>>)
      %dma_wait3A_1342 = arith.constant 0 : i32
      %dma_wait3A_1343 = tpu.memref_slice %arg8[%run_scoped3A_10, %dma_wait3A_1342] : memref<4x128xi32, #tpu.memory_space<vmem>> -> memref<1x128xi32, #tpu.memory_space<vmem>>
      %dma_wait3A_1344 = tpu.memref_squeeze %dma_wait3A_1343 : memref<1x128xi32, #tpu.memory_space<vmem>> -> memref<128xi32, #tpu.memory_space<vmem>>
      %dma_wait3A_1345 = tpu.memref_slice %arg2[%add3A_9] : memref<16384xi32, #tpu.memory_space<hbm>> -> memref<128xi32, #tpu.memory_space<hbm>>
      %dma_wait3A_1346 = arith.constant 0 : i32
      %dma_wait3A_1347 = tpu.memref_slice %arg8[%run_scoped3A_10, %dma_wait3A_1346] : memref<4x128xi32, #tpu.memory_space<vmem>> -> memref<1x128xi32, #tpu.memory_space<vmem>>
      %dma_wait3A_1348 = tpu.memref_squeeze %dma_wait3A_1347 : memref<1x128xi32, #tpu.memory_space<vmem>> -> memref<128xi32, #tpu.memory_space<vmem>>
      %dma_wait3A_1349 = tpu.memref_slice %arg2[%add3A_9] : memref<16384xi32, #tpu.memory_space<hbm>> -> memref<128xi32, #tpu.memory_space<hbm>>
      tpu.wait_dma2 semaphore(%run_scoped3A_1333 : memref<!tpu.dma_semaphore, #tpu.memory_space<semaphore_mem>>) src(%dma_wait3A_1349 : memref<128xi32, #tpu.memory_space<hbm>>) dst(%dma_wait3A_1348 : memref<128xi32, #tpu.memory_space<vmem>>)
      tpu.yield
    }) : () -> ()
    %add3A_11 = arith.constant 128 : i32
    %add3A_12 = arith.addi %mul3A_2, %add3A_11 : i32
    %run_scoped3A_13 = arith.constant 1 : i32
    "tpu.region"() ({
      %run_scoped3A_1333 = tpu.sem_alloc : memref<!tpu.dma_semaphore, #tpu.memory_space<semaphore_mem>>
      %dma_start3A_1334 = arith.constant 0 : i32
      %dma_start3A_1335 = tpu.memref_slice %arg9[%run_scoped3A_13, %dma_start3A_1334] : memref<4x128xi32, #tpu.memory_space<vmem>> -> memref<1x128xi32, #tpu.memory_space<vmem>>
      %dma_start3A_1336 = tpu.memref_squeeze %dma_start3A_1335 : memref<1x128xi32, #tpu.memory_space<vmem>> -> memref<128xi32, #tpu.memory_space<vmem>>
      %dma_start3A_1337 = tpu.memref_slice %arg3[%add3A_12] : memref<16384xi32, #tpu.memory_space<hbm>> -> memref<128xi32, #tpu.memory_space<hbm>>
      %dma_start3A_1338 = arith.constant 0 : i32
      %dma_start3A_1339 = tpu.memref_slice %arg9[%run_scoped3A_13, %dma_start3A_1338] : memref<4x128xi32, #tpu.memory_space<vmem>> -> memref<1x128xi32, #tpu.memory_space<vmem>>
      %dma_start3A_1340 = tpu.memref_squeeze %dma_start3A_1339 : memref<1x128xi32, #tpu.memory_space<vmem>> -> memref<128xi32, #tpu.memory_space<vmem>>
      %dma_start3A_1341 = tpu.memref_slice %arg3[%add3A_12] : memref<16384xi32, #tpu.memory_space<hbm>> -> memref<128xi32, #tpu.memory_space<hbm>>
      tpu.enqueue_dma source(%dma_start3A_1341 : memref<128xi32, #tpu.memory_space<hbm>>) target(%dma_start3A_1340 : memref<128xi32, #tpu.memory_space<vmem>>) target_semaphore(%run_scoped3A_1333 : memref<!tpu.dma_semaphore, #tpu.memory_space<semaphore_mem>>)
      %dma_wait3A_1342 = arith.constant 0 : i32
      %dma_wait3A_1343 = tpu.memref_slice %arg9[%run_scoped3A_13, %dma_wait3A_1342] : memref<4x128xi32, #tpu.memory_space<vmem>> -> memref<1x128xi32, #tpu.memory_space<vmem>>
      %dma_wait3A_1344 = tpu.memref_squeeze %dma_wait3A_1343 : memref<1x128xi32, #tpu.memory_space<vmem>> -> memref<128xi32, #tpu.memory_space<vmem>>
      %dma_wait3A_1345 = tpu.memref_slice %arg3[%add3A_12] : memref<16384xi32, #tpu.memory_space<hbm>> -> memref<128xi32, #tpu.memory_space<hbm>>
      %dma_wait3A_1346 = arith.constant 0 : i32
      %dma_wait3A_1347 = tpu.memref_slice %arg9[%run_scoped3A_13, %dma_wait3A_1346] : memref<4x128xi32, #tpu.memory_space<vmem>> -> memref<1x128xi32, #tpu.memory_space<vmem>>
      %dma_wait3A_1348 = tpu.memref_squeeze %dma_wait3A_1347 : memref<1x128xi32, #tpu.memory_space<vmem>> -> memref<128xi32, #tpu.memory_space<vmem>>
      %dma_wait3A_1349 = tpu.memref_slice %arg3[%add3A_12] : memref<16384xi32, #tpu.memory_space<hbm>> -> memref<128xi32, #tpu.memory_space<hbm>>
      tpu.wait_dma2 semaphore(%run_scoped3A_1333 : memref<!tpu.dma_semaphore, #tpu.memory_space<semaphore_mem>>) src(%dma_wait3A_1349 : memref<128xi32, #tpu.memory_space<hbm>>) dst(%dma_wait3A_1348 : memref<128xi32, #tpu.memory_space<vmem>>)
      tpu.yield
    }) : () -> ()
    %add3A_14 = arith.constant 256 : i32
    %add3A_15 = arith.addi %mul3A_2, %add3A_14 : i32
    %run_scoped3A_16 = arith.constant 2 : i32
    "tpu.region"() ({
      %run_scoped3A_1333 = tpu.sem_alloc : memref<!tpu.dma_semaphore, #tpu.memory_space<semaphore_mem>>
      %dma_start3A_1334 = arith.constant 0 : i32
      %dma_start3A_1335 = tpu.memref_slice %arg8[%run_scoped3A_16, %dma_start3A_1334] : memref<4x128xi32, #tpu.memory_space<vmem>> -> memref<1x128xi32, #tpu.memory_space<vmem>>
      %dma_start3A_1336 = tpu.memref_squeeze %dma_start3A_1335 : memref<1x128xi32, #tpu.memory_space<vmem>> -> memref<128xi32, #tpu.memory_space<vmem>>
      %dma_start3A_1337 = tpu.memref_slice %arg2[%add3A_15] : memref<16384xi32, #tpu.memory_space<hbm>> -> memref<128xi32, #tpu.memory_space<hbm>>
      %dma_start3A_1338 = arith.constant 0 : i32
      %dma_start3A_1339 = tpu.memref_slice %arg8[%run_scoped3A_16, %dma_start3A_1338] : memref<4x128xi32, #tpu.memory_space<vmem>> -> memref<1x128xi32, #tpu.memory_space<vmem>>
      %dma_start3A_1340 = tpu.memref_squeeze %dma_start3A_1339 : memref<1x128xi32, #tpu.memory_space<vmem>> -> memref<128xi32, #tpu.memory_space<vmem>>
      %dma_start3A_1341 = tpu.memref_slice %arg2[%add3A_15] : memref<16384xi32, #tpu.memory_space<hbm>> -> memref<128xi32, #tpu.memory_space<hbm>>
      tpu.enqueue_dma source(%dma_start3A_1341 : memref<128xi32, #tpu.memory_space<hbm>>) target(%dma_start3A_1340 : memref<128xi32, #tpu.memory_space<vmem>>) target_semaphore(%run_scoped3A_1333 : memref<!tpu.dma_semaphore, #tpu.memory_space<semaphore_mem>>)
      %dma_wait3A_1342 = arith.constant 0 : i32
      %dma_wait3A_1343 = tpu.memref_slice %arg8[%run_scoped3A_16, %dma_wait3A_1342] : memref<4x128xi32, #tpu.memory_space<vmem>> -> memref<1x128xi32, #tpu.memory_space<vmem>>
      %dma_wait3A_1344 = tpu.memref_squeeze %dma_wait3A_1343 : memref<1x128xi32, #tpu.memory_space<vmem>> -> memref<128xi32, #tpu.memory_space<vmem>>
      %dma_wait3A_1345 = tpu.memref_slice %arg2[%add3A_15] : memref<16384xi32, #tpu.memory_space<hbm>> -> memref<128xi32, #tpu.memory_space<hbm>>
      %dma_wait3A_1346 = arith.constant 0 : i32
      %dma_wait3A_1347 = tpu.memref_slice %arg8[%run_scoped3A_16, %dma_wait3A_1346] : memref<4x128xi32, #tpu.memory_space<vmem>> -> memref<1x128xi32, #tpu.memory_space<vmem>>
      %dma_wait3A_1348 = tpu.memref_squeeze %dma_wait3A_1347 : memref<1x128xi32, #tpu.memory_space<vmem>> -> memref<128xi32, #tpu.memory_space<vmem>>
      %dma_wait3A_1349 = tpu.memref_slice %arg2[%add3A_15] : memref<16384xi32, #tpu.memory_space<hbm>> -> memref<128xi32, #tpu.memory_space<hbm>>
      tpu.wait_dma2 semaphore(%run_scoped3A_1333 : memref<!tpu.dma_semaphore, #tpu.memory_space<semaphore_mem>>) src(%dma_wait3A_1349 : memref<128xi32, #tpu.memory_space<hbm>>) dst(%dma_wait3A_1348 : memref<128xi32, #tpu.memory_space<vmem>>)
      tpu.yield
    }) : () -> ()
    %add3A_17 = arith.constant 256 : i32
    %add3A_18 = arith.addi %mul3A_2, %add3A_17 : i32
    %run_scoped3A_19 = arith.constant 2 : i32
    "tpu.region"() ({
      %run_scoped3A_1333 = tpu.sem_alloc : memref<!tpu.dma_semaphore, #tpu.memory_space<semaphore_mem>>
      %dma_start3A_1334 = arith.constant 0 : i32
      %dma_start3A_1335 = tpu.memref_slice %arg9[%run_scoped3A_19, %dma_start3A_1334] : memref<4x128xi32, #tpu.memory_space<vmem>> -> memref<1x128xi32, #tpu.memory_space<vmem>>
      %dma_start3A_1336 = tpu.memref_squeeze %dma_start3A_1335 : memref<1x128xi32, #tpu.memory_space<vmem>> -> memref<128xi32, #tpu.memory_space<vmem>>
      %dma_start3A_1337 = tpu.memref_slice %arg3[%add3A_18] : memref<16384xi32, #tpu.memory_space<hbm>> -> memref<128xi32, #tpu.memory_space<hbm>>
      %dma_start3A_1338 = arith.constant 0 : i32
      %dma_start3A_1339 = tpu.memref_slice %arg9[%run_scoped3A_19, %dma_start3A_1338] : memref<4x128xi32, #tpu.memory_space<vmem>> -> memref<1x128xi32, #tpu.memory_space<vmem>>
      %dma_start3A_1340 = tpu.memref_squeeze %dma_start3A_1339 : memref<1x128xi32, #tpu.memory_space<vmem>> -> memref<128xi32, #tpu.memory_space<vmem>>
      %dma_start3A_1341 = tpu.memref_slice %arg3[%add3A_18] : memref<16384xi32, #tpu.memory_space<hbm>> -> memref<128xi32, #tpu.memory_space<hbm>>
      tpu.enqueue_dma source(%dma_start3A_1341 : memref<128xi32, #tpu.memory_space<hbm>>) target(%dma_start3A_1340 : memref<128xi32, #tpu.memory_space<vmem>>) target_semaphore(%run_scoped3A_1333 : memref<!tpu.dma_semaphore, #tpu.memory_space<semaphore_mem>>)
      %dma_wait3A_1342 = arith.constant 0 : i32
      %dma_wait3A_1343 = tpu.memref_slice %arg9[%run_scoped3A_19, %dma_wait3A_1342] : memref<4x128xi32, #tpu.memory_space<vmem>> -> memref<1x128xi32, #tpu.memory_space<vmem>>
      %dma_wait3A_1344 = tpu.memref_squeeze %dma_wait3A_1343 : memref<1x128xi32, #tpu.memory_space<vmem>> -> memref<128xi32, #tpu.memory_space<vmem>>
      %dma_wait3A_1345 = tpu.memref_slice %arg3[%add3A_18] : memref<16384xi32, #tpu.memory_space<hbm>> -> memref<128xi32, #tpu.memory_space<hbm>>
      %dma_wait3A_1346 = arith.constant 0 : i32
      %dma_wait3A_1347 = tpu.memref_slice %arg9[%run_scoped3A_19, %dma_wait3A_1346] : memref<4x128xi32, #tpu.memory_space<vmem>> -> memref<1x128xi32, #tpu.memory_space<vmem>>
      %dma_wait3A_1348 = tpu.memref_squeeze %dma_wait3A_1347 : memref<1x128xi32, #tpu.memory_space<vmem>> -> memref<128xi32, #tpu.memory_space<vmem>>
      %dma_wait3A_1349 = tpu.memref_slice %arg3[%add3A_18] : memref<16384xi32, #tpu.memory_space<hbm>> -> memref<128xi32, #tpu.memory_space<hbm>>
      tpu.wait_dma2 semaphore(%run_scoped3A_1333 : memref<!tpu.dma_semaphore, #tpu.memory_space<semaphore_mem>>) src(%dma_wait3A_1349 : memref<128xi32, #tpu.memory_space<hbm>>) dst(%dma_wait3A_1348 : memref<128xi32, #tpu.memory_space<vmem>>)
      tpu.yield
    }) : () -> ()
    %add3A_20 = arith.constant 384 : i32
    %add3A_21 = arith.addi %mul3A_2, %add3A_20 : i32
    %run_scoped3A_22 = arith.constant 3 : i32
    "tpu.region"() ({
      %run_scoped3A_1333 = tpu.sem_alloc : memref<!tpu.dma_semaphore, #tpu.memory_space<semaphore_mem>>
      %dma_start3A_1334 = arith.constant 0 : i32
      %dma_start3A_1335 = tpu.memref_slice %arg8[%run_scoped3A_22, %dma_start3A_1334] : memref<4x128xi32, #tpu.memory_space<vmem>> -> memref<1x128xi32, #tpu.memory_space<vmem>>
      %dma_start3A_1336 = tpu.memref_squeeze %dma_start3A_1335 : memref<1x128xi32, #tpu.memory_space<vmem>> -> memref<128xi32, #tpu.memory_space<vmem>>
      %dma_start3A_1337 = tpu.memref_slice %arg2[%add3A_21] : memref<16384xi32, #tpu.memory_space<hbm>> -> memref<128xi32, #tpu.memory_space<hbm>>
      %dma_start3A_1338 = arith.constant 0 : i32
      %dma_start3A_1339 = tpu.memref_slice %arg8[%run_scoped3A_22, %dma_start3A_1338] : memref<4x128xi32, #tpu.memory_space<vmem>> -> memref<1x128xi32, #tpu.memory_space<vmem>>
      %dma_start3A_1340 = tpu.memref_squeeze %dma_start3A_1339 : memref<1x128xi32, #tpu.memory_space<vmem>> -> memref<128xi32, #tpu.memory_space<vmem>>
      %dma_start3A_1341 = tpu.memref_slice %arg2[%add3A_21] : memref<16384xi32, #tpu.memory_space<hbm>> -> memref<128xi32, #tpu.memory_space<hbm>>
      tpu.enqueue_dma source(%dma_start3A_1341 : memref<128xi32, #tpu.memory_space<hbm>>) target(%dma_start3A_1340 : memref<128xi32, #tpu.memory_space<vmem>>) target_semaphore(%run_scoped3A_1333 : memref<!tpu.dma_semaphore, #tpu.memory_space<semaphore_mem>>)
      %dma_wait3A_1342 = arith.constant 0 : i32
      %dma_wait3A_1343 = tpu.memref_slice %arg8[%run_scoped3A_22, %dma_wait3A_1342] : memref<4x128xi32, #tpu.memory_space<vmem>> -> memref<1x128xi32, #tpu.memory_space<vmem>>
      %dma_wait3A_1344 = tpu.memref_squeeze %dma_wait3A_1343 : memref<1x128xi32, #tpu.memory_space<vmem>> -> memref<128xi32, #tpu.memory_space<vmem>>
      %dma_wait3A_1345 = tpu.memref_slice %arg2[%add3A_21] : memref<16384xi32, #tpu.memory_space<hbm>> -> memref<128xi32, #tpu.memory_space<hbm>>
      %dma_wait3A_1346 = arith.constant 0 : i32
      %dma_wait3A_1347 = tpu.memref_slice %arg8[%run_scoped3A_22, %dma_wait3A_1346] : memref<4x128xi32, #tpu.memory_space<vmem>> -> memref<1x128xi32, #tpu.memory_space<vmem>>
      %dma_wait3A_1348 = tpu.memref_squeeze %dma_wait3A_1347 : memref<1x128xi32, #tpu.memory_space<vmem>> -> memref<128xi32, #tpu.memory_space<vmem>>
      %dma_wait3A_1349 = tpu.memref_slice %arg2[%add3A_21] : memref<16384xi32, #tpu.memory_space<hbm>> -> memref<128xi32, #tpu.memory_space<hbm>>
      tpu.wait_dma2 semaphore(%run_scoped3A_1333 : memref<!tpu.dma_semaphore, #tpu.memory_space<semaphore_mem>>) src(%dma_wait3A_1349 : memref<128xi32, #tpu.memory_space<hbm>>) dst(%dma_wait3A_1348 : memref<128xi32, #tpu.memory_space<vmem>>)
      tpu.yield
    }) : () -> ()
    %add3A_23 = arith.constant 384 : i32
    %add3A_24 = arith.addi %mul3A_2, %add3A_23 : i32
    %run_scoped3A_25 = arith.constant 3 : i32
    "tpu.region"() ({
      %run_scoped3A_1333 = tpu.sem_alloc : memref<!tpu.dma_semaphore, #tpu.memory_space<semaphore_mem>>
      %dma_start3A_1334 = arith.constant 0 : i32
      %dma_start3A_1335 = tpu.memref_slice %arg9[%run_scoped3A_25, %dma_start3A_1334] : memref<4x128xi32, #tpu.memory_space<vmem>> -> memref<1x128xi32, #tpu.memory_space<vmem>>
      %dma_start3A_1336 = tpu.memref_squeeze %dma_start3A_1335 : memref<1x128xi32, #tpu.memory_space<vmem>> -> memref<128xi32, #tpu.memory_space<vmem>>
      %dma_start3A_1337 = tpu.memref_slice %arg3[%add3A_24] : memref<16384xi32, #tpu.memory_space<hbm>> -> memref<128xi32, #tpu.memory_space<hbm>>
      %dma_start3A_1338 = arith.constant 0 : i32
      %dma_start3A_1339 = tpu.memref_slice %arg9[%run_scoped3A_25, %dma_start3A_1338] : memref<4x128xi32, #tpu.memory_space<vmem>> -> memref<1x128xi32, #tpu.memory_space<vmem>>
      %dma_start3A_1340 = tpu.memref_squeeze %dma_start3A_1339 : memref<1x128xi32, #tpu.memory_space<vmem>> -> memref<128xi32, #tpu.memory_space<vmem>>
      %dma_start3A_1341 = tpu.memref_slice %arg3[%add3A_24] : memref<16384xi32, #tpu.memory_space<hbm>> -> memref<128xi32, #tpu.memory_space<hbm>>
      tpu.enqueue_dma source(%dma_start3A_1341 : memref<128xi32, #tpu.memory_space<hbm>>) target(%dma_start3A_1340 : memref<128xi32, #tpu.memory_space<vmem>>) target_semaphore(%run_scoped3A_1333 : memref<!tpu.dma_semaphore, #tpu.memory_space<semaphore_mem>>)
      %dma_wait3A_1342 = arith.constant 0 : i32
      %dma_wait3A_1343 = tpu.memref_slice %arg9[%run_scoped3A_25, %dma_wait3A_1342] : memref<4x128xi32, #tpu.memory_space<vmem>> -> memref<1x128xi32, #tpu.memory_space<vmem>>
      %dma_wait3A_1344 = tpu.memref_squeeze %dma_wait3A_1343 : memref<1x128xi32, #tpu.memory_space<vmem>> -> memref<128xi32, #tpu.memory_space<vmem>>
      %dma_wait3A_1345 = tpu.memref_slice %arg3[%add3A_24] : memref<16384xi32, #tpu.memory_space<hbm>> -> memref<128xi32, #tpu.memory_space<hbm>>
      %dma_wait3A_1346 = arith.constant 0 : i32
      %dma_wait3A_1347 = tpu.memref_slice %arg9[%run_scoped3A_25, %dma_wait3A_1346] : memref<4x128xi32, #tpu.memory_space<vmem>> -> memref<1x128xi32, #tpu.memory_space<vmem>>
      %dma_wait3A_1348 = tpu.memref_squeeze %dma_wait3A_1347 : memref<1x128xi32, #tpu.memory_space<vmem>> -> memref<128xi32, #tpu.memory_space<vmem>>
      %dma_wait3A_1349 = tpu.memref_slice %arg3[%add3A_24] : memref<16384xi32, #tpu.memory_space<hbm>> -> memref<128xi32, #tpu.memory_space<hbm>>
      tpu.wait_dma2 semaphore(%run_scoped3A_1333 : memref<!tpu.dma_semaphore, #tpu.memory_space<semaphore_mem>>) src(%dma_wait3A_1349 : memref<128xi32, #tpu.memory_space<hbm>>) dst(%dma_wait3A_1348 : memref<128xi32, #tpu.memory_space<vmem>>)
      tpu.yield
    }) : () -> ()
    %get3A = arith.constant 0 : i32
    %get3A_26 = arith.index_cast %get3A : i32 to index
    %get3A_27 = arith.constant 0 : index
    %get3A_28 = tpu.vector_load %arg8[%get3A_26, %get3A_27] {strides = array<i32>} : memref<4x128xi32, #tpu.memory_space<vmem>>, vector<1x16xi32>,
    %get3A_29 = vector.shape_cast %get3A_28 : vector<1x16xi32> to vector<16xi32>
    %and3A = arith.constant 131071 : i32
    %and3A_30 = vector.broadcast %and3A : i32 to vector<16xi32>
    %and3A_31 = arith.andi %get3A_29, %and3A_30 : vector<16xi32>
    %swap3A = arith.constant 0 : i32
    %swap3A_32 = arith.index_cast %swap3A : i32 to index
    %swap3A_33 = arith.constant 0 : index
    %swap3A_34 = tpu.vector_load %arg8[%swap3A_32, %swap3A_33] {strides = array<i32>} : memref<4x128xi32, #tpu.memory_space<vmem>>, vector<1x16xi32>,
    %swap3A_35 = vector.shape_cast %swap3A_34 : vector<1x16xi32> to vector<16xi32>
    %swap3A_36 = vector.shape_cast %and3A_31 : vector<16xi32> to vector<1x16xi32>
    tpu.vector_store %arg8[%swap3A_32, %swap3A_33], %swap3A_36 {strides = array<i32>} : memref<4x128xi32, #tpu.memory_space<vmem>>, vector<1x16xi32>,
    %get3A_37 = arith.constant 0 : i32
    %get3A_38 = arith.index_cast %get3A_37 : i32 to index
    %get3A_39 = arith.constant 0 : index
    %get3A_40 = tpu.vector_load %arg9[%get3A_38, %get3A_39] {strides = array<i32>} : memref<4x128xi32, #tpu.memory_space<vmem>>, vector<1x16xi32>,
    %get3A_41 = vector.shape_cast %get3A_40 : vector<1x16xi32> to vector<16xi32>
    %and3A_42 = arith.constant 131071 : i32
    %and3A_43 = vector.broadcast %and3A_42 : i32 to vector<16xi32>
    %and3A_44 = arith.andi %get3A_41, %and3A_43 : vector<16xi32>
    %swap3A_45 = arith.constant 0 : i32
    %swap3A_46 = arith.index_cast %swap3A_45 : i32 to index
    %swap3A_47 = arith.constant 0 : index
    %swap3A_48 = tpu.vector_load %arg9[%swap3A_46, %swap3A_47] {strides = array<i32>} : memref<4x128xi32, #tpu.memory_space<vmem>>, vector<1x16xi32>,
    %swap3A_49 = vector.shape_cast %swap3A_48 : vector<1x16xi32> to vector<16xi32>
    %swap3A_50 = vector.shape_cast %and3A_44 : vector<16xi32> to vector<1x16xi32>
    tpu.vector_store %arg9[%swap3A_46, %swap3A_47], %swap3A_50 {strides = array<i32>} : memref<4x128xi32, #tpu.memory_space<vmem>>, vector<1x16xi32>,
    %get3A_51 = arith.constant 0 : i32
    %get3A_52 = arith.index_cast %get3A_51 : i32 to index
    %get3A_53 = arith.constant 16 : index
    %get3A_54 = tpu.vector_load %arg8[%get3A_52, %get3A_53] {strides = array<i32>} : memref<4x128xi32, #tpu.memory_space<vmem>>, vector<1x16xi32>,
    %get3A_55 = vector.shape_cast %get3A_54 : vector<1x16xi32> to vector<16xi32>
    %and3A_56 = arith.constant 131071 : i32
    %and3A_57 = vector.broadcast %and3A_56 : i32 to vector<16xi32>
    %and3A_58 = arith.andi %get3A_55, %and3A_57 : vector<16xi32>
    %swap3A_59 = arith.constant 0 : i32
    %swap3A_60 = arith.index_cast %swap3A_59 : i32 to index
    %swap3A_61 = arith.constant 16 : index
    %swap3A_62 = tpu.vector_load %arg8[%swap3A_60, %swap3A_61] {strides = array<i32>} : memref<4x128xi32, #tpu.memory_space<vmem>>, vector<1x16xi32>,
    %swap3A_63 = vector.shape_cast %swap3A_62 : vector<1x16xi32> to vector<16xi32>
    %swap3A_64 = vector.shape_cast %and3A_58 : vector<16xi32> to vector<1x16xi32>
    tpu.vector_store %arg8[%swap3A_60, %swap3A_61], %swap3A_64 {strides = array<i32>} : memref<4x128xi32, #tpu.memory_space<vmem>>, vector<1x16xi32>,
    %get3A_65 = arith.constant 0 : i32
    %get3A_66 = arith.index_cast %get3A_65 : i32 to index
    %get3A_67 = arith.constant 16 : index
    %get3A_68 = tpu.vector_load %arg9[%get3A_66, %get3A_67] {strides = array<i32>} : memref<4x128xi32, #tpu.memory_space<vmem>>, vector<1x16xi32>,
    %get3A_69 = vector.shape_cast %get3A_68 : vector<1x16xi32> to vector<16xi32>
    %and3A_70 = arith.constant 131071 : i32
    %and3A_71 = vector.broadcast %and3A_70 : i32 to vector<16xi32>
    %and3A_72 = arith.andi %get3A_69, %and3A_71 : vector<16xi32>
    %swap3A_73 = arith.constant 0 : i32
    %swap3A_74 = arith.index_cast %swap3A_73 : i32 to index
    %swap3A_75 = arith.constant 16 : index
    %swap3A_76 = tpu.vector_load %arg9[%swap3A_74, %swap3A_75] {strides = array<i32>} : memref<4x128xi32, #tpu.memory_space<vmem>>, vector<1x16xi32>,
    %swap3A_77 = vector.shape_cast %swap3A_76 : vector<1x16xi32> to vector<16xi32>
    %swap3A_78 = vector.shape_cast %and3A_72 : vector<16xi32> to vector<1x16xi32>
    tpu.vector_store %arg9[%swap3A_74, %swap3A_75], %swap3A_78 {strides = array<i32>} : memref<4x128xi32, #tpu.memory_space<vmem>>, vector<1x16xi32>,
    %get3A_79 = arith.constant 0 : i32
    %get3A_80 = arith.index_cast %get3A_79 : i32 to index
    %get3A_81 = arith.constant 32 : index
    %get3A_82 = tpu.vector_load %arg8[%get3A_80, %get3A_81] {strides = array<i32>} : memref<4x128xi32, #tpu.memory_space<vmem>>, vector<1x16xi32>,
    %get3A_83 = vector.shape_cast %get3A_82 : vector<1x16xi32> to vector<16xi32>
    %and3A_84 = arith.constant 131071 : i32
    %and3A_85 = vector.broadcast %and3A_84 : i32 to vector<16xi32>
    %and3A_86 = arith.andi %get3A_83, %and3A_85 : vector<16xi32>
    %swap3A_87 = arith.constant 0 : i32
    %swap3A_88 = arith.index_cast %swap3A_87 : i32 to index
    %swap3A_89 = arith.constant 32 : index
    %swap3A_90 = tpu.vector_load %arg8[%swap3A_88, %swap3A_89] {strides = array<i32>} : memref<4x128xi32, #tpu.memory_space<vmem>>, vector<1x16xi32>,
    %swap3A_91 = vector.shape_cast %swap3A_90 : vector<1x16xi32> to vector<16xi32>
    %swap3A_92 = vector.shape_cast %and3A_86 : vector<16xi32> to vector<1x16xi32>
    tpu.vector_store %arg8[%swap3A_88, %swap3A_89], %swap3A_92 {strides = array<i32>} : memref<4x128xi32, #tpu.memory_space<vmem>>, vector<1x16xi32>,
    %get3A_93 = arith.constant 0 : i32
    %get3A_94 = arith.index_cast %get3A_93 : i32 to index
    %get3A_95 = arith.constant 32 : index
    %get3A_96 = tpu.vector_load %arg9[%get3A_94, %get3A_95] {strides = array<i32>} : memref<4x128xi32, #tpu.memory_space<vmem>>, vector<1x16xi32>,
    %get3A_97 = vector.shape_cast %get3A_96 : vector<1x16xi32> to vector<16xi32>
    %and3A_98 = arith.constant 131071 : i32
    %and3A_99 = vector.broadcast %and3A_98 : i32 to vector<16xi32>
    %and3A_100 = arith.andi %get3A_97, %and3A_99 : vector<16xi32>
    %swap3A_101 = arith.constant 0 : i32
    %swap3A_102 = arith.index_cast %swap3A_101 : i32 to index
    %swap3A_103 = arith.constant 32 : index
    %swap3A_104 = tpu.vector_load %arg9[%swap3A_102, %swap3A_103] {strides = array<i32>} : memref<4x128xi32, #tpu.memory_space<vmem>>, vector<1x16xi32>,
    %swap3A_105 = vector.shape_cast %swap3A_104 : vector<1x16xi32> to vector<16xi32>
    %swap3A_106 = vector.shape_cast %and3A_100 : vector<16xi32> to vector<1x16xi32>
    tpu.vector_store %arg9[%swap3A_102, %swap3A_103], %swap3A_106 {strides = array<i32>} : memref<4x128xi32, #tpu.memory_space<vmem>>, vector<1x16xi32>,
    %get3A_107 = arith.constant 0 : i32
    %get3A_108 = arith.index_cast %get3A_107 : i32 to index
    %get3A_109 = arith.constant 48 : index
    %get3A_110 = tpu.vector_load %arg8[%get3A_108, %get3A_109] {strides = array<i32>} : memref<4x128xi32, #tpu.memory_space<vmem>>, vector<1x16xi32>,
    %get3A_111 = vector.shape_cast %get3A_110 : vector<1x16xi32> to vector<16xi32>
    %and3A_112 = arith.constant 131071 : i32
    %and3A_113 = vector.broadcast %and3A_112 : i32 to vector<16xi32>
    %and3A_114 = arith.andi %get3A_111, %and3A_113 : vector<16xi32>
    %swap3A_115 = arith.constant 0 : i32
    %swap3A_116 = arith.index_cast %swap3A_115 : i32 to index
    %swap3A_117 = arith.constant 48 : index
    %swap3A_118 = tpu.vector_load %arg8[%swap3A_116, %swap3A_117] {strides = array<i32>} : memref<4x128xi32, #tpu.memory_space<vmem>>, vector<1x16xi32>,
    %swap3A_119 = vector.shape_cast %swap3A_118 : vector<1x16xi32> to vector<16xi32>
    %swap3A_120 = vector.shape_cast %and3A_114 : vector<16xi32> to vector<1x16xi32>
    tpu.vector_store %arg8[%swap3A_116, %swap3A_117], %swap3A_120 {strides = array<i32>} : memref<4x128xi32, #tpu.memory_space<vmem>>, vector<1x16xi32>,
    %get3A_121 = arith.constant 0 : i32
    %get3A_122 = arith.index_cast %get3A_121 : i32 to index
    %get3A_123 = arith.constant 48 : index
    %get3A_124 = tpu.vector_load %arg9[%get3A_122, %get3A_123] {strides = array<i32>} : memref<4x128xi32, #tpu.memory_space<vmem>>, vector<1x16xi32>,
    %get3A_125 = vector.shape_cast %get3A_124 : vector<1x16xi32> to vector<16xi32>
    %and3A_126 = arith.constant 131071 : i32
    %and3A_127 = vector.broadcast %and3A_126 : i32 to vector<16xi32>
    %and3A_128 = arith.andi %get3A_125, %and3A_127 : vector<16xi32>
    %swap3A_129 = arith.constant 0 : i32
    %swap3A_130 = arith.index_cast %swap3A_129 : i32 to index
    %swap3A_131 = arith.constant 48 : index
    %swap3A_132 = tpu.vector_load %arg9[%swap3A_130, %swap3A_131] {strides = array<i32>} : memref<4x128xi32, #tpu.memory_space<vmem>>, vector<1x16xi32>,
    %swap3A_133 = vector.shape_cast %swap3A_132 : vector<1x16xi32> to vector<16xi32>
    %swap3A_134 = vector.shape_cast %and3A_128 : vector<16xi32> to vector<1x16xi32>
    tpu.vector_store %arg9[%swap3A_130, %swap3A_131], %swap3A_134 {strides = array<i32>} : memref<4x128xi32, #tpu.memory_space<vmem>>, vector<1x16xi32>,
    %get3A_135 = arith.constant 0 : i32
    %get3A_136 = arith.index_cast %get3A_135 : i32 to index
    %get3A_137 = arith.constant 64 : index
    %get3A_138 = tpu.vector_load %arg8[%get3A_136, %get3A_137] {strides = array<i32>} : memref<4x128xi32, #tpu.memory_space<vmem>>, vector<1x16xi32>,
    %get3A_139 = vector.shape_cast %get3A_138 : vector<1x16xi32> to vector<16xi32>
    %and3A_140 = arith.constant 131071 : i32
    %and3A_141 = vector.broadcast %and3A_140 : i32 to vector<16xi32>
    %and3A_142 = arith.andi %get3A_139, %and3A_141 : vector<16xi32>
    %swap3A_143 = arith.constant 0 : i32
    %swap3A_144 = arith.index_cast %swap3A_143 : i32 to index
    %swap3A_145 = arith.constant 64 : index
    %swap3A_146 = tpu.vector_load %arg8[%swap3A_144, %swap3A_145] {strides = array<i32>} : memref<4x128xi32, #tpu.memory_space<vmem>>, vector<1x16xi32>,
    %swap3A_147 = vector.shape_cast %swap3A_146 : vector<1x16xi32> to vector<16xi32>
    %swap3A_148 = vector.shape_cast %and3A_142 : vector<16xi32> to vector<1x16xi32>
    tpu.vector_store %arg8[%swap3A_144, %swap3A_145], %swap3A_148 {strides = array<i32>} : memref<4x128xi32, #tpu.memory_space<vmem>>, vector<1x16xi32>,
    %get3A_149 = arith.constant 0 : i32
    %get3A_150 = arith.index_cast %get3A_149 : i32 to index
    %get3A_151 = arith.constant 64 : index
    %get3A_152 = tpu.vector_load %arg9[%get3A_150, %get3A_151] {strides = array<i32>} : memref<4x128xi32, #tpu.memory_space<vmem>>, vector<1x16xi32>,
    %get3A_153 = vector.shape_cast %get3A_152 : vector<1x16xi32> to vector<16xi32>
    %and3A_154 = arith.constant 131071 : i32
    %and3A_155 = vector.broadcast %and3A_154 : i32 to vector<16xi32>
    %and3A_156 = arith.andi %get3A_153, %and3A_155 : vector<16xi32>
    %swap3A_157 = arith.constant 0 : i32
    %swap3A_158 = arith.index_cast %swap3A_157 : i32 to index
    %swap3A_159 = arith.constant 64 : index
    %swap3A_160 = tpu.vector_load %arg9[%swap3A_158, %swap3A_159] {strides = array<i32>} : memref<4x128xi32, #tpu.memory_space<vmem>>, vector<1x16xi32>,
    %swap3A_161 = vector.shape_cast %swap3A_160 : vector<1x16xi32> to vector<16xi32>
    %swap3A_162 = vector.shape_cast %and3A_156 : vector<16xi32> to vector<1x16xi32>
    tpu.vector_store %arg9[%swap3A_158, %swap3A_159], %swap3A_162 {strides = array<i32>} : memref<4x128xi32, #tpu.memory_space<vmem>>, vector<1x16xi32>,
    %get3A_163 = arith.constant 0 : i32
    %get3A_164 = arith.index_cast %get3A_163 : i32 to index
    %get3A_165 = arith.constant 80 : index
    %get3A_166 = tpu.vector_load %arg8[%get3A_164, %get3A_165] {strides = array<i32>} : memref<4x128xi32, #tpu.memory_space<vmem>>, vector<1x16xi32>,
    %get3A_167 = vector.shape_cast %get3A_166 : vector<1x16xi32> to vector<16xi32>
    %and3A_168 = arith.constant 131071 : i32
    %and3A_169 = vector.broadcast %and3A_168 : i32 to vector<16xi32>
    %and3A_170 = arith.andi %get3A_167, %and3A_169 : vector<16xi32>
    %swap3A_171 = arith.constant 0 : i32
    %swap3A_172 = arith.index_cast %swap3A_171 : i32 to index
    %swap3A_173 = arith.constant 80 : index
    %swap3A_174 = tpu.vector_load %arg8[%swap3A_172, %swap3A_173] {strides = array<i32>} : memref<4x128xi32, #tpu.memory_space<vmem>>, vector<1x16xi32>,
    %swap3A_175 = vector.shape_cast %swap3A_174 : vector<1x16xi32> to vector<16xi32>
    %swap3A_176 = vector.shape_cast %and3A_170 : vector<16xi32> to vector<1x16xi32>
    tpu.vector_store %arg8[%swap3A_172, %swap3A_173], %swap3A_176 {strides = array<i32>} : memref<4x128xi32, #tpu.memory_space<vmem>>, vector<1x16xi32>,
    %get3A_177 = arith.constant 0 : i32
    %get3A_178 = arith.index_cast %get3A_177 : i32 to index
    %get3A_179 = arith.constant 80 : index
    %get3A_180 = tpu.vector_load %arg9[%get3A_178, %get3A_179] {strides = array<i32>} : memref<4x128xi32, #tpu.memory_space<vmem>>, vector<1x16xi32>,
    %get3A_181 = vector.shape_cast %get3A_180 : vector<1x16xi32> to vector<16xi32>
    %and3A_182 = arith.constant 131071 : i32
    %and3A_183 = vector.broadcast %and3A_182 : i32 to vector<16xi32>
    %and3A_184 = arith.andi %get3A_181, %and3A_183 : vector<16xi32>
    %swap3A_185 = arith.constant 0 : i32
    %swap3A_186 = arith.index_cast %swap3A_185 : i32 to index
    %swap3A_187 = arith.constant 80 : index
    %swap3A_188 = tpu.vector_load %arg9[%swap3A_186, %swap3A_187] {strides = array<i32>} : memref<4x128xi32, #tpu.memory_space<vmem>>, vector<1x16xi32>,
    %swap3A_189 = vector.shape_cast %swap3A_188 : vector<1x16xi32> to vector<16xi32>
    %swap3A_190 = vector.shape_cast %and3A_184 : vector<16xi32> to vector<1x16xi32>
    tpu.vector_store %arg9[%swap3A_186, %swap3A_187], %swap3A_190 {strides = array<i32>} : memref<4x128xi32, #tpu.memory_space<vmem>>, vector<1x16xi32>,
    %get3A_191 = arith.constant 0 : i32
    %get3A_192 = arith.index_cast %get3A_191 : i32 to index
    %get3A_193 = arith.constant 96 : index
    %get3A_194 = tpu.vector_load %arg8[%get3A_192, %get3A_193] {strides = array<i32>} : memref<4x128xi32, #tpu.memory_space<vmem>>, vector<1x16xi32>,
    %get3A_195 = vector.shape_cast %get3A_194 : vector<1x16xi32> to vector<16xi32>
    %and3A_196 = arith.constant 131071 : i32
    %and3A_197 = vector.broadcast %and3A_196 : i32 to vector<16xi32>
    %and3A_198 = arith.andi %get3A_195, %and3A_197 : vector<16xi32>
    %swap3A_199 = arith.constant 0 : i32
    %swap3A_200 = arith.index_cast %swap3A_199 : i32 to index
    %swap3A_201 = arith.constant 96 : index
    %swap3A_202 = tpu.vector_load %arg8[%swap3A_200, %swap3A_201] {strides = array<i32>} : memref<4x128xi32, #tpu.memory_space<vmem>>, vector<1x16xi32>,
    %swap3A_203 = vector.shape_cast %swap3A_202 : vector<1x16xi32> to vector<16xi32>
    %swap3A_204 = vector.shape_cast %and3A_198 : vector<16xi32> to vector<1x16xi32>
    tpu.vector_store %arg8[%swap3A_200, %swap3A_201], %swap3A_204 {strides = array<i32>} : memref<4x128xi32, #tpu.memory_space<vmem>>, vector<1x16xi32>,
    %get3A_205 = arith.constant 0 : i32
    %get3A_206 = arith.index_cast %get3A_205 : i32 to index
    %get3A_207 = arith.constant 96 : index
    %get3A_208 = tpu.vector_load %arg9[%get3A_206, %get3A_207] {strides = array<i32>} : memref<4x128xi32, #tpu.memory_space<vmem>>, vector<1x16xi32>,
    %get3A_209 = vector.shape_cast %get3A_208 : vector<1x16xi32> to vector<16xi32>
    %and3A_210 = arith.constant 131071 : i32
    %and3A_211 = vector.broadcast %and3A_210 : i32 to vector<16xi32>
    %and3A_212 = arith.andi %get3A_209, %and3A_211 : vector<16xi32>
    %swap3A_213 = arith.constant 0 : i32
    %swap3A_214 = arith.index_cast %swap3A_213 : i32 to index
    %swap3A_215 = arith.constant 96 : index
    %swap3A_216 = tpu.vector_load %arg9[%swap3A_214, %swap3A_215] {strides = array<i32>} : memref<4x128xi32, #tpu.memory_space<vmem>>, vector<1x16xi32>,
    %swap3A_217 = vector.shape_cast %swap3A_216 : vector<1x16xi32> to vector<16xi32>
    %swap3A_218 = vector.shape_cast %and3A_212 : vector<16xi32> to vector<1x16xi32>
    tpu.vector_store %arg9[%swap3A_214, %swap3A_215], %swap3A_218 {strides = array<i32>} : memref<4x128xi32, #tpu.memory_space<vmem>>, vector<1x16xi32>,
    %get3A_219 = arith.constant 0 : i32
    %get3A_220 = arith.index_cast %get3A_219 : i32 to index
    %get3A_221 = arith.constant 112 : index
    %get3A_222 = tpu.vector_load %arg8[%get3A_220, %get3A_221] {strides = array<i32>} : memref<4x128xi32, #tpu.memory_space<vmem>>, vector<1x16xi32>,
    %get3A_223 = vector.shape_cast %get3A_222 : vector<1x16xi32> to vector<16xi32>
    %and3A_224 = arith.constant 131071 : i32
    %and3A_225 = vector.broadcast %and3A_224 : i32 to vector<16xi32>
    %and3A_226 = arith.andi %get3A_223, %and3A_225 : vector<16xi32>
    %swap3A_227 = arith.constant 0 : i32
    %swap3A_228 = arith.index_cast %swap3A_227 : i32 to index
    %swap3A_229 = arith.constant 112 : index
    %swap3A_230 = tpu.vector_load %arg8[%swap3A_228, %swap3A_229] {strides = array<i32>} : memref<4x128xi32, #tpu.memory_space<vmem>>, vector<1x16xi32>,
    %swap3A_231 = vector.shape_cast %swap3A_230 : vector<1x16xi32> to vector<16xi32>
    %swap3A_232 = vector.shape_cast %and3A_226 : vector<16xi32> to vector<1x16xi32>
    tpu.vector_store %arg8[%swap3A_228, %swap3A_229], %swap3A_232 {strides = array<i32>} : memref<4x128xi32, #tpu.memory_space<vmem>>, vector<1x16xi32>,
    %get3A_233 = arith.constant 0 : i32
    %get3A_234 = arith.index_cast %get3A_233 : i32 to index
    %get3A_235 = arith.constant 112 : index
    %get3A_236 = tpu.vector_load %arg9[%get3A_234, %get3A_235] {strides = array<i32>} : memref<4x128xi32, #tpu.memory_space<vmem>>, vector<1x16xi32>,
    %get3A_237 = vector.shape_cast %get3A_236 : vector<1x16xi32> to vector<16xi32>
    %and3A_238 = arith.constant 131071 : i32
    %and3A_239 = vector.broadcast %and3A_238 : i32 to vector<16xi32>
    %and3A_240 = arith.andi %get3A_237, %and3A_239 : vector<16xi32>
    %swap3A_241 = arith.constant 0 : i32
    %swap3A_242 = arith.index_cast %swap3A_241 : i32 to index
    %swap3A_243 = arith.constant 112 : index
    %swap3A_244 = tpu.vector_load %arg9[%swap3A_242, %swap3A_243] {strides = array<i32>} : memref<4x128xi32, #tpu.memory_space<vmem>>, vector<1x16xi32>,
    %swap3A_245 = vector.shape_cast %swap3A_244 : vector<1x16xi32> to vector<16xi32>
    %swap3A_246 = vector.shape_cast %and3A_240 : vector<16xi32> to vector<1x16xi32>
    tpu.vector_store %arg9[%swap3A_242, %swap3A_243], %swap3A_246 {strides = array<i32>} : memref<4x128xi32, #tpu.memory_space<vmem>>, vector<1x16xi32>,
    %get3A_247 = arith.constant 1 : i32
    %get3A_248 = arith.index_cast %get3A_247 : i32 to index
    %get3A_249 = arith.constant 0 : index
    %get3A_250 = tpu.vector_load %arg8[%get3A_248, %get3A_249] {strides = array<i32>} : memref<4x128xi32, #tpu.memory_space<vmem>>, vector<1x16xi32>,
    %get3A_251 = vector.shape_cast %get3A_250 : vector<1x16xi32> to vector<16xi32>
    %and3A_252 = arith.constant 131071 : i32
    %and3A_253 = vector.broadcast %and3A_252 : i32 to vector<16xi32>
    %and3A_254 = arith.andi %get3A_251, %and3A_253 : vector<16xi32>
    %swap3A_255 = arith.constant 1 : i32
    %swap3A_256 = arith.index_cast %swap3A_255 : i32 to index
    %swap3A_257 = arith.constant 0 : index
    %swap3A_258 = tpu.vector_load %arg8[%swap3A_256, %swap3A_257] {strides = array<i32>} : memref<4x128xi32, #tpu.memory_space<vmem>>, vector<1x16xi32>,
    %swap3A_259 = vector.shape_cast %swap3A_258 : vector<1x16xi32> to vector<16xi32>
    %swap3A_260 = vector.shape_cast %and3A_254 : vector<16xi32> to vector<1x16xi32>
    tpu.vector_store %arg8[%swap3A_256, %swap3A_257], %swap3A_260 {strides = array<i32>} : memref<4x128xi32, #tpu.memory_space<vmem>>, vector<1x16xi32>,
    %get3A_261 = arith.constant 1 : i32
    %get3A_262 = arith.index_cast %get3A_261 : i32 to index
    %get3A_263 = arith.constant 0 : index
    %get3A_264 = tpu.vector_load %arg9[%get3A_262, %get3A_263] {strides = array<i32>} : memref<4x128xi32, #tpu.memory_space<vmem>>, vector<1x16xi32>,
    %get3A_265 = vector.shape_cast %get3A_264 : vector<1x16xi32> to vector<16xi32>
    %and3A_266 = arith.constant 131071 : i32
    %and3A_267 = vector.broadcast %and3A_266 : i32 to vector<16xi32>
    %and3A_268 = arith.andi %get3A_265, %and3A_267 : vector<16xi32>
    %swap3A_269 = arith.constant 1 : i32
    %swap3A_270 = arith.index_cast %swap3A_269 : i32 to index
    %swap3A_271 = arith.constant 0 : index
    %swap3A_272 = tpu.vector_load %arg9[%swap3A_270, %swap3A_271] {strides = array<i32>} : memref<4x128xi32, #tpu.memory_space<vmem>>, vector<1x16xi32>,
    %swap3A_273 = vector.shape_cast %swap3A_272 : vector<1x16xi32> to vector<16xi32>
    %swap3A_274 = vector.shape_cast %and3A_268 : vector<16xi32> to vector<1x16xi32>
    tpu.vector_store %arg9[%swap3A_270, %swap3A_271], %swap3A_274 {strides = array<i32>} : memref<4x128xi32, #tpu.memory_space<vmem>>, vector<1x16xi32>,
    %get3A_275 = arith.constant 1 : i32
    %get3A_276 = arith.index_cast %get3A_275 : i32 to index
    %get3A_277 = arith.constant 16 : index
    %get3A_278 = tpu.vector_load %arg8[%get3A_276, %get3A_277] {strides = array<i32>} : memref<4x128xi32, #tpu.memory_space<vmem>>, vector<1x16xi32>,
    %get3A_279 = vector.shape_cast %get3A_278 : vector<1x16xi32> to vector<16xi32>
    %and3A_280 = arith.constant 131071 : i32
    %and3A_281 = vector.broadcast %and3A_280 : i32 to vector<16xi32>
    %and3A_282 = arith.andi %get3A_279, %and3A_281 : vector<16xi32>
    %swap3A_283 = arith.constant 1 : i32
    %swap3A_284 = arith.index_cast %swap3A_283 : i32 to index
    %swap3A_285 = arith.constant 16 : index
    %swap3A_286 = tpu.vector_load %arg8[%swap3A_284, %swap3A_285] {strides = array<i32>} : memref<4x128xi32, #tpu.memory_space<vmem>>, vector<1x16xi32>,
    %swap3A_287 = vector.shape_cast %swap3A_286 : vector<1x16xi32> to vector<16xi32>
    %swap3A_288 = vector.shape_cast %and3A_282 : vector<16xi32> to vector<1x16xi32>
    tpu.vector_store %arg8[%swap3A_284, %swap3A_285], %swap3A_288 {strides = array<i32>} : memref<4x128xi32, #tpu.memory_space<vmem>>, vector<1x16xi32>,
    %get3A_289 = arith.constant 1 : i32
    %get3A_290 = arith.index_cast %get3A_289 : i32 to index
    %get3A_291 = arith.constant 16 : index
    %get3A_292 = tpu.vector_load %arg9[%get3A_290, %get3A_291] {strides = array<i32>} : memref<4x128xi32, #tpu.memory_space<vmem>>, vector<1x16xi32>,
    %get3A_293 = vector.shape_cast %get3A_292 : vector<1x16xi32> to vector<16xi32>
    %and3A_294 = arith.constant 131071 : i32
    %and3A_295 = vector.broadcast %and3A_294 : i32 to vector<16xi32>
    %and3A_296 = arith.andi %get3A_293, %and3A_295 : vector<16xi32>
    %swap3A_297 = arith.constant 1 : i32
    %swap3A_298 = arith.index_cast %swap3A_297 : i32 to index
    %swap3A_299 = arith.constant 16 : index
    %swap3A_300 = tpu.vector_load %arg9[%swap3A_298, %swap3A_299] {strides = array<i32>} : memref<4x128xi32, #tpu.memory_space<vmem>>, vector<1x16xi32>,
    %swap3A_301 = vector.shape_cast %swap3A_300 : vector<1x16xi32> to vector<16xi32>
    %swap3A_302 = vector.shape_cast %and3A_296 : vector<16xi32> to vector<1x16xi32>
    tpu.vector_store %arg9[%swap3A_298, %swap3A_299], %swap3A_302 {strides = array<i32>} : memref<4x128xi32, #tpu.memory_space<vmem>>, vector<1x16xi32>,
    %get3A_303 = arith.constant 1 : i32
    %get3A_304 = arith.index_cast %get3A_303 : i32 to index
    %get3A_305 = arith.constant 32 : index
    %get3A_306 = tpu.vector_load %arg8[%get3A_304, %get3A_305] {strides = array<i32>} : memref<4x128xi32, #tpu.memory_space<vmem>>, vector<1x16xi32>,
    %get3A_307 = vector.shape_cast %get3A_306 : vector<1x16xi32> to vector<16xi32>
    %and3A_308 = arith.constant 131071 : i32
    %and3A_309 = vector.broadcast %and3A_308 : i32 to vector<16xi32>
    %and3A_310 = arith.andi %get3A_307, %and3A_309 : vector<16xi32>
    %swap3A_311 = arith.constant 1 : i32
    %swap3A_312 = arith.index_cast %swap3A_311 : i32 to index
    %swap3A_313 = arith.constant 32 : index
    %swap3A_314 = tpu.vector_load %arg8[%swap3A_312, %swap3A_313] {strides = array<i32>} : memref<4x128xi32, #tpu.memory_space<vmem>>, vector<1x16xi32>,
    %swap3A_315 = vector.shape_cast %swap3A_314 : vector<1x16xi32> to vector<16xi32>
    %swap3A_316 = vector.shape_cast %and3A_310 : vector<16xi32> to vector<1x16xi32>
    tpu.vector_store %arg8[%swap3A_312, %swap3A_313], %swap3A_316 {strides = array<i32>} : memref<4x128xi32, #tpu.memory_space<vmem>>, vector<1x16xi32>,
    %get3A_317 = arith.constant 1 : i32
    %get3A_318 = arith.index_cast %get3A_317 : i32 to index
    %get3A_319 = arith.constant 32 : index
    %get3A_320 = tpu.vector_load %arg9[%get3A_318, %get3A_319] {strides = array<i32>} : memref<4x128xi32, #tpu.memory_space<vmem>>, vector<1x16xi32>,
    %get3A_321 = vector.shape_cast %get3A_320 : vector<1x16xi32> to vector<16xi32>
    %and3A_322 = arith.constant 131071 : i32
    %and3A_323 = vector.broadcast %and3A_322 : i32 to vector<16xi32>
    %and3A_324 = arith.andi %get3A_321, %and3A_323 : vector<16xi32>
    %swap3A_325 = arith.constant 1 : i32
    %swap3A_326 = arith.index_cast %swap3A_325 : i32 to index
    %swap3A_327 = arith.constant 32 : index
    %swap3A_328 = tpu.vector_load %arg9[%swap3A_326, %swap3A_327] {strides = array<i32>} : memref<4x128xi32, #tpu.memory_space<vmem>>, vector<1x16xi32>,
    %swap3A_329 = vector.shape_cast %swap3A_328 : vector<1x16xi32> to vector<16xi32>
    %swap3A_330 = vector.shape_cast %and3A_324 : vector<16xi32> to vector<1x16xi32>
    tpu.vector_store %arg9[%swap3A_326, %swap3A_327], %swap3A_330 {strides = array<i32>} : memref<4x128xi32, #tpu.memory_space<vmem>>, vector<1x16xi32>,
    %get3A_331 = arith.constant 1 : i32
    %get3A_332 = arith.index_cast %get3A_331 : i32 to index
    %get3A_333 = arith.constant 48 : index
    %get3A_334 = tpu.vector_load %arg8[%get3A_332, %get3A_333] {strides = array<i32>} : memref<4x128xi32, #tpu.memory_space<vmem>>, vector<1x16xi32>,
    %get3A_335 = vector.shape_cast %get3A_334 : vector<1x16xi32> to vector<16xi32>
    %and3A_336 = arith.constant 131071 : i32
    %and3A_337 = vector.broadcast %and3A_336 : i32 to vector<16xi32>
    %and3A_338 = arith.andi %get3A_335, %and3A_337 : vector<16xi32>
    %swap3A_339 = arith.constant 1 : i32
    %swap3A_340 = arith.index_cast %swap3A_339 : i32 to index
    %swap3A_341 = arith.constant 48 : index
    %swap3A_342 = tpu.vector_load %arg8[%swap3A_340, %swap3A_341] {strides = array<i32>} : memref<4x128xi32, #tpu.memory_space<vmem>>, vector<1x16xi32>,
    %swap3A_343 = vector.shape_cast %swap3A_342 : vector<1x16xi32> to vector<16xi32>
    %swap3A_344 = vector.shape_cast %and3A_338 : vector<16xi32> to vector<1x16xi32>
    tpu.vector_store %arg8[%swap3A_340, %swap3A_341], %swap3A_344 {strides = array<i32>} : memref<4x128xi32, #tpu.memory_space<vmem>>, vector<1x16xi32>,
    %get3A_345 = arith.constant 1 : i32
    %get3A_346 = arith.index_cast %get3A_345 : i32 to index
    %get3A_347 = arith.constant 48 : index
    %get3A_348 = tpu.vector_load %arg9[%get3A_346, %get3A_347] {strides = array<i32>} : memref<4x128xi32, #tpu.memory_space<vmem>>, vector<1x16xi32>,
    %get3A_349 = vector.shape_cast %get3A_348 : vector<1x16xi32> to vector<16xi32>
    %and3A_350 = arith.constant 131071 : i32
    %and3A_351 = vector.broadcast %and3A_350 : i32 to vector<16xi32>
    %and3A_352 = arith.andi %get3A_349, %and3A_351 : vector<16xi32>
    %swap3A_353 = arith.constant 1 : i32
    %swap3A_354 = arith.index_cast %swap3A_353 : i32 to index
    %swap3A_355 = arith.constant 48 : index
    %swap3A_356 = tpu.vector_load %arg9[%swap3A_354, %swap3A_355] {strides = array<i32>} : memref<4x128xi32, #tpu.memory_space<vmem>>, vector<1x16xi32>,
    %swap3A_357 = vector.shape_cast %swap3A_356 : vector<1x16xi32> to vector<16xi32>
    %swap3A_358 = vector.shape_cast %and3A_352 : vector<16xi32> to vector<1x16xi32>
    tpu.vector_store %arg9[%swap3A_354, %swap3A_355], %swap3A_358 {strides = array<i32>} : memref<4x128xi32, #tpu.memory_space<vmem>>, vector<1x16xi32>,
    %get3A_359 = arith.constant 1 : i32
    %get3A_360 = arith.index_cast %get3A_359 : i32 to index
    %get3A_361 = arith.constant 64 : index
    %get3A_362 = tpu.vector_load %arg8[%get3A_360, %get3A_361] {strides = array<i32>} : memref<4x128xi32, #tpu.memory_space<vmem>>, vector<1x16xi32>,
    %get3A_363 = vector.shape_cast %get3A_362 : vector<1x16xi32> to vector<16xi32>
    %and3A_364 = arith.constant 131071 : i32
    %and3A_365 = vector.broadcast %and3A_364 : i32 to vector<16xi32>
    %and3A_366 = arith.andi %get3A_363, %and3A_365 : vector<16xi32>
    %swap3A_367 = arith.constant 1 : i32
    %swap3A_368 = arith.index_cast %swap3A_367 : i32 to index
    %swap3A_369 = arith.constant 64 : index
    %swap3A_370 = tpu.vector_load %arg8[%swap3A_368, %swap3A_369] {strides = array<i32>} : memref<4x128xi32, #tpu.memory_space<vmem>>, vector<1x16xi32>,
    %swap3A_371 = vector.shape_cast %swap3A_370 : vector<1x16xi32> to vector<16xi32>
    %swap3A_372 = vector.shape_cast %and3A_366 : vector<16xi32> to vector<1x16xi32>
    tpu.vector_store %arg8[%swap3A_368, %swap3A_369], %swap3A_372 {strides = array<i32>} : memref<4x128xi32, #tpu.memory_space<vmem>>, vector<1x16xi32>,
    %get3A_373 = arith.constant 1 : i32
    %get3A_374 = arith.index_cast %get3A_373 : i32 to index
    %get3A_375 = arith.constant 64 : index
    %get3A_376 = tpu.vector_load %arg9[%get3A_374, %get3A_375] {strides = array<i32>} : memref<4x128xi32, #tpu.memory_space<vmem>>, vector<1x16xi32>,
    %get3A_377 = vector.shape_cast %get3A_376 : vector<1x16xi32> to vector<16xi32>
    %and3A_378 = arith.constant 131071 : i32
    %and3A_379 = vector.broadcast %and3A_378 : i32 to vector<16xi32>
    %and3A_380 = arith.andi %get3A_377, %and3A_379 : vector<16xi32>
    %swap3A_381 = arith.constant 1 : i32
    %swap3A_382 = arith.index_cast %swap3A_381 : i32 to index
    %swap3A_383 = arith.constant 64 : index
    %swap3A_384 = tpu.vector_load %arg9[%swap3A_382, %swap3A_383] {strides = array<i32>} : memref<4x128xi32, #tpu.memory_space<vmem>>, vector<1x16xi32>,
    %swap3A_385 = vector.shape_cast %swap3A_384 : vector<1x16xi32> to vector<16xi32>
    %swap3A_386 = vector.shape_cast %and3A_380 : vector<16xi32> to vector<1x16xi32>
    tpu.vector_store %arg9[%swap3A_382, %swap3A_383], %swap3A_386 {strides = array<i32>} : memref<4x128xi32, #tpu.memory_space<vmem>>, vector<1x16xi32>,
    %get3A_387 = arith.constant 1 : i32
    %get3A_388 = arith.index_cast %get3A_387 : i32 to index
    %get3A_389 = arith.constant 80 : index
    %get3A_390 = tpu.vector_load %arg8[%get3A_388, %get3A_389] {strides = array<i32>} : memref<4x128xi32, #tpu.memory_space<vmem>>, vector<1x16xi32>,
    %get3A_391 = vector.shape_cast %get3A_390 : vector<1x16xi32> to vector<16xi32>
    %and3A_392 = arith.constant 131071 : i32
    %and3A_393 = vector.broadcast %and3A_392 : i32 to vector<16xi32>
    %and3A_394 = arith.andi %get3A_391, %and3A_393 : vector<16xi32>
    %swap3A_395 = arith.constant 1 : i32
    %swap3A_396 = arith.index_cast %swap3A_395 : i32 to index
    %swap3A_397 = arith.constant 80 : index
    %swap3A_398 = tpu.vector_load %arg8[%swap3A_396, %swap3A_397] {strides = array<i32>} : memref<4x128xi32, #tpu.memory_space<vmem>>, vector<1x16xi32>,
    %swap3A_399 = vector.shape_cast %swap3A_398 : vector<1x16xi32> to vector<16xi32>
    %swap3A_400 = vector.shape_cast %and3A_394 : vector<16xi32> to vector<1x16xi32>
    tpu.vector_store %arg8[%swap3A_396, %swap3A_397], %swap3A_400 {strides = array<i32>} : memref<4x128xi32, #tpu.memory_space<vmem>>, vector<1x16xi32>,
    %get3A_401 = arith.constant 1 : i32
    %get3A_402 = arith.index_cast %get3A_401 : i32 to index
    %get3A_403 = arith.constant 80 : index
    %get3A_404 = tpu.vector_load %arg9[%get3A_402, %get3A_403] {strides = array<i32>} : memref<4x128xi32, #tpu.memory_space<vmem>>, vector<1x16xi32>,
    %get3A_405 = vector.shape_cast %get3A_404 : vector<1x16xi32> to vector<16xi32>
    %and3A_406 = arith.constant 131071 : i32
    %and3A_407 = vector.broadcast %and3A_406 : i32 to vector<16xi32>
    %and3A_408 = arith.andi %get3A_405, %and3A_407 : vector<16xi32>
    %swap3A_409 = arith.constant 1 : i32
    %swap3A_410 = arith.index_cast %swap3A_409 : i32 to index
    %swap3A_411 = arith.constant 80 : index
    %swap3A_412 = tpu.vector_load %arg9[%swap3A_410, %swap3A_411] {strides = array<i32>} : memref<4x128xi32, #tpu.memory_space<vmem>>, vector<1x16xi32>,
    %swap3A_413 = vector.shape_cast %swap3A_412 : vector<1x16xi32> to vector<16xi32>
    %swap3A_414 = vector.shape_cast %and3A_408 : vector<16xi32> to vector<1x16xi32>
    tpu.vector_store %arg9[%swap3A_410, %swap3A_411], %swap3A_414 {strides = array<i32>} : memref<4x128xi32, #tpu.memory_space<vmem>>, vector<1x16xi32>,
    %get3A_415 = arith.constant 1 : i32
    %get3A_416 = arith.index_cast %get3A_415 : i32 to index
    %get3A_417 = arith.constant 96 : index
    %get3A_418 = tpu.vector_load %arg8[%get3A_416, %get3A_417] {strides = array<i32>} : memref<4x128xi32, #tpu.memory_space<vmem>>, vector<1x16xi32>,
    %get3A_419 = vector.shape_cast %get3A_418 : vector<1x16xi32> to vector<16xi32>
    %and3A_420 = arith.constant 131071 : i32
    %and3A_421 = vector.broadcast %and3A_420 : i32 to vector<16xi32>
    %and3A_422 = arith.andi %get3A_419, %and3A_421 : vector<16xi32>
    %swap3A_423 = arith.constant 1 : i32
    %swap3A_424 = arith.index_cast %swap3A_423 : i32 to index
    %swap3A_425 = arith.constant 96 : index
    %swap3A_426 = tpu.vector_load %arg8[%swap3A_424, %swap3A_425] {strides = array<i32>} : memref<4x128xi32, #tpu.memory_space<vmem>>, vector<1x16xi32>,
    %swap3A_427 = vector.shape_cast %swap3A_426 : vector<1x16xi32> to vector<16xi32>
    %swap3A_428 = vector.shape_cast %and3A_422 : vector<16xi32> to vector<1x16xi32>
    tpu.vector_store %arg8[%swap3A_424, %swap3A_425], %swap3A_428 {strides = array<i32>} : memref<4x128xi32, #tpu.memory_space<vmem>>, vector<1x16xi32>,
    %get3A_429 = arith.constant 1 : i32
    %get3A_430 = arith.index_cast %get3A_429 : i32 to index
    %get3A_431 = arith.constant 96 : index
    %get3A_432 = tpu.vector_load %arg9[%get3A_430, %get3A_431] {strides = array<i32>} : memref<4x128xi32, #tpu.memory_space<vmem>>, vector<1x16xi32>,
    %get3A_433 = vector.shape_cast %get3A_432 : vector<1x16xi32> to vector<16xi32>
    %and3A_434 = arith.constant 131071 : i32
    %and3A_435 = vector.broadcast %and3A_434 : i32 to vector<16xi32>
    %and3A_436 = arith.andi %get3A_433, %and3A_435 : vector<16xi32>
    %swap3A_437 = arith.constant 1 : i32
    %swap3A_438 = arith.index_cast %swap3A_437 : i32 to index
    %swap3A_439 = arith.constant 96 : index
    %swap3A_440 = tpu.vector_load %arg9[%swap3A_438, %swap3A_439] {strides = array<i32>} : memref<4x128xi32, #tpu.memory_space<vmem>>, vector<1x16xi32>,
    %swap3A_441 = vector.shape_cast %swap3A_440 : vector<1x16xi32> to vector<16xi32>
    %swap3A_442 = vector.shape_cast %and3A_436 : vector<16xi32> to vector<1x16xi32>
    tpu.vector_store %arg9[%swap3A_438, %swap3A_439], %swap3A_442 {strides = array<i32>} : memref<4x128xi32, #tpu.memory_space<vmem>>, vector<1x16xi32>,
    %get3A_443 = arith.constant 1 : i32
    %get3A_444 = arith.index_cast %get3A_443 : i32 to index
    %get3A_445 = arith.constant 112 : index
    %get3A_446 = tpu.vector_load %arg8[%get3A_444, %get3A_445] {strides = array<i32>} : memref<4x128xi32, #tpu.memory_space<vmem>>, vector<1x16xi32>,
    %get3A_447 = vector.shape_cast %get3A_446 : vector<1x16xi32> to vector<16xi32>
    %and3A_448 = arith.constant 131071 : i32
    %and3A_449 = vector.broadcast %and3A_448 : i32 to vector<16xi32>
    %and3A_450 = arith.andi %get3A_447, %and3A_449 : vector<16xi32>
    %swap3A_451 = arith.constant 1 : i32
    %swap3A_452 = arith.index_cast %swap3A_451 : i32 to index
    %swap3A_453 = arith.constant 112 : index
    %swap3A_454 = tpu.vector_load %arg8[%swap3A_452, %swap3A_453] {strides = array<i32>} : memref<4x128xi32, #tpu.memory_space<vmem>>, vector<1x16xi32>,
    %swap3A_455 = vector.shape_cast %swap3A_454 : vector<1x16xi32> to vector<16xi32>
    %swap3A_456 = vector.shape_cast %and3A_450 : vector<16xi32> to vector<1x16xi32>
    tpu.vector_store %arg8[%swap3A_452, %swap3A_453], %swap3A_456 {strides = array<i32>} : memref<4x128xi32, #tpu.memory_space<vmem>>, vector<1x16xi32>,
    %get3A_457 = arith.constant 1 : i32
    %get3A_458 = arith.index_cast %get3A_457 : i32 to index
    %get3A_459 = arith.constant 112 : index
    %get3A_460 = tpu.vector_load %arg9[%get3A_458, %get3A_459] {strides = array<i32>} : memref<4x128xi32, #tpu.memory_space<vmem>>, vector<1x16xi32>,
    %get3A_461 = vector.shape_cast %get3A_460 : vector<1x16xi32> to vector<16xi32>
    %and3A_462 = arith.constant 131071 : i32
    %and3A_463 = vector.broadcast %and3A_462 : i32 to vector<16xi32>
    %and3A_464 = arith.andi %get3A_461, %and3A_463 : vector<16xi32>
    %swap3A_465 = arith.constant 1 : i32
    %swap3A_466 = arith.index_cast %swap3A_465 : i32 to index
    %swap3A_467 = arith.constant 112 : index
    %swap3A_468 = tpu.vector_load %arg9[%swap3A_466, %swap3A_467] {strides = array<i32>} : memref<4x128xi32, #tpu.memory_space<vmem>>, vector<1x16xi32>,
    %swap3A_469 = vector.shape_cast %swap3A_468 : vector<1x16xi32> to vector<16xi32>
    %swap3A_470 = vector.shape_cast %and3A_464 : vector<16xi32> to vector<1x16xi32>
    tpu.vector_store %arg9[%swap3A_466, %swap3A_467], %swap3A_470 {strides = array<i32>} : memref<4x128xi32, #tpu.memory_space<vmem>>, vector<1x16xi32>,
    %get3A_471 = arith.constant 2 : i32
    %get3A_472 = arith.index_cast %get3A_471 : i32 to index
    %get3A_473 = arith.constant 0 : index
    %get3A_474 = tpu.vector_load %arg8[%get3A_472, %get3A_473] {strides = array<i32>} : memref<4x128xi32, #tpu.memory_space<vmem>>, vector<1x16xi32>,
    %get3A_475 = vector.shape_cast %get3A_474 : vector<1x16xi32> to vector<16xi32>
    %and3A_476 = arith.constant 131071 : i32
    %and3A_477 = vector.broadcast %and3A_476 : i32 to vector<16xi32>
    %and3A_478 = arith.andi %get3A_475, %and3A_477 : vector<16xi32>
    %swap3A_479 = arith.constant 2 : i32
    %swap3A_480 = arith.index_cast %swap3A_479 : i32 to index
    %swap3A_481 = arith.constant 0 : index
    %swap3A_482 = tpu.vector_load %arg8[%swap3A_480, %swap3A_481] {strides = array<i32>} : memref<4x128xi32, #tpu.memory_space<vmem>>, vector<1x16xi32>,
    %swap3A_483 = vector.shape_cast %swap3A_482 : vector<1x16xi32> to vector<16xi32>
    %swap3A_484 = vector.shape_cast %and3A_478 : vector<16xi32> to vector<1x16xi32>
    tpu.vector_store %arg8[%swap3A_480, %swap3A_481], %swap3A_484 {strides = array<i32>} : memref<4x128xi32, #tpu.memory_space<vmem>>, vector<1x16xi32>,
    %get3A_485 = arith.constant 2 : i32
    %get3A_486 = arith.index_cast %get3A_485 : i32 to index
    %get3A_487 = arith.constant 0 : index
    %get3A_488 = tpu.vector_load %arg9[%get3A_486, %get3A_487] {strides = array<i32>} : memref<4x128xi32, #tpu.memory_space<vmem>>, vector<1x16xi32>,
    %get3A_489 = vector.shape_cast %get3A_488 : vector<1x16xi32> to vector<16xi32>
    %and3A_490 = arith.constant 131071 : i32
    %and3A_491 = vector.broadcast %and3A_490 : i32 to vector<16xi32>
    %and3A_492 = arith.andi %get3A_489, %and3A_491 : vector<16xi32>
    %swap3A_493 = arith.constant 2 : i32
    %swap3A_494 = arith.index_cast %swap3A_493 : i32 to index
    %swap3A_495 = arith.constant 0 : index
    %swap3A_496 = tpu.vector_load %arg9[%swap3A_494, %swap3A_495] {strides = array<i32>} : memref<4x128xi32, #tpu.memory_space<vmem>>, vector<1x16xi32>,
    %swap3A_497 = vector.shape_cast %swap3A_496 : vector<1x16xi32> to vector<16xi32>
    %swap3A_498 = vector.shape_cast %and3A_492 : vector<16xi32> to vector<1x16xi32>
    tpu.vector_store %arg9[%swap3A_494, %swap3A_495], %swap3A_498 {strides = array<i32>} : memref<4x128xi32, #tpu.memory_space<vmem>>, vector<1x16xi32>,
    %get3A_499 = arith.constant 2 : i32
    %get3A_500 = arith.index_cast %get3A_499 : i32 to index
    %get3A_501 = arith.constant 16 : index
    %get3A_502 = tpu.vector_load %arg8[%get3A_500, %get3A_501] {strides = array<i32>} : memref<4x128xi32, #tpu.memory_space<vmem>>, vector<1x16xi32>,
    %get3A_503 = vector.shape_cast %get3A_502 : vector<1x16xi32> to vector<16xi32>
    %and3A_504 = arith.constant 131071 : i32
    %and3A_505 = vector.broadcast %and3A_504 : i32 to vector<16xi32>
    %and3A_506 = arith.andi %get3A_503, %and3A_505 : vector<16xi32>
    %swap3A_507 = arith.constant 2 : i32
    %swap3A_508 = arith.index_cast %swap3A_507 : i32 to index
    %swap3A_509 = arith.constant 16 : index
    %swap3A_510 = tpu.vector_load %arg8[%swap3A_508, %swap3A_509] {strides = array<i32>} : memref<4x128xi32, #tpu.memory_space<vmem>>, vector<1x16xi32>,
    %swap3A_511 = vector.shape_cast %swap3A_510 : vector<1x16xi32> to vector<16xi32>
    %swap3A_512 = vector.shape_cast %and3A_506 : vector<16xi32> to vector<1x16xi32>
    tpu.vector_store %arg8[%swap3A_508, %swap3A_509], %swap3A_512 {strides = array<i32>} : memref<4x128xi32, #tpu.memory_space<vmem>>, vector<1x16xi32>,
    %get3A_513 = arith.constant 2 : i32
    %get3A_514 = arith.index_cast %get3A_513 : i32 to index
    %get3A_515 = arith.constant 16 : index
    %get3A_516 = tpu.vector_load %arg9[%get3A_514, %get3A_515] {strides = array<i32>} : memref<4x128xi32, #tpu.memory_space<vmem>>, vector<1x16xi32>,
    %get3A_517 = vector.shape_cast %get3A_516 : vector<1x16xi32> to vector<16xi32>
    %and3A_518 = arith.constant 131071 : i32
    %and3A_519 = vector.broadcast %and3A_518 : i32 to vector<16xi32>
    %and3A_520 = arith.andi %get3A_517, %and3A_519 : vector<16xi32>
    %swap3A_521 = arith.constant 2 : i32
    %swap3A_522 = arith.index_cast %swap3A_521 : i32 to index
    %swap3A_523 = arith.constant 16 : index
    %swap3A_524 = tpu.vector_load %arg9[%swap3A_522, %swap3A_523] {strides = array<i32>} : memref<4x128xi32, #tpu.memory_space<vmem>>, vector<1x16xi32>,
    %swap3A_525 = vector.shape_cast %swap3A_524 : vector<1x16xi32> to vector<16xi32>
    %swap3A_526 = vector.shape_cast %and3A_520 : vector<16xi32> to vector<1x16xi32>
    tpu.vector_store %arg9[%swap3A_522, %swap3A_523], %swap3A_526 {strides = array<i32>} : memref<4x128xi32, #tpu.memory_space<vmem>>, vector<1x16xi32>,
    %get3A_527 = arith.constant 2 : i32
    %get3A_528 = arith.index_cast %get3A_527 : i32 to index
    %get3A_529 = arith.constant 32 : index
    %get3A_530 = tpu.vector_load %arg8[%get3A_528, %get3A_529] {strides = array<i32>} : memref<4x128xi32, #tpu.memory_space<vmem>>, vector<1x16xi32>,
    %get3A_531 = vector.shape_cast %get3A_530 : vector<1x16xi32> to vector<16xi32>
    %and3A_532 = arith.constant 131071 : i32
    %and3A_533 = vector.broadcast %and3A_532 : i32 to vector<16xi32>
    %and3A_534 = arith.andi %get3A_531, %and3A_533 : vector<16xi32>
    %swap3A_535 = arith.constant 2 : i32
    %swap3A_536 = arith.index_cast %swap3A_535 : i32 to index
    %swap3A_537 = arith.constant 32 : index
    %swap3A_538 = tpu.vector_load %arg8[%swap3A_536, %swap3A_537] {strides = array<i32>} : memref<4x128xi32, #tpu.memory_space<vmem>>, vector<1x16xi32>,
    %swap3A_539 = vector.shape_cast %swap3A_538 : vector<1x16xi32> to vector<16xi32>
    %swap3A_540 = vector.shape_cast %and3A_534 : vector<16xi32> to vector<1x16xi32>
    tpu.vector_store %arg8[%swap3A_536, %swap3A_537], %swap3A_540 {strides = array<i32>} : memref<4x128xi32, #tpu.memory_space<vmem>>, vector<1x16xi32>,
    %get3A_541 = arith.constant 2 : i32
    %get3A_542 = arith.index_cast %get3A_541 : i32 to index
    %get3A_543 = arith.constant 32 : index
    %get3A_544 = tpu.vector_load %arg9[%get3A_542, %get3A_543] {strides = array<i32>} : memref<4x128xi32, #tpu.memory_space<vmem>>, vector<1x16xi32>,
    %get3A_545 = vector.shape_cast %get3A_544 : vector<1x16xi32> to vector<16xi32>
    %and3A_546 = arith.constant 131071 : i32
    %and3A_547 = vector.broadcast %and3A_546 : i32 to vector<16xi32>
    %and3A_548 = arith.andi %get3A_545, %and3A_547 : vector<16xi32>
    %swap3A_549 = arith.constant 2 : i32
    %swap3A_550 = arith.index_cast %swap3A_549 : i32 to index
    %swap3A_551 = arith.constant 32 : index
    %swap3A_552 = tpu.vector_load %arg9[%swap3A_550, %swap3A_551] {strides = array<i32>} : memref<4x128xi32, #tpu.memory_space<vmem>>, vector<1x16xi32>,
    %swap3A_553 = vector.shape_cast %swap3A_552 : vector<1x16xi32> to vector<16xi32>
    %swap3A_554 = vector.shape_cast %and3A_548 : vector<16xi32> to vector<1x16xi32>
    tpu.vector_store %arg9[%swap3A_550, %swap3A_551], %swap3A_554 {strides = array<i32>} : memref<4x128xi32, #tpu.memory_space<vmem>>, vector<1x16xi32>,
    %get3A_555 = arith.constant 2 : i32
    %get3A_556 = arith.index_cast %get3A_555 : i32 to index
    %get3A_557 = arith.constant 48 : index
    %get3A_558 = tpu.vector_load %arg8[%get3A_556, %get3A_557] {strides = array<i32>} : memref<4x128xi32, #tpu.memory_space<vmem>>, vector<1x16xi32>,
    %get3A_559 = vector.shape_cast %get3A_558 : vector<1x16xi32> to vector<16xi32>
    %and3A_560 = arith.constant 131071 : i32
    %and3A_561 = vector.broadcast %and3A_560 : i32 to vector<16xi32>
    %and3A_562 = arith.andi %get3A_559, %and3A_561 : vector<16xi32>
    %swap3A_563 = arith.constant 2 : i32
    %swap3A_564 = arith.index_cast %swap3A_563 : i32 to index
    %swap3A_565 = arith.constant 48 : index
    %swap3A_566 = tpu.vector_load %arg8[%swap3A_564, %swap3A_565] {strides = array<i32>} : memref<4x128xi32, #tpu.memory_space<vmem>>, vector<1x16xi32>,
    %swap3A_567 = vector.shape_cast %swap3A_566 : vector<1x16xi32> to vector<16xi32>
    %swap3A_568 = vector.shape_cast %and3A_562 : vector<16xi32> to vector<1x16xi32>
    tpu.vector_store %arg8[%swap3A_564, %swap3A_565], %swap3A_568 {strides = array<i32>} : memref<4x128xi32, #tpu.memory_space<vmem>>, vector<1x16xi32>,
    %get3A_569 = arith.constant 2 : i32
    %get3A_570 = arith.index_cast %get3A_569 : i32 to index
    %get3A_571 = arith.constant 48 : index
    %get3A_572 = tpu.vector_load %arg9[%get3A_570, %get3A_571] {strides = array<i32>} : memref<4x128xi32, #tpu.memory_space<vmem>>, vector<1x16xi32>,
    %get3A_573 = vector.shape_cast %get3A_572 : vector<1x16xi32> to vector<16xi32>
    %and3A_574 = arith.constant 131071 : i32
    %and3A_575 = vector.broadcast %and3A_574 : i32 to vector<16xi32>
    %and3A_576 = arith.andi %get3A_573, %and3A_575 : vector<16xi32>
    %swap3A_577 = arith.constant 2 : i32
    %swap3A_578 = arith.index_cast %swap3A_577 : i32 to index
    %swap3A_579 = arith.constant 48 : index
    %swap3A_580 = tpu.vector_load %arg9[%swap3A_578, %swap3A_579] {strides = array<i32>} : memref<4x128xi32, #tpu.memory_space<vmem>>, vector<1x16xi32>,
    %swap3A_581 = vector.shape_cast %swap3A_580 : vector<1x16xi32> to vector<16xi32>
    %swap3A_582 = vector.shape_cast %and3A_576 : vector<16xi32> to vector<1x16xi32>
    tpu.vector_store %arg9[%swap3A_578, %swap3A_579], %swap3A_582 {strides = array<i32>} : memref<4x128xi32, #tpu.memory_space<vmem>>, vector<1x16xi32>,
    %get3A_583 = arith.constant 2 : i32
    %get3A_584 = arith.index_cast %get3A_583 : i32 to index
    %get3A_585 = arith.constant 64 : index
    %get3A_586 = tpu.vector_load %arg8[%get3A_584, %get3A_585] {strides = array<i32>} : memref<4x128xi32, #tpu.memory_space<vmem>>, vector<1x16xi32>,
    %get3A_587 = vector.shape_cast %get3A_586 : vector<1x16xi32> to vector<16xi32>
    %and3A_588 = arith.constant 131071 : i32
    %and3A_589 = vector.broadcast %and3A_588 : i32 to vector<16xi32>
    %and3A_590 = arith.andi %get3A_587, %and3A_589 : vector<16xi32>
    %swap3A_591 = arith.constant 2 : i32
    %swap3A_592 = arith.index_cast %swap3A_591 : i32 to index
    %swap3A_593 = arith.constant 64 : index
    %swap3A_594 = tpu.vector_load %arg8[%swap3A_592, %swap3A_593] {strides = array<i32>} : memref<4x128xi32, #tpu.memory_space<vmem>>, vector<1x16xi32>,
    %swap3A_595 = vector.shape_cast %swap3A_594 : vector<1x16xi32> to vector<16xi32>
    %swap3A_596 = vector.shape_cast %and3A_590 : vector<16xi32> to vector<1x16xi32>
    tpu.vector_store %arg8[%swap3A_592, %swap3A_593], %swap3A_596 {strides = array<i32>} : memref<4x128xi32, #tpu.memory_space<vmem>>, vector<1x16xi32>,
    %get3A_597 = arith.constant 2 : i32
    %get3A_598 = arith.index_cast %get3A_597 : i32 to index
    %get3A_599 = arith.constant 64 : index
    %get3A_600 = tpu.vector_load %arg9[%get3A_598, %get3A_599] {strides = array<i32>} : memref<4x128xi32, #tpu.memory_space<vmem>>, vector<1x16xi32>,
    %get3A_601 = vector.shape_cast %get3A_600 : vector<1x16xi32> to vector<16xi32>
    %and3A_602 = arith.constant 131071 : i32
    %and3A_603 = vector.broadcast %and3A_602 : i32 to vector<16xi32>
    %and3A_604 = arith.andi %get3A_601, %and3A_603 : vector<16xi32>
    %swap3A_605 = arith.constant 2 : i32
    %swap3A_606 = arith.index_cast %swap3A_605 : i32 to index
    %swap3A_607 = arith.constant 64 : index
    %swap3A_608 = tpu.vector_load %arg9[%swap3A_606, %swap3A_607] {strides = array<i32>} : memref<4x128xi32, #tpu.memory_space<vmem>>, vector<1x16xi32>,
    %swap3A_609 = vector.shape_cast %swap3A_608 : vector<1x16xi32> to vector<16xi32>
    %swap3A_610 = vector.shape_cast %and3A_604 : vector<16xi32> to vector<1x16xi32>
    tpu.vector_store %arg9[%swap3A_606, %swap3A_607], %swap3A_610 {strides = array<i32>} : memref<4x128xi32, #tpu.memory_space<vmem>>, vector<1x16xi32>,
    %get3A_611 = arith.constant 2 : i32
    %get3A_612 = arith.index_cast %get3A_611 : i32 to index
    %get3A_613 = arith.constant 80 : index
    %get3A_614 = tpu.vector_load %arg8[%get3A_612, %get3A_613] {strides = array<i32>} : memref<4x128xi32, #tpu.memory_space<vmem>>, vector<1x16xi32>,
    %get3A_615 = vector.shape_cast %get3A_614 : vector<1x16xi32> to vector<16xi32>
    %and3A_616 = arith.constant 131071 : i32
    %and3A_617 = vector.broadcast %and3A_616 : i32 to vector<16xi32>
    %and3A_618 = arith.andi %get3A_615, %and3A_617 : vector<16xi32>
    %swap3A_619 = arith.constant 2 : i32
    %swap3A_620 = arith.index_cast %swap3A_619 : i32 to index
    %swap3A_621 = arith.constant 80 : index
    %swap3A_622 = tpu.vector_load %arg8[%swap3A_620, %swap3A_621] {strides = array<i32>} : memref<4x128xi32, #tpu.memory_space<vmem>>, vector<1x16xi32>,
    %swap3A_623 = vector.shape_cast %swap3A_622 : vector<1x16xi32> to vector<16xi32>
    %swap3A_624 = vector.shape_cast %and3A_618 : vector<16xi32> to vector<1x16xi32>
    tpu.vector_store %arg8[%swap3A_620, %swap3A_621], %swap3A_624 {strides = array<i32>} : memref<4x128xi32, #tpu.memory_space<vmem>>, vector<1x16xi32>,
    %get3A_625 = arith.constant 2 : i32
    %get3A_626 = arith.index_cast %get3A_625 : i32 to index
    %get3A_627 = arith.constant 80 : index
    %get3A_628 = tpu.vector_load %arg9[%get3A_626, %get3A_627] {strides = array<i32>} : memref<4x128xi32, #tpu.memory_space<vmem>>, vector<1x16xi32>,
    %get3A_629 = vector.shape_cast %get3A_628 : vector<1x16xi32> to vector<16xi32>
    %and3A_630 = arith.constant 131071 : i32
    %and3A_631 = vector.broadcast %and3A_630 : i32 to vector<16xi32>
    %and3A_632 = arith.andi %get3A_629, %and3A_631 : vector<16xi32>
    %swap3A_633 = arith.constant 2 : i32
    %swap3A_634 = arith.index_cast %swap3A_633 : i32 to index
    %swap3A_635 = arith.constant 80 : index
    %swap3A_636 = tpu.vector_load %arg9[%swap3A_634, %swap3A_635] {strides = array<i32>} : memref<4x128xi32, #tpu.memory_space<vmem>>, vector<1x16xi32>,
    %swap3A_637 = vector.shape_cast %swap3A_636 : vector<1x16xi32> to vector<16xi32>
    %swap3A_638 = vector.shape_cast %and3A_632 : vector<16xi32> to vector<1x16xi32>
    tpu.vector_store %arg9[%swap3A_634, %swap3A_635], %swap3A_638 {strides = array<i32>} : memref<4x128xi32, #tpu.memory_space<vmem>>, vector<1x16xi32>,
    %get3A_639 = arith.constant 2 : i32
    %get3A_640 = arith.index_cast %get3A_639 : i32 to index
    %get3A_641 = arith.constant 96 : index
    %get3A_642 = tpu.vector_load %arg8[%get3A_640, %get3A_641] {strides = array<i32>} : memref<4x128xi32, #tpu.memory_space<vmem>>, vector<1x16xi32>,
    %get3A_643 = vector.shape_cast %get3A_642 : vector<1x16xi32> to vector<16xi32>
    %and3A_644 = arith.constant 131071 : i32
    %and3A_645 = vector.broadcast %and3A_644 : i32 to vector<16xi32>
    %and3A_646 = arith.andi %get3A_643, %and3A_645 : vector<16xi32>
    %swap3A_647 = arith.constant 2 : i32
    %swap3A_648 = arith.index_cast %swap3A_647 : i32 to index
    %swap3A_649 = arith.constant 96 : index
    %swap3A_650 = tpu.vector_load %arg8[%swap3A_648, %swap3A_649] {strides = array<i32>} : memref<4x128xi32, #tpu.memory_space<vmem>>, vector<1x16xi32>,
    %swap3A_651 = vector.shape_cast %swap3A_650 : vector<1x16xi32> to vector<16xi32>
    %swap3A_652 = vector.shape_cast %and3A_646 : vector<16xi32> to vector<1x16xi32>
    tpu.vector_store %arg8[%swap3A_648, %swap3A_649], %swap3A_652 {strides = array<i32>} : memref<4x128xi32, #tpu.memory_space<vmem>>, vector<1x16xi32>,
    %get3A_653 = arith.constant 2 : i32
    %get3A_654 = arith.index_cast %get3A_653 : i32 to index
    %get3A_655 = arith.constant 96 : index
    %get3A_656 = tpu.vector_load %arg9[%get3A_654, %get3A_655] {strides = array<i32>} : memref<4x128xi32, #tpu.memory_space<vmem>>, vector<1x16xi32>,
    %get3A_657 = vector.shape_cast %get3A_656 : vector<1x16xi32> to vector<16xi32>
    %and3A_658 = arith.constant 131071 : i32
    %and3A_659 = vector.broadcast %and3A_658 : i32 to vector<16xi32>
    %and3A_660 = arith.andi %get3A_657, %and3A_659 : vector<16xi32>
    %swap3A_661 = arith.constant 2 : i32
    %swap3A_662 = arith.index_cast %swap3A_661 : i32 to index
    %swap3A_663 = arith.constant 96 : index
    %swap3A_664 = tpu.vector_load %arg9[%swap3A_662, %swap3A_663] {strides = array<i32>} : memref<4x128xi32, #tpu.memory_space<vmem>>, vector<1x16xi32>,
    %swap3A_665 = vector.shape_cast %swap3A_664 : vector<1x16xi32> to vector<16xi32>
    %swap3A_666 = vector.shape_cast %and3A_660 : vector<16xi32> to vector<1x16xi32>
    tpu.vector_store %arg9[%swap3A_662, %swap3A_663], %swap3A_666 {strides = array<i32>} : memref<4x128xi32, #tpu.memory_space<vmem>>, vector<1x16xi32>,
    %get3A_667 = arith.constant 2 : i32
    %get3A_668 = arith.index_cast %get3A_667 : i32 to index
    %get3A_669 = arith.constant 112 : index
    %get3A_670 = tpu.vector_load %arg8[%get3A_668, %get3A_669] {strides = array<i32>} : memref<4x128xi32, #tpu.memory_space<vmem>>, vector<1x16xi32>,
    %get3A_671 = vector.shape_cast %get3A_670 : vector<1x16xi32> to vector<16xi32>
    %and3A_672 = arith.constant 131071 : i32
    %and3A_673 = vector.broadcast %and3A_672 : i32 to vector<16xi32>
    %and3A_674 = arith.andi %get3A_671, %and3A_673 : vector<16xi32>
    %swap3A_675 = arith.constant 2 : i32
    %swap3A_676 = arith.index_cast %swap3A_675 : i32 to index
    %swap3A_677 = arith.constant 112 : index
    %swap3A_678 = tpu.vector_load %arg8[%swap3A_676, %swap3A_677] {strides = array<i32>} : memref<4x128xi32, #tpu.memory_space<vmem>>, vector<1x16xi32>,
    %swap3A_679 = vector.shape_cast %swap3A_678 : vector<1x16xi32> to vector<16xi32>
    %swap3A_680 = vector.shape_cast %and3A_674 : vector<16xi32> to vector<1x16xi32>
    tpu.vector_store %arg8[%swap3A_676, %swap3A_677], %swap3A_680 {strides = array<i32>} : memref<4x128xi32, #tpu.memory_space<vmem>>, vector<1x16xi32>,
    %get3A_681 = arith.constant 2 : i32
    %get3A_682 = arith.index_cast %get3A_681 : i32 to index
    %get3A_683 = arith.constant 112 : index
    %get3A_684 = tpu.vector_load %arg9[%get3A_682, %get3A_683] {strides = array<i32>} : memref<4x128xi32, #tpu.memory_space<vmem>>, vector<1x16xi32>,
    %get3A_685 = vector.shape_cast %get3A_684 : vector<1x16xi32> to vector<16xi32>
    %and3A_686 = arith.constant 131071 : i32
    %and3A_687 = vector.broadcast %and3A_686 : i32 to vector<16xi32>
    %and3A_688 = arith.andi %get3A_685, %and3A_687 : vector<16xi32>
    %swap3A_689 = arith.constant 2 : i32
    %swap3A_690 = arith.index_cast %swap3A_689 : i32 to index
    %swap3A_691 = arith.constant 112 : index
    %swap3A_692 = tpu.vector_load %arg9[%swap3A_690, %swap3A_691] {strides = array<i32>} : memref<4x128xi32, #tpu.memory_space<vmem>>, vector<1x16xi32>,
    %swap3A_693 = vector.shape_cast %swap3A_692 : vector<1x16xi32> to vector<16xi32>
    %swap3A_694 = vector.shape_cast %and3A_688 : vector<16xi32> to vector<1x16xi32>
    tpu.vector_store %arg9[%swap3A_690, %swap3A_691], %swap3A_694 {strides = array<i32>} : memref<4x128xi32, #tpu.memory_space<vmem>>, vector<1x16xi32>,
    %get3A_695 = arith.constant 3 : i32
    %get3A_696 = arith.index_cast %get3A_695 : i32 to index
    %get3A_697 = arith.constant 0 : index
    %get3A_698 = tpu.vector_load %arg8[%get3A_696, %get3A_697] {strides = array<i32>} : memref<4x128xi32, #tpu.memory_space<vmem>>, vector<1x16xi32>,
    %get3A_699 = vector.shape_cast %get3A_698 : vector<1x16xi32> to vector<16xi32>
    %and3A_700 = arith.constant 131071 : i32
    %and3A_701 = vector.broadcast %and3A_700 : i32 to vector<16xi32>
    %and3A_702 = arith.andi %get3A_699, %and3A_701 : vector<16xi32>
    %swap3A_703 = arith.constant 3 : i32
    %swap3A_704 = arith.index_cast %swap3A_703 : i32 to index
    %swap3A_705 = arith.constant 0 : index
    %swap3A_706 = tpu.vector_load %arg8[%swap3A_704, %swap3A_705] {strides = array<i32>} : memref<4x128xi32, #tpu.memory_space<vmem>>, vector<1x16xi32>,
    %swap3A_707 = vector.shape_cast %swap3A_706 : vector<1x16xi32> to vector<16xi32>
    %swap3A_708 = vector.shape_cast %and3A_702 : vector<16xi32> to vector<1x16xi32>
    tpu.vector_store %arg8[%swap3A_704, %swap3A_705], %swap3A_708 {strides = array<i32>} : memref<4x128xi32, #tpu.memory_space<vmem>>, vector<1x16xi32>,
    %get3A_709 = arith.constant 3 : i32
    %get3A_710 = arith.index_cast %get3A_709 : i32 to index
    %get3A_711 = arith.constant 0 : index
    %get3A_712 = tpu.vector_load %arg9[%get3A_710, %get3A_711] {strides = array<i32>} : memref<4x128xi32, #tpu.memory_space<vmem>>, vector<1x16xi32>,
    %get3A_713 = vector.shape_cast %get3A_712 : vector<1x16xi32> to vector<16xi32>
    %and3A_714 = arith.constant 131071 : i32
    %and3A_715 = vector.broadcast %and3A_714 : i32 to vector<16xi32>
    %and3A_716 = arith.andi %get3A_713, %and3A_715 : vector<16xi32>
    %swap3A_717 = arith.constant 3 : i32
    %swap3A_718 = arith.index_cast %swap3A_717 : i32 to index
    %swap3A_719 = arith.constant 0 : index
    %swap3A_720 = tpu.vector_load %arg9[%swap3A_718, %swap3A_719] {strides = array<i32>} : memref<4x128xi32, #tpu.memory_space<vmem>>, vector<1x16xi32>,
    %swap3A_721 = vector.shape_cast %swap3A_720 : vector<1x16xi32> to vector<16xi32>
    %swap3A_722 = vector.shape_cast %and3A_716 : vector<16xi32> to vector<1x16xi32>
    tpu.vector_store %arg9[%swap3A_718, %swap3A_719], %swap3A_722 {strides = array<i32>} : memref<4x128xi32, #tpu.memory_space<vmem>>, vector<1x16xi32>,
    %get3A_723 = arith.constant 3 : i32
    %get3A_724 = arith.index_cast %get3A_723 : i32 to index
    %get3A_725 = arith.constant 16 : index
    %get3A_726 = tpu.vector_load %arg8[%get3A_724, %get3A_725] {strides = array<i32>} : memref<4x128xi32, #tpu.memory_space<vmem>>, vector<1x16xi32>,
    %get3A_727 = vector.shape_cast %get3A_726 : vector<1x16xi32> to vector<16xi32>
    %and3A_728 = arith.constant 131071 : i32
    %and3A_729 = vector.broadcast %and3A_728 : i32 to vector<16xi32>
    %and3A_730 = arith.andi %get3A_727, %and3A_729 : vector<16xi32>
    %swap3A_731 = arith.constant 3 : i32
    %swap3A_732 = arith.index_cast %swap3A_731 : i32 to index
    %swap3A_733 = arith.constant 16 : index
    %swap3A_734 = tpu.vector_load %arg8[%swap3A_732, %swap3A_733] {strides = array<i32>} : memref<4x128xi32, #tpu.memory_space<vmem>>, vector<1x16xi32>,
    %swap3A_735 = vector.shape_cast %swap3A_734 : vector<1x16xi32> to vector<16xi32>
    %swap3A_736 = vector.shape_cast %and3A_730 : vector<16xi32> to vector<1x16xi32>
    tpu.vector_store %arg8[%swap3A_732, %swap3A_733], %swap3A_736 {strides = array<i32>} : memref<4x128xi32, #tpu.memory_space<vmem>>, vector<1x16xi32>,
    %get3A_737 = arith.constant 3 : i32
    %get3A_738 = arith.index_cast %get3A_737 : i32 to index
    %get3A_739 = arith.constant 16 : index
    %get3A_740 = tpu.vector_load %arg9[%get3A_738, %get3A_739] {strides = array<i32>} : memref<4x128xi32, #tpu.memory_space<vmem>>, vector<1x16xi32>,
    %get3A_741 = vector.shape_cast %get3A_740 : vector<1x16xi32> to vector<16xi32>
    %and3A_742 = arith.constant 131071 : i32
    %and3A_743 = vector.broadcast %and3A_742 : i32 to vector<16xi32>
    %and3A_744 = arith.andi %get3A_741, %and3A_743 : vector<16xi32>
    %swap3A_745 = arith.constant 3 : i32
    %swap3A_746 = arith.index_cast %swap3A_745 : i32 to index
    %swap3A_747 = arith.constant 16 : index
    %swap3A_748 = tpu.vector_load %arg9[%swap3A_746, %swap3A_747] {strides = array<i32>} : memref<4x128xi32, #tpu.memory_space<vmem>>, vector<1x16xi32>,
    %swap3A_749 = vector.shape_cast %swap3A_748 : vector<1x16xi32> to vector<16xi32>
    %swap3A_750 = vector.shape_cast %and3A_744 : vector<16xi32> to vector<1x16xi32>
    tpu.vector_store %arg9[%swap3A_746, %swap3A_747], %swap3A_750 {strides = array<i32>} : memref<4x128xi32, #tpu.memory_space<vmem>>, vector<1x16xi32>,
    %get3A_751 = arith.constant 3 : i32
    %get3A_752 = arith.index_cast %get3A_751 : i32 to index
    %get3A_753 = arith.constant 32 : index
    %get3A_754 = tpu.vector_load %arg8[%get3A_752, %get3A_753] {strides = array<i32>} : memref<4x128xi32, #tpu.memory_space<vmem>>, vector<1x16xi32>,
    %get3A_755 = vector.shape_cast %get3A_754 : vector<1x16xi32> to vector<16xi32>
    %and3A_756 = arith.constant 131071 : i32
    %and3A_757 = vector.broadcast %and3A_756 : i32 to vector<16xi32>
    %and3A_758 = arith.andi %get3A_755, %and3A_757 : vector<16xi32>
    %swap3A_759 = arith.constant 3 : i32
    %swap3A_760 = arith.index_cast %swap3A_759 : i32 to index
    %swap3A_761 = arith.constant 32 : index
    %swap3A_762 = tpu.vector_load %arg8[%swap3A_760, %swap3A_761] {strides = array<i32>} : memref<4x128xi32, #tpu.memory_space<vmem>>, vector<1x16xi32>,
    %swap3A_763 = vector.shape_cast %swap3A_762 : vector<1x16xi32> to vector<16xi32>
    %swap3A_764 = vector.shape_cast %and3A_758 : vector<16xi32> to vector<1x16xi32>
    tpu.vector_store %arg8[%swap3A_760, %swap3A_761], %swap3A_764 {strides = array<i32>} : memref<4x128xi32, #tpu.memory_space<vmem>>, vector<1x16xi32>,
    %get3A_765 = arith.constant 3 : i32
    %get3A_766 = arith.index_cast %get3A_765 : i32 to index
    %get3A_767 = arith.constant 32 : index
    %get3A_768 = tpu.vector_load %arg9[%get3A_766, %get3A_767] {strides = array<i32>} : memref<4x128xi32, #tpu.memory_space<vmem>>, vector<1x16xi32>,
    %get3A_769 = vector.shape_cast %get3A_768 : vector<1x16xi32> to vector<16xi32>
    %and3A_770 = arith.constant 131071 : i32
    %and3A_771 = vector.broadcast %and3A_770 : i32 to vector<16xi32>
    %and3A_772 = arith.andi %get3A_769, %and3A_771 : vector<16xi32>
    %swap3A_773 = arith.constant 3 : i32
    %swap3A_774 = arith.index_cast %swap3A_773 : i32 to index
    %swap3A_775 = arith.constant 32 : index
    %swap3A_776 = tpu.vector_load %arg9[%swap3A_774, %swap3A_775] {strides = array<i32>} : memref<4x128xi32, #tpu.memory_space<vmem>>, vector<1x16xi32>,
    %swap3A_777 = vector.shape_cast %swap3A_776 : vector<1x16xi32> to vector<16xi32>
    %swap3A_778 = vector.shape_cast %and3A_772 : vector<16xi32> to vector<1x16xi32>
    tpu.vector_store %arg9[%swap3A_774, %swap3A_775], %swap3A_778 {strides = array<i32>} : memref<4x128xi32, #tpu.memory_space<vmem>>, vector<1x16xi32>,
    %get3A_779 = arith.constant 3 : i32
    %get3A_780 = arith.index_cast %get3A_779 : i32 to index
    %get3A_781 = arith.constant 48 : index
    %get3A_782 = tpu.vector_load %arg8[%get3A_780, %get3A_781] {strides = array<i32>} : memref<4x128xi32, #tpu.memory_space<vmem>>, vector<1x16xi32>,
    %get3A_783 = vector.shape_cast %get3A_782 : vector<1x16xi32> to vector<16xi32>
    %and3A_784 = arith.constant 131071 : i32
    %and3A_785 = vector.broadcast %and3A_784 : i32 to vector<16xi32>
    %and3A_786 = arith.andi %get3A_783, %and3A_785 : vector<16xi32>
    %swap3A_787 = arith.constant 3 : i32
    %swap3A_788 = arith.index_cast %swap3A_787 : i32 to index
    %swap3A_789 = arith.constant 48 : index
    %swap3A_790 = tpu.vector_load %arg8[%swap3A_788, %swap3A_789] {strides = array<i32>} : memref<4x128xi32, #tpu.memory_space<vmem>>, vector<1x16xi32>,
    %swap3A_791 = vector.shape_cast %swap3A_790 : vector<1x16xi32> to vector<16xi32>
    %swap3A_792 = vector.shape_cast %and3A_786 : vector<16xi32> to vector<1x16xi32>
    tpu.vector_store %arg8[%swap3A_788, %swap3A_789], %swap3A_792 {strides = array<i32>} : memref<4x128xi32, #tpu.memory_space<vmem>>, vector<1x16xi32>,
    %get3A_793 = arith.constant 3 : i32
    %get3A_794 = arith.index_cast %get3A_793 : i32 to index
    %get3A_795 = arith.constant 48 : index
    %get3A_796 = tpu.vector_load %arg9[%get3A_794, %get3A_795] {strides = array<i32>} : memref<4x128xi32, #tpu.memory_space<vmem>>, vector<1x16xi32>,
    %get3A_797 = vector.shape_cast %get3A_796 : vector<1x16xi32> to vector<16xi32>
    %and3A_798 = arith.constant 131071 : i32
    %and3A_799 = vector.broadcast %and3A_798 : i32 to vector<16xi32>
    %and3A_800 = arith.andi %get3A_797, %and3A_799 : vector<16xi32>
    %swap3A_801 = arith.constant 3 : i32
    %swap3A_802 = arith.index_cast %swap3A_801 : i32 to index
    %swap3A_803 = arith.constant 48 : index
    %swap3A_804 = tpu.vector_load %arg9[%swap3A_802, %swap3A_803] {strides = array<i32>} : memref<4x128xi32, #tpu.memory_space<vmem>>, vector<1x16xi32>,
    %swap3A_805 = vector.shape_cast %swap3A_804 : vector<1x16xi32> to vector<16xi32>
    %swap3A_806 = vector.shape_cast %and3A_800 : vector<16xi32> to vector<1x16xi32>
    tpu.vector_store %arg9[%swap3A_802, %swap3A_803], %swap3A_806 {strides = array<i32>} : memref<4x128xi32, #tpu.memory_space<vmem>>, vector<1x16xi32>,
    %get3A_807 = arith.constant 3 : i32
    %get3A_808 = arith.index_cast %get3A_807 : i32 to index
    %get3A_809 = arith.constant 64 : index
    %get3A_810 = tpu.vector_load %arg8[%get3A_808, %get3A_809] {strides = array<i32>} : memref<4x128xi32, #tpu.memory_space<vmem>>, vector<1x16xi32>,
    %get3A_811 = vector.shape_cast %get3A_810 : vector<1x16xi32> to vector<16xi32>
    %and3A_812 = arith.constant 131071 : i32
    %and3A_813 = vector.broadcast %and3A_812 : i32 to vector<16xi32>
    %and3A_814 = arith.andi %get3A_811, %and3A_813 : vector<16xi32>
    %swap3A_815 = arith.constant 3 : i32
    %swap3A_816 = arith.index_cast %swap3A_815 : i32 to index
    %swap3A_817 = arith.constant 64 : index
    %swap3A_818 = tpu.vector_load %arg8[%swap3A_816, %swap3A_817] {strides = array<i32>} : memref<4x128xi32, #tpu.memory_space<vmem>>, vector<1x16xi32>,
    %swap3A_819 = vector.shape_cast %swap3A_818 : vector<1x16xi32> to vector<16xi32>
    %swap3A_820 = vector.shape_cast %and3A_814 : vector<16xi32> to vector<1x16xi32>
    tpu.vector_store %arg8[%swap3A_816, %swap3A_817], %swap3A_820 {strides = array<i32>} : memref<4x128xi32, #tpu.memory_space<vmem>>, vector<1x16xi32>,
    %get3A_821 = arith.constant 3 : i32
    %get3A_822 = arith.index_cast %get3A_821 : i32 to index
    %get3A_823 = arith.constant 64 : index
    %get3A_824 = tpu.vector_load %arg9[%get3A_822, %get3A_823] {strides = array<i32>} : memref<4x128xi32, #tpu.memory_space<vmem>>, vector<1x16xi32>,
    %get3A_825 = vector.shape_cast %get3A_824 : vector<1x16xi32> to vector<16xi32>
    %and3A_826 = arith.constant 131071 : i32
    %and3A_827 = vector.broadcast %and3A_826 : i32 to vector<16xi32>
    %and3A_828 = arith.andi %get3A_825, %and3A_827 : vector<16xi32>
    %swap3A_829 = arith.constant 3 : i32
    %swap3A_830 = arith.index_cast %swap3A_829 : i32 to index
    %swap3A_831 = arith.constant 64 : index
    %swap3A_832 = tpu.vector_load %arg9[%swap3A_830, %swap3A_831] {strides = array<i32>} : memref<4x128xi32, #tpu.memory_space<vmem>>, vector<1x16xi32>,
    %swap3A_833 = vector.shape_cast %swap3A_832 : vector<1x16xi32> to vector<16xi32>
    %swap3A_834 = vector.shape_cast %and3A_828 : vector<16xi32> to vector<1x16xi32>
    tpu.vector_store %arg9[%swap3A_830, %swap3A_831], %swap3A_834 {strides = array<i32>} : memref<4x128xi32, #tpu.memory_space<vmem>>, vector<1x16xi32>,
    %get3A_835 = arith.constant 3 : i32
    %get3A_836 = arith.index_cast %get3A_835 : i32 to index
    %get3A_837 = arith.constant 80 : index
    %get3A_838 = tpu.vector_load %arg8[%get3A_836, %get3A_837] {strides = array<i32>} : memref<4x128xi32, #tpu.memory_space<vmem>>, vector<1x16xi32>,
    %get3A_839 = vector.shape_cast %get3A_838 : vector<1x16xi32> to vector<16xi32>
    %and3A_840 = arith.constant 131071 : i32
    %and3A_841 = vector.broadcast %and3A_840 : i32 to vector<16xi32>
    %and3A_842 = arith.andi %get3A_839, %and3A_841 : vector<16xi32>
    %swap3A_843 = arith.constant 3 : i32
    %swap3A_844 = arith.index_cast %swap3A_843 : i32 to index
    %swap3A_845 = arith.constant 80 : index
    %swap3A_846 = tpu.vector_load %arg8[%swap3A_844, %swap3A_845] {strides = array<i32>} : memref<4x128xi32, #tpu.memory_space<vmem>>, vector<1x16xi32>,
    %swap3A_847 = vector.shape_cast %swap3A_846 : vector<1x16xi32> to vector<16xi32>
    %swap3A_848 = vector.shape_cast %and3A_842 : vector<16xi32> to vector<1x16xi32>
    tpu.vector_store %arg8[%swap3A_844, %swap3A_845], %swap3A_848 {strides = array<i32>} : memref<4x128xi32, #tpu.memory_space<vmem>>, vector<1x16xi32>,
    %get3A_849 = arith.constant 3 : i32
    %get3A_850 = arith.index_cast %get3A_849 : i32 to index
    %get3A_851 = arith.constant 80 : index
    %get3A_852 = tpu.vector_load %arg9[%get3A_850, %get3A_851] {strides = array<i32>} : memref<4x128xi32, #tpu.memory_space<vmem>>, vector<1x16xi32>,
    %get3A_853 = vector.shape_cast %get3A_852 : vector<1x16xi32> to vector<16xi32>
    %and3A_854 = arith.constant 131071 : i32
    %and3A_855 = vector.broadcast %and3A_854 : i32 to vector<16xi32>
    %and3A_856 = arith.andi %get3A_853, %and3A_855 : vector<16xi32>
    %swap3A_857 = arith.constant 3 : i32
    %swap3A_858 = arith.index_cast %swap3A_857 : i32 to index
    %swap3A_859 = arith.constant 80 : index
    %swap3A_860 = tpu.vector_load %arg9[%swap3A_858, %swap3A_859] {strides = array<i32>} : memref<4x128xi32, #tpu.memory_space<vmem>>, vector<1x16xi32>,
    %swap3A_861 = vector.shape_cast %swap3A_860 : vector<1x16xi32> to vector<16xi32>
    %swap3A_862 = vector.shape_cast %and3A_856 : vector<16xi32> to vector<1x16xi32>
    tpu.vector_store %arg9[%swap3A_858, %swap3A_859], %swap3A_862 {strides = array<i32>} : memref<4x128xi32, #tpu.memory_space<vmem>>, vector<1x16xi32>,
    %get3A_863 = arith.constant 3 : i32
    %get3A_864 = arith.index_cast %get3A_863 : i32 to index
    %get3A_865 = arith.constant 96 : index
    %get3A_866 = tpu.vector_load %arg8[%get3A_864, %get3A_865] {strides = array<i32>} : memref<4x128xi32, #tpu.memory_space<vmem>>, vector<1x16xi32>,
    %get3A_867 = vector.shape_cast %get3A_866 : vector<1x16xi32> to vector<16xi32>
    %and3A_868 = arith.constant 131071 : i32
    %and3A_869 = vector.broadcast %and3A_868 : i32 to vector<16xi32>
    %and3A_870 = arith.andi %get3A_867, %and3A_869 : vector<16xi32>
    %swap3A_871 = arith.constant 3 : i32
    %swap3A_872 = arith.index_cast %swap3A_871 : i32 to index
    %swap3A_873 = arith.constant 96 : index
    %swap3A_874 = tpu.vector_load %arg8[%swap3A_872, %swap3A_873] {strides = array<i32>} : memref<4x128xi32, #tpu.memory_space<vmem>>, vector<1x16xi32>,
    %swap3A_875 = vector.shape_cast %swap3A_874 : vector<1x16xi32> to vector<16xi32>
    %swap3A_876 = vector.shape_cast %and3A_870 : vector<16xi32> to vector<1x16xi32>
    tpu.vector_store %arg8[%swap3A_872, %swap3A_873], %swap3A_876 {strides = array<i32>} : memref<4x128xi32, #tpu.memory_space<vmem>>, vector<1x16xi32>,
    %get3A_877 = arith.constant 3 : i32
    %get3A_878 = arith.index_cast %get3A_877 : i32 to index
    %get3A_879 = arith.constant 96 : index
    %get3A_880 = tpu.vector_load %arg9[%get3A_878, %get3A_879] {strides = array<i32>} : memref<4x128xi32, #tpu.memory_space<vmem>>, vector<1x16xi32>,
    %get3A_881 = vector.shape_cast %get3A_880 : vector<1x16xi32> to vector<16xi32>
    %and3A_882 = arith.constant 131071 : i32
    %and3A_883 = vector.broadcast %and3A_882 : i32 to vector<16xi32>
    %and3A_884 = arith.andi %get3A_881, %and3A_883 : vector<16xi32>
    %swap3A_885 = arith.constant 3 : i32
    %swap3A_886 = arith.index_cast %swap3A_885 : i32 to index
    %swap3A_887 = arith.constant 96 : index
    %swap3A_888 = tpu.vector_load %arg9[%swap3A_886, %swap3A_887] {strides = array<i32>} : memref<4x128xi32, #tpu.memory_space<vmem>>, vector<1x16xi32>,
    %swap3A_889 = vector.shape_cast %swap3A_888 : vector<1x16xi32> to vector<16xi32>
    %swap3A_890 = vector.shape_cast %and3A_884 : vector<16xi32> to vector<1x16xi32>
    tpu.vector_store %arg9[%swap3A_886, %swap3A_887], %swap3A_890 {strides = array<i32>} : memref<4x128xi32, #tpu.memory_space<vmem>>, vector<1x16xi32>,
    %get3A_891 = arith.constant 3 : i32
    %get3A_892 = arith.index_cast %get3A_891 : i32 to index
    %get3A_893 = arith.constant 112 : index
    %get3A_894 = tpu.vector_load %arg8[%get3A_892, %get3A_893] {strides = array<i32>} : memref<4x128xi32, #tpu.memory_space<vmem>>, vector<1x16xi32>,
    %get3A_895 = vector.shape_cast %get3A_894 : vector<1x16xi32> to vector<16xi32>
    %and3A_896 = arith.constant 131071 : i32
    %and3A_897 = vector.broadcast %and3A_896 : i32 to vector<16xi32>
    %and3A_898 = arith.andi %get3A_895, %and3A_897 : vector<16xi32>
    %swap3A_899 = arith.constant 3 : i32
    %swap3A_900 = arith.index_cast %swap3A_899 : i32 to index
    %swap3A_901 = arith.constant 112 : index
    %swap3A_902 = tpu.vector_load %arg8[%swap3A_900, %swap3A_901] {strides = array<i32>} : memref<4x128xi32, #tpu.memory_space<vmem>>, vector<1x16xi32>,
    %swap3A_903 = vector.shape_cast %swap3A_902 : vector<1x16xi32> to vector<16xi32>
    %swap3A_904 = vector.shape_cast %and3A_898 : vector<16xi32> to vector<1x16xi32>
    tpu.vector_store %arg8[%swap3A_900, %swap3A_901], %swap3A_904 {strides = array<i32>} : memref<4x128xi32, #tpu.memory_space<vmem>>, vector<1x16xi32>,
    %get3A_905 = arith.constant 3 : i32
    %get3A_906 = arith.index_cast %get3A_905 : i32 to index
    %get3A_907 = arith.constant 112 : index
    %get3A_908 = tpu.vector_load %arg9[%get3A_906, %get3A_907] {strides = array<i32>} : memref<4x128xi32, #tpu.memory_space<vmem>>, vector<1x16xi32>,
    %get3A_909 = vector.shape_cast %get3A_908 : vector<1x16xi32> to vector<16xi32>
    %and3A_910 = arith.constant 131071 : i32
    %and3A_911 = vector.broadcast %and3A_910 : i32 to vector<16xi32>
    %and3A_912 = arith.andi %get3A_909, %and3A_911 : vector<16xi32>
    %swap3A_913 = arith.constant 3 : i32
    %swap3A_914 = arith.index_cast %swap3A_913 : i32 to index
    %swap3A_915 = arith.constant 112 : index
    %swap3A_916 = tpu.vector_load %arg9[%swap3A_914, %swap3A_915] {strides = array<i32>} : memref<4x128xi32, #tpu.memory_space<vmem>>, vector<1x16xi32>,
    %swap3A_917 = vector.shape_cast %swap3A_916 : vector<1x16xi32> to vector<16xi32>
    %swap3A_918 = vector.shape_cast %and3A_912 : vector<16xi32> to vector<1x16xi32>
    tpu.vector_store %arg9[%swap3A_914, %swap3A_915], %swap3A_918 {strides = array<i32>} : memref<4x128xi32, #tpu.memory_space<vmem>>, vector<1x16xi32>,
    %dma_start3A = arith.constant 0 : i32
    %dma_start3A_919 = arith.constant 0 : i32
    %dma_start3A_920 = arith.constant 0 : i32
    %dma_start3A_921 = arith.constant 0 : i32
    %dma_start3A_922 = tpu.memref_slice %arg10[%dma_start3A_919, %dma_start3A_920, %dma_start3A_921] : memref<4x128x128xf32, #tpu.memory_space<vmem>> -> memref<1x128x128xf32, #tpu.memory_space<vmem>>
    %dma_start3A_923 = tpu.memref_squeeze %dma_start3A_922 : memref<1x128x128xf32, #tpu.memory_space<vmem>> -> memref<128x128xf32, #tpu.memory_space<vmem>>
    %dma_start3A_924 = arith.constant 0 : i32
    %dma_start3A_925 = tpu.memref_slice %arg8[%dma_start3A, %dma_start3A_924] : memref<4x128xi32, #tpu.memory_space<vmem>> -> memref<1x128xi32, #tpu.memory_space<vmem>>
    %dma_start3A_926 = tpu.memref_squeeze %dma_start3A_925 : memref<1x128xi32, #tpu.memory_space<vmem>> -> memref<128xi32, #tpu.memory_space<vmem>>
    %dma_start3A_927 = arith.constant 0 : i32
    %dma_start3A_928 = arith.constant 0 : i32
    %dma_start3A_929 = tpu.memref_slice %arg4[%dma_start3A_927, %dma_start3A_928] : memref<131072x128xf32, #tpu.memory_space<hbm>> -> memref<131072x128xf32, #tpu.memory_space<hbm>>
    tpu.enqueue_indirect_dma source(%dma_start3A_929 : memref<131072x128xf32, #tpu.memory_space<hbm>>) target(%dma_start3A_923 : memref<128x128xf32, #tpu.memory_space<vmem>>) offsets(%dma_start3A_926 : memref<128xi32, #tpu.memory_space<vmem>>) semaphore(%arg11 : memref<!tpu.dma_semaphore, #tpu.memory_space<semaphore_mem>>)
    %dma_start3A_930 = arith.constant 1 : i32
    %dma_start3A_931 = arith.constant 1 : i32
    %dma_start3A_932 = arith.constant 0 : i32
    %dma_start3A_933 = arith.constant 0 : i32
    %dma_start3A_934 = tpu.memref_slice %arg10[%dma_start3A_931, %dma_start3A_932, %dma_start3A_933] : memref<4x128x128xf32, #tpu.memory_space<vmem>> -> memref<1x128x128xf32, #tpu.memory_space<vmem>>
    %dma_start3A_935 = tpu.memref_squeeze %dma_start3A_934 : memref<1x128x128xf32, #tpu.memory_space<vmem>> -> memref<128x128xf32, #tpu.memory_space<vmem>>
    %dma_start3A_936 = arith.constant 0 : i32
    %dma_start3A_937 = tpu.memref_slice %arg8[%dma_start3A_930, %dma_start3A_936] : memref<4x128xi32, #tpu.memory_space<vmem>> -> memref<1x128xi32, #tpu.memory_space<vmem>>
    %dma_start3A_938 = tpu.memref_squeeze %dma_start3A_937 : memref<1x128xi32, #tpu.memory_space<vmem>> -> memref<128xi32, #tpu.memory_space<vmem>>
    %dma_start3A_939 = arith.constant 0 : i32
    %dma_start3A_940 = arith.constant 0 : i32
    %dma_start3A_941 = tpu.memref_slice %arg4[%dma_start3A_939, %dma_start3A_940] : memref<131072x128xf32, #tpu.memory_space<hbm>> -> memref<131072x128xf32, #tpu.memory_space<hbm>>
    tpu.enqueue_indirect_dma source(%dma_start3A_941 : memref<131072x128xf32, #tpu.memory_space<hbm>>) target(%dma_start3A_935 : memref<128x128xf32, #tpu.memory_space<vmem>>) offsets(%dma_start3A_938 : memref<128xi32, #tpu.memory_space<vmem>>) semaphore(%arg11 : memref<!tpu.dma_semaphore, #tpu.memory_space<semaphore_mem>>)
    %dma_start3A_942 = arith.constant 2 : i32
    %dma_start3A_943 = arith.constant 2 : i32
    %dma_start3A_944 = arith.constant 0 : i32
    %dma_start3A_945 = arith.constant 0 : i32
    %dma_start3A_946 = tpu.memref_slice %arg10[%dma_start3A_943, %dma_start3A_944, %dma_start3A_945] : memref<4x128x128xf32, #tpu.memory_space<vmem>> -> memref<1x128x128xf32, #tpu.memory_space<vmem>>
    %dma_start3A_947 = tpu.memref_squeeze %dma_start3A_946 : memref<1x128x128xf32, #tpu.memory_space<vmem>> -> memref<128x128xf32, #tpu.memory_space<vmem>>
    %dma_start3A_948 = arith.constant 0 : i32
    %dma_start3A_949 = tpu.memref_slice %arg8[%dma_start3A_942, %dma_start3A_948] : memref<4x128xi32, #tpu.memory_space<vmem>> -> memref<1x128xi32, #tpu.memory_space<vmem>>
    %dma_start3A_950 = tpu.memref_squeeze %dma_start3A_949 : memref<1x128xi32, #tpu.memory_space<vmem>> -> memref<128xi32, #tpu.memory_space<vmem>>
    %dma_start3A_951 = arith.constant 0 : i32
    %dma_start3A_952 = arith.constant 0 : i32
    %dma_start3A_953 = tpu.memref_slice %arg4[%dma_start3A_951, %dma_start3A_952] : memref<131072x128xf32, #tpu.memory_space<hbm>> -> memref<131072x128xf32, #tpu.memory_space<hbm>>
    tpu.enqueue_indirect_dma source(%dma_start3A_953 : memref<131072x128xf32, #tpu.memory_space<hbm>>) target(%dma_start3A_947 : memref<128x128xf32, #tpu.memory_space<vmem>>) offsets(%dma_start3A_950 : memref<128xi32, #tpu.memory_space<vmem>>) semaphore(%arg11 : memref<!tpu.dma_semaphore, #tpu.memory_space<semaphore_mem>>)
    %dma_start3A_954 = arith.constant 3 : i32
    %dma_start3A_955 = arith.constant 3 : i32
    %dma_start3A_956 = arith.constant 0 : i32
    %dma_start3A_957 = arith.constant 0 : i32
    %dma_start3A_958 = tpu.memref_slice %arg10[%dma_start3A_955, %dma_start3A_956, %dma_start3A_957] : memref<4x128x128xf32, #tpu.memory_space<vmem>> -> memref<1x128x128xf32, #tpu.memory_space<vmem>>
    %dma_start3A_959 = tpu.memref_squeeze %dma_start3A_958 : memref<1x128x128xf32, #tpu.memory_space<vmem>> -> memref<128x128xf32, #tpu.memory_space<vmem>>
    %dma_start3A_960 = arith.constant 0 : i32
    %dma_start3A_961 = tpu.memref_slice %arg8[%dma_start3A_954, %dma_start3A_960] : memref<4x128xi32, #tpu.memory_space<vmem>> -> memref<1x128xi32, #tpu.memory_space<vmem>>
    %dma_start3A_962 = tpu.memref_squeeze %dma_start3A_961 : memref<1x128xi32, #tpu.memory_space<vmem>> -> memref<128xi32, #tpu.memory_space<vmem>>
    %dma_start3A_963 = arith.constant 0 : i32
    %dma_start3A_964 = arith.constant 0 : i32
    %dma_start3A_965 = tpu.memref_slice %arg4[%dma_start3A_963, %dma_start3A_964] : memref<131072x128xf32, #tpu.memory_space<hbm>> -> memref<131072x128xf32, #tpu.memory_space<hbm>>
    tpu.enqueue_indirect_dma source(%dma_start3A_965 : memref<131072x128xf32, #tpu.memory_space<hbm>>) target(%dma_start3A_959 : memref<128x128xf32, #tpu.memory_space<vmem>>) offsets(%dma_start3A_962 : memref<128xi32, #tpu.memory_space<vmem>>) semaphore(%arg11 : memref<!tpu.dma_semaphore, #tpu.memory_space<semaphore_mem>>)
    %dma_wait3A = arith.constant 0 : i32
    %dma_wait3A_966 = arith.constant 0 : i32
    %dma_wait3A_967 = arith.constant 0 : i32
    %dma_wait3A_968 = arith.constant 0 : i32
    %dma_wait3A_969 = tpu.memref_slice %arg10[%dma_wait3A_966, %dma_wait3A_967, %dma_wait3A_968] : memref<4x128x128xf32, #tpu.memory_space<vmem>> -> memref<1x128x128xf32, #tpu.memory_space<vmem>>
    %dma_wait3A_970 = tpu.memref_squeeze %dma_wait3A_969 : memref<1x128x128xf32, #tpu.memory_space<vmem>> -> memref<128x128xf32, #tpu.memory_space<vmem>>
    %dma_wait3A_971 = arith.constant 0 : i32
    %dma_wait3A_972 = tpu.memref_slice %arg8[%dma_wait3A, %dma_wait3A_971] : memref<4x128xi32, #tpu.memory_space<vmem>> -> memref<1x128xi32, #tpu.memory_space<vmem>>
    %dma_wait3A_973 = tpu.memref_squeeze %dma_wait3A_972 : memref<1x128xi32, #tpu.memory_space<vmem>> -> memref<128xi32, #tpu.memory_space<vmem>>
    %dma_wait3A_974 = arith.constant 0 : i32
    %dma_wait3A_975 = arith.constant 0 : i32
    %dma_wait3A_976 = tpu.memref_slice %arg4[%dma_wait3A_974, %dma_wait3A_975] : memref<131072x128xf32, #tpu.memory_space<hbm>> -> memref<131072x128xf32, #tpu.memory_space<hbm>>
    tpu.wait_indirect_dma semaphore(%arg11 : memref<!tpu.dma_semaphore, #tpu.memory_space<semaphore_mem>>) src(%dma_wait3A_976 : memref<131072x128xf32, #tpu.memory_space<hbm>>) dst(%dma_wait3A_970 : memref<128x128xf32, #tpu.memory_space<vmem>>)
    %add3A_977 = arith.constant 0 : i32
    %add3A_978 = arith.addi %mul3A_2, %add3A_977 : i32
    %dma_start3A_979 = arith.constant 0 : i32
    %dma_start3A_980 = arith.constant 0 : i32
    %dma_start3A_981 = arith.constant 0 : i32
    %dma_start3A_982 = tpu.memref_slice %arg10[%dma_start3A_979, %dma_start3A_980, %dma_start3A_981] : memref<4x128x128xf32, #tpu.memory_space<vmem>> -> memref<1x128x128xf32, #tpu.memory_space<vmem>>
    %dma_start3A_983 = tpu.memref_squeeze %dma_start3A_982 : memref<1x128x128xf32, #tpu.memory_space<vmem>> -> memref<128x128xf32, #tpu.memory_space<vmem>>
    %dma_start3A_984 = arith.constant 0 : i32
    %dma_start3A_985 = tpu.memref_slice %arg6[%add3A_978, %dma_start3A_984] : memref<16384x128xf32, #tpu.memory_space<hbm>> -> memref<128x128xf32, #tpu.memory_space<hbm>>
    %dma_start3A_986 = arith.constant 0 : i32
    %dma_start3A_987 = tpu.memref_slice %arg6[%add3A_978, %dma_start3A_986] : memref<16384x128xf32, #tpu.memory_space<hbm>> -> memref<128x128xf32, #tpu.memory_space<hbm>>
    %dma_start3A_988 = arith.constant 0 : i32
    %dma_start3A_989 = arith.constant 0 : i32
    %dma_start3A_990 = tpu.memref_slice %arg10[%dma_start3A_979, %dma_start3A_988, %dma_start3A_989] : memref<4x128x128xf32, #tpu.memory_space<vmem>> -> memref<1x128x128xf32, #tpu.memory_space<vmem>>
    %dma_start3A_991 = tpu.memref_squeeze %dma_start3A_990 : memref<1x128x128xf32, #tpu.memory_space<vmem>> -> memref<128x128xf32, #tpu.memory_space<vmem>>
    tpu.enqueue_dma source(%dma_start3A_991 : memref<128x128xf32, #tpu.memory_space<vmem>>) target(%dma_start3A_987 : memref<128x128xf32, #tpu.memory_space<hbm>>) target_semaphore(%arg12 : memref<!tpu.dma_semaphore, #tpu.memory_space<semaphore_mem>>)
    %dma_wait3A_992 = arith.constant 0 : i32
    %dma_wait3A_993 = arith.constant 0 : i32
    %dma_wait3A_994 = arith.constant 0 : i32
    %dma_wait3A_995 = tpu.memref_slice %arg10[%dma_wait3A_992, %dma_wait3A_993, %dma_wait3A_994] : memref<4x128x128xf32, #tpu.memory_space<vmem>> -> memref<1x128x128xf32, #tpu.memory_space<vmem>>
    %dma_wait3A_996 = tpu.memref_squeeze %dma_wait3A_995 : memref<1x128x128xf32, #tpu.memory_space<vmem>> -> memref<128x128xf32, #tpu.memory_space<vmem>>
    %dma_wait3A_997 = arith.constant 0 : i32
    %dma_wait3A_998 = tpu.memref_slice %arg6[%add3A_978, %dma_wait3A_997] : memref<16384x128xf32, #tpu.memory_space<hbm>> -> memref<128x128xf32, #tpu.memory_space<hbm>>
    %dma_wait3A_999 = arith.constant 0 : i32
    %dma_wait3A_1000 = tpu.memref_slice %arg6[%add3A_978, %dma_wait3A_999] : memref<16384x128xf32, #tpu.memory_space<hbm>> -> memref<128x128xf32, #tpu.memory_space<hbm>>
    %dma_wait3A_1001 = arith.constant 0 : i32
    %dma_wait3A_1002 = arith.constant 0 : i32
    %dma_wait3A_1003 = tpu.memref_slice %arg10[%dma_wait3A_992, %dma_wait3A_1001, %dma_wait3A_1002] : memref<4x128x128xf32, #tpu.memory_space<vmem>> -> memref<1x128x128xf32, #tpu.memory_space<vmem>>
    %dma_wait3A_1004 = tpu.memref_squeeze %dma_wait3A_1003 : memref<1x128x128xf32, #tpu.memory_space<vmem>> -> memref<128x128xf32, #tpu.memory_space<vmem>>
    tpu.wait_dma2 semaphore(%arg12 : memref<!tpu.dma_semaphore, #tpu.memory_space<semaphore_mem>>) src(%dma_wait3A_1004 : memref<128x128xf32, #tpu.memory_space<vmem>>) dst(%dma_wait3A_1000 : memref<128x128xf32, #tpu.memory_space<hbm>>)
    %dma_start3A_1005 = arith.constant 0 : i32
    %dma_start3A_1006 = arith.constant 0 : i32
    %dma_start3A_1007 = arith.constant 0 : i32
    %dma_start3A_1008 = arith.constant 0 : i32
    %dma_start3A_1009 = tpu.memref_slice %arg10[%dma_start3A_1006, %dma_start3A_1007, %dma_start3A_1008] : memref<4x128x128xf32, #tpu.memory_space<vmem>> -> memref<1x128x128xf32, #tpu.memory_space<vmem>>
    %dma_start3A_1010 = tpu.memref_squeeze %dma_start3A_1009 : memref<1x128x128xf32, #tpu.memory_space<vmem>> -> memref<128x128xf32, #tpu.memory_space<vmem>>
    %dma_start3A_1011 = arith.constant 0 : i32
    %dma_start3A_1012 = tpu.memref_slice %arg9[%dma_start3A_1005, %dma_start3A_1011] : memref<4x128xi32, #tpu.memory_space<vmem>> -> memref<1x128xi32, #tpu.memory_space<vmem>>
    %dma_start3A_1013 = tpu.memref_squeeze %dma_start3A_1012 : memref<1x128xi32, #tpu.memory_space<vmem>> -> memref<128xi32, #tpu.memory_space<vmem>>
    %dma_start3A_1014 = arith.constant 0 : i32
    %dma_start3A_1015 = arith.constant 0 : i32
    %dma_start3A_1016 = tpu.memref_slice %arg5[%dma_start3A_1014, %dma_start3A_1015] : memref<131072x128xf32, #tpu.memory_space<hbm>> -> memref<131072x128xf32, #tpu.memory_space<hbm>>
    tpu.enqueue_indirect_dma source(%dma_start3A_1016 : memref<131072x128xf32, #tpu.memory_space<hbm>>) target(%dma_start3A_1010 : memref<128x128xf32, #tpu.memory_space<vmem>>) offsets(%dma_start3A_1013 : memref<128xi32, #tpu.memory_space<vmem>>) semaphore(%arg11 : memref<!tpu.dma_semaphore, #tpu.memory_space<semaphore_mem>>)
    %dma_wait3A_1017 = arith.constant 1 : i32
    %dma_wait3A_1018 = arith.constant 1 : i32
    %dma_wait3A_1019 = arith.constant 0 : i32
    %dma_wait3A_1020 = arith.constant 0 : i32
    %dma_wait3A_1021 = tpu.memref_slice %arg10[%dma_wait3A_1018, %dma_wait3A_1019, %dma_wait3A_1020] : memref<4x128x128xf32, #tpu.memory_space<vmem>> -> memref<1x128x128xf32, #tpu.memory_space<vmem>>
    %dma_wait3A_1022 = tpu.memref_squeeze %dma_wait3A_1021 : memref<1x128x128xf32, #tpu.memory_space<vmem>> -> memref<128x128xf32, #tpu.memory_space<vmem>>
    %dma_wait3A_1023 = arith.constant 0 : i32
    %dma_wait3A_1024 = tpu.memref_slice %arg8[%dma_wait3A_1017, %dma_wait3A_1023] : memref<4x128xi32, #tpu.memory_space<vmem>> -> memref<1x128xi32, #tpu.memory_space<vmem>>
    %dma_wait3A_1025 = tpu.memref_squeeze %dma_wait3A_1024 : memref<1x128xi32, #tpu.memory_space<vmem>> -> memref<128xi32, #tpu.memory_space<vmem>>
    %dma_wait3A_1026 = arith.constant 0 : i32
    %dma_wait3A_1027 = arith.constant 0 : i32
    %dma_wait3A_1028 = tpu.memref_slice %arg4[%dma_wait3A_1026, %dma_wait3A_1027] : memref<131072x128xf32, #tpu.memory_space<hbm>> -> memref<131072x128xf32, #tpu.memory_space<hbm>>
    tpu.wait_indirect_dma semaphore(%arg11 : memref<!tpu.dma_semaphore, #tpu.memory_space<semaphore_mem>>) src(%dma_wait3A_1028 : memref<131072x128xf32, #tpu.memory_space<hbm>>) dst(%dma_wait3A_1022 : memref<128x128xf32, #tpu.memory_space<vmem>>)
    %add3A_1029 = arith.constant 128 : i32
    %add3A_1030 = arith.addi %mul3A_2, %add3A_1029 : i32
    %dma_start3A_1031 = arith.constant 1 : i32
    %dma_start3A_1032 = arith.constant 0 : i32
    %dma_start3A_1033 = arith.constant 0 : i32
    %dma_start3A_1034 = tpu.memref_slice %arg10[%dma_start3A_1031, %dma_start3A_1032, %dma_start3A_1033] : memref<4x128x128xf32, #tpu.memory_space<vmem>> -> memref<1x128x128xf32, #tpu.memory_space<vmem>>
    %dma_start3A_1035 = tpu.memref_squeeze %dma_start3A_1034 : memref<1x128x128xf32, #tpu.memory_space<vmem>> -> memref<128x128xf32, #tpu.memory_space<vmem>>
    %dma_start3A_1036 = arith.constant 0 : i32
    %dma_start3A_1037 = tpu.memref_slice %arg6[%add3A_1030, %dma_start3A_1036] : memref<16384x128xf32, #tpu.memory_space<hbm>> -> memref<128x128xf32, #tpu.memory_space<hbm>>
    %dma_start3A_1038 = arith.constant 0 : i32
    %dma_start3A_1039 = tpu.memref_slice %arg6[%add3A_1030, %dma_start3A_1038] : memref<16384x128xf32, #tpu.memory_space<hbm>> -> memref<128x128xf32, #tpu.memory_space<hbm>>
    %dma_start3A_1040 = arith.constant 0 : i32
    %dma_start3A_1041 = arith.constant 0 : i32
    %dma_start3A_1042 = tpu.memref_slice %arg10[%dma_start3A_1031, %dma_start3A_1040, %dma_start3A_1041] : memref<4x128x128xf32, #tpu.memory_space<vmem>> -> memref<1x128x128xf32, #tpu.memory_space<vmem>>
    %dma_start3A_1043 = tpu.memref_squeeze %dma_start3A_1042 : memref<1x128x128xf32, #tpu.memory_space<vmem>> -> memref<128x128xf32, #tpu.memory_space<vmem>>
    tpu.enqueue_dma source(%dma_start3A_1043 : memref<128x128xf32, #tpu.memory_space<vmem>>) target(%dma_start3A_1039 : memref<128x128xf32, #tpu.memory_space<hbm>>) target_semaphore(%arg12 : memref<!tpu.dma_semaphore, #tpu.memory_space<semaphore_mem>>)
    %dma_wait3A_1044 = arith.constant 1 : i32
    %dma_wait3A_1045 = arith.constant 0 : i32
    %dma_wait3A_1046 = arith.constant 0 : i32
    %dma_wait3A_1047 = tpu.memref_slice %arg10[%dma_wait3A_1044, %dma_wait3A_1045, %dma_wait3A_1046] : memref<4x128x128xf32, #tpu.memory_space<vmem>> -> memref<1x128x128xf32, #tpu.memory_space<vmem>>
    %dma_wait3A_1048 = tpu.memref_squeeze %dma_wait3A_1047 : memref<1x128x128xf32, #tpu.memory_space<vmem>> -> memref<128x128xf32, #tpu.memory_space<vmem>>
    %dma_wait3A_1049 = arith.constant 0 : i32
    %dma_wait3A_1050 = tpu.memref_slice %arg6[%add3A_1030, %dma_wait3A_1049] : memref<16384x128xf32, #tpu.memory_space<hbm>> -> memref<128x128xf32, #tpu.memory_space<hbm>>
    %dma_wait3A_1051 = arith.constant 0 : i32
    %dma_wait3A_1052 = tpu.memref_slice %arg6[%add3A_1030, %dma_wait3A_1051] : memref<16384x128xf32, #tpu.memory_space<hbm>> -> memref<128x128xf32, #tpu.memory_space<hbm>>
    %dma_wait3A_1053 = arith.constant 0 : i32
    %dma_wait3A_1054 = arith.constant 0 : i32
    %dma_wait3A_1055 = tpu.memref_slice %arg10[%dma_wait3A_1044, %dma_wait3A_1053, %dma_wait3A_1054] : memref<4x128x128xf32, #tpu.memory_space<vmem>> -> memref<1x128x128xf32, #tpu.memory_space<vmem>>
    %dma_wait3A_1056 = tpu.memref_squeeze %dma_wait3A_1055 : memref<1x128x128xf32, #tpu.memory_space<vmem>> -> memref<128x128xf32, #tpu.memory_space<vmem>>
    tpu.wait_dma2 semaphore(%arg12 : memref<!tpu.dma_semaphore, #tpu.memory_space<semaphore_mem>>) src(%dma_wait3A_1056 : memref<128x128xf32, #tpu.memory_space<vmem>>) dst(%dma_wait3A_1052 : memref<128x128xf32, #tpu.memory_space<hbm>>)
    %dma_start3A_1057 = arith.constant 1 : i32
    %dma_start3A_1058 = arith.constant 1 : i32
    %dma_start3A_1059 = arith.constant 0 : i32
    %dma_start3A_1060 = arith.constant 0 : i32
    %dma_start3A_1061 = tpu.memref_slice %arg10[%dma_start3A_1058, %dma_start3A_1059, %dma_start3A_1060] : memref<4x128x128xf32, #tpu.memory_space<vmem>> -> memref<1x128x128xf32, #tpu.memory_space<vmem>>
    %dma_start3A_1062 = tpu.memref_squeeze %dma_start3A_1061 : memref<1x128x128xf32, #tpu.memory_space<vmem>> -> memref<128x128xf32, #tpu.memory_space<vmem>>
    %dma_start3A_1063 = arith.constant 0 : i32
    %dma_start3A_1064 = tpu.memref_slice %arg9[%dma_start3A_1057, %dma_start3A_1063] : memref<4x128xi32, #tpu.memory_space<vmem>> -> memref<1x128xi32, #tpu.memory_space<vmem>>
    %dma_start3A_1065 = tpu.memref_squeeze %dma_start3A_1064 : memref<1x128xi32, #tpu.memory_space<vmem>> -> memref<128xi32, #tpu.memory_space<vmem>>
    %dma_start3A_1066 = arith.constant 0 : i32
    %dma_start3A_1067 = arith.constant 0 : i32
    %dma_start3A_1068 = tpu.memref_slice %arg5[%dma_start3A_1066, %dma_start3A_1067] : memref<131072x128xf32, #tpu.memory_space<hbm>> -> memref<131072x128xf32, #tpu.memory_space<hbm>>
    tpu.enqueue_indirect_dma source(%dma_start3A_1068 : memref<131072x128xf32, #tpu.memory_space<hbm>>) target(%dma_start3A_1062 : memref<128x128xf32, #tpu.memory_space<vmem>>) offsets(%dma_start3A_1065 : memref<128xi32, #tpu.memory_space<vmem>>) semaphore(%arg11 : memref<!tpu.dma_semaphore, #tpu.memory_space<semaphore_mem>>)
    %dma_wait3A_1069 = arith.constant 2 : i32
    %dma_wait3A_1070 = arith.constant 2 : i32
    %dma_wait3A_1071 = arith.constant 0 : i32
    %dma_wait3A_1072 = arith.constant 0 : i32
    %dma_wait3A_1073 = tpu.memref_slice %arg10[%dma_wait3A_1070, %dma_wait3A_1071, %dma_wait3A_1072] : memref<4x128x128xf32, #tpu.memory_space<vmem>> -> memref<1x128x128xf32, #tpu.memory_space<vmem>>
    %dma_wait3A_1074 = tpu.memref_squeeze %dma_wait3A_1073 : memref<1x128x128xf32, #tpu.memory_space<vmem>> -> memref<128x128xf32, #tpu.memory_space<vmem>>
    %dma_wait3A_1075 = arith.constant 0 : i32
    %dma_wait3A_1076 = tpu.memref_slice %arg8[%dma_wait3A_1069, %dma_wait3A_1075] : memref<4x128xi32, #tpu.memory_space<vmem>> -> memref<1x128xi32, #tpu.memory_space<vmem>>
    %dma_wait3A_1077 = tpu.memref_squeeze %dma_wait3A_1076 : memref<1x128xi32, #tpu.memory_space<vmem>> -> memref<128xi32, #tpu.memory_space<vmem>>
    %dma_wait3A_1078 = arith.constant 0 : i32
    %dma_wait3A_1079 = arith.constant 0 : i32
    %dma_wait3A_1080 = tpu.memref_slice %arg4[%dma_wait3A_1078, %dma_wait3A_1079] : memref<131072x128xf32, #tpu.memory_space<hbm>> -> memref<131072x128xf32, #tpu.memory_space<hbm>>
    tpu.wait_indirect_dma semaphore(%arg11 : memref<!tpu.dma_semaphore, #tpu.memory_space<semaphore_mem>>) src(%dma_wait3A_1080 : memref<131072x128xf32, #tpu.memory_space<hbm>>) dst(%dma_wait3A_1074 : memref<128x128xf32, #tpu.memory_space<vmem>>)
    %add3A_1081 = arith.constant 256 : i32
    %add3A_1082 = arith.addi %mul3A_2, %add3A_1081 : i32
    %dma_start3A_1083 = arith.constant 2 : i32
    %dma_start3A_1084 = arith.constant 0 : i32
    %dma_start3A_1085 = arith.constant 0 : i32
    %dma_start3A_1086 = tpu.memref_slice %arg10[%dma_start3A_1083, %dma_start3A_1084, %dma_start3A_1085] : memref<4x128x128xf32, #tpu.memory_space<vmem>> -> memref<1x128x128xf32, #tpu.memory_space<vmem>>
    %dma_start3A_1087 = tpu.memref_squeeze %dma_start3A_1086 : memref<1x128x128xf32, #tpu.memory_space<vmem>> -> memref<128x128xf32, #tpu.memory_space<vmem>>
    %dma_start3A_1088 = arith.constant 0 : i32
    %dma_start3A_1089 = tpu.memref_slice %arg6[%add3A_1082, %dma_start3A_1088] : memref<16384x128xf32, #tpu.memory_space<hbm>> -> memref<128x128xf32, #tpu.memory_space<hbm>>
    %dma_start3A_1090 = arith.constant 0 : i32
    %dma_start3A_1091 = tpu.memref_slice %arg6[%add3A_1082, %dma_start3A_1090] : memref<16384x128xf32, #tpu.memory_space<hbm>> -> memref<128x128xf32, #tpu.memory_space<hbm>>
    %dma_start3A_1092 = arith.constant 0 : i32
    %dma_start3A_1093 = arith.constant 0 : i32
    %dma_start3A_1094 = tpu.memref_slice %arg10[%dma_start3A_1083, %dma_start3A_1092, %dma_start3A_1093] : memref<4x128x128xf32, #tpu.memory_space<vmem>> -> memref<1x128x128xf32, #tpu.memory_space<vmem>>
    %dma_start3A_1095 = tpu.memref_squeeze %dma_start3A_1094 : memref<1x128x128xf32, #tpu.memory_space<vmem>> -> memref<128x128xf32, #tpu.memory_space<vmem>>
    tpu.enqueue_dma source(%dma_start3A_1095 : memref<128x128xf32, #tpu.memory_space<vmem>>) target(%dma_start3A_1091 : memref<128x128xf32, #tpu.memory_space<hbm>>) target_semaphore(%arg12 : memref<!tpu.dma_semaphore, #tpu.memory_space<semaphore_mem>>)
    %dma_wait3A_1096 = arith.constant 2 : i32
    %dma_wait3A_1097 = arith.constant 0 : i32
    %dma_wait3A_1098 = arith.constant 0 : i32
    %dma_wait3A_1099 = tpu.memref_slice %arg10[%dma_wait3A_1096, %dma_wait3A_1097, %dma_wait3A_1098] : memref<4x128x128xf32, #tpu.memory_space<vmem>> -> memref<1x128x128xf32, #tpu.memory_space<vmem>>
    %dma_wait3A_1100 = tpu.memref_squeeze %dma_wait3A_1099 : memref<1x128x128xf32, #tpu.memory_space<vmem>> -> memref<128x128xf32, #tpu.memory_space<vmem>>
    %dma_wait3A_1101 = arith.constant 0 : i32
    %dma_wait3A_1102 = tpu.memref_slice %arg6[%add3A_1082, %dma_wait3A_1101] : memref<16384x128xf32, #tpu.memory_space<hbm>> -> memref<128x128xf32, #tpu.memory_space<hbm>>
    %dma_wait3A_1103 = arith.constant 0 : i32
    %dma_wait3A_1104 = tpu.memref_slice %arg6[%add3A_1082, %dma_wait3A_1103] : memref<16384x128xf32, #tpu.memory_space<hbm>> -> memref<128x128xf32, #tpu.memory_space<hbm>>
    %dma_wait3A_1105 = arith.constant 0 : i32
    %dma_wait3A_1106 = arith.constant 0 : i32
    %dma_wait3A_1107 = tpu.memref_slice %arg10[%dma_wait3A_1096, %dma_wait3A_1105, %dma_wait3A_1106] : memref<4x128x128xf32, #tpu.memory_space<vmem>> -> memref<1x128x128xf32, #tpu.memory_space<vmem>>
    %dma_wait3A_1108 = tpu.memref_squeeze %dma_wait3A_1107 : memref<1x128x128xf32, #tpu.memory_space<vmem>> -> memref<128x128xf32, #tpu.memory_space<vmem>>
    tpu.wait_dma2 semaphore(%arg12 : memref<!tpu.dma_semaphore, #tpu.memory_space<semaphore_mem>>) src(%dma_wait3A_1108 : memref<128x128xf32, #tpu.memory_space<vmem>>) dst(%dma_wait3A_1104 : memref<128x128xf32, #tpu.memory_space<hbm>>)
    %dma_start3A_1109 = arith.constant 2 : i32
    %dma_start3A_1110 = arith.constant 2 : i32
    %dma_start3A_1111 = arith.constant 0 : i32
    %dma_start3A_1112 = arith.constant 0 : i32
    %dma_start3A_1113 = tpu.memref_slice %arg10[%dma_start3A_1110, %dma_start3A_1111, %dma_start3A_1112] : memref<4x128x128xf32, #tpu.memory_space<vmem>> -> memref<1x128x128xf32, #tpu.memory_space<vmem>>
    %dma_start3A_1114 = tpu.memref_squeeze %dma_start3A_1113 : memref<1x128x128xf32, #tpu.memory_space<vmem>> -> memref<128x128xf32, #tpu.memory_space<vmem>>
    %dma_start3A_1115 = arith.constant 0 : i32
    %dma_start3A_1116 = tpu.memref_slice %arg9[%dma_start3A_1109, %dma_start3A_1115] : memref<4x128xi32, #tpu.memory_space<vmem>> -> memref<1x128xi32, #tpu.memory_space<vmem>>
    %dma_start3A_1117 = tpu.memref_squeeze %dma_start3A_1116 : memref<1x128xi32, #tpu.memory_space<vmem>> -> memref<128xi32, #tpu.memory_space<vmem>>
    %dma_start3A_1118 = arith.constant 0 : i32
    %dma_start3A_1119 = arith.constant 0 : i32
    %dma_start3A_1120 = tpu.memref_slice %arg5[%dma_start3A_1118, %dma_start3A_1119] : memref<131072x128xf32, #tpu.memory_space<hbm>> -> memref<131072x128xf32, #tpu.memory_space<hbm>>
    tpu.enqueue_indirect_dma source(%dma_start3A_1120 : memref<131072x128xf32, #tpu.memory_space<hbm>>) target(%dma_start3A_1114 : memref<128x128xf32, #tpu.memory_space<vmem>>) offsets(%dma_start3A_1117 : memref<128xi32, #tpu.memory_space<vmem>>) semaphore(%arg11 : memref<!tpu.dma_semaphore, #tpu.memory_space<semaphore_mem>>)
    %dma_wait3A_1121 = arith.constant 3 : i32
    %dma_wait3A_1122 = arith.constant 3 : i32
    %dma_wait3A_1123 = arith.constant 0 : i32
    %dma_wait3A_1124 = arith.constant 0 : i32
    %dma_wait3A_1125 = tpu.memref_slice %arg10[%dma_wait3A_1122, %dma_wait3A_1123, %dma_wait3A_1124] : memref<4x128x128xf32, #tpu.memory_space<vmem>> -> memref<1x128x128xf32, #tpu.memory_space<vmem>>
    %dma_wait3A_1126 = tpu.memref_squeeze %dma_wait3A_1125 : memref<1x128x128xf32, #tpu.memory_space<vmem>> -> memref<128x128xf32, #tpu.memory_space<vmem>>
    %dma_wait3A_1127 = arith.constant 0 : i32
    %dma_wait3A_1128 = tpu.memref_slice %arg8[%dma_wait3A_1121, %dma_wait3A_1127] : memref<4x128xi32, #tpu.memory_space<vmem>> -> memref<1x128xi32, #tpu.memory_space<vmem>>
    %dma_wait3A_1129 = tpu.memref_squeeze %dma_wait3A_1128 : memref<1x128xi32, #tpu.memory_space<vmem>> -> memref<128xi32, #tpu.memory_space<vmem>>
    %dma_wait3A_1130 = arith.constant 0 : i32
    %dma_wait3A_1131 = arith.constant 0 : i32
    %dma_wait3A_1132 = tpu.memref_slice %arg4[%dma_wait3A_1130, %dma_wait3A_1131] : memref<131072x128xf32, #tpu.memory_space<hbm>> -> memref<131072x128xf32, #tpu.memory_space<hbm>>
    tpu.wait_indirect_dma semaphore(%arg11 : memref<!tpu.dma_semaphore, #tpu.memory_space<semaphore_mem>>) src(%dma_wait3A_1132 : memref<131072x128xf32, #tpu.memory_space<hbm>>) dst(%dma_wait3A_1126 : memref<128x128xf32, #tpu.memory_space<vmem>>)
    %add3A_1133 = arith.constant 384 : i32
    %add3A_1134 = arith.addi %mul3A_2, %add3A_1133 : i32
    %dma_start3A_1135 = arith.constant 3 : i32
    %dma_start3A_1136 = arith.constant 0 : i32
    %dma_start3A_1137 = arith.constant 0 : i32
    %dma_start3A_1138 = tpu.memref_slice %arg10[%dma_start3A_1135, %dma_start3A_1136, %dma_start3A_1137] : memref<4x128x128xf32, #tpu.memory_space<vmem>> -> memref<1x128x128xf32, #tpu.memory_space<vmem>>
    %dma_start3A_1139 = tpu.memref_squeeze %dma_start3A_1138 : memref<1x128x128xf32, #tpu.memory_space<vmem>> -> memref<128x128xf32, #tpu.memory_space<vmem>>
    %dma_start3A_1140 = arith.constant 0 : i32
    %dma_start3A_1141 = tpu.memref_slice %arg6[%add3A_1134, %dma_start3A_1140] : memref<16384x128xf32, #tpu.memory_space<hbm>> -> memref<128x128xf32, #tpu.memory_space<hbm>>
    %dma_start3A_1142 = arith.constant 0 : i32
    %dma_start3A_1143 = tpu.memref_slice %arg6[%add3A_1134, %dma_start3A_1142] : memref<16384x128xf32, #tpu.memory_space<hbm>> -> memref<128x128xf32, #tpu.memory_space<hbm>>
    %dma_start3A_1144 = arith.constant 0 : i32
    %dma_start3A_1145 = arith.constant 0 : i32
    %dma_start3A_1146 = tpu.memref_slice %arg10[%dma_start3A_1135, %dma_start3A_1144, %dma_start3A_1145] : memref<4x128x128xf32, #tpu.memory_space<vmem>> -> memref<1x128x128xf32, #tpu.memory_space<vmem>>
    %dma_start3A_1147 = tpu.memref_squeeze %dma_start3A_1146 : memref<1x128x128xf32, #tpu.memory_space<vmem>> -> memref<128x128xf32, #tpu.memory_space<vmem>>
    tpu.enqueue_dma source(%dma_start3A_1147 : memref<128x128xf32, #tpu.memory_space<vmem>>) target(%dma_start3A_1143 : memref<128x128xf32, #tpu.memory_space<hbm>>) target_semaphore(%arg12 : memref<!tpu.dma_semaphore, #tpu.memory_space<semaphore_mem>>)
    %dma_wait3A_1148 = arith.constant 3 : i32
    %dma_wait3A_1149 = arith.constant 0 : i32
    %dma_wait3A_1150 = arith.constant 0 : i32
    %dma_wait3A_1151 = tpu.memref_slice %arg10[%dma_wait3A_1148, %dma_wait3A_1149, %dma_wait3A_1150] : memref<4x128x128xf32, #tpu.memory_space<vmem>> -> memref<1x128x128xf32, #tpu.memory_space<vmem>>
    %dma_wait3A_1152 = tpu.memref_squeeze %dma_wait3A_1151 : memref<1x128x128xf32, #tpu.memory_space<vmem>> -> memref<128x128xf32, #tpu.memory_space<vmem>>
    %dma_wait3A_1153 = arith.constant 0 : i32
    %dma_wait3A_1154 = tpu.memref_slice %arg6[%add3A_1134, %dma_wait3A_1153] : memref<16384x128xf32, #tpu.memory_space<hbm>> -> memref<128x128xf32, #tpu.memory_space<hbm>>
    %dma_wait3A_1155 = arith.constant 0 : i32
    %dma_wait3A_1156 = tpu.memref_slice %arg6[%add3A_1134, %dma_wait3A_1155] : memref<16384x128xf32, #tpu.memory_space<hbm>> -> memref<128x128xf32, #tpu.memory_space<hbm>>
    %dma_wait3A_1157 = arith.constant 0 : i32
    %dma_wait3A_1158 = arith.constant 0 : i32
    %dma_wait3A_1159 = tpu.memref_slice %arg10[%dma_wait3A_1148, %dma_wait3A_1157, %dma_wait3A_1158] : memref<4x128x128xf32, #tpu.memory_space<vmem>> -> memref<1x128x128xf32, #tpu.memory_space<vmem>>
    %dma_wait3A_1160 = tpu.memref_squeeze %dma_wait3A_1159 : memref<1x128x128xf32, #tpu.memory_space<vmem>> -> memref<128x128xf32, #tpu.memory_space<vmem>>
    tpu.wait_dma2 semaphore(%arg12 : memref<!tpu.dma_semaphore, #tpu.memory_space<semaphore_mem>>) src(%dma_wait3A_1160 : memref<128x128xf32, #tpu.memory_space<vmem>>) dst(%dma_wait3A_1156 : memref<128x128xf32, #tpu.memory_space<hbm>>)
    %dma_start3A_1161 = arith.constant 3 : i32
    %dma_start3A_1162 = arith.constant 3 : i32
    %dma_start3A_1163 = arith.constant 0 : i32
    %dma_start3A_1164 = arith.constant 0 : i32
    %dma_start3A_1165 = tpu.memref_slice %arg10[%dma_start3A_1162, %dma_start3A_1163, %dma_start3A_1164] : memref<4x128x128xf32, #tpu.memory_space<vmem>> -> memref<1x128x128xf32, #tpu.memory_space<vmem>>
    %dma_start3A_1166 = tpu.memref_squeeze %dma_start3A_1165 : memref<1x128x128xf32, #tpu.memory_space<vmem>> -> memref<128x128xf32, #tpu.memory_space<vmem>>
    %dma_start3A_1167 = arith.constant 0 : i32
    %dma_start3A_1168 = tpu.memref_slice %arg9[%dma_start3A_1161, %dma_start3A_1167] : memref<4x128xi32, #tpu.memory_space<vmem>> -> memref<1x128xi32, #tpu.memory_space<vmem>>
    %dma_start3A_1169 = tpu.memref_squeeze %dma_start3A_1168 : memref<1x128xi32, #tpu.memory_space<vmem>> -> memref<128xi32, #tpu.memory_space<vmem>>
    %dma_start3A_1170 = arith.constant 0 : i32
    %dma_start3A_1171 = arith.constant 0 : i32
    %dma_start3A_1172 = tpu.memref_slice %arg5[%dma_start3A_1170, %dma_start3A_1171] : memref<131072x128xf32, #tpu.memory_space<hbm>> -> memref<131072x128xf32, #tpu.memory_space<hbm>>
    tpu.enqueue_indirect_dma source(%dma_start3A_1172 : memref<131072x128xf32, #tpu.memory_space<hbm>>) target(%dma_start3A_1166 : memref<128x128xf32, #tpu.memory_space<vmem>>) offsets(%dma_start3A_1169 : memref<128xi32, #tpu.memory_space<vmem>>) semaphore(%arg11 : memref<!tpu.dma_semaphore, #tpu.memory_space<semaphore_mem>>)
    %dma_wait3A_1173 = arith.constant 0 : i32
    %dma_wait3A_1174 = arith.constant 0 : i32
    %dma_wait3A_1175 = arith.constant 0 : i32
    %dma_wait3A_1176 = arith.constant 0 : i32
    %dma_wait3A_1177 = tpu.memref_slice %arg10[%dma_wait3A_1174, %dma_wait3A_1175, %dma_wait3A_1176] : memref<4x128x128xf32, #tpu.memory_space<vmem>> -> memref<1x128x128xf32, #tpu.memory_space<vmem>>
    %dma_wait3A_1178 = tpu.memref_squeeze %dma_wait3A_1177 : memref<1x128x128xf32, #tpu.memory_space<vmem>> -> memref<128x128xf32, #tpu.memory_space<vmem>>
    %dma_wait3A_1179 = arith.constant 0 : i32
    %dma_wait3A_1180 = tpu.memref_slice %arg9[%dma_wait3A_1173, %dma_wait3A_1179] : memref<4x128xi32, #tpu.memory_space<vmem>> -> memref<1x128xi32, #tpu.memory_space<vmem>>
    %dma_wait3A_1181 = tpu.memref_squeeze %dma_wait3A_1180 : memref<1x128xi32, #tpu.memory_space<vmem>> -> memref<128xi32, #tpu.memory_space<vmem>>
    %dma_wait3A_1182 = arith.constant 0 : i32
    %dma_wait3A_1183 = arith.constant 0 : i32
    %dma_wait3A_1184 = tpu.memref_slice %arg5[%dma_wait3A_1182, %dma_wait3A_1183] : memref<131072x128xf32, #tpu.memory_space<hbm>> -> memref<131072x128xf32, #tpu.memory_space<hbm>>
    tpu.wait_indirect_dma semaphore(%arg11 : memref<!tpu.dma_semaphore, #tpu.memory_space<semaphore_mem>>) src(%dma_wait3A_1184 : memref<131072x128xf32, #tpu.memory_space<hbm>>) dst(%dma_wait3A_1178 : memref<128x128xf32, #tpu.memory_space<vmem>>)
    %add3A_1185 = arith.constant 0 : i32
    %add3A_1186 = arith.addi %mul3A_2, %add3A_1185 : i32
    %dma_start3A_1187 = arith.constant 0 : i32
    %dma_start3A_1188 = arith.constant 0 : i32
    %dma_start3A_1189 = arith.constant 0 : i32
    %dma_start3A_1190 = tpu.memref_slice %arg10[%dma_start3A_1187, %dma_start3A_1188, %dma_start3A_1189] : memref<4x128x128xf32, #tpu.memory_space<vmem>> -> memref<1x128x128xf32, #tpu.memory_space<vmem>>
    %dma_start3A_1191 = tpu.memref_squeeze %dma_start3A_1190 : memref<1x128x128xf32, #tpu.memory_space<vmem>> -> memref<128x128xf32, #tpu.memory_space<vmem>>
    %dma_start3A_1192 = arith.constant 0 : i32
    %dma_start3A_1193 = tpu.memref_slice %arg7[%add3A_1186, %dma_start3A_1192] : memref<16384x128xf32, #tpu.memory_space<hbm>> -> memref<128x128xf32, #tpu.memory_space<hbm>>
    %dma_start3A_1194 = arith.constant 0 : i32
    %dma_start3A_1195 = tpu.memref_slice %arg7[%add3A_1186, %dma_start3A_1194] : memref<16384x128xf32, #tpu.memory_space<hbm>> -> memref<128x128xf32, #tpu.memory_space<hbm>>
    %dma_start3A_1196 = arith.constant 0 : i32
    %dma_start3A_1197 = arith.constant 0 : i32
    %dma_start3A_1198 = tpu.memref_slice %arg10[%dma_start3A_1187, %dma_start3A_1196, %dma_start3A_1197] : memref<4x128x128xf32, #tpu.memory_space<vmem>> -> memref<1x128x128xf32, #tpu.memory_space<vmem>>
    %dma_start3A_1199 = tpu.memref_squeeze %dma_start3A_1198 : memref<1x128x128xf32, #tpu.memory_space<vmem>> -> memref<128x128xf32, #tpu.memory_space<vmem>>
    tpu.enqueue_dma source(%dma_start3A_1199 : memref<128x128xf32, #tpu.memory_space<vmem>>) target(%dma_start3A_1195 : memref<128x128xf32, #tpu.memory_space<hbm>>) target_semaphore(%arg12 : memref<!tpu.dma_semaphore, #tpu.memory_space<semaphore_mem>>)
    %dma_wait3A_1200 = arith.constant 1 : i32
    %dma_wait3A_1201 = arith.constant 1 : i32
    %dma_wait3A_1202 = arith.constant 0 : i32
    %dma_wait3A_1203 = arith.constant 0 : i32
    %dma_wait3A_1204 = tpu.memref_slice %arg10[%dma_wait3A_1201, %dma_wait3A_1202, %dma_wait3A_1203] : memref<4x128x128xf32, #tpu.memory_space<vmem>> -> memref<1x128x128xf32, #tpu.memory_space<vmem>>
    %dma_wait3A_1205 = tpu.memref_squeeze %dma_wait3A_1204 : memref<1x128x128xf32, #tpu.memory_space<vmem>> -> memref<128x128xf32, #tpu.memory_space<vmem>>
    %dma_wait3A_1206 = arith.constant 0 : i32
    %dma_wait3A_1207 = tpu.memref_slice %arg9[%dma_wait3A_1200, %dma_wait3A_1206] : memref<4x128xi32, #tpu.memory_space<vmem>> -> memref<1x128xi32, #tpu.memory_space<vmem>>
    %dma_wait3A_1208 = tpu.memref_squeeze %dma_wait3A_1207 : memref<1x128xi32, #tpu.memory_space<vmem>> -> memref<128xi32, #tpu.memory_space<vmem>>
    %dma_wait3A_1209 = arith.constant 0 : i32
    %dma_wait3A_1210 = arith.constant 0 : i32
    %dma_wait3A_1211 = tpu.memref_slice %arg5[%dma_wait3A_1209, %dma_wait3A_1210] : memref<131072x128xf32, #tpu.memory_space<hbm>> -> memref<131072x128xf32, #tpu.memory_space<hbm>>
    tpu.wait_indirect_dma semaphore(%arg11 : memref<!tpu.dma_semaphore, #tpu.memory_space<semaphore_mem>>) src(%dma_wait3A_1211 : memref<131072x128xf32, #tpu.memory_space<hbm>>) dst(%dma_wait3A_1205 : memref<128x128xf32, #tpu.memory_space<vmem>>)
    %add3A_1212 = arith.constant 128 : i32
    %add3A_1213 = arith.addi %mul3A_2, %add3A_1212 : i32
    %dma_start3A_1214 = arith.constant 1 : i32
    %dma_start3A_1215 = arith.constant 0 : i32
    %dma_start3A_1216 = arith.constant 0 : i32
    %dma_start3A_1217 = tpu.memref_slice %arg10[%dma_start3A_1214, %dma_start3A_1215, %dma_start3A_1216] : memref<4x128x128xf32, #tpu.memory_space<vmem>> -> memref<1x128x128xf32, #tpu.memory_space<vmem>>
    %dma_start3A_1218 = tpu.memref_squeeze %dma_start3A_1217 : memref<1x128x128xf32, #tpu.memory_space<vmem>> -> memref<128x128xf32, #tpu.memory_space<vmem>>
    %dma_start3A_1219 = arith.constant 0 : i32
    %dma_start3A_1220 = tpu.memref_slice %arg7[%add3A_1213, %dma_start3A_1219] : memref<16384x128xf32, #tpu.memory_space<hbm>> -> memref<128x128xf32, #tpu.memory_space<hbm>>
    %dma_start3A_1221 = arith.constant 0 : i32
    %dma_start3A_1222 = tpu.memref_slice %arg7[%add3A_1213, %dma_start3A_1221] : memref<16384x128xf32, #tpu.memory_space<hbm>> -> memref<128x128xf32, #tpu.memory_space<hbm>>
    %dma_start3A_1223 = arith.constant 0 : i32
    %dma_start3A_1224 = arith.constant 0 : i32
    %dma_start3A_1225 = tpu.memref_slice %arg10[%dma_start3A_1214, %dma_start3A_1223, %dma_start3A_1224] : memref<4x128x128xf32, #tpu.memory_space<vmem>> -> memref<1x128x128xf32, #tpu.memory_space<vmem>>
    %dma_start3A_1226 = tpu.memref_squeeze %dma_start3A_1225 : memref<1x128x128xf32, #tpu.memory_space<vmem>> -> memref<128x128xf32, #tpu.memory_space<vmem>>
    tpu.enqueue_dma source(%dma_start3A_1226 : memref<128x128xf32, #tpu.memory_space<vmem>>) target(%dma_start3A_1222 : memref<128x128xf32, #tpu.memory_space<hbm>>) target_semaphore(%arg12 : memref<!tpu.dma_semaphore, #tpu.memory_space<semaphore_mem>>)
    %dma_wait3A_1227 = arith.constant 2 : i32
    %dma_wait3A_1228 = arith.constant 2 : i32
    %dma_wait3A_1229 = arith.constant 0 : i32
    %dma_wait3A_1230 = arith.constant 0 : i32
    %dma_wait3A_1231 = tpu.memref_slice %arg10[%dma_wait3A_1228, %dma_wait3A_1229, %dma_wait3A_1230] : memref<4x128x128xf32, #tpu.memory_space<vmem>> -> memref<1x128x128xf32, #tpu.memory_space<vmem>>
    %dma_wait3A_1232 = tpu.memref_squeeze %dma_wait3A_1231 : memref<1x128x128xf32, #tpu.memory_space<vmem>> -> memref<128x128xf32, #tpu.memory_space<vmem>>
    %dma_wait3A_1233 = arith.constant 0 : i32
    %dma_wait3A_1234 = tpu.memref_slice %arg9[%dma_wait3A_1227, %dma_wait3A_1233] : memref<4x128xi32, #tpu.memory_space<vmem>> -> memref<1x128xi32, #tpu.memory_space<vmem>>
    %dma_wait3A_1235 = tpu.memref_squeeze %dma_wait3A_1234 : memref<1x128xi32, #tpu.memory_space<vmem>> -> memref<128xi32, #tpu.memory_space<vmem>>
    %dma_wait3A_1236 = arith.constant 0 : i32
    %dma_wait3A_1237 = arith.constant 0 : i32
    %dma_wait3A_1238 = tpu.memref_slice %arg5[%dma_wait3A_1236, %dma_wait3A_1237] : memref<131072x128xf32, #tpu.memory_space<hbm>> -> memref<131072x128xf32, #tpu.memory_space<hbm>>
    tpu.wait_indirect_dma semaphore(%arg11 : memref<!tpu.dma_semaphore, #tpu.memory_space<semaphore_mem>>) src(%dma_wait3A_1238 : memref<131072x128xf32, #tpu.memory_space<hbm>>) dst(%dma_wait3A_1232 : memref<128x128xf32, #tpu.memory_space<vmem>>)
    %add3A_1239 = arith.constant 256 : i32
    %add3A_1240 = arith.addi %mul3A_2, %add3A_1239 : i32
    %dma_start3A_1241 = arith.constant 2 : i32
    %dma_start3A_1242 = arith.constant 0 : i32
    %dma_start3A_1243 = arith.constant 0 : i32
    %dma_start3A_1244 = tpu.memref_slice %arg10[%dma_start3A_1241, %dma_start3A_1242, %dma_start3A_1243] : memref<4x128x128xf32, #tpu.memory_space<vmem>> -> memref<1x128x128xf32, #tpu.memory_space<vmem>>
    %dma_start3A_1245 = tpu.memref_squeeze %dma_start3A_1244 : memref<1x128x128xf32, #tpu.memory_space<vmem>> -> memref<128x128xf32, #tpu.memory_space<vmem>>
    %dma_start3A_1246 = arith.constant 0 : i32
    %dma_start3A_1247 = tpu.memref_slice %arg7[%add3A_1240, %dma_start3A_1246] : memref<16384x128xf32, #tpu.memory_space<hbm>> -> memref<128x128xf32, #tpu.memory_space<hbm>>
    %dma_start3A_1248 = arith.constant 0 : i32
    %dma_start3A_1249 = tpu.memref_slice %arg7[%add3A_1240, %dma_start3A_1248] : memref<16384x128xf32, #tpu.memory_space<hbm>> -> memref<128x128xf32, #tpu.memory_space<hbm>>
    %dma_start3A_1250 = arith.constant 0 : i32
    %dma_start3A_1251 = arith.constant 0 : i32
    %dma_start3A_1252 = tpu.memref_slice %arg10[%dma_start3A_1241, %dma_start3A_1250, %dma_start3A_1251] : memref<4x128x128xf32, #tpu.memory_space<vmem>> -> memref<1x128x128xf32, #tpu.memory_space<vmem>>
    %dma_start3A_1253 = tpu.memref_squeeze %dma_start3A_1252 : memref<1x128x128xf32, #tpu.memory_space<vmem>> -> memref<128x128xf32, #tpu.memory_space<vmem>>
    tpu.enqueue_dma source(%dma_start3A_1253 : memref<128x128xf32, #tpu.memory_space<vmem>>) target(%dma_start3A_1249 : memref<128x128xf32, #tpu.memory_space<hbm>>) target_semaphore(%arg12 : memref<!tpu.dma_semaphore, #tpu.memory_space<semaphore_mem>>)
    %dma_wait3A_1254 = arith.constant 3 : i32
    %dma_wait3A_1255 = arith.constant 3 : i32
    %dma_wait3A_1256 = arith.constant 0 : i32
    %dma_wait3A_1257 = arith.constant 0 : i32
    %dma_wait3A_1258 = tpu.memref_slice %arg10[%dma_wait3A_1255, %dma_wait3A_1256, %dma_wait3A_1257] : memref<4x128x128xf32, #tpu.memory_space<vmem>> -> memref<1x128x128xf32, #tpu.memory_space<vmem>>
    %dma_wait3A_1259 = tpu.memref_squeeze %dma_wait3A_1258 : memref<1x128x128xf32, #tpu.memory_space<vmem>> -> memref<128x128xf32, #tpu.memory_space<vmem>>
    %dma_wait3A_1260 = arith.constant 0 : i32
    %dma_wait3A_1261 = tpu.memref_slice %arg9[%dma_wait3A_1254, %dma_wait3A_1260] : memref<4x128xi32, #tpu.memory_space<vmem>> -> memref<1x128xi32, #tpu.memory_space<vmem>>
    %dma_wait3A_1262 = tpu.memref_squeeze %dma_wait3A_1261 : memref<1x128xi32, #tpu.memory_space<vmem>> -> memref<128xi32, #tpu.memory_space<vmem>>
    %dma_wait3A_1263 = arith.constant 0 : i32
    %dma_wait3A_1264 = arith.constant 0 : i32
    %dma_wait3A_1265 = tpu.memref_slice %arg5[%dma_wait3A_1263, %dma_wait3A_1264] : memref<131072x128xf32, #tpu.memory_space<hbm>> -> memref<131072x128xf32, #tpu.memory_space<hbm>>
    tpu.wait_indirect_dma semaphore(%arg11 : memref<!tpu.dma_semaphore, #tpu.memory_space<semaphore_mem>>) src(%dma_wait3A_1265 : memref<131072x128xf32, #tpu.memory_space<hbm>>) dst(%dma_wait3A_1259 : memref<128x128xf32, #tpu.memory_space<vmem>>)
    %add3A_1266 = arith.constant 384 : i32
    %add3A_1267 = arith.addi %mul3A_2, %add3A_1266 : i32
    %dma_start3A_1268 = arith.constant 3 : i32
    %dma_start3A_1269 = arith.constant 0 : i32
    %dma_start3A_1270 = arith.constant 0 : i32
    %dma_start3A_1271 = tpu.memref_slice %arg10[%dma_start3A_1268, %dma_start3A_1269, %dma_start3A_1270] : memref<4x128x128xf32, #tpu.memory_space<vmem>> -> memref<1x128x128xf32, #tpu.memory_space<vmem>>
    %dma_start3A_1272 = tpu.memref_squeeze %dma_start3A_1271 : memref<1x128x128xf32, #tpu.memory_space<vmem>> -> memref<128x128xf32, #tpu.memory_space<vmem>>
    %dma_start3A_1273 = arith.constant 0 : i32
    %dma_start3A_1274 = tpu.memref_slice %arg7[%add3A_1267, %dma_start3A_1273] : memref<16384x128xf32, #tpu.memory_space<hbm>> -> memref<128x128xf32, #tpu.memory_space<hbm>>
    %dma_start3A_1275 = arith.constant 0 : i32
    %dma_start3A_1276 = tpu.memref_slice %arg7[%add3A_1267, %dma_start3A_1275] : memref<16384x128xf32, #tpu.memory_space<hbm>> -> memref<128x128xf32, #tpu.memory_space<hbm>>
    %dma_start3A_1277 = arith.constant 0 : i32
    %dma_start3A_1278 = arith.constant 0 : i32
    %dma_start3A_1279 = tpu.memref_slice %arg10[%dma_start3A_1268, %dma_start3A_1277, %dma_start3A_1278] : memref<4x128x128xf32, #tpu.memory_space<vmem>> -> memref<1x128x128xf32, #tpu.memory_space<vmem>>
    %dma_start3A_1280 = tpu.memref_squeeze %dma_start3A_1279 : memref<1x128x128xf32, #tpu.memory_space<vmem>> -> memref<128x128xf32, #tpu.memory_space<vmem>>
    tpu.enqueue_dma source(%dma_start3A_1280 : memref<128x128xf32, #tpu.memory_space<vmem>>) target(%dma_start3A_1276 : memref<128x128xf32, #tpu.memory_space<hbm>>) target_semaphore(%arg12 : memref<!tpu.dma_semaphore, #tpu.memory_space<semaphore_mem>>)
    %dma_wait3A_1281 = arith.constant 0 : i32
    %dma_wait3A_1282 = arith.constant 0 : i32
    %dma_wait3A_1283 = arith.constant 0 : i32
    %dma_wait3A_1284 = tpu.memref_slice %arg10[%dma_wait3A_1281, %dma_wait3A_1282, %dma_wait3A_1283] : memref<4x128x128xf32, #tpu.memory_space<vmem>> -> memref<1x128x128xf32, #tpu.memory_space<vmem>>
    %dma_wait3A_1285 = tpu.memref_squeeze %dma_wait3A_1284 : memref<1x128x128xf32, #tpu.memory_space<vmem>> -> memref<128x128xf32, #tpu.memory_space<vmem>>
    %dma_wait3A_1286 = arith.constant 0 : i32
    %dma_wait3A_1287 = tpu.memref_slice %arg7[%add3A_1186, %dma_wait3A_1286] : memref<16384x128xf32, #tpu.memory_space<hbm>> -> memref<128x128xf32, #tpu.memory_space<hbm>>
    %dma_wait3A_1288 = arith.constant 0 : i32
    %dma_wait3A_1289 = tpu.memref_slice %arg7[%add3A_1186, %dma_wait3A_1288] : memref<16384x128xf32, #tpu.memory_space<hbm>> -> memref<128x128xf32, #tpu.memory_space<hbm>>
    %dma_wait3A_1290 = arith.constant 0 : i32
    %dma_wait3A_1291 = arith.constant 0 : i32
    %dma_wait3A_1292 = tpu.memref_slice %arg10[%dma_wait3A_1281, %dma_wait3A_1290, %dma_wait3A_1291] : memref<4x128x128xf32, #tpu.memory_space<vmem>> -> memref<1x128x128xf32, #tpu.memory_space<vmem>>
    %dma_wait3A_1293 = tpu.memref_squeeze %dma_wait3A_1292 : memref<1x128x128xf32, #tpu.memory_space<vmem>> -> memref<128x128xf32, #tpu.memory_space<vmem>>
    tpu.wait_dma2 semaphore(%arg12 : memref<!tpu.dma_semaphore, #tpu.memory_space<semaphore_mem>>) src(%dma_wait3A_1293 : memref<128x128xf32, #tpu.memory_space<vmem>>) dst(%dma_wait3A_1289 : memref<128x128xf32, #tpu.memory_space<hbm>>)
    %dma_wait3A_1294 = arith.constant 1 : i32
    %dma_wait3A_1295 = arith.constant 0 : i32
    %dma_wait3A_1296 = arith.constant 0 : i32
    %dma_wait3A_1297 = tpu.memref_slice %arg10[%dma_wait3A_1294, %dma_wait3A_1295, %dma_wait3A_1296] : memref<4x128x128xf32, #tpu.memory_space<vmem>> -> memref<1x128x128xf32, #tpu.memory_space<vmem>>
    %dma_wait3A_1298 = tpu.memref_squeeze %dma_wait3A_1297 : memref<1x128x128xf32, #tpu.memory_space<vmem>> -> memref<128x128xf32, #tpu.memory_space<vmem>>
    %dma_wait3A_1299 = arith.constant 0 : i32
    %dma_wait3A_1300 = tpu.memref_slice %arg7[%add3A_1213, %dma_wait3A_1299] : memref<16384x128xf32, #tpu.memory_space<hbm>> -> memref<128x128xf32, #tpu.memory_space<hbm>>
    %dma_wait3A_1301 = arith.constant 0 : i32
    %dma_wait3A_1302 = tpu.memref_slice %arg7[%add3A_1213, %dma_wait3A_1301] : memref<16384x128xf32, #tpu.memory_space<hbm>> -> memref<128x128xf32, #tpu.memory_space<hbm>>
    %dma_wait3A_1303 = arith.constant 0 : i32
    %dma_wait3A_1304 = arith.constant 0 : i32
    %dma_wait3A_1305 = tpu.memref_slice %arg10[%dma_wait3A_1294, %dma_wait3A_1303, %dma_wait3A_1304] : memref<4x128x128xf32, #tpu.memory_space<vmem>> -> memref<1x128x128xf32, #tpu.memory_space<vmem>>
    %dma_wait3A_1306 = tpu.memref_squeeze %dma_wait3A_1305 : memref<1x128x128xf32, #tpu.memory_space<vmem>> -> memref<128x128xf32, #tpu.memory_space<vmem>>
    tpu.wait_dma2 semaphore(%arg12 : memref<!tpu.dma_semaphore, #tpu.memory_space<semaphore_mem>>) src(%dma_wait3A_1306 : memref<128x128xf32, #tpu.memory_space<vmem>>) dst(%dma_wait3A_1302 : memref<128x128xf32, #tpu.memory_space<hbm>>)
    %dma_wait3A_1307 = arith.constant 2 : i32
    %dma_wait3A_1308 = arith.constant 0 : i32
    %dma_wait3A_1309 = arith.constant 0 : i32
    %dma_wait3A_1310 = tpu.memref_slice %arg10[%dma_wait3A_1307, %dma_wait3A_1308, %dma_wait3A_1309] : memref<4x128x128xf32, #tpu.memory_space<vmem>> -> memref<1x128x128xf32, #tpu.memory_space<vmem>>
    %dma_wait3A_1311 = tpu.memref_squeeze %dma_wait3A_1310 : memref<1x128x128xf32, #tpu.memory_space<vmem>> -> memref<128x128xf32, #tpu.memory_space<vmem>>
    %dma_wait3A_1312 = arith.constant 0 : i32
    %dma_wait3A_1313 = tpu.memref_slice %arg7[%add3A_1240, %dma_wait3A_1312] : memref<16384x128xf32, #tpu.memory_space<hbm>> -> memref<128x128xf32, #tpu.memory_space<hbm>>
    %dma_wait3A_1314 = arith.constant 0 : i32
    %dma_wait3A_1315 = tpu.memref_slice %arg7[%add3A_1240, %dma_wait3A_1314] : memref<16384x128xf32, #tpu.memory_space<hbm>> -> memref<128x128xf32, #tpu.memory_space<hbm>>
    %dma_wait3A_1316 = arith.constant 0 : i32
    %dma_wait3A_1317 = arith.constant 0 : i32
    %dma_wait3A_1318 = tpu.memref_slice %arg10[%dma_wait3A_1307, %dma_wait3A_1316, %dma_wait3A_1317] : memref<4x128x128xf32, #tpu.memory_space<vmem>> -> memref<1x128x128xf32, #tpu.memory_space<vmem>>
    %dma_wait3A_1319 = tpu.memref_squeeze %dma_wait3A_1318 : memref<1x128x128xf32, #tpu.memory_space<vmem>> -> memref<128x128xf32, #tpu.memory_space<vmem>>
    tpu.wait_dma2 semaphore(%arg12 : memref<!tpu.dma_semaphore, #tpu.memory_space<semaphore_mem>>) src(%dma_wait3A_1319 : memref<128x128xf32, #tpu.memory_space<vmem>>) dst(%dma_wait3A_1315 : memref<128x128xf32, #tpu.memory_space<hbm>>)
    %dma_wait3A_1320 = arith.constant 3 : i32
    %dma_wait3A_1321 = arith.constant 0 : i32
    %dma_wait3A_1322 = arith.constant 0 : i32
    %dma_wait3A_1323 = tpu.memref_slice %arg10[%dma_wait3A_1320, %dma_wait3A_1321, %dma_wait3A_1322] : memref<4x128x128xf32, #tpu.memory_space<vmem>> -> memref<1x128x128xf32, #tpu.memory_space<vmem>>
    %dma_wait3A_1324 = tpu.memref_squeeze %dma_wait3A_1323 : memref<1x128x128xf32, #tpu.memory_space<vmem>> -> memref<128x128xf32, #tpu.memory_space<vmem>>
    %dma_wait3A_1325 = arith.constant 0 : i32
    %dma_wait3A_1326 = tpu.memref_slice %arg7[%add3A_1267, %dma_wait3A_1325] : memref<16384x128xf32, #tpu.memory_space<hbm>> -> memref<128x128xf32, #tpu.memory_space<hbm>>
    %dma_wait3A_1327 = arith.constant 0 : i32
    %dma_wait3A_1328 = tpu.memref_slice %arg7[%add3A_1267, %dma_wait3A_1327] : memref<16384x128xf32, #tpu.memory_space<hbm>> -> memref<128x128xf32, #tpu.memory_space<hbm>>
    %dma_wait3A_1329 = arith.constant 0 : i32
    %dma_wait3A_1330 = arith.constant 0 : i32
    %dma_wait3A_1331 = tpu.memref_slice %arg10[%dma_wait3A_1320, %dma_wait3A_1329, %dma_wait3A_1330] : memref<4x128x128xf32, #tpu.memory_space<vmem>> -> memref<1x128x128xf32, #tpu.memory_space<vmem>>
    %dma_wait3A_1332 = tpu.memref_squeeze %dma_wait3A_1331 : memref<1x128x128xf32, #tpu.memory_space<vmem>> -> memref<128x128xf32, #tpu.memory_space<vmem>>
    tpu.wait_dma2 semaphore(%arg12 : memref<!tpu.dma_semaphore, #tpu.memory_space<semaphore_mem>>) src(%dma_wait3A_1332 : memref<128x128xf32, #tpu.memory_space<vmem>>) dst(%dma_wait3A_1328 : memref<128x128xf32, #tpu.memory_space<hbm>>)
    return
  }
}

module attributes {stable_mosaic.version = 14 : i64} {
  func.func @body(%arg0: i32, %arg1: memref<32x4096xf32, #tpu.memory_space<vmem>>, %arg2: memref<32x4096xf32, #tpu.memory_space<vmem>>, %arg3: memref<32x4096xf32, #tpu.memory_space<vmem>>, %arg4: memref<32x4096xf32, #tpu.memory_space<vmem>>, %arg5: memref<32x4096xf32, #tpu.memory_space<vmem>>, %arg6: memref<32x4096xf32, #tpu.memory_space<vmem>>, %arg7: memref<32x4096xf32, #tpu.memory_space<vmem>>, %arg8: memref<32x4096xf32, #tpu.memory_space<vmem>>, %arg9: memref<32x4096xf32, #tpu.memory_space<vmem>>, %arg10: memref<32x4096xf32, #tpu.memory_space<vmem>>, %arg11: memref<32x4096xf32, #tpu.memory_space<vmem>>, %arg12: memref<32x4096xf32, #tpu.memory_space<vmem>>, %arg13: memref<32x4096xf32, #tpu.memory_space<vmem>>, %arg14: memref<32x4096xf32, #tpu.memory_space<vmem>>, %arg15: memref<32x4096xf32, #tpu.memory_space<vmem>>, %arg16: memref<32x4096xf32, #tpu.memory_space<vmem>>, %arg17: memref<4096x128xf32, #tpu.memory_space<vmem>>, %arg18: memref<4096x128xf32, #tpu.memory_space<vmem>>) attributes {dimension_semantics = [#tpu.dimension_semantics<arbitrary>], iteration_bounds = array<i64: 32>, scalar_prefetch = 0 : i64, scratch_operands = 0 : i64, tpu.core_type = #tpu.core_type<tc>, window_params = [{transform_indices = @transform_0, window_bounds = array<i64: 32, 4096>}, {transform_indices = @transform_1, window_bounds = array<i64: 32, 4096>}, {transform_indices = @transform_2, window_bounds = array<i64: 32, 4096>}, {transform_indices = @transform_3, window_bounds = array<i64: 32, 4096>}, {transform_indices = @transform_4, window_bounds = array<i64: 32, 4096>}, {transform_indices = @transform_5, window_bounds = array<i64: 32, 4096>}, {transform_indices = @transform_6, window_bounds = array<i64: 32, 4096>}, {transform_indices = @transform_7, window_bounds = array<i64: 32, 4096>}, {transform_indices = @transform_8, window_bounds = array<i64: 32, 4096>}, {transform_indices = @transform_9, window_bounds = array<i64: 32, 4096>}, {transform_indices = @transform_10, window_bounds = array<i64: 32, 4096>}, {transform_indices = @transform_11, window_bounds = array<i64: 32, 4096>}, {transform_indices = @transform_12, window_bounds = array<i64: 32, 4096>}, {transform_indices = @transform_13, window_bounds = array<i64: 32, 4096>}, {transform_indices = @transform_14, window_bounds = array<i64: 32, 4096>}, {transform_indices = @transform_15, window_bounds = array<i64: 32, 4096>}, {transform_indices = @transform_16, window_bounds = array<i64: 4096, 128>}, {transform_indices = @transform_17, window_bounds = array<i64: 4096, 128>}]} {
    %get3A = arith.constant 0 : index
    %get3A_0 = arith.constant 0 : index
    %get3A_1 = vector.load %arg1[%get3A, %get3A_0] : memref<32x4096xf32, #tpu.memory_space<vmem>>, vector<32x4096xf32>
    %get3A_2 = arith.constant 0 : index
    %get3A_3 = arith.constant 0 : index
    %get3A_4 = vector.load %arg2[%get3A_2, %get3A_3] : memref<32x4096xf32, #tpu.memory_space<vmem>>, vector<32x4096xf32>
    %get3A_5 = arith.constant 0 : index
    %get3A_6 = arith.constant 0 : index
    %get3A_7 = vector.load %arg3[%get3A_5, %get3A_6] : memref<32x4096xf32, #tpu.memory_space<vmem>>, vector<32x4096xf32>
    %get3A_8 = arith.constant 0 : index
    %get3A_9 = arith.constant 0 : index
    %get3A_10 = vector.load %arg4[%get3A_8, %get3A_9] : memref<32x4096xf32, #tpu.memory_space<vmem>>, vector<32x4096xf32>
    %get3A_11 = arith.constant 0 : index
    %get3A_12 = arith.constant 0 : index
    %get3A_13 = vector.load %arg5[%get3A_11, %get3A_12] : memref<32x4096xf32, #tpu.memory_space<vmem>>, vector<32x4096xf32>
    %get3A_14 = arith.constant 0 : index
    %get3A_15 = arith.constant 0 : index
    %get3A_16 = vector.load %arg6[%get3A_14, %get3A_15] : memref<32x4096xf32, #tpu.memory_space<vmem>>, vector<32x4096xf32>
    %get3A_17 = arith.constant 0 : index
    %get3A_18 = arith.constant 0 : index
    %get3A_19 = vector.load %arg7[%get3A_17, %get3A_18] : memref<32x4096xf32, #tpu.memory_space<vmem>>, vector<32x4096xf32>
    %get3A_20 = arith.constant 0 : index
    %get3A_21 = arith.constant 0 : index
    %get3A_22 = vector.load %arg8[%get3A_20, %get3A_21] : memref<32x4096xf32, #tpu.memory_space<vmem>>, vector<32x4096xf32>
    %concatenate3A = tpu.concatenate %get3A_1, %get3A_4, %get3A_7, %get3A_10, %get3A_13, %get3A_16, %get3A_19, %get3A_22 in 0 : vector<32x4096xf32>, vector<32x4096xf32>, vector<32x4096xf32>, vector<32x4096xf32>, vector<32x4096xf32>, vector<32x4096xf32>, vector<32x4096xf32>, vector<32x4096xf32> -> vector<256x4096xf32>
    %convert_element_type3A = arith.truncf %concatenate3A : vector<256x4096xf32> to vector<256x4096xbf16>
    %transpose3A = tpu.transpose %convert_element_type3A, [1, 0] : vector<256x4096xbf16> -> vector<4096x256xbf16>
    %reshape3A = vector.shape_cast %transpose3A : vector<4096x256xbf16> to vector<8192x128xbf16>
    %bitcast3A = tpu.bitcast %reshape3A : vector<8192x128xbf16> -> vector<4096x128xf32>
    %swap3A = arith.constant 0 : index
    %swap3A_23 = arith.constant 0 : index
    %swap3A_24 = vector.load %arg17[%swap3A, %swap3A_23] : memref<4096x128xf32, #tpu.memory_space<vmem>>, vector<4096x128xf32>
    tpu.vector_store %arg17[%swap3A, %swap3A_23], %bitcast3A {strides = array<i32>} : memref<4096x128xf32, #tpu.memory_space<vmem>>, vector<4096x128xf32>,
    %get3A_25 = arith.constant 0 : index
    %get3A_26 = arith.constant 0 : index
    %get3A_27 = vector.load %arg9[%get3A_25, %get3A_26] : memref<32x4096xf32, #tpu.memory_space<vmem>>, vector<32x4096xf32>
    %get3A_28 = arith.constant 0 : index
    %get3A_29 = arith.constant 0 : index
    %get3A_30 = vector.load %arg10[%get3A_28, %get3A_29] : memref<32x4096xf32, #tpu.memory_space<vmem>>, vector<32x4096xf32>
    %get3A_31 = arith.constant 0 : index
    %get3A_32 = arith.constant 0 : index
    %get3A_33 = vector.load %arg11[%get3A_31, %get3A_32] : memref<32x4096xf32, #tpu.memory_space<vmem>>, vector<32x4096xf32>
    %get3A_34 = arith.constant 0 : index
    %get3A_35 = arith.constant 0 : index
    %get3A_36 = vector.load %arg12[%get3A_34, %get3A_35] : memref<32x4096xf32, #tpu.memory_space<vmem>>, vector<32x4096xf32>
    %get3A_37 = arith.constant 0 : index
    %get3A_38 = arith.constant 0 : index
    %get3A_39 = vector.load %arg13[%get3A_37, %get3A_38] : memref<32x4096xf32, #tpu.memory_space<vmem>>, vector<32x4096xf32>
    %get3A_40 = arith.constant 0 : index
    %get3A_41 = arith.constant 0 : index
    %get3A_42 = vector.load %arg14[%get3A_40, %get3A_41] : memref<32x4096xf32, #tpu.memory_space<vmem>>, vector<32x4096xf32>
    %get3A_43 = arith.constant 0 : index
    %get3A_44 = arith.constant 0 : index
    %get3A_45 = vector.load %arg15[%get3A_43, %get3A_44] : memref<32x4096xf32, #tpu.memory_space<vmem>>, vector<32x4096xf32>
    %get3A_46 = arith.constant 0 : index
    %get3A_47 = arith.constant 0 : index
    %get3A_48 = vector.load %arg16[%get3A_46, %get3A_47] : memref<32x4096xf32, #tpu.memory_space<vmem>>, vector<32x4096xf32>
    %concatenate3A_49 = tpu.concatenate %get3A_27, %get3A_30, %get3A_33, %get3A_36, %get3A_39, %get3A_42, %get3A_45, %get3A_48 in 0 : vector<32x4096xf32>, vector<32x4096xf32>, vector<32x4096xf32>, vector<32x4096xf32>, vector<32x4096xf32>, vector<32x4096xf32>, vector<32x4096xf32>, vector<32x4096xf32> -> vector<256x4096xf32>
    %convert_element_type3A_50 = arith.truncf %concatenate3A_49 : vector<256x4096xf32> to vector<256x4096xbf16>
    %transpose3A_51 = tpu.transpose %convert_element_type3A_50, [1, 0] : vector<256x4096xbf16> -> vector<4096x256xbf16>
    %reshape3A_52 = vector.shape_cast %transpose3A_51 : vector<4096x256xbf16> to vector<8192x128xbf16>
    %bitcast3A_53 = tpu.bitcast %reshape3A_52 : vector<8192x128xbf16> -> vector<4096x128xf32>
    %swap3A_54 = arith.constant 0 : index
    %swap3A_55 = arith.constant 0 : index
    %swap3A_56 = vector.load %arg18[%swap3A_54, %swap3A_55] : memref<4096x128xf32, #tpu.memory_space<vmem>>, vector<4096x128xf32>
    tpu.vector_store %arg18[%swap3A_54, %swap3A_55], %bitcast3A_53 {strides = array<i32>} : memref<4096x128xf32, #tpu.memory_space<vmem>>, vector<4096x128xf32>,
    return
  }
  func.func @transform_0(%arg0: i32) -> (i32, i32) {
    %add3A = arith.constant 0 : i32
    %add3A_0 = arith.addi %add3A, %arg0 : i32
    %min3A = arith.constant 244 : i32
    %min3A_1 = arith.minsi %add3A_0, %min3A : i32
    %c0_i32 = arith.constant 0 : i32
    %c0_i32_2 = arith.constant 0 : i32
    return %c0_i32, %min3A_1 : i32, i32
  }
  func.func @transform_1(%arg0: i32) -> (i32, i32) {
    %add3A = arith.constant 32 : i32
    %add3A_0 = arith.addi %add3A, %arg0 : i32
    %min3A = arith.constant 244 : i32
    %min3A_1 = arith.minsi %add3A_0, %min3A : i32
    %c0_i32 = arith.constant 0 : i32
    %c0_i32_2 = arith.constant 0 : i32
    return %c0_i32, %min3A_1 : i32, i32
  }
  func.func @transform_2(%arg0: i32) -> (i32, i32) {
    %add3A = arith.constant 64 : i32
    %add3A_0 = arith.addi %add3A, %arg0 : i32
    %min3A = arith.constant 244 : i32
    %min3A_1 = arith.minsi %add3A_0, %min3A : i32
    %c0_i32 = arith.constant 0 : i32
    %c0_i32_2 = arith.constant 0 : i32
    return %c0_i32, %min3A_1 : i32, i32
  }
  func.func @transform_3(%arg0: i32) -> (i32, i32) {
    %add3A = arith.constant 96 : i32
    %add3A_0 = arith.addi %add3A, %arg0 : i32
    %min3A = arith.constant 244 : i32
    %min3A_1 = arith.minsi %add3A_0, %min3A : i32
    %c0_i32 = arith.constant 0 : i32
    %c0_i32_2 = arith.constant 0 : i32
    return %c0_i32, %min3A_1 : i32, i32
  }
  func.func @transform_4(%arg0: i32) -> (i32, i32) {
    %add3A = arith.constant 128 : i32
    %add3A_0 = arith.addi %add3A, %arg0 : i32
    %min3A = arith.constant 244 : i32
    %min3A_1 = arith.minsi %add3A_0, %min3A : i32
    %c0_i32 = arith.constant 0 : i32
    %c0_i32_2 = arith.constant 0 : i32
    return %c0_i32, %min3A_1 : i32, i32
  }
  func.func @transform_5(%arg0: i32) -> (i32, i32) {
    %add3A = arith.constant 160 : i32
    %add3A_0 = arith.addi %add3A, %arg0 : i32
    %min3A = arith.constant 244 : i32
    %min3A_1 = arith.minsi %add3A_0, %min3A : i32
    %c0_i32 = arith.constant 0 : i32
    %c0_i32_2 = arith.constant 0 : i32
    return %c0_i32, %min3A_1 : i32, i32
  }
  func.func @transform_6(%arg0: i32) -> (i32, i32) {
    %add3A = arith.constant 192 : i32
    %add3A_0 = arith.addi %add3A, %arg0 : i32
    %min3A = arith.constant 244 : i32
    %min3A_1 = arith.minsi %add3A_0, %min3A : i32
    %c0_i32 = arith.constant 0 : i32
    %c0_i32_2 = arith.constant 0 : i32
    return %c0_i32, %min3A_1 : i32, i32
  }
  func.func @transform_7(%arg0: i32) -> (i32, i32) {
    %add3A = arith.constant 224 : i32
    %add3A_0 = arith.addi %add3A, %arg0 : i32
    %min3A = arith.constant 244 : i32
    %min3A_1 = arith.minsi %add3A_0, %min3A : i32
    %c0_i32 = arith.constant 0 : i32
    %c0_i32_2 = arith.constant 0 : i32
    return %c0_i32, %min3A_1 : i32, i32
  }
  func.func @transform_8(%arg0: i32) -> (i32, i32) {
    %add3A = arith.constant 0 : i32
    %add3A_0 = arith.addi %add3A, %arg0 : i32
    %min3A = arith.constant 244 : i32
    %min3A_1 = arith.minsi %add3A_0, %min3A : i32
    %c0_i32 = arith.constant 0 : i32
    %c0_i32_2 = arith.constant 0 : i32
    return %c0_i32, %min3A_1 : i32, i32
  }
  func.func @transform_9(%arg0: i32) -> (i32, i32) {
    %add3A = arith.constant 32 : i32
    %add3A_0 = arith.addi %add3A, %arg0 : i32
    %min3A = arith.constant 244 : i32
    %min3A_1 = arith.minsi %add3A_0, %min3A : i32
    %c0_i32 = arith.constant 0 : i32
    %c0_i32_2 = arith.constant 0 : i32
    return %c0_i32, %min3A_1 : i32, i32
  }
  func.func @transform_10(%arg0: i32) -> (i32, i32) {
    %add3A = arith.constant 64 : i32
    %add3A_0 = arith.addi %add3A, %arg0 : i32
    %min3A = arith.constant 244 : i32
    %min3A_1 = arith.minsi %add3A_0, %min3A : i32
    %c0_i32 = arith.constant 0 : i32
    %c0_i32_2 = arith.constant 0 : i32
    return %c0_i32, %min3A_1 : i32, i32
  }
  func.func @transform_11(%arg0: i32) -> (i32, i32) {
    %add3A = arith.constant 96 : i32
    %add3A_0 = arith.addi %add3A, %arg0 : i32
    %min3A = arith.constant 244 : i32
    %min3A_1 = arith.minsi %add3A_0, %min3A : i32
    %c0_i32 = arith.constant 0 : i32
    %c0_i32_2 = arith.constant 0 : i32
    return %c0_i32, %min3A_1 : i32, i32
  }
  func.func @transform_12(%arg0: i32) -> (i32, i32) {
    %add3A = arith.constant 128 : i32
    %add3A_0 = arith.addi %add3A, %arg0 : i32
    %min3A = arith.constant 244 : i32
    %min3A_1 = arith.minsi %add3A_0, %min3A : i32
    %c0_i32 = arith.constant 0 : i32
    %c0_i32_2 = arith.constant 0 : i32
    return %c0_i32, %min3A_1 : i32, i32
  }
  func.func @transform_13(%arg0: i32) -> (i32, i32) {
    %add3A = arith.constant 160 : i32
    %add3A_0 = arith.addi %add3A, %arg0 : i32
    %min3A = arith.constant 244 : i32
    %min3A_1 = arith.minsi %add3A_0, %min3A : i32
    %c0_i32 = arith.constant 0 : i32
    %c0_i32_2 = arith.constant 0 : i32
    return %c0_i32, %min3A_1 : i32, i32
  }
  func.func @transform_14(%arg0: i32) -> (i32, i32) {
    %add3A = arith.constant 192 : i32
    %add3A_0 = arith.addi %add3A, %arg0 : i32
    %min3A = arith.constant 244 : i32
    %min3A_1 = arith.minsi %add3A_0, %min3A : i32
    %c0_i32 = arith.constant 0 : i32
    %c0_i32_2 = arith.constant 0 : i32
    return %c0_i32, %min3A_1 : i32, i32
  }
  func.func @transform_15(%arg0: i32) -> (i32, i32) {
    %add3A = arith.constant 224 : i32
    %add3A_0 = arith.addi %add3A, %arg0 : i32
    %min3A = arith.constant 244 : i32
    %min3A_1 = arith.minsi %add3A_0, %min3A : i32
    %c0_i32 = arith.constant 0 : i32
    %c0_i32_2 = arith.constant 0 : i32
    return %c0_i32, %min3A_1 : i32, i32
  }
  func.func @transform_16(%arg0: i32) -> (i32, i32) {
    %c0_i32 = arith.constant 0 : i32
    %c0_i32_0 = arith.constant 0 : i32
    return %arg0, %c0_i32 : i32, i32
  }
  func.func @transform_17(%arg0: i32) -> (i32, i32) {
    %c0_i32 = arith.constant 0 : i32
    %c0_i32_0 = arith.constant 0 : i32
    return %arg0, %c0_i32 : i32, i32
  }
}

module attributes {stable_mosaic.version = 14 : i64} {
  func.func @body(%arg0: i32, %arg1: memref<8x4096xf32, #tpu.memory_space<vmem>>, %arg2: memref<8x4096xf32, #tpu.memory_space<vmem>>, %arg3: memref<8x4096xf32, #tpu.memory_space<vmem>>, %arg4: memref<8x4096xf32, #tpu.memory_space<vmem>>, %arg5: memref<8x4096xf32, #tpu.memory_space<vmem>>, %arg6: memref<8x4096xf32, #tpu.memory_space<vmem>>, %arg7: memref<8x4096xf32, #tpu.memory_space<vmem>>, %arg8: memref<8x4096xf32, #tpu.memory_space<vmem>>, %arg9: memref<8x4096xf32, #tpu.memory_space<vmem>>, %arg10: memref<8x4096xf32, #tpu.memory_space<vmem>>, %arg11: memref<8x4096xf32, #tpu.memory_space<vmem>>, %arg12: memref<8x4096xf32, #tpu.memory_space<vmem>>, %arg13: memref<8x4096xf32, #tpu.memory_space<vmem>>, %arg14: memref<8x4096xf32, #tpu.memory_space<vmem>>, %arg15: memref<8x4096xf32, #tpu.memory_space<vmem>>, %arg16: memref<8x4096xf32, #tpu.memory_space<vmem>>, %arg17: memref<8x4096xf32, #tpu.memory_space<vmem>>, %arg18: memref<8x4096xf32, #tpu.memory_space<vmem>>, %arg19: memref<8x4096xf32, #tpu.memory_space<vmem>>, %arg20: memref<8x4096xf32, #tpu.memory_space<vmem>>, %arg21: memref<8x4096xf32, #tpu.memory_space<vmem>>, %arg22: memref<8x4096xf32, #tpu.memory_space<vmem>>, %arg23: memref<8x4096xf32, #tpu.memory_space<vmem>>, %arg24: memref<8x4096xf32, #tpu.memory_space<vmem>>, %arg25: memref<8x4096xf32, #tpu.memory_space<vmem>>, %arg26: memref<8x4096xf32, #tpu.memory_space<vmem>>, %arg27: memref<8x4096xf32, #tpu.memory_space<vmem>>, %arg28: memref<8x4096xf32, #tpu.memory_space<vmem>>, %arg29: memref<8x4096xf32, #tpu.memory_space<vmem>>, %arg30: memref<8x4096xf32, #tpu.memory_space<vmem>>, %arg31: memref<8x4096xf32, #tpu.memory_space<vmem>>, %arg32: memref<8x4096xf32, #tpu.memory_space<vmem>>, %arg33: memref<8x4096xf32, #tpu.memory_space<vmem>>, %arg34: memref<8x4096xf32, #tpu.memory_space<vmem>>, %arg35: memref<8x4096xf32, #tpu.memory_space<vmem>>, %arg36: memref<8x4096xf32, #tpu.memory_space<vmem>>, %arg37: memref<8x4096xf32, #tpu.memory_space<vmem>>, %arg38: memref<8x4096xf32, #tpu.memory_space<vmem>>, %arg39: memref<8x4096xf32, #tpu.memory_space<vmem>>, %arg40: memref<8x4096xf32, #tpu.memory_space<vmem>>, %arg41: memref<8x4096xf32, #tpu.memory_space<vmem>>, %arg42: memref<8x4096xf32, #tpu.memory_space<vmem>>, %arg43: memref<8x4096xf32, #tpu.memory_space<vmem>>, %arg44: memref<8x4096xf32, #tpu.memory_space<vmem>>, %arg45: memref<8x4096xf32, #tpu.memory_space<vmem>>, %arg46: memref<8x4096xf32, #tpu.memory_space<vmem>>, %arg47: memref<8x4096xf32, #tpu.memory_space<vmem>>, %arg48: memref<8x4096xf32, #tpu.memory_space<vmem>>, %arg49: memref<8x4096xf32, #tpu.memory_space<vmem>>, %arg50: memref<8x4096xf32, #tpu.memory_space<vmem>>, %arg51: memref<8x4096xf32, #tpu.memory_space<vmem>>, %arg52: memref<8x4096xf32, #tpu.memory_space<vmem>>, %arg53: memref<8x4096xf32, #tpu.memory_space<vmem>>, %arg54: memref<8x4096xf32, #tpu.memory_space<vmem>>, %arg55: memref<8x4096xf32, #tpu.memory_space<vmem>>, %arg56: memref<8x4096xf32, #tpu.memory_space<vmem>>, %arg57: memref<8x4096xf32, #tpu.memory_space<vmem>>, %arg58: memref<8x4096xf32, #tpu.memory_space<vmem>>, %arg59: memref<8x4096xf32, #tpu.memory_space<vmem>>, %arg60: memref<8x4096xf32, #tpu.memory_space<vmem>>, %arg61: memref<8x4096xf32, #tpu.memory_space<vmem>>, %arg62: memref<8x4096xf32, #tpu.memory_space<vmem>>, %arg63: memref<8x4096xf32, #tpu.memory_space<vmem>>, %arg64: memref<8x4096xf32, #tpu.memory_space<vmem>>, %arg65: memref<4096x128xf32, #tpu.memory_space<vmem>>, %arg66: memref<4096x128xf32, #tpu.memory_space<vmem>>) attributes {dimension_semantics = [#tpu.dimension_semantics<arbitrary>], iteration_bounds = array<i64: 8>, scalar_prefetch = 0 : i64, scratch_operands = 0 : i64, tpu.core_type = #tpu.core_type<tc>, window_params = [{transform_indices = @transform_0, window_bounds = array<i64: 8, 4096>}, {transform_indices = @transform_1, window_bounds = array<i64: 8, 4096>}, {transform_indices = @transform_2, window_bounds = array<i64: 8, 4096>}, {transform_indices = @transform_3, window_bounds = array<i64: 8, 4096>}, {transform_indices = @transform_4, window_bounds = array<i64: 8, 4096>}, {transform_indices = @transform_5, window_bounds = array<i64: 8, 4096>}, {transform_indices = @transform_6, window_bounds = array<i64: 8, 4096>}, {transform_indices = @transform_7, window_bounds = array<i64: 8, 4096>}, {transform_indices = @transform_8, window_bounds = array<i64: 8, 4096>}, {transform_indices = @transform_9, window_bounds = array<i64: 8, 4096>}, {transform_indices = @transform_10, window_bounds = array<i64: 8, 4096>}, {transform_indices = @transform_11, window_bounds = array<i64: 8, 4096>}, {transform_indices = @transform_12, window_bounds = array<i64: 8, 4096>}, {transform_indices = @transform_13, window_bounds = array<i64: 8, 4096>}, {transform_indices = @transform_14, window_bounds = array<i64: 8, 4096>}, {transform_indices = @transform_15, window_bounds = array<i64: 8, 4096>}, {transform_indices = @transform_16, window_bounds = array<i64: 8, 4096>}, {transform_indices = @transform_17, window_bounds = array<i64: 8, 4096>}, {transform_indices = @transform_18, window_bounds = array<i64: 8, 4096>}, {transform_indices = @transform_19, window_bounds = array<i64: 8, 4096>}, {transform_indices = @transform_20, window_bounds = array<i64: 8, 4096>}, {transform_indices = @transform_21, window_bounds = array<i64: 8, 4096>}, {transform_indices = @transform_22, window_bounds = array<i64: 8, 4096>}, {transform_indices = @transform_23, window_bounds = array<i64: 8, 4096>}, {transform_indices = @transform_24, window_bounds = array<i64: 8, 4096>}, {transform_indices = @transform_25, window_bounds = array<i64: 8, 4096>}, {transform_indices = @transform_26, window_bounds = array<i64: 8, 4096>}, {transform_indices = @transform_27, window_bounds = array<i64: 8, 4096>}, {transform_indices = @transform_28, window_bounds = array<i64: 8, 4096>}, {transform_indices = @transform_29, window_bounds = array<i64: 8, 4096>}, {transform_indices = @transform_30, window_bounds = array<i64: 8, 4096>}, {transform_indices = @transform_31, window_bounds = array<i64: 8, 4096>}, {transform_indices = @transform_32, window_bounds = array<i64: 8, 4096>}, {transform_indices = @transform_33, window_bounds = array<i64: 8, 4096>}, {transform_indices = @transform_34, window_bounds = array<i64: 8, 4096>}, {transform_indices = @transform_35, window_bounds = array<i64: 8, 4096>}, {transform_indices = @transform_36, window_bounds = array<i64: 8, 4096>}, {transform_indices = @transform_37, window_bounds = array<i64: 8, 4096>}, {transform_indices = @transform_38, window_bounds = array<i64: 8, 4096>}, {transform_indices = @transform_39, window_bounds = array<i64: 8, 4096>}, {transform_indices = @transform_40, window_bounds = array<i64: 8, 4096>}, {transform_indices = @transform_41, window_bounds = array<i64: 8, 4096>}, {transform_indices = @transform_42, window_bounds = array<i64: 8, 4096>}, {transform_indices = @transform_43, window_bounds = array<i64: 8, 4096>}, {transform_indices = @transform_44, window_bounds = array<i64: 8, 4096>}, {transform_indices = @transform_45, window_bounds = array<i64: 8, 4096>}, {transform_indices = @transform_46, window_bounds = array<i64: 8, 4096>}, {transform_indices = @transform_47, window_bounds = array<i64: 8, 4096>}, {transform_indices = @transform_48, window_bounds = array<i64: 8, 4096>}, {transform_indices = @transform_49, window_bounds = array<i64: 8, 4096>}, {transform_indices = @transform_50, window_bounds = array<i64: 8, 4096>}, {transform_indices = @transform_51, window_bounds = array<i64: 8, 4096>}, {transform_indices = @transform_52, window_bounds = array<i64: 8, 4096>}, {transform_indices = @transform_53, window_bounds = array<i64: 8, 4096>}, {transform_indices = @transform_54, window_bounds = array<i64: 8, 4096>}, {transform_indices = @transform_55, window_bounds = array<i64: 8, 4096>}, {transform_indices = @transform_56, window_bounds = array<i64: 8, 4096>}, {transform_indices = @transform_57, window_bounds = array<i64: 8, 4096>}, {transform_indices = @transform_58, window_bounds = array<i64: 8, 4096>}, {transform_indices = @transform_59, window_bounds = array<i64: 8, 4096>}, {transform_indices = @transform_60, window_bounds = array<i64: 8, 4096>}, {transform_indices = @transform_61, window_bounds = array<i64: 8, 4096>}, {transform_indices = @transform_62, window_bounds = array<i64: 8, 4096>}, {transform_indices = @transform_63, window_bounds = array<i64: 8, 4096>}, {transform_indices = @transform_64, window_bounds = array<i64: 4096, 128>}, {transform_indices = @transform_65, window_bounds = array<i64: 4096, 128>}]} {
    %get3A = arith.constant 0 : index
    %get3A_0 = arith.constant 0 : index
    %get3A_1 = vector.load %arg1[%get3A, %get3A_0] : memref<8x4096xf32, #tpu.memory_space<vmem>>, vector<8x4096xf32>
    %get3A_2 = arith.constant 0 : index
    %get3A_3 = arith.constant 0 : index
    %get3A_4 = vector.load %arg2[%get3A_2, %get3A_3] : memref<8x4096xf32, #tpu.memory_space<vmem>>, vector<8x4096xf32>
    %get3A_5 = arith.constant 0 : index
    %get3A_6 = arith.constant 0 : index
    %get3A_7 = vector.load %arg3[%get3A_5, %get3A_6] : memref<8x4096xf32, #tpu.memory_space<vmem>>, vector<8x4096xf32>
    %get3A_8 = arith.constant 0 : index
    %get3A_9 = arith.constant 0 : index
    %get3A_10 = vector.load %arg4[%get3A_8, %get3A_9] : memref<8x4096xf32, #tpu.memory_space<vmem>>, vector<8x4096xf32>
    %get3A_11 = arith.constant 0 : index
    %get3A_12 = arith.constant 0 : index
    %get3A_13 = vector.load %arg5[%get3A_11, %get3A_12] : memref<8x4096xf32, #tpu.memory_space<vmem>>, vector<8x4096xf32>
    %get3A_14 = arith.constant 0 : index
    %get3A_15 = arith.constant 0 : index
    %get3A_16 = vector.load %arg6[%get3A_14, %get3A_15] : memref<8x4096xf32, #tpu.memory_space<vmem>>, vector<8x4096xf32>
    %get3A_17 = arith.constant 0 : index
    %get3A_18 = arith.constant 0 : index
    %get3A_19 = vector.load %arg7[%get3A_17, %get3A_18] : memref<8x4096xf32, #tpu.memory_space<vmem>>, vector<8x4096xf32>
    %get3A_20 = arith.constant 0 : index
    %get3A_21 = arith.constant 0 : index
    %get3A_22 = vector.load %arg8[%get3A_20, %get3A_21] : memref<8x4096xf32, #tpu.memory_space<vmem>>, vector<8x4096xf32>
    %get3A_23 = arith.constant 0 : index
    %get3A_24 = arith.constant 0 : index
    %get3A_25 = vector.load %arg9[%get3A_23, %get3A_24] : memref<8x4096xf32, #tpu.memory_space<vmem>>, vector<8x4096xf32>
    %get3A_26 = arith.constant 0 : index
    %get3A_27 = arith.constant 0 : index
    %get3A_28 = vector.load %arg10[%get3A_26, %get3A_27] : memref<8x4096xf32, #tpu.memory_space<vmem>>, vector<8x4096xf32>
    %get3A_29 = arith.constant 0 : index
    %get3A_30 = arith.constant 0 : index
    %get3A_31 = vector.load %arg11[%get3A_29, %get3A_30] : memref<8x4096xf32, #tpu.memory_space<vmem>>, vector<8x4096xf32>
    %get3A_32 = arith.constant 0 : index
    %get3A_33 = arith.constant 0 : index
    %get3A_34 = vector.load %arg12[%get3A_32, %get3A_33] : memref<8x4096xf32, #tpu.memory_space<vmem>>, vector<8x4096xf32>
    %get3A_35 = arith.constant 0 : index
    %get3A_36 = arith.constant 0 : index
    %get3A_37 = vector.load %arg13[%get3A_35, %get3A_36] : memref<8x4096xf32, #tpu.memory_space<vmem>>, vector<8x4096xf32>
    %get3A_38 = arith.constant 0 : index
    %get3A_39 = arith.constant 0 : index
    %get3A_40 = vector.load %arg14[%get3A_38, %get3A_39] : memref<8x4096xf32, #tpu.memory_space<vmem>>, vector<8x4096xf32>
    %get3A_41 = arith.constant 0 : index
    %get3A_42 = arith.constant 0 : index
    %get3A_43 = vector.load %arg15[%get3A_41, %get3A_42] : memref<8x4096xf32, #tpu.memory_space<vmem>>, vector<8x4096xf32>
    %get3A_44 = arith.constant 0 : index
    %get3A_45 = arith.constant 0 : index
    %get3A_46 = vector.load %arg16[%get3A_44, %get3A_45] : memref<8x4096xf32, #tpu.memory_space<vmem>>, vector<8x4096xf32>
    %get3A_47 = arith.constant 0 : index
    %get3A_48 = arith.constant 0 : index
    %get3A_49 = vector.load %arg17[%get3A_47, %get3A_48] : memref<8x4096xf32, #tpu.memory_space<vmem>>, vector<8x4096xf32>
    %get3A_50 = arith.constant 0 : index
    %get3A_51 = arith.constant 0 : index
    %get3A_52 = vector.load %arg18[%get3A_50, %get3A_51] : memref<8x4096xf32, #tpu.memory_space<vmem>>, vector<8x4096xf32>
    %get3A_53 = arith.constant 0 : index
    %get3A_54 = arith.constant 0 : index
    %get3A_55 = vector.load %arg19[%get3A_53, %get3A_54] : memref<8x4096xf32, #tpu.memory_space<vmem>>, vector<8x4096xf32>
    %get3A_56 = arith.constant 0 : index
    %get3A_57 = arith.constant 0 : index
    %get3A_58 = vector.load %arg20[%get3A_56, %get3A_57] : memref<8x4096xf32, #tpu.memory_space<vmem>>, vector<8x4096xf32>
    %get3A_59 = arith.constant 0 : index
    %get3A_60 = arith.constant 0 : index
    %get3A_61 = vector.load %arg21[%get3A_59, %get3A_60] : memref<8x4096xf32, #tpu.memory_space<vmem>>, vector<8x4096xf32>
    %get3A_62 = arith.constant 0 : index
    %get3A_63 = arith.constant 0 : index
    %get3A_64 = vector.load %arg22[%get3A_62, %get3A_63] : memref<8x4096xf32, #tpu.memory_space<vmem>>, vector<8x4096xf32>
    %get3A_65 = arith.constant 0 : index
    %get3A_66 = arith.constant 0 : index
    %get3A_67 = vector.load %arg23[%get3A_65, %get3A_66] : memref<8x4096xf32, #tpu.memory_space<vmem>>, vector<8x4096xf32>
    %get3A_68 = arith.constant 0 : index
    %get3A_69 = arith.constant 0 : index
    %get3A_70 = vector.load %arg24[%get3A_68, %get3A_69] : memref<8x4096xf32, #tpu.memory_space<vmem>>, vector<8x4096xf32>
    %get3A_71 = arith.constant 0 : index
    %get3A_72 = arith.constant 0 : index
    %get3A_73 = vector.load %arg25[%get3A_71, %get3A_72] : memref<8x4096xf32, #tpu.memory_space<vmem>>, vector<8x4096xf32>
    %get3A_74 = arith.constant 0 : index
    %get3A_75 = arith.constant 0 : index
    %get3A_76 = vector.load %arg26[%get3A_74, %get3A_75] : memref<8x4096xf32, #tpu.memory_space<vmem>>, vector<8x4096xf32>
    %get3A_77 = arith.constant 0 : index
    %get3A_78 = arith.constant 0 : index
    %get3A_79 = vector.load %arg27[%get3A_77, %get3A_78] : memref<8x4096xf32, #tpu.memory_space<vmem>>, vector<8x4096xf32>
    %get3A_80 = arith.constant 0 : index
    %get3A_81 = arith.constant 0 : index
    %get3A_82 = vector.load %arg28[%get3A_80, %get3A_81] : memref<8x4096xf32, #tpu.memory_space<vmem>>, vector<8x4096xf32>
    %get3A_83 = arith.constant 0 : index
    %get3A_84 = arith.constant 0 : index
    %get3A_85 = vector.load %arg29[%get3A_83, %get3A_84] : memref<8x4096xf32, #tpu.memory_space<vmem>>, vector<8x4096xf32>
    %get3A_86 = arith.constant 0 : index
    %get3A_87 = arith.constant 0 : index
    %get3A_88 = vector.load %arg30[%get3A_86, %get3A_87] : memref<8x4096xf32, #tpu.memory_space<vmem>>, vector<8x4096xf32>
    %get3A_89 = arith.constant 0 : index
    %get3A_90 = arith.constant 0 : index
    %get3A_91 = vector.load %arg31[%get3A_89, %get3A_90] : memref<8x4096xf32, #tpu.memory_space<vmem>>, vector<8x4096xf32>
    %get3A_92 = arith.constant 0 : index
    %get3A_93 = arith.constant 0 : index
    %get3A_94 = vector.load %arg32[%get3A_92, %get3A_93] : memref<8x4096xf32, #tpu.memory_space<vmem>>, vector<8x4096xf32>
    %concatenate3A = tpu.concatenate %get3A_1, %get3A_4, %get3A_7, %get3A_10, %get3A_13, %get3A_16, %get3A_19, %get3A_22, %get3A_25, %get3A_28, %get3A_31, %get3A_34, %get3A_37, %get3A_40, %get3A_43, %get3A_46, %get3A_49, %get3A_52, %get3A_55, %get3A_58, %get3A_61, %get3A_64, %get3A_67, %get3A_70, %get3A_73, %get3A_76, %get3A_79, %get3A_82, %get3A_85, %get3A_88, %get3A_91, %get3A_94 in 0 : vector<8x4096xf32>, vector<8x4096xf32>, vector<8x4096xf32>, vector<8x4096xf32>, vector<8x4096xf32>, vector<8x4096xf32>, vector<8x4096xf32>, vector<8x4096xf32>, vector<8x4096xf32>, vector<8x4096xf32>, vector<8x4096xf32>, vector<8x4096xf32>, vector<8x4096xf32>, vector<8x4096xf32>, vector<8x4096xf32>, vector<8x4096xf32>, vector<8x4096xf32>, vector<8x4096xf32>, vector<8x4096xf32>, vector<8x4096xf32>, vector<8x4096xf32>, vector<8x4096xf32>, vector<8x4096xf32>, vector<8x4096xf32>, vector<8x4096xf32>, vector<8x4096xf32>, vector<8x4096xf32>, vector<8x4096xf32>, vector<8x4096xf32>, vector<8x4096xf32>, vector<8x4096xf32>, vector<8x4096xf32> -> vector<256x4096xf32>
    %convert_element_type3A = arith.truncf %concatenate3A : vector<256x4096xf32> to vector<256x4096xbf16>
    %transpose3A = tpu.transpose %convert_element_type3A, [1, 0] : vector<256x4096xbf16> -> vector<4096x256xbf16>
    %reshape3A = vector.shape_cast %transpose3A : vector<4096x256xbf16> to vector<8192x128xbf16>
    %bitcast3A = tpu.bitcast %reshape3A : vector<8192x128xbf16> -> vector<4096x128xf32>
    %swap3A = arith.constant 0 : index
    %swap3A_95 = arith.constant 0 : index
    %swap3A_96 = vector.load %arg65[%swap3A, %swap3A_95] : memref<4096x128xf32, #tpu.memory_space<vmem>>, vector<4096x128xf32>
    tpu.vector_store %arg65[%swap3A, %swap3A_95], %bitcast3A {strides = array<i32>} : memref<4096x128xf32, #tpu.memory_space<vmem>>, vector<4096x128xf32>,
    %get3A_97 = arith.constant 0 : index
    %get3A_98 = arith.constant 0 : index
    %get3A_99 = vector.load %arg33[%get3A_97, %get3A_98] : memref<8x4096xf32, #tpu.memory_space<vmem>>, vector<8x4096xf32>
    %get3A_100 = arith.constant 0 : index
    %get3A_101 = arith.constant 0 : index
    %get3A_102 = vector.load %arg34[%get3A_100, %get3A_101] : memref<8x4096xf32, #tpu.memory_space<vmem>>, vector<8x4096xf32>
    %get3A_103 = arith.constant 0 : index
    %get3A_104 = arith.constant 0 : index
    %get3A_105 = vector.load %arg35[%get3A_103, %get3A_104] : memref<8x4096xf32, #tpu.memory_space<vmem>>, vector<8x4096xf32>
    %get3A_106 = arith.constant 0 : index
    %get3A_107 = arith.constant 0 : index
    %get3A_108 = vector.load %arg36[%get3A_106, %get3A_107] : memref<8x4096xf32, #tpu.memory_space<vmem>>, vector<8x4096xf32>
    %get3A_109 = arith.constant 0 : index
    %get3A_110 = arith.constant 0 : index
    %get3A_111 = vector.load %arg37[%get3A_109, %get3A_110] : memref<8x4096xf32, #tpu.memory_space<vmem>>, vector<8x4096xf32>
    %get3A_112 = arith.constant 0 : index
    %get3A_113 = arith.constant 0 : index
    %get3A_114 = vector.load %arg38[%get3A_112, %get3A_113] : memref<8x4096xf32, #tpu.memory_space<vmem>>, vector<8x4096xf32>
    %get3A_115 = arith.constant 0 : index
    %get3A_116 = arith.constant 0 : index
    %get3A_117 = vector.load %arg39[%get3A_115, %get3A_116] : memref<8x4096xf32, #tpu.memory_space<vmem>>, vector<8x4096xf32>
    %get3A_118 = arith.constant 0 : index
    %get3A_119 = arith.constant 0 : index
    %get3A_120 = vector.load %arg40[%get3A_118, %get3A_119] : memref<8x4096xf32, #tpu.memory_space<vmem>>, vector<8x4096xf32>
    %get3A_121 = arith.constant 0 : index
    %get3A_122 = arith.constant 0 : index
    %get3A_123 = vector.load %arg41[%get3A_121, %get3A_122] : memref<8x4096xf32, #tpu.memory_space<vmem>>, vector<8x4096xf32>
    %get3A_124 = arith.constant 0 : index
    %get3A_125 = arith.constant 0 : index
    %get3A_126 = vector.load %arg42[%get3A_124, %get3A_125] : memref<8x4096xf32, #tpu.memory_space<vmem>>, vector<8x4096xf32>
    %get3A_127 = arith.constant 0 : index
    %get3A_128 = arith.constant 0 : index
    %get3A_129 = vector.load %arg43[%get3A_127, %get3A_128] : memref<8x4096xf32, #tpu.memory_space<vmem>>, vector<8x4096xf32>
    %get3A_130 = arith.constant 0 : index
    %get3A_131 = arith.constant 0 : index
    %get3A_132 = vector.load %arg44[%get3A_130, %get3A_131] : memref<8x4096xf32, #tpu.memory_space<vmem>>, vector<8x4096xf32>
    %get3A_133 = arith.constant 0 : index
    %get3A_134 = arith.constant 0 : index
    %get3A_135 = vector.load %arg45[%get3A_133, %get3A_134] : memref<8x4096xf32, #tpu.memory_space<vmem>>, vector<8x4096xf32>
    %get3A_136 = arith.constant 0 : index
    %get3A_137 = arith.constant 0 : index
    %get3A_138 = vector.load %arg46[%get3A_136, %get3A_137] : memref<8x4096xf32, #tpu.memory_space<vmem>>, vector<8x4096xf32>
    %get3A_139 = arith.constant 0 : index
    %get3A_140 = arith.constant 0 : index
    %get3A_141 = vector.load %arg47[%get3A_139, %get3A_140] : memref<8x4096xf32, #tpu.memory_space<vmem>>, vector<8x4096xf32>
    %get3A_142 = arith.constant 0 : index
    %get3A_143 = arith.constant 0 : index
    %get3A_144 = vector.load %arg48[%get3A_142, %get3A_143] : memref<8x4096xf32, #tpu.memory_space<vmem>>, vector<8x4096xf32>
    %get3A_145 = arith.constant 0 : index
    %get3A_146 = arith.constant 0 : index
    %get3A_147 = vector.load %arg49[%get3A_145, %get3A_146] : memref<8x4096xf32, #tpu.memory_space<vmem>>, vector<8x4096xf32>
    %get3A_148 = arith.constant 0 : index
    %get3A_149 = arith.constant 0 : index
    %get3A_150 = vector.load %arg50[%get3A_148, %get3A_149] : memref<8x4096xf32, #tpu.memory_space<vmem>>, vector<8x4096xf32>
    %get3A_151 = arith.constant 0 : index
    %get3A_152 = arith.constant 0 : index
    %get3A_153 = vector.load %arg51[%get3A_151, %get3A_152] : memref<8x4096xf32, #tpu.memory_space<vmem>>, vector<8x4096xf32>
    %get3A_154 = arith.constant 0 : index
    %get3A_155 = arith.constant 0 : index
    %get3A_156 = vector.load %arg52[%get3A_154, %get3A_155] : memref<8x4096xf32, #tpu.memory_space<vmem>>, vector<8x4096xf32>
    %get3A_157 = arith.constant 0 : index
    %get3A_158 = arith.constant 0 : index
    %get3A_159 = vector.load %arg53[%get3A_157, %get3A_158] : memref<8x4096xf32, #tpu.memory_space<vmem>>, vector<8x4096xf32>
    %get3A_160 = arith.constant 0 : index
    %get3A_161 = arith.constant 0 : index
    %get3A_162 = vector.load %arg54[%get3A_160, %get3A_161] : memref<8x4096xf32, #tpu.memory_space<vmem>>, vector<8x4096xf32>
    %get3A_163 = arith.constant 0 : index
    %get3A_164 = arith.constant 0 : index
    %get3A_165 = vector.load %arg55[%get3A_163, %get3A_164] : memref<8x4096xf32, #tpu.memory_space<vmem>>, vector<8x4096xf32>
    %get3A_166 = arith.constant 0 : index
    %get3A_167 = arith.constant 0 : index
    %get3A_168 = vector.load %arg56[%get3A_166, %get3A_167] : memref<8x4096xf32, #tpu.memory_space<vmem>>, vector<8x4096xf32>
    %get3A_169 = arith.constant 0 : index
    %get3A_170 = arith.constant 0 : index
    %get3A_171 = vector.load %arg57[%get3A_169, %get3A_170] : memref<8x4096xf32, #tpu.memory_space<vmem>>, vector<8x4096xf32>
    %get3A_172 = arith.constant 0 : index
    %get3A_173 = arith.constant 0 : index
    %get3A_174 = vector.load %arg58[%get3A_172, %get3A_173] : memref<8x4096xf32, #tpu.memory_space<vmem>>, vector<8x4096xf32>
    %get3A_175 = arith.constant 0 : index
    %get3A_176 = arith.constant 0 : index
    %get3A_177 = vector.load %arg59[%get3A_175, %get3A_176] : memref<8x4096xf32, #tpu.memory_space<vmem>>, vector<8x4096xf32>
    %get3A_178 = arith.constant 0 : index
    %get3A_179 = arith.constant 0 : index
    %get3A_180 = vector.load %arg60[%get3A_178, %get3A_179] : memref<8x4096xf32, #tpu.memory_space<vmem>>, vector<8x4096xf32>
    %get3A_181 = arith.constant 0 : index
    %get3A_182 = arith.constant 0 : index
    %get3A_183 = vector.load %arg61[%get3A_181, %get3A_182] : memref<8x4096xf32, #tpu.memory_space<vmem>>, vector<8x4096xf32>
    %get3A_184 = arith.constant 0 : index
    %get3A_185 = arith.constant 0 : index
    %get3A_186 = vector.load %arg62[%get3A_184, %get3A_185] : memref<8x4096xf32, #tpu.memory_space<vmem>>, vector<8x4096xf32>
    %get3A_187 = arith.constant 0 : index
    %get3A_188 = arith.constant 0 : index
    %get3A_189 = vector.load %arg63[%get3A_187, %get3A_188] : memref<8x4096xf32, #tpu.memory_space<vmem>>, vector<8x4096xf32>
    %get3A_190 = arith.constant 0 : index
    %get3A_191 = arith.constant 0 : index
    %get3A_192 = vector.load %arg64[%get3A_190, %get3A_191] : memref<8x4096xf32, #tpu.memory_space<vmem>>, vector<8x4096xf32>
    %concatenate3A_193 = tpu.concatenate %get3A_99, %get3A_102, %get3A_105, %get3A_108, %get3A_111, %get3A_114, %get3A_117, %get3A_120, %get3A_123, %get3A_126, %get3A_129, %get3A_132, %get3A_135, %get3A_138, %get3A_141, %get3A_144, %get3A_147, %get3A_150, %get3A_153, %get3A_156, %get3A_159, %get3A_162, %get3A_165, %get3A_168, %get3A_171, %get3A_174, %get3A_177, %get3A_180, %get3A_183, %get3A_186, %get3A_189, %get3A_192 in 0 : vector<8x4096xf32>, vector<8x4096xf32>, vector<8x4096xf32>, vector<8x4096xf32>, vector<8x4096xf32>, vector<8x4096xf32>, vector<8x4096xf32>, vector<8x4096xf32>, vector<8x4096xf32>, vector<8x4096xf32>, vector<8x4096xf32>, vector<8x4096xf32>, vector<8x4096xf32>, vector<8x4096xf32>, vector<8x4096xf32>, vector<8x4096xf32>, vector<8x4096xf32>, vector<8x4096xf32>, vector<8x4096xf32>, vector<8x4096xf32>, vector<8x4096xf32>, vector<8x4096xf32>, vector<8x4096xf32>, vector<8x4096xf32>, vector<8x4096xf32>, vector<8x4096xf32>, vector<8x4096xf32>, vector<8x4096xf32>, vector<8x4096xf32>, vector<8x4096xf32>, vector<8x4096xf32>, vector<8x4096xf32> -> vector<256x4096xf32>
    %convert_element_type3A_194 = arith.truncf %concatenate3A_193 : vector<256x4096xf32> to vector<256x4096xbf16>
    %transpose3A_195 = tpu.transpose %convert_element_type3A_194, [1, 0] : vector<256x4096xbf16> -> vector<4096x256xbf16>
    %reshape3A_196 = vector.shape_cast %transpose3A_195 : vector<4096x256xbf16> to vector<8192x128xbf16>
    %bitcast3A_197 = tpu.bitcast %reshape3A_196 : vector<8192x128xbf16> -> vector<4096x128xf32>
    %swap3A_198 = arith.constant 0 : index
    %swap3A_199 = arith.constant 0 : index
    %swap3A_200 = vector.load %arg66[%swap3A_198, %swap3A_199] : memref<4096x128xf32, #tpu.memory_space<vmem>>, vector<4096x128xf32>
    tpu.vector_store %arg66[%swap3A_198, %swap3A_199], %bitcast3A_197 {strides = array<i32>} : memref<4096x128xf32, #tpu.memory_space<vmem>>, vector<4096x128xf32>,
    return
  }
  func.func @transform_0(%arg0: i32) -> (i32, i32) {
    %add3A = arith.constant 0 : i32
    %add3A_0 = arith.addi %add3A, %arg0 : i32
    %min3A = arith.constant 244 : i32
    %min3A_1 = arith.minsi %add3A_0, %min3A : i32
    %c0_i32 = arith.constant 0 : i32
    %c0_i32_2 = arith.constant 0 : i32
    return %c0_i32, %min3A_1 : i32, i32
  }
  func.func @transform_1(%arg0: i32) -> (i32, i32) {
    %add3A = arith.constant 8 : i32
    %add3A_0 = arith.addi %add3A, %arg0 : i32
    %min3A = arith.constant 244 : i32
    %min3A_1 = arith.minsi %add3A_0, %min3A : i32
    %c0_i32 = arith.constant 0 : i32
    %c0_i32_2 = arith.constant 0 : i32
    return %c0_i32, %min3A_1 : i32, i32
  }
  func.func @transform_2(%arg0: i32) -> (i32, i32) {
    %add3A = arith.constant 16 : i32
    %add3A_0 = arith.addi %add3A, %arg0 : i32
    %min3A = arith.constant 244 : i32
    %min3A_1 = arith.minsi %add3A_0, %min3A : i32
    %c0_i32 = arith.constant 0 : i32
    %c0_i32_2 = arith.constant 0 : i32
    return %c0_i32, %min3A_1 : i32, i32
  }
  func.func @transform_3(%arg0: i32) -> (i32, i32) {
    %add3A = arith.constant 24 : i32
    %add3A_0 = arith.addi %add3A, %arg0 : i32
    %min3A = arith.constant 244 : i32
    %min3A_1 = arith.minsi %add3A_0, %min3A : i32
    %c0_i32 = arith.constant 0 : i32
    %c0_i32_2 = arith.constant 0 : i32
    return %c0_i32, %min3A_1 : i32, i32
  }
  func.func @transform_4(%arg0: i32) -> (i32, i32) {
    %add3A = arith.constant 32 : i32
    %add3A_0 = arith.addi %add3A, %arg0 : i32
    %min3A = arith.constant 244 : i32
    %min3A_1 = arith.minsi %add3A_0, %min3A : i32
    %c0_i32 = arith.constant 0 : i32
    %c0_i32_2 = arith.constant 0 : i32
    return %c0_i32, %min3A_1 : i32, i32
  }
  func.func @transform_5(%arg0: i32) -> (i32, i32) {
    %add3A = arith.constant 40 : i32
    %add3A_0 = arith.addi %add3A, %arg0 : i32
    %min3A = arith.constant 244 : i32
    %min3A_1 = arith.minsi %add3A_0, %min3A : i32
    %c0_i32 = arith.constant 0 : i32
    %c0_i32_2 = arith.constant 0 : i32
    return %c0_i32, %min3A_1 : i32, i32
  }
  func.func @transform_6(%arg0: i32) -> (i32, i32) {
    %add3A = arith.constant 48 : i32
    %add3A_0 = arith.addi %add3A, %arg0 : i32
    %min3A = arith.constant 244 : i32
    %min3A_1 = arith.minsi %add3A_0, %min3A : i32
    %c0_i32 = arith.constant 0 : i32
    %c0_i32_2 = arith.constant 0 : i32
    return %c0_i32, %min3A_1 : i32, i32
  }
  func.func @transform_7(%arg0: i32) -> (i32, i32) {
    %add3A = arith.constant 56 : i32
    %add3A_0 = arith.addi %add3A, %arg0 : i32
    %min3A = arith.constant 244 : i32
    %min3A_1 = arith.minsi %add3A_0, %min3A : i32
    %c0_i32 = arith.constant 0 : i32
    %c0_i32_2 = arith.constant 0 : i32
    return %c0_i32, %min3A_1 : i32, i32
  }
  func.func @transform_8(%arg0: i32) -> (i32, i32) {
    %add3A = arith.constant 64 : i32
    %add3A_0 = arith.addi %add3A, %arg0 : i32
    %min3A = arith.constant 244 : i32
    %min3A_1 = arith.minsi %add3A_0, %min3A : i32
    %c0_i32 = arith.constant 0 : i32
    %c0_i32_2 = arith.constant 0 : i32
    return %c0_i32, %min3A_1 : i32, i32
  }
  func.func @transform_9(%arg0: i32) -> (i32, i32) {
    %add3A = arith.constant 72 : i32
    %add3A_0 = arith.addi %add3A, %arg0 : i32
    %min3A = arith.constant 244 : i32
    %min3A_1 = arith.minsi %add3A_0, %min3A : i32
    %c0_i32 = arith.constant 0 : i32
    %c0_i32_2 = arith.constant 0 : i32
    return %c0_i32, %min3A_1 : i32, i32
  }
  func.func @transform_10(%arg0: i32) -> (i32, i32) {
    %add3A = arith.constant 80 : i32
    %add3A_0 = arith.addi %add3A, %arg0 : i32
    %min3A = arith.constant 244 : i32
    %min3A_1 = arith.minsi %add3A_0, %min3A : i32
    %c0_i32 = arith.constant 0 : i32
    %c0_i32_2 = arith.constant 0 : i32
    return %c0_i32, %min3A_1 : i32, i32
  }
  func.func @transform_11(%arg0: i32) -> (i32, i32) {
    %add3A = arith.constant 88 : i32
    %add3A_0 = arith.addi %add3A, %arg0 : i32
    %min3A = arith.constant 244 : i32
    %min3A_1 = arith.minsi %add3A_0, %min3A : i32
    %c0_i32 = arith.constant 0 : i32
    %c0_i32_2 = arith.constant 0 : i32
    return %c0_i32, %min3A_1 : i32, i32
  }
  func.func @transform_12(%arg0: i32) -> (i32, i32) {
    %add3A = arith.constant 96 : i32
    %add3A_0 = arith.addi %add3A, %arg0 : i32
    %min3A = arith.constant 244 : i32
    %min3A_1 = arith.minsi %add3A_0, %min3A : i32
    %c0_i32 = arith.constant 0 : i32
    %c0_i32_2 = arith.constant 0 : i32
    return %c0_i32, %min3A_1 : i32, i32
  }
  func.func @transform_13(%arg0: i32) -> (i32, i32) {
    %add3A = arith.constant 104 : i32
    %add3A_0 = arith.addi %add3A, %arg0 : i32
    %min3A = arith.constant 244 : i32
    %min3A_1 = arith.minsi %add3A_0, %min3A : i32
    %c0_i32 = arith.constant 0 : i32
    %c0_i32_2 = arith.constant 0 : i32
    return %c0_i32, %min3A_1 : i32, i32
  }
  func.func @transform_14(%arg0: i32) -> (i32, i32) {
    %add3A = arith.constant 112 : i32
    %add3A_0 = arith.addi %add3A, %arg0 : i32
    %min3A = arith.constant 244 : i32
    %min3A_1 = arith.minsi %add3A_0, %min3A : i32
    %c0_i32 = arith.constant 0 : i32
    %c0_i32_2 = arith.constant 0 : i32
    return %c0_i32, %min3A_1 : i32, i32
  }
  func.func @transform_15(%arg0: i32) -> (i32, i32) {
    %add3A = arith.constant 120 : i32
    %add3A_0 = arith.addi %add3A, %arg0 : i32
    %min3A = arith.constant 244 : i32
    %min3A_1 = arith.minsi %add3A_0, %min3A : i32
    %c0_i32 = arith.constant 0 : i32
    %c0_i32_2 = arith.constant 0 : i32
    return %c0_i32, %min3A_1 : i32, i32
  }
  func.func @transform_16(%arg0: i32) -> (i32, i32) {
    %add3A = arith.constant 128 : i32
    %add3A_0 = arith.addi %add3A, %arg0 : i32
    %min3A = arith.constant 244 : i32
    %min3A_1 = arith.minsi %add3A_0, %min3A : i32
    %c0_i32 = arith.constant 0 : i32
    %c0_i32_2 = arith.constant 0 : i32
    return %c0_i32, %min3A_1 : i32, i32
  }
  func.func @transform_17(%arg0: i32) -> (i32, i32) {
    %add3A = arith.constant 136 : i32
    %add3A_0 = arith.addi %add3A, %arg0 : i32
    %min3A = arith.constant 244 : i32
    %min3A_1 = arith.minsi %add3A_0, %min3A : i32
    %c0_i32 = arith.constant 0 : i32
    %c0_i32_2 = arith.constant 0 : i32
    return %c0_i32, %min3A_1 : i32, i32
  }
  func.func @transform_18(%arg0: i32) -> (i32, i32) {
    %add3A = arith.constant 144 : i32
    %add3A_0 = arith.addi %add3A, %arg0 : i32
    %min3A = arith.constant 244 : i32
    %min3A_1 = arith.minsi %add3A_0, %min3A : i32
    %c0_i32 = arith.constant 0 : i32
    %c0_i32_2 = arith.constant 0 : i32
    return %c0_i32, %min3A_1 : i32, i32
  }
  func.func @transform_19(%arg0: i32) -> (i32, i32) {
    %add3A = arith.constant 152 : i32
    %add3A_0 = arith.addi %add3A, %arg0 : i32
    %min3A = arith.constant 244 : i32
    %min3A_1 = arith.minsi %add3A_0, %min3A : i32
    %c0_i32 = arith.constant 0 : i32
    %c0_i32_2 = arith.constant 0 : i32
    return %c0_i32, %min3A_1 : i32, i32
  }
  func.func @transform_20(%arg0: i32) -> (i32, i32) {
    %add3A = arith.constant 160 : i32
    %add3A_0 = arith.addi %add3A, %arg0 : i32
    %min3A = arith.constant 244 : i32
    %min3A_1 = arith.minsi %add3A_0, %min3A : i32
    %c0_i32 = arith.constant 0 : i32
    %c0_i32_2 = arith.constant 0 : i32
    return %c0_i32, %min3A_1 : i32, i32
  }
  func.func @transform_21(%arg0: i32) -> (i32, i32) {
    %add3A = arith.constant 168 : i32
    %add3A_0 = arith.addi %add3A, %arg0 : i32
    %min3A = arith.constant 244 : i32
    %min3A_1 = arith.minsi %add3A_0, %min3A : i32
    %c0_i32 = arith.constant 0 : i32
    %c0_i32_2 = arith.constant 0 : i32
    return %c0_i32, %min3A_1 : i32, i32
  }
  func.func @transform_22(%arg0: i32) -> (i32, i32) {
    %add3A = arith.constant 176 : i32
    %add3A_0 = arith.addi %add3A, %arg0 : i32
    %min3A = arith.constant 244 : i32
    %min3A_1 = arith.minsi %add3A_0, %min3A : i32
    %c0_i32 = arith.constant 0 : i32
    %c0_i32_2 = arith.constant 0 : i32
    return %c0_i32, %min3A_1 : i32, i32
  }
  func.func @transform_23(%arg0: i32) -> (i32, i32) {
    %add3A = arith.constant 184 : i32
    %add3A_0 = arith.addi %add3A, %arg0 : i32
    %min3A = arith.constant 244 : i32
    %min3A_1 = arith.minsi %add3A_0, %min3A : i32
    %c0_i32 = arith.constant 0 : i32
    %c0_i32_2 = arith.constant 0 : i32
    return %c0_i32, %min3A_1 : i32, i32
  }
  func.func @transform_24(%arg0: i32) -> (i32, i32) {
    %add3A = arith.constant 192 : i32
    %add3A_0 = arith.addi %add3A, %arg0 : i32
    %min3A = arith.constant 244 : i32
    %min3A_1 = arith.minsi %add3A_0, %min3A : i32
    %c0_i32 = arith.constant 0 : i32
    %c0_i32_2 = arith.constant 0 : i32
    return %c0_i32, %min3A_1 : i32, i32
  }
  func.func @transform_25(%arg0: i32) -> (i32, i32) {
    %add3A = arith.constant 200 : i32
    %add3A_0 = arith.addi %add3A, %arg0 : i32
    %min3A = arith.constant 244 : i32
    %min3A_1 = arith.minsi %add3A_0, %min3A : i32
    %c0_i32 = arith.constant 0 : i32
    %c0_i32_2 = arith.constant 0 : i32
    return %c0_i32, %min3A_1 : i32, i32
  }
  func.func @transform_26(%arg0: i32) -> (i32, i32) {
    %add3A = arith.constant 208 : i32
    %add3A_0 = arith.addi %add3A, %arg0 : i32
    %min3A = arith.constant 244 : i32
    %min3A_1 = arith.minsi %add3A_0, %min3A : i32
    %c0_i32 = arith.constant 0 : i32
    %c0_i32_2 = arith.constant 0 : i32
    return %c0_i32, %min3A_1 : i32, i32
  }
  func.func @transform_27(%arg0: i32) -> (i32, i32) {
    %add3A = arith.constant 216 : i32
    %add3A_0 = arith.addi %add3A, %arg0 : i32
    %min3A = arith.constant 244 : i32
    %min3A_1 = arith.minsi %add3A_0, %min3A : i32
    %c0_i32 = arith.constant 0 : i32
    %c0_i32_2 = arith.constant 0 : i32
    return %c0_i32, %min3A_1 : i32, i32
  }
  func.func @transform_28(%arg0: i32) -> (i32, i32) {
    %add3A = arith.constant 224 : i32
    %add3A_0 = arith.addi %add3A, %arg0 : i32
    %min3A = arith.constant 244 : i32
    %min3A_1 = arith.minsi %add3A_0, %min3A : i32
    %c0_i32 = arith.constant 0 : i32
    %c0_i32_2 = arith.constant 0 : i32
    return %c0_i32, %min3A_1 : i32, i32
  }
  func.func @transform_29(%arg0: i32) -> (i32, i32) {
    %add3A = arith.constant 232 : i32
    %add3A_0 = arith.addi %add3A, %arg0 : i32
    %min3A = arith.constant 244 : i32
    %min3A_1 = arith.minsi %add3A_0, %min3A : i32
    %c0_i32 = arith.constant 0 : i32
    %c0_i32_2 = arith.constant 0 : i32
    return %c0_i32, %min3A_1 : i32, i32
  }
  func.func @transform_30(%arg0: i32) -> (i32, i32) {
    %add3A = arith.constant 240 : i32
    %add3A_0 = arith.addi %add3A, %arg0 : i32
    %min3A = arith.constant 244 : i32
    %min3A_1 = arith.minsi %add3A_0, %min3A : i32
    %c0_i32 = arith.constant 0 : i32
    %c0_i32_2 = arith.constant 0 : i32
    return %c0_i32, %min3A_1 : i32, i32
  }
  func.func @transform_31(%arg0: i32) -> (i32, i32) {
    %add3A = arith.constant 248 : i32
    %add3A_0 = arith.addi %add3A, %arg0 : i32
    %min3A = arith.constant 244 : i32
    %min3A_1 = arith.minsi %add3A_0, %min3A : i32
    %c0_i32 = arith.constant 0 : i32
    %c0_i32_2 = arith.constant 0 : i32
    return %c0_i32, %min3A_1 : i32, i32
  }
  func.func @transform_32(%arg0: i32) -> (i32, i32) {
    %add3A = arith.constant 0 : i32
    %add3A_0 = arith.addi %add3A, %arg0 : i32
    %min3A = arith.constant 244 : i32
    %min3A_1 = arith.minsi %add3A_0, %min3A : i32
    %c0_i32 = arith.constant 0 : i32
    %c0_i32_2 = arith.constant 0 : i32
    return %c0_i32, %min3A_1 : i32, i32
  }
  func.func @transform_33(%arg0: i32) -> (i32, i32) {
    %add3A = arith.constant 8 : i32
    %add3A_0 = arith.addi %add3A, %arg0 : i32
    %min3A = arith.constant 244 : i32
    %min3A_1 = arith.minsi %add3A_0, %min3A : i32
    %c0_i32 = arith.constant 0 : i32
    %c0_i32_2 = arith.constant 0 : i32
    return %c0_i32, %min3A_1 : i32, i32
  }
  func.func @transform_34(%arg0: i32) -> (i32, i32) {
    %add3A = arith.constant 16 : i32
    %add3A_0 = arith.addi %add3A, %arg0 : i32
    %min3A = arith.constant 244 : i32
    %min3A_1 = arith.minsi %add3A_0, %min3A : i32
    %c0_i32 = arith.constant 0 : i32
    %c0_i32_2 = arith.constant 0 : i32
    return %c0_i32, %min3A_1 : i32, i32
  }
  func.func @transform_35(%arg0: i32) -> (i32, i32) {
    %add3A = arith.constant 24 : i32
    %add3A_0 = arith.addi %add3A, %arg0 : i32
    %min3A = arith.constant 244 : i32
    %min3A_1 = arith.minsi %add3A_0, %min3A : i32
    %c0_i32 = arith.constant 0 : i32
    %c0_i32_2 = arith.constant 0 : i32
    return %c0_i32, %min3A_1 : i32, i32
  }
  func.func @transform_36(%arg0: i32) -> (i32, i32) {
    %add3A = arith.constant 32 : i32
    %add3A_0 = arith.addi %add3A, %arg0 : i32
    %min3A = arith.constant 244 : i32
    %min3A_1 = arith.minsi %add3A_0, %min3A : i32
    %c0_i32 = arith.constant 0 : i32
    %c0_i32_2 = arith.constant 0 : i32
    return %c0_i32, %min3A_1 : i32, i32
  }
  func.func @transform_37(%arg0: i32) -> (i32, i32) {
    %add3A = arith.constant 40 : i32
    %add3A_0 = arith.addi %add3A, %arg0 : i32
    %min3A = arith.constant 244 : i32
    %min3A_1 = arith.minsi %add3A_0, %min3A : i32
    %c0_i32 = arith.constant 0 : i32
    %c0_i32_2 = arith.constant 0 : i32
    return %c0_i32, %min3A_1 : i32, i32
  }
  func.func @transform_38(%arg0: i32) -> (i32, i32) {
    %add3A = arith.constant 48 : i32
    %add3A_0 = arith.addi %add3A, %arg0 : i32
    %min3A = arith.constant 244 : i32
    %min3A_1 = arith.minsi %add3A_0, %min3A : i32
    %c0_i32 = arith.constant 0 : i32
    %c0_i32_2 = arith.constant 0 : i32
    return %c0_i32, %min3A_1 : i32, i32
  }
  func.func @transform_39(%arg0: i32) -> (i32, i32) {
    %add3A = arith.constant 56 : i32
    %add3A_0 = arith.addi %add3A, %arg0 : i32
    %min3A = arith.constant 244 : i32
    %min3A_1 = arith.minsi %add3A_0, %min3A : i32
    %c0_i32 = arith.constant 0 : i32
    %c0_i32_2 = arith.constant 0 : i32
    return %c0_i32, %min3A_1 : i32, i32
  }
  func.func @transform_40(%arg0: i32) -> (i32, i32) {
    %add3A = arith.constant 64 : i32
    %add3A_0 = arith.addi %add3A, %arg0 : i32
    %min3A = arith.constant 244 : i32
    %min3A_1 = arith.minsi %add3A_0, %min3A : i32
    %c0_i32 = arith.constant 0 : i32
    %c0_i32_2 = arith.constant 0 : i32
    return %c0_i32, %min3A_1 : i32, i32
  }
  func.func @transform_41(%arg0: i32) -> (i32, i32) {
    %add3A = arith.constant 72 : i32
    %add3A_0 = arith.addi %add3A, %arg0 : i32
    %min3A = arith.constant 244 : i32
    %min3A_1 = arith.minsi %add3A_0, %min3A : i32
    %c0_i32 = arith.constant 0 : i32
    %c0_i32_2 = arith.constant 0 : i32
    return %c0_i32, %min3A_1 : i32, i32
  }
  func.func @transform_42(%arg0: i32) -> (i32, i32) {
    %add3A = arith.constant 80 : i32
    %add3A_0 = arith.addi %add3A, %arg0 : i32
    %min3A = arith.constant 244 : i32
    %min3A_1 = arith.minsi %add3A_0, %min3A : i32
    %c0_i32 = arith.constant 0 : i32
    %c0_i32_2 = arith.constant 0 : i32
    return %c0_i32, %min3A_1 : i32, i32
  }
  func.func @transform_43(%arg0: i32) -> (i32, i32) {
    %add3A = arith.constant 88 : i32
    %add3A_0 = arith.addi %add3A, %arg0 : i32
    %min3A = arith.constant 244 : i32
    %min3A_1 = arith.minsi %add3A_0, %min3A : i32
    %c0_i32 = arith.constant 0 : i32
    %c0_i32_2 = arith.constant 0 : i32
    return %c0_i32, %min3A_1 : i32, i32
  }
  func.func @transform_44(%arg0: i32) -> (i32, i32) {
    %add3A = arith.constant 96 : i32
    %add3A_0 = arith.addi %add3A, %arg0 : i32
    %min3A = arith.constant 244 : i32
    %min3A_1 = arith.minsi %add3A_0, %min3A : i32
    %c0_i32 = arith.constant 0 : i32
    %c0_i32_2 = arith.constant 0 : i32
    return %c0_i32, %min3A_1 : i32, i32
  }
  func.func @transform_45(%arg0: i32) -> (i32, i32) {
    %add3A = arith.constant 104 : i32
    %add3A_0 = arith.addi %add3A, %arg0 : i32
    %min3A = arith.constant 244 : i32
    %min3A_1 = arith.minsi %add3A_0, %min3A : i32
    %c0_i32 = arith.constant 0 : i32
    %c0_i32_2 = arith.constant 0 : i32
    return %c0_i32, %min3A_1 : i32, i32
  }
  func.func @transform_46(%arg0: i32) -> (i32, i32) {
    %add3A = arith.constant 112 : i32
    %add3A_0 = arith.addi %add3A, %arg0 : i32
    %min3A = arith.constant 244 : i32
    %min3A_1 = arith.minsi %add3A_0, %min3A : i32
    %c0_i32 = arith.constant 0 : i32
    %c0_i32_2 = arith.constant 0 : i32
    return %c0_i32, %min3A_1 : i32, i32
  }
  func.func @transform_47(%arg0: i32) -> (i32, i32) {
    %add3A = arith.constant 120 : i32
    %add3A_0 = arith.addi %add3A, %arg0 : i32
    %min3A = arith.constant 244 : i32
    %min3A_1 = arith.minsi %add3A_0, %min3A : i32
    %c0_i32 = arith.constant 0 : i32
    %c0_i32_2 = arith.constant 0 : i32
    return %c0_i32, %min3A_1 : i32, i32
  }
  func.func @transform_48(%arg0: i32) -> (i32, i32) {
    %add3A = arith.constant 128 : i32
    %add3A_0 = arith.addi %add3A, %arg0 : i32
    %min3A = arith.constant 244 : i32
    %min3A_1 = arith.minsi %add3A_0, %min3A : i32
    %c0_i32 = arith.constant 0 : i32
    %c0_i32_2 = arith.constant 0 : i32
    return %c0_i32, %min3A_1 : i32, i32
  }
  func.func @transform_49(%arg0: i32) -> (i32, i32) {
    %add3A = arith.constant 136 : i32
    %add3A_0 = arith.addi %add3A, %arg0 : i32
    %min3A = arith.constant 244 : i32
    %min3A_1 = arith.minsi %add3A_0, %min3A : i32
    %c0_i32 = arith.constant 0 : i32
    %c0_i32_2 = arith.constant 0 : i32
    return %c0_i32, %min3A_1 : i32, i32
  }
  func.func @transform_50(%arg0: i32) -> (i32, i32) {
    %add3A = arith.constant 144 : i32
    %add3A_0 = arith.addi %add3A, %arg0 : i32
    %min3A = arith.constant 244 : i32
    %min3A_1 = arith.minsi %add3A_0, %min3A : i32
    %c0_i32 = arith.constant 0 : i32
    %c0_i32_2 = arith.constant 0 : i32
    return %c0_i32, %min3A_1 : i32, i32
  }
  func.func @transform_51(%arg0: i32) -> (i32, i32) {
    %add3A = arith.constant 152 : i32
    %add3A_0 = arith.addi %add3A, %arg0 : i32
    %min3A = arith.constant 244 : i32
    %min3A_1 = arith.minsi %add3A_0, %min3A : i32
    %c0_i32 = arith.constant 0 : i32
    %c0_i32_2 = arith.constant 0 : i32
    return %c0_i32, %min3A_1 : i32, i32
  }
  func.func @transform_52(%arg0: i32) -> (i32, i32) {
    %add3A = arith.constant 160 : i32
    %add3A_0 = arith.addi %add3A, %arg0 : i32
    %min3A = arith.constant 244 : i32
    %min3A_1 = arith.minsi %add3A_0, %min3A : i32
    %c0_i32 = arith.constant 0 : i32
    %c0_i32_2 = arith.constant 0 : i32
    return %c0_i32, %min3A_1 : i32, i32
  }
  func.func @transform_53(%arg0: i32) -> (i32, i32) {
    %add3A = arith.constant 168 : i32
    %add3A_0 = arith.addi %add3A, %arg0 : i32
    %min3A = arith.constant 244 : i32
    %min3A_1 = arith.minsi %add3A_0, %min3A : i32
    %c0_i32 = arith.constant 0 : i32
    %c0_i32_2 = arith.constant 0 : i32
    return %c0_i32, %min3A_1 : i32, i32
  }
  func.func @transform_54(%arg0: i32) -> (i32, i32) {
    %add3A = arith.constant 176 : i32
    %add3A_0 = arith.addi %add3A, %arg0 : i32
    %min3A = arith.constant 244 : i32
    %min3A_1 = arith.minsi %add3A_0, %min3A : i32
    %c0_i32 = arith.constant 0 : i32
    %c0_i32_2 = arith.constant 0 : i32
    return %c0_i32, %min3A_1 : i32, i32
  }
  func.func @transform_55(%arg0: i32) -> (i32, i32) {
    %add3A = arith.constant 184 : i32
    %add3A_0 = arith.addi %add3A, %arg0 : i32
    %min3A = arith.constant 244 : i32
    %min3A_1 = arith.minsi %add3A_0, %min3A : i32
    %c0_i32 = arith.constant 0 : i32
    %c0_i32_2 = arith.constant 0 : i32
    return %c0_i32, %min3A_1 : i32, i32
  }
  func.func @transform_56(%arg0: i32) -> (i32, i32) {
    %add3A = arith.constant 192 : i32
    %add3A_0 = arith.addi %add3A, %arg0 : i32
    %min3A = arith.constant 244 : i32
    %min3A_1 = arith.minsi %add3A_0, %min3A : i32
    %c0_i32 = arith.constant 0 : i32
    %c0_i32_2 = arith.constant 0 : i32
    return %c0_i32, %min3A_1 : i32, i32
  }
  func.func @transform_57(%arg0: i32) -> (i32, i32) {
    %add3A = arith.constant 200 : i32
    %add3A_0 = arith.addi %add3A, %arg0 : i32
    %min3A = arith.constant 244 : i32
    %min3A_1 = arith.minsi %add3A_0, %min3A : i32
    %c0_i32 = arith.constant 0 : i32
    %c0_i32_2 = arith.constant 0 : i32
    return %c0_i32, %min3A_1 : i32, i32
  }
  func.func @transform_58(%arg0: i32) -> (i32, i32) {
    %add3A = arith.constant 208 : i32
    %add3A_0 = arith.addi %add3A, %arg0 : i32
    %min3A = arith.constant 244 : i32
    %min3A_1 = arith.minsi %add3A_0, %min3A : i32
    %c0_i32 = arith.constant 0 : i32
    %c0_i32_2 = arith.constant 0 : i32
    return %c0_i32, %min3A_1 : i32, i32
  }
  func.func @transform_59(%arg0: i32) -> (i32, i32) {
    %add3A = arith.constant 216 : i32
    %add3A_0 = arith.addi %add3A, %arg0 : i32
    %min3A = arith.constant 244 : i32
    %min3A_1 = arith.minsi %add3A_0, %min3A : i32
    %c0_i32 = arith.constant 0 : i32
    %c0_i32_2 = arith.constant 0 : i32
    return %c0_i32, %min3A_1 : i32, i32
  }
  func.func @transform_60(%arg0: i32) -> (i32, i32) {
    %add3A = arith.constant 224 : i32
    %add3A_0 = arith.addi %add3A, %arg0 : i32
    %min3A = arith.constant 244 : i32
    %min3A_1 = arith.minsi %add3A_0, %min3A : i32
    %c0_i32 = arith.constant 0 : i32
    %c0_i32_2 = arith.constant 0 : i32
    return %c0_i32, %min3A_1 : i32, i32
  }
  func.func @transform_61(%arg0: i32) -> (i32, i32) {
    %add3A = arith.constant 232 : i32
    %add3A_0 = arith.addi %add3A, %arg0 : i32
    %min3A = arith.constant 244 : i32
    %min3A_1 = arith.minsi %add3A_0, %min3A : i32
    %c0_i32 = arith.constant 0 : i32
    %c0_i32_2 = arith.constant 0 : i32
    return %c0_i32, %min3A_1 : i32, i32
  }
  func.func @transform_62(%arg0: i32) -> (i32, i32) {
    %add3A = arith.constant 240 : i32
    %add3A_0 = arith.addi %add3A, %arg0 : i32
    %min3A = arith.constant 244 : i32
    %min3A_1 = arith.minsi %add3A_0, %min3A : i32
    %c0_i32 = arith.constant 0 : i32
    %c0_i32_2 = arith.constant 0 : i32
    return %c0_i32, %min3A_1 : i32, i32
  }
  func.func @transform_63(%arg0: i32) -> (i32, i32) {
    %add3A = arith.constant 248 : i32
    %add3A_0 = arith.addi %add3A, %arg0 : i32
    %min3A = arith.constant 244 : i32
    %min3A_1 = arith.minsi %add3A_0, %min3A : i32
    %c0_i32 = arith.constant 0 : i32
    %c0_i32_2 = arith.constant 0 : i32
    return %c0_i32, %min3A_1 : i32, i32
  }
  func.func @transform_64(%arg0: i32) -> (i32, i32) {
    %c0_i32 = arith.constant 0 : i32
    %c0_i32_0 = arith.constant 0 : i32
    return %arg0, %c0_i32 : i32, i32
  }
  func.func @transform_65(%arg0: i32) -> (i32, i32) {
    %c0_i32 = arith.constant 0 : i32
    %c0_i32_0 = arith.constant 0 : i32
    return %arg0, %c0_i32 : i32, i32
  }
}

module attributes {stable_mosaic.version = 14 : i64} {
  func.func @_tc_body(%arg0: i32, %arg1: memref<4096x1xi32, #tpu.memory_space<vmem>>, %arg2: memref<4096x1xi32, #tpu.memory_space<vmem>>, %arg3: memref<4096x128xf32, #tpu.memory_space<vmem>>, %arg4: memref<4096x128xf32, #tpu.memory_space<vmem>>, %arg5: memref<4096x128xf32, #tpu.memory_space<vmem>>, %arg6: memref<4096x128xf32, #tpu.memory_space<vmem>>, %arg7: memref<256x64xf32, #tpu.memory_space<vmem>>, %arg8: memref<256x64xf32, #tpu.memory_space<vmem>>, %arg9: memref<1x64xf32, #tpu.memory_space<vmem>>, %arg10: memref<64x32xf32, #tpu.memory_space<vmem>>, %arg11: memref<1x32xf32, #tpu.memory_space<vmem>>, %arg12: memref<32x16xf32, #tpu.memory_space<vmem>>, %arg13: memref<1x16xf32, #tpu.memory_space<vmem>>, %arg14: memref<256x8xf32, #tpu.memory_space<vmem>>, %arg15: memref<8x1xf32, #tpu.memory_space<vmem>>, %arg16: memref<16x1xf32, #tpu.memory_space<vmem>>, %arg17: memref<1x1xf32, #tpu.memory_space<vmem>>, %arg18: memref<4096x1xf32, #tpu.memory_space<vmem>>) attributes {dimension_semantics = [#tpu.dimension_semantics<arbitrary>], iteration_bounds = array<i64: 4>, scalar_prefetch = 0 : i64, scratch_operands = 0 : i64, tpu.core_type = #tpu.core_type<tc>, window_params = [{transform_indices = @transform_0, window_bounds = array<i64: 4096, 1>}, {transform_indices = @transform_1, window_bounds = array<i64: 4096, 1>}, {transform_indices = @transform_2, window_bounds = array<i64: 4096, 128>}, {transform_indices = @transform_3, window_bounds = array<i64: 4096, 128>}, {transform_indices = @transform_4, window_bounds = array<i64: 4096, 128>}, {transform_indices = @transform_5, window_bounds = array<i64: 4096, 128>}, {pipeline_mode = #tpu.pipeline_mode<synchronous>, transform_indices = @transform_6, window_bounds = array<i64: 256, 64>}, {pipeline_mode = #tpu.pipeline_mode<synchronous>, transform_indices = @transform_7, window_bounds = array<i64: 256, 64>}, {pipeline_mode = #tpu.pipeline_mode<synchronous>, transform_indices = @transform_8, window_bounds = array<i64: 1, 64>}, {pipeline_mode = #tpu.pipeline_mode<synchronous>, transform_indices = @transform_9, window_bounds = array<i64: 64, 32>}, {pipeline_mode = #tpu.pipeline_mode<synchronous>, transform_indices = @transform_10, window_bounds = array<i64: 1, 32>}, {pipeline_mode = #tpu.pipeline_mode<synchronous>, transform_indices = @transform_11, window_bounds = array<i64: 32, 16>}, {pipeline_mode = #tpu.pipeline_mode<synchronous>, transform_indices = @transform_12, window_bounds = array<i64: 1, 16>}, {pipeline_mode = #tpu.pipeline_mode<synchronous>, transform_indices = @transform_13, window_bounds = array<i64: 256, 8>}, {pipeline_mode = #tpu.pipeline_mode<synchronous>, transform_indices = @transform_14, window_bounds = array<i64: 8, 1>}, {pipeline_mode = #tpu.pipeline_mode<synchronous>, transform_indices = @transform_15, window_bounds = array<i64: 16, 1>}, {pipeline_mode = #tpu.pipeline_mode<synchronous>, transform_indices = @transform_16, window_bounds = array<i64: 1, 1>}, {transform_indices = @transform_17, window_bounds = array<i64: 4096, 1>}]} {
    %iota3A = tpu.iota {dimensions = array<i32: 1>} : vector<4096x256xi32>
    %get3A = arith.constant 0 : index
    %get3A_0 = arith.constant 0 : index
    %get3A_1 = vector.load %arg1[%get3A, %get3A_0] : memref<4096x1xi32, #tpu.memory_space<vmem>>, vector<4096x1xi32>
    %get3A_2 = arith.constant 0 : index
    %get3A_3 = arith.constant 0 : index
    %get3A_4 = vector.load %arg2[%get3A_2, %get3A_3] : memref<4096x1xi32, #tpu.memory_space<vmem>>, vector<4096x1xi32>
    %shift_right_arithmetic3A = arith.constant 5 : i32
    %shift_right_arithmetic3A_5 = vector.broadcast %shift_right_arithmetic3A : i32 to vector<4096x256xi32>
    %shift_right_arithmetic3A_6 = arith.shrsi %iota3A, %shift_right_arithmetic3A_5 : vector<4096x256xi32>
    %shift_right_arithmetic3A_7 = arith.constant 17 : i32
    %shift_right_arithmetic3A_8 = vector.broadcast %shift_right_arithmetic3A_7 : i32 to vector<4096x1xi32>
    %shift_right_arithmetic3A_9 = arith.shrsi %get3A_1, %shift_right_arithmetic3A_8 : vector<4096x1xi32>
    %eq3A = vector.broadcast %shift_right_arithmetic3A_9 : vector<4096x1xi32> to vector<4096x256xi32>
    %eq3A_10 = arith.cmpi eq, %shift_right_arithmetic3A_6, %eq3A : vector<4096x256xi32>
    %get3A_11 = arith.constant 0 : index
    %get3A_12 = arith.constant 0 : index
    %get3A_13 = vector.load %arg5[%get3A_11, %get3A_12] : memref<4096x128xf32, #tpu.memory_space<vmem>>, vector<4096x128xf32>
    %bitcast3A = tpu.bitcast %get3A_13 : vector<4096x128xf32> -> vector<8192x128xbf16>
    %reshape3A = vector.shape_cast %bitcast3A : vector<8192x128xbf16> to vector<4096x256xbf16>
    %convert_element_type3A = arith.extf %reshape3A : vector<4096x256xbf16> to vector<4096x256xf32>
    %jit3A = arith.constant 0.000000e+00 : f32
    %broadcast_in_dim3A = vector.broadcast %jit3A : f32 to vector<4096x256xf32>
    %select_n3A = arith.select %eq3A_10, %convert_element_type3A, %broadcast_in_dim3A : vector<4096x256xi1>, vector<4096x256xf32>
    %shift_right_arithmetic3A_14 = arith.constant 5 : i32
    %shift_right_arithmetic3A_15 = vector.broadcast %shift_right_arithmetic3A_14 : i32 to vector<4096x256xi32>
    %shift_right_arithmetic3A_16 = arith.shrsi %iota3A, %shift_right_arithmetic3A_15 : vector<4096x256xi32>
    %shift_right_arithmetic3A_17 = arith.constant 17 : i32
    %shift_right_arithmetic3A_18 = vector.broadcast %shift_right_arithmetic3A_17 : i32 to vector<4096x1xi32>
    %shift_right_arithmetic3A_19 = arith.shrsi %get3A_4, %shift_right_arithmetic3A_18 : vector<4096x1xi32>
    %eq3A_20 = vector.broadcast %shift_right_arithmetic3A_19 : vector<4096x1xi32> to vector<4096x256xi32>
    %eq3A_21 = arith.cmpi eq, %shift_right_arithmetic3A_16, %eq3A_20 : vector<4096x256xi32>
    %get3A_22 = arith.constant 0 : index
    %get3A_23 = arith.constant 0 : index
    %get3A_24 = vector.load %arg6[%get3A_22, %get3A_23] : memref<4096x128xf32, #tpu.memory_space<vmem>>, vector<4096x128xf32>
    %bitcast3A_25 = tpu.bitcast %get3A_24 : vector<4096x128xf32> -> vector<8192x128xbf16>
    %reshape3A_26 = vector.shape_cast %bitcast3A_25 : vector<8192x128xbf16> to vector<4096x256xbf16>
    %convert_element_type3A_27 = arith.extf %reshape3A_26 : vector<4096x256xbf16> to vector<4096x256xf32>
    %jit3A_28 = arith.constant 0.000000e+00 : f32
    %broadcast_in_dim3A_29 = vector.broadcast %jit3A_28 : f32 to vector<4096x256xf32>
    %select_n3A_30 = arith.select %eq3A_21, %convert_element_type3A_27, %broadcast_in_dim3A_29 : vector<4096x256xi1>, vector<4096x256xf32>
    %get3A_31 = arith.constant 0 : index
    %get3A_32 = arith.constant 0 : index
    %get3A_33 = vector.load %arg7[%get3A_31, %get3A_32] : memref<256x64xf32, #tpu.memory_space<vmem>>, vector<256x64xf32>
    %dot_general3A = arith.constant dense<0.000000e+00> : vector<4096x64xf32>
    %dot_general3A_34 = tpu.matmul %select_n3A, %get3A_33, %dot_general3A {dimension_numbers = #tpu.dot_dimension_numbers<[1], [0], [0], [1], [0, 0, 1, 1], [], []>, transpose_lhs_hint = false} : vector<4096x256xf32>, vector<256x64xf32>, vector<4096x64xf32> -> vector<4096x64xf32>
    %get3A_35 = arith.constant 0 : index
    %get3A_36 = arith.constant 0 : index
    %get3A_37 = vector.load %arg8[%get3A_35, %get3A_36] : memref<256x64xf32, #tpu.memory_space<vmem>>, vector<256x64xf32>
    %dot_general3A_38 = arith.constant dense<0.000000e+00> : vector<4096x64xf32>
    %dot_general3A_39 = tpu.matmul %select_n3A_30, %get3A_37, %dot_general3A_38 {dimension_numbers = #tpu.dot_dimension_numbers<[1], [0], [0], [1], [0, 0, 1, 1], [], []>, transpose_lhs_hint = false} : vector<4096x256xf32>, vector<256x64xf32>, vector<4096x64xf32> -> vector<4096x64xf32>
    %add3A = arith.addf %dot_general3A_34, %dot_general3A_39 : vector<4096x64xf32>
    %get3A_40 = arith.constant 0 : index
    %get3A_41 = arith.constant 0 : index
    %get3A_42 = vector.load %arg9[%get3A_40, %get3A_41] : memref<1x64xf32, #tpu.memory_space<vmem>>, vector<1x64xf32>
    %add3A_43 = vector.broadcast %get3A_42 : vector<1x64xf32> to vector<4096x64xf32>
    %add3A_44 = arith.addf %add3A, %add3A_43 : vector<4096x64xf32>
    %max3A = arith.constant 0.000000e+00 : f32
    %max3A_45 = vector.broadcast %max3A : f32 to vector<4096x64xf32>
    %max3A_46 = arith.maximumf %add3A_44, %max3A_45 : vector<4096x64xf32>
    %get3A_47 = arith.constant 0 : index
    %get3A_48 = arith.constant 0 : index
    %get3A_49 = vector.load %arg10[%get3A_47, %get3A_48] : memref<64x32xf32, #tpu.memory_space<vmem>>, vector<64x32xf32>
    %dot_general3A_50 = arith.constant dense<0.000000e+00> : vector<4096x32xf32>
    %dot_general3A_51 = tpu.matmul %max3A_46, %get3A_49, %dot_general3A_50 {dimension_numbers = #tpu.dot_dimension_numbers<[1], [0], [0], [1], [0, 0, 1, 1], [], []>, transpose_lhs_hint = false} : vector<4096x64xf32>, vector<64x32xf32>, vector<4096x32xf32> -> vector<4096x32xf32>
    %get3A_52 = arith.constant 0 : index
    %get3A_53 = arith.constant 0 : index
    %get3A_54 = vector.load %arg11[%get3A_52, %get3A_53] : memref<1x32xf32, #tpu.memory_space<vmem>>, vector<1x32xf32>
    %add3A_55 = vector.broadcast %get3A_54 : vector<1x32xf32> to vector<4096x32xf32>
    %add3A_56 = arith.addf %dot_general3A_51, %add3A_55 : vector<4096x32xf32>
    %max3A_57 = arith.constant 0.000000e+00 : f32
    %max3A_58 = vector.broadcast %max3A_57 : f32 to vector<4096x32xf32>
    %max3A_59 = arith.maximumf %add3A_56, %max3A_58 : vector<4096x32xf32>
    %get3A_60 = arith.constant 0 : index
    %get3A_61 = arith.constant 0 : index
    %get3A_62 = vector.load %arg12[%get3A_60, %get3A_61] : memref<32x16xf32, #tpu.memory_space<vmem>>, vector<32x16xf32>
    %dot_general3A_63 = arith.constant dense<0.000000e+00> : vector<4096x16xf32>
    %dot_general3A_64 = tpu.matmul %max3A_59, %get3A_62, %dot_general3A_63 {dimension_numbers = #tpu.dot_dimension_numbers<[1], [0], [0], [1], [0, 0, 1, 1], [], []>, transpose_lhs_hint = false} : vector<4096x32xf32>, vector<32x16xf32>, vector<4096x16xf32> -> vector<4096x16xf32>
    %get3A_65 = arith.constant 0 : index
    %get3A_66 = arith.constant 0 : index
    %get3A_67 = vector.load %arg13[%get3A_65, %get3A_66] : memref<1x16xf32, #tpu.memory_space<vmem>>, vector<1x16xf32>
    %add3A_68 = vector.broadcast %get3A_67 : vector<1x16xf32> to vector<4096x16xf32>
    %add3A_69 = arith.addf %dot_general3A_64, %add3A_68 : vector<4096x16xf32>
    %max3A_70 = arith.constant 0.000000e+00 : f32
    %max3A_71 = vector.broadcast %max3A_70 : f32 to vector<4096x16xf32>
    %max3A_72 = arith.maximumf %add3A_69, %max3A_71 : vector<4096x16xf32>
    %shift_right_arithmetic3A_73 = arith.constant 3 : i32
    %shift_right_arithmetic3A_74 = vector.broadcast %shift_right_arithmetic3A_73 : i32 to vector<4096x256xi32>
    %shift_right_arithmetic3A_75 = arith.shrsi %iota3A, %shift_right_arithmetic3A_74 : vector<4096x256xi32>
    %shift_right_arithmetic3A_76 = arith.constant 15 : i32
    %shift_right_arithmetic3A_77 = vector.broadcast %shift_right_arithmetic3A_76 : i32 to vector<4096x1xi32>
    %shift_right_arithmetic3A_78 = arith.shrsi %get3A_1, %shift_right_arithmetic3A_77 : vector<4096x1xi32>
    %eq3A_79 = vector.broadcast %shift_right_arithmetic3A_78 : vector<4096x1xi32> to vector<4096x256xi32>
    %eq3A_80 = arith.cmpi eq, %shift_right_arithmetic3A_75, %eq3A_79 : vector<4096x256xi32>
    %get3A_81 = arith.constant 0 : index
    %get3A_82 = arith.constant 0 : index
    %get3A_83 = vector.load %arg3[%get3A_81, %get3A_82] : memref<4096x128xf32, #tpu.memory_space<vmem>>, vector<4096x128xf32>
    %bitcast3A_84 = tpu.bitcast %get3A_83 : vector<4096x128xf32> -> vector<8192x128xbf16>
    %reshape3A_85 = vector.shape_cast %bitcast3A_84 : vector<8192x128xbf16> to vector<4096x256xbf16>
    %convert_element_type3A_86 = arith.extf %reshape3A_85 : vector<4096x256xbf16> to vector<4096x256xf32>
    %jit3A_87 = arith.constant 0.000000e+00 : f32
    %broadcast_in_dim3A_88 = vector.broadcast %jit3A_87 : f32 to vector<4096x256xf32>
    %select_n3A_89 = arith.select %eq3A_80, %convert_element_type3A_86, %broadcast_in_dim3A_88 : vector<4096x256xi1>, vector<4096x256xf32>
    %shift_right_arithmetic3A_90 = arith.constant 3 : i32
    %shift_right_arithmetic3A_91 = vector.broadcast %shift_right_arithmetic3A_90 : i32 to vector<4096x256xi32>
    %shift_right_arithmetic3A_92 = arith.shrsi %iota3A, %shift_right_arithmetic3A_91 : vector<4096x256xi32>
    %shift_right_arithmetic3A_93 = arith.constant 15 : i32
    %shift_right_arithmetic3A_94 = vector.broadcast %shift_right_arithmetic3A_93 : i32 to vector<4096x1xi32>
    %shift_right_arithmetic3A_95 = arith.shrsi %get3A_4, %shift_right_arithmetic3A_94 : vector<4096x1xi32>
    %eq3A_96 = vector.broadcast %shift_right_arithmetic3A_95 : vector<4096x1xi32> to vector<4096x256xi32>
    %eq3A_97 = arith.cmpi eq, %shift_right_arithmetic3A_92, %eq3A_96 : vector<4096x256xi32>
    %get3A_98 = arith.constant 0 : index
    %get3A_99 = arith.constant 0 : index
    %get3A_100 = vector.load %arg4[%get3A_98, %get3A_99] : memref<4096x128xf32, #tpu.memory_space<vmem>>, vector<4096x128xf32>
    %bitcast3A_101 = tpu.bitcast %get3A_100 : vector<4096x128xf32> -> vector<8192x128xbf16>
    %reshape3A_102 = vector.shape_cast %bitcast3A_101 : vector<8192x128xbf16> to vector<4096x256xbf16>
    %convert_element_type3A_103 = arith.extf %reshape3A_102 : vector<4096x256xbf16> to vector<4096x256xf32>
    %jit3A_104 = arith.constant 0.000000e+00 : f32
    %broadcast_in_dim3A_105 = vector.broadcast %jit3A_104 : f32 to vector<4096x256xf32>
    %select_n3A_106 = arith.select %eq3A_97, %convert_element_type3A_103, %broadcast_in_dim3A_105 : vector<4096x256xi1>, vector<4096x256xf32>
    %get3A_107 = arith.constant 0 : index
    %get3A_108 = arith.constant 0 : index
    %get3A_109 = vector.load %arg14[%get3A_107, %get3A_108] : memref<256x8xf32, #tpu.memory_space<vmem>>, vector<256x8xf32>
    %dot_general3A_110 = arith.constant dense<0.000000e+00> : vector<4096x8xf32>
    %dot_general3A_111 = tpu.matmul %select_n3A_89, %get3A_109, %dot_general3A_110 {dimension_numbers = #tpu.dot_dimension_numbers<[1], [0], [0], [1], [0, 0, 1, 1], [], []>, transpose_lhs_hint = false} : vector<4096x256xf32>, vector<256x8xf32>, vector<4096x8xf32> -> vector<4096x8xf32>
    %get3A_112 = arith.constant 0 : index
    %get3A_113 = arith.constant 0 : index
    %get3A_114 = vector.load %arg14[%get3A_112, %get3A_113] : memref<256x8xf32, #tpu.memory_space<vmem>>, vector<256x8xf32>
    %dot_general3A_115 = arith.constant dense<0.000000e+00> : vector<4096x8xf32>
    %dot_general3A_116 = tpu.matmul %select_n3A_106, %get3A_114, %dot_general3A_115 {dimension_numbers = #tpu.dot_dimension_numbers<[1], [0], [0], [1], [0, 0, 1, 1], [], []>, transpose_lhs_hint = false} : vector<4096x256xf32>, vector<256x8xf32>, vector<4096x8xf32> -> vector<4096x8xf32>
    %mul3A = arith.mulf %dot_general3A_111, %dot_general3A_116 : vector<4096x8xf32>
    %get3A_117 = arith.constant 0 : index
    %get3A_118 = arith.constant 0 : index
    %get3A_119 = vector.load %arg15[%get3A_117, %get3A_118] : memref<8x1xf32, #tpu.memory_space<vmem>>, vector<8x1xf32>
    %dot_general3A_120 = arith.constant dense<0.000000e+00> : vector<4096x1xf32>
    %dot_general3A_121 = tpu.matmul %mul3A, %get3A_119, %dot_general3A_120 {dimension_numbers = #tpu.dot_dimension_numbers<[1], [0], [0], [1], [0, 0, 1, 1], [], []>, transpose_lhs_hint = false} : vector<4096x8xf32>, vector<8x1xf32>, vector<4096x1xf32> -> vector<4096x1xf32>
    %get3A_122 = arith.constant 0 : index
    %get3A_123 = arith.constant 0 : index
    %get3A_124 = vector.load %arg16[%get3A_122, %get3A_123] : memref<16x1xf32, #tpu.memory_space<vmem>>, vector<16x1xf32>
    %dot_general3A_125 = arith.constant dense<0.000000e+00> : vector<4096x1xf32>
    %dot_general3A_126 = tpu.matmul %max3A_72, %get3A_124, %dot_general3A_125 {dimension_numbers = #tpu.dot_dimension_numbers<[1], [0], [0], [1], [0, 0, 1, 1], [], []>, transpose_lhs_hint = false} : vector<4096x16xf32>, vector<16x1xf32>, vector<4096x1xf32> -> vector<4096x1xf32>
    %add3A_127 = arith.addf %dot_general3A_121, %dot_general3A_126 : vector<4096x1xf32>
    %get3A_128 = arith.constant 0 : index
    %get3A_129 = arith.constant 0 : index
    %get3A_130 = vector.load %arg17[%get3A_128, %get3A_129] : memref<1x1xf32, #tpu.memory_space<vmem>>, vector<1x1xf32>
    %add3A_131 = vector.broadcast %get3A_130 : vector<1x1xf32> to vector<4096x1xf32>
    %add3A_132 = arith.addf %add3A_127, %add3A_131 : vector<4096x1xf32>
    %logistic3A = arith.negf %add3A_132 : vector<4096x1xf32>
    %logistic3A_133 = math.exp %logistic3A : vector<4096x1xf32>
    %logistic3A_134 = arith.constant 1.000000e+00 : f32
    %logistic3A_135 = vector.broadcast %logistic3A_134 : f32 to vector<4096x1xf32>
    %logistic3A_136 = arith.addf %logistic3A_135, %logistic3A_133 : vector<4096x1xf32>
    %logistic3A_137 = arith.divf %logistic3A_135, %logistic3A_136 : vector<4096x1xf32>
    %mul3A_138 = arith.constant 4.500000e+00 : f32
    %mul3A_139 = vector.broadcast %mul3A_138 : f32 to vector<4096x1xf32>
    %mul3A_140 = arith.mulf %logistic3A_137, %mul3A_139 : vector<4096x1xf32>
    %add3A_141 = arith.constant 5.000000e-01 : f32
    %add3A_142 = vector.broadcast %add3A_141 : f32 to vector<4096x1xf32>
    %add3A_143 = arith.addf %mul3A_140, %add3A_142 : vector<4096x1xf32>
    %swap3A = arith.constant 0 : index
    %swap3A_144 = arith.constant 0 : index
    %swap3A_145 = vector.load %arg18[%swap3A, %swap3A_144] : memref<4096x1xf32, #tpu.memory_space<vmem>>, vector<4096x1xf32>
    tpu.vector_store %arg18[%swap3A, %swap3A_144], %add3A_143 {strides = array<i32>} : memref<4096x1xf32, #tpu.memory_space<vmem>>, vector<4096x1xf32>,
    return
  }
  func.func @transform_0(%arg0: i32) -> (i32, i32) {
    %c0_i32 = arith.constant 0 : i32
    %c0_i32_0 = arith.constant 0 : i32
    return %arg0, %c0_i32 : i32, i32
  }
  func.func @transform_1(%arg0: i32) -> (i32, i32) {
    %c0_i32 = arith.constant 0 : i32
    %c0_i32_0 = arith.constant 0 : i32
    return %arg0, %c0_i32 : i32, i32
  }
  func.func @transform_2(%arg0: i32) -> (i32, i32) {
    %c0_i32 = arith.constant 0 : i32
    %c0_i32_0 = arith.constant 0 : i32
    return %arg0, %c0_i32 : i32, i32
  }
  func.func @transform_3(%arg0: i32) -> (i32, i32) {
    %c0_i32 = arith.constant 0 : i32
    %c0_i32_0 = arith.constant 0 : i32
    return %arg0, %c0_i32 : i32, i32
  }
  func.func @transform_4(%arg0: i32) -> (i32, i32) {
    %c0_i32 = arith.constant 0 : i32
    %c0_i32_0 = arith.constant 0 : i32
    return %arg0, %c0_i32 : i32, i32
  }
  func.func @transform_5(%arg0: i32) -> (i32, i32) {
    %c0_i32 = arith.constant 0 : i32
    %c0_i32_0 = arith.constant 0 : i32
    return %arg0, %c0_i32 : i32, i32
  }
  func.func @transform_6(%arg0: i32) -> (i32, i32) {
    %c0_i32 = arith.constant 0 : i32
    %c0_i32_0 = arith.constant 0 : i32
    %c0_i32_1 = arith.constant 0 : i32
    return %c0_i32, %c0_i32_0 : i32, i32
  }
  func.func @transform_7(%arg0: i32) -> (i32, i32) {
    %c0_i32 = arith.constant 0 : i32
    %c0_i32_0 = arith.constant 0 : i32
    %c0_i32_1 = arith.constant 0 : i32
    return %c0_i32, %c0_i32_0 : i32, i32
  }
  func.func @transform_8(%arg0: i32) -> (i32, i32) {
    %c0_i32 = arith.constant 0 : i32
    %c0_i32_0 = arith.constant 0 : i32
    %c0_i32_1 = arith.constant 0 : i32
    return %c0_i32, %c0_i32_0 : i32, i32
  }
  func.func @transform_9(%arg0: i32) -> (i32, i32) {
    %c0_i32 = arith.constant 0 : i32
    %c0_i32_0 = arith.constant 0 : i32
    %c0_i32_1 = arith.constant 0 : i32
    return %c0_i32, %c0_i32_0 : i32, i32
  }
  func.func @transform_10(%arg0: i32) -> (i32, i32) {
    %c0_i32 = arith.constant 0 : i32
    %c0_i32_0 = arith.constant 0 : i32
    %c0_i32_1 = arith.constant 0 : i32
    return %c0_i32, %c0_i32_0 : i32, i32
  }
  func.func @transform_11(%arg0: i32) -> (i32, i32) {
    %c0_i32 = arith.constant 0 : i32
    %c0_i32_0 = arith.constant 0 : i32
    %c0_i32_1 = arith.constant 0 : i32
    return %c0_i32, %c0_i32_0 : i32, i32
  }
  func.func @transform_12(%arg0: i32) -> (i32, i32) {
    %c0_i32 = arith.constant 0 : i32
    %c0_i32_0 = arith.constant 0 : i32
    %c0_i32_1 = arith.constant 0 : i32
    return %c0_i32, %c0_i32_0 : i32, i32
  }
  func.func @transform_13(%arg0: i32) -> (i32, i32) {
    %c0_i32 = arith.constant 0 : i32
    %c0_i32_0 = arith.constant 0 : i32
    %c0_i32_1 = arith.constant 0 : i32
    return %c0_i32, %c0_i32_0 : i32, i32
  }
  func.func @transform_14(%arg0: i32) -> (i32, i32) {
    %c0_i32 = arith.constant 0 : i32
    %c0_i32_0 = arith.constant 0 : i32
    %c0_i32_1 = arith.constant 0 : i32
    return %c0_i32, %c0_i32_0 : i32, i32
  }
  func.func @transform_15(%arg0: i32) -> (i32, i32) {
    %c0_i32 = arith.constant 0 : i32
    %c0_i32_0 = arith.constant 0 : i32
    %c0_i32_1 = arith.constant 0 : i32
    return %c0_i32, %c0_i32_0 : i32, i32
  }
  func.func @transform_16(%arg0: i32) -> (i32, i32) {
    %c0_i32 = arith.constant 0 : i32
    %c0_i32_0 = arith.constant 0 : i32
    %c0_i32_1 = arith.constant 0 : i32
    return %c0_i32, %c0_i32_0 : i32, i32
  }
  func.func @transform_17(%arg0: i32) -> (i32, i32) {
    %c0_i32 = arith.constant 0 : i32
    %c0_i32_0 = arith.constant 0 : i32
    return %arg0, %c0_i32 : i32, i32
  }
}

</mosaic_0001>

<sc_bundles>
// kernel: kernel.10.cloned.1.call-start
scs
__scs_entry_jumppad:
0x0: {  	(pc) =	sbr.rel $0x88, $3  }
0x1: {  	(tag) =	ssettag $0x0;
	lr =	simm.s32 $0x1  }
0x2: {  	[smem:$0x3F93] =	sst lr;
	_ =	strace $0xD0000000  }
0x3: {  	_ = 	snop  }
0x4: {  	_ = 	snop  }
0x5: {  	_ = 	snop  }
0x6: {  	_ = 	snop  }
0x7: {  	_ = 	snop  }
__scs_overlays_trampoline_lowered:
0x8: {  	[smem:$0x3FA2] =	sst s0  }
0x9: {  	[smem:$0x3FA3] =	sst s1  }
0xa: {  	[smem:$0x3FA4] =	sst s2  }
0xb: {  	[smem:$0x3FA5] =	sst s3  }
0xc: {  	[smem:$0x3FA6] =	sst s4  }
0xd: {  	[smem:$0x3FA7] =	sst s5  }
0xe: {  	[smem:$0x3FA8] =	sst s6  }
0xf: {  	[smem:$0x3FA9] =	sst s7  }
0x10: {  	[smem:$0x3FAA] =	sst s8  }
0x11: {  	[smem:$0x3FAB] =	sst s9;
	s0 =	simm.s32 @!p0 $0x0  }
0x12: {  	s1 =	sld [smem:$0x3F91];
	s0 =	simm.s32 @p0 $0x1  }
0x13: {  	[smem:$0x3FAC] =	sst s0;
	s0 =	simm.s32 @!p1 $0x0  }
0x14: {  	s2 =	sld [smem:$0x3F90];
	s0 =	simm.s32 @p1 $0x1  }
0x15: {  	[smem:$0x3FAD] =	sst s0;
	s0 =	simm.s32 @!p2 $0x0  }
0x16: {  	s3 =	sld [smem:$0x3FDB];
	s0 =	simm.s32 @p2 $0x1  }
0x17: {  	s4 =	simm.s32 $0x1BF5;
	[smem:$0x3FAF] =	sst s0  }
0x18: {  	s0 =	sld [smem:$0x3F92];
	_ =	swait.ge [sflag:s4], $0x0  }
0x19: {  	s7 =	sld [smem:$0x3F93]  }
0x1a: {  	s8 =	sadd.s32 $0xFFFFE003, lr  }
0x1b: {  	s9 =	sadd.s32 $0xFFFFFEF7, lr;
	s5 =	simm.s32 $0xFFFFFFFF;
	p2 =	slt.u32 s8, $0xFFFFF086  }
0x1c: {  	p1 =	slt.u32 s9, $0xF7A;
	s5 =	simm.s32 @!p2 $0x0  }
0x1d: {  	s5 =	simm.s32 @p1 $0x1;
	p0 =	seq.s32 s7, s2  }
0x1e: {  	s7 =	smul.u32 @!p0 $0xF7A, s2;
	p2 =	seq.s32 @!p0 s5, $0x0  }
0x1f: {  	s9 =	smul.u32 $0xF7A, s1;
	s8 =	simm.s32 @!p0 $0x1BF5;
	p2 =	por !p2, p0  }
0x20: {  	[sflag:s8] =	ssyncset.s32 @!p0 $0xFFFFF086;
	s6 =	sadd.s32 @!p0 s3, s7;
	s7 =	simm.s32 @!p0 $0x108  }
0x21: {  	s3 =	sadd.s32 s3, s9;
	s6 =	sadd.s32 @!p0 $0x88, s6;
	s7 =	simm.s32 @p2 $0x1082  }
0x22: {  	[simem:s7], [sflag:s8] =	dma.local @!p0 [hbm:s6], $0xF7A  }
0x23: {  	s9 =	sor.u32 $0xD0000000, s2;
	s6 =	simm.s32 $0x108;
	_ =	swait.ge @!p0 [sflag:s8], $0x0  }
0x24: {  	s3 =	sadd.s32 $0x88, s3;
	s6 =	simm.s32 @!p1 $0x1082;
	[sflag:s4] =	ssyncset.s32 $0xFFFFF086  }
0x25: {  	[simem:s6], [sflag:s4] =	dma.local [hbm:s3], $0xF7A  }
0x26: {  	[smem:$0x3F93] =	sst s1;
	(tag) =	ssettag s2;
	_ =	strace s9  }
0x27: {  	s1 =	sld [smem:$0x3FA3]  }
0x28: {  	s2 =	sld [smem:$0x3FA4]  }
0x29: {  	s4 =	sld [smem:$0x3FA6]  }
0x2a: {  	p0 =	seq.s32 s5, $0x0;
	s5 =	sld [smem:$0x3FA7]  }
0x2b: {  	s6 =	sld [smem:$0x3FA8]  }
0x2c: {  	s7 =	sld [smem:$0x3FA9]  }
0x2d: {  	s3 =	simm.s32 $0x108;
	s8 =	sld [smem:$0x3FAA]  }
0x2e: {  	s3 =	simm.s32 @!p0 $0x1082;
	s9 =	sld [smem:$0x3FAB]  }
0x2f: {  	lr =	sadd.s32 s0, s3;
	s0 =	sld [smem:$0x3FA2]  }
0x30: {  	s3 =	sld [smem:$0x3FA5]  }
0x31: {  	[smem:$0x3FAE] =	sst s10  }
0x32: {  	s10 =	sld [smem:$0x3FAC];
	_ =	sdelay $0x3  }
0x33: {  	p0 =	seq.s32 s10, $0x1;
	s10 =	sld [smem:$0x3FAE];
	_ =	sdelay $0x3  }
0x34: {  	[smem:$0x3FAE] =	sst s10  }
0x35: {  	s10 =	sld [smem:$0x3FAD];
	_ =	sdelay $0x3  }
0x36: {  	p1 =	seq.s32 s10, $0x1;
	s10 =	sld [smem:$0x3FAE];
	_ =	sdelay $0x3  }
0x37: {  	[smem:$0x3FAE] =	sst s10  }
0x38: {  	s10 =	sld [smem:$0x3FAF]  }
0x39: {  	_ = 	snop;
	(pc) =	sbr.ind lr, $3  }
0x3a: {  	_ = 	snop  }
0x3b: {  	_ = 	snop  }
0x3c: {  	p2 =	seq.s32 s10, $0x1;
	s10 =	sld [smem:$0x3FAE]  }
0x3d: {  	_ =	shalt  }
0x3e: {  	_ =	shalt  }
0x3f: {  	_ =	shalt  }
0x40: {  	_ =	shalt  }
0x41: {  	_ =	shalt  }
0x42: {  	_ =	shalt  }
0x43: {  	_ =	shalt  }
0x44: {  	_ =	shalt  }
0x45: {  	_ =	shalt  }
0x46: {  	_ =	shalt  }
0x47: {  	_ =	shalt  }
0x48: {  	_ =	shalt  }
0x49: {  	_ =	shalt  }
0x4a: {  	_ =	shalt  }
0x4b: {  	_ =	shalt  }
0x4c: {  	_ =	shalt  }
0x4d: {  	_ =	shalt  }
0x4e: {  	_ =	shalt  }
0x4f: {  	_ =	shalt  }
0x50: {  	_ =	shalt  }
0x51: {  	_ =	shalt  }
0x52: {  	_ =	shalt  }
0x53: {  	_ =	shalt  }
0x54: {  	_ =	shalt  }
0x55: {  	_ =	shalt  }
0x56: {  	_ =	shalt  }
0x57: {  	_ =	shalt  }
0x58: {  	_ =	shalt  }
0x59: {  	_ =	shalt  }
0x5a: {  	_ =	shalt  }
0x5b: {  	_ =	shalt  }
0x5c: {  	_ =	shalt  }
0x5d: {  	_ =	shalt  }
0x5e: {  	_ =	shalt  }
0x5f: {  	_ =	shalt  }
0x60: {  	_ =	shalt  }
0x61: {  	_ =	shalt  }
0x62: {  	_ =	shalt  }
0x63: {  	_ =	shalt  }
0x64: {  	_ =	shalt  }
0x65: {  	_ =	shalt  }
0x66: {  	_ =	shalt  }
0x67: {  	_ =	shalt  }
0x68: {  	_ =	shalt  }
0x69: {  	_ =	shalt  }
0x6a: {  	_ =	shalt  }
0x6b: {  	_ =	shalt  }
0x6c: {  	_ =	shalt  }
0x6d: {  	_ =	shalt  }
0x6e: {  	_ =	shalt  }
0x6f: {  	_ =	shalt  }
0x70: {  	_ =	shalt  }
0x71: {  	_ =	shalt  }
0x72: {  	_ =	shalt  }
0x73: {  	_ =	shalt  }
0x74: {  	_ =	shalt  }
0x75: {  	_ =	shalt  }
0x76: {  	_ =	shalt  }
0x77: {  	_ =	shalt  }
0x78: {  	_ =	shalt  }
0x79: {  	_ =	shalt  }
0x7a: {  	_ =	shalt  }
0x7b: {  	_ =	shalt  }
0x7c: {  	_ =	shalt  }
0x7d: {  	_ =	shalt  }
0x7e: {  	_ =	shalt  }
0x7f: {  	_ =	shalt  }
0x80: {  	_ =	shalt  }
0x81: {  	_ =	shalt  }
0x82: {  	_ =	shalt  }
0x83: {  	_ =	shalt  }
0x84: {  	_ =	shalt  }
0x85: {  	_ =	shalt  }
0x86: {  	_ =	shalt  }
0x87: {  	_ =	shalt  }
.Lfunc_end0:
.L_simem_size_0:
called_computation.1_lowered:
.L_overlay_start_0:
0x88: {  	s2 =	sld [smem:$0x3FD9]  }
0x89: {  	s3 =	sld [smem:$0x3FFE];
	_ =	sdelay $0x1  }
0x8a: {  	s1 =	srdreg.scid  }
0x8b: {  	s0 =	sand.u32 $0x1, s1  }
0x8c: {  	s17 =	sshll.u32 s0, $0xA;
	s2 =	sadd.s32 s3, s2  }
0x8d: {  	s2 =	sadd.s32 s2, s17  }
0x8e: {  	[smem:$0x3FBA] =	sst s2  }
0x8f: {  	_ = 	snop  }
0x90: {  	s18 =	sld [smem:$0x3FC9]  }
0x91: {  	s4 =	sld [smem:$0x3FC8];
	(tm) =	ssettm $0x1  }
0x92: {  	s19 =	sld [smem:$0x3FFB];
	_ =	sdelay $0x3  }
0x93: {  	_ =	strace s19  }
0x94: {  	s2 =	sld [smem:$0x3FFC];
	_ =	sdelay $0x3  }
0x95: {  	_ =	strace s2  }
0x96: {  	s2 =	sld [smem:$0x3FFD];
	_ =	sdelay $0x3  }
0x97: {  	_ =	strace s2  }
0x98: {  	_ =	strace $0x8FFFFFFF  }
0x99: {  	s20 =	sld [smem:$0x3FDB];
	_ =	sdelay $0x1  }
0x9a: {  	s5 =	simm.s32 $_scs_section_size  }
0x9b: {  	s6 =	simm.s32 $_size__tile_overlayer_lowered;
	s7 =	simm.s32 $_tile_overlayer_lowered  }
0x9c: {  	s8 =	simm.s32 $0x1BFF;
	s21 =	sshll.u32 s7, $0x1;
	s5 =	sadd.s32 s5, s20  }
0x9d: {  	s22 =	simm.s32 $0x0;
	s6 =	sshll.u32 s6, $0x1;
	s7 =	sadd.s32 s21, s5  }
0x9e: {  	[timem:s22], [sflag:s8] =	dma.local [hbm:s7], s6  }
0x9f: {  	_ =	swait.ge [sflag:s8], s6  }
0xa0: {  	s6 =	ssub.s32 $0x0, s6;
	[sflag:s8] =	ssyncset.done $0x0  }
0xa1: {  	[sflag:s8] =	ssyncadd.s32 s6;
	_ =	sdelay $0x1  }
0xa2: {  	s23 =	simm.s32 $0x1B8B  }
0xa3: {  	_ =	swait.ge [sflag:s23], $0x1  }
0xa4: {  	[sflag:s23] =	ssyncset.done $0x0  }
0xa5: {  	[sflag:s23] =	ssyncadd.s32 $0xFFFFFFFF  }
0xa6: {  	s6 =	sld [smem:$0x0]  }
0xa7: {  	s7 =	sand.u32 $0xFFFFFFFE, s1  }
0xa8: {  	p0 =	sne.s32 s1, s7  }
0xa9: {  	s7 =	sshll.u32 @p0 s7, $0xE  }
0xaa: {  	s7 =	sadd.s32 @p0 $0x11B8D, s7;
	s8 =	sshll.u32 @p0 s6, $0x11  }
0xab: {  	s7 =	sor.u32 @p0 s8, s7  }
0xac: {  	[sflag:s7] =	ssyncadd.remote.s32 @p0 $0x1;
	_ =	sdelay $0x1  }
0xad: {  	s7 =	simm.s32 @p0 $0x1B8D  }
0xae: {  	_ =	swait.eq @p0 [sflag:s7], $0x1  }
0xaf: {  	[sflag:s7] =	ssyncadd.s32 @p0 $0xFFFFFFFF  }
0xb0: {  	s8 =	sshll.u32 @!p0 s1, $0xE  }
0xb1: {  	s8 =	sor.u32 @!p0 $0x4000, s8;
	s7 =	simm.s32 @!p0 $0x1B8D  }
0xb2: {  	s6 =	sshll.u32 @!p0 s6, $0x11;
	s8 =	sadd.s32 @!p0 $0x11B8D, s8;
	_ =	swait.eq @!p0 [sflag:s7], $0x1  }
0xb3: {  	s6 =	sor.u32 @!p0 s6, s8;
	[sflag:s7] =	ssyncadd.s32 @!p0 $0xFFFFFFFF  }
0xb4: {  	s25 =	simm.s32 $0x1B8E;
	s24 =	sld [smem:$0x3FFE];
	[sflag:s6] =	ssyncadd.remote.s32 @!p0 $0x1  }
0xb5: {  	s26 =	simm.s32 $execute0_lowered;
	[smem:$0x3FD2] =	sst s25  }
0xb6: {  	s7 =	sshll.u32 s26, $0x1;
	_ =	strace $0x80000049;
	[dreg:$0x1] =	wrdreg $0xFFFFFFFF  }
0xb7: {  	s28 =	simm.s32 $_size_execute0_lowered;
	s5 =	sadd.s32 s5, s7;
	[dreg:$0x0] =	wrdreg $0x0  }
0xb8: {  	s7 =	sshll.u32 s28, $0x1;
	[dreg:$0x2] =	wrdreg s5  }
0xb9: {  	[dreg:$0x3] =	wrdreg s7  }
0xba: {  	[dreg:$0x4] =	wrdreg $0xC0  }
0xbb: {  	_ =	task [dreg:s22], $0x5FFFF  }
0xbc: {  	[dreg:$0x1] =	wrdreg $0xFFFFFFFF  }
0xbd: {  	[dreg:$0x0] =	wrdreg $0x60  }
0xbe: {  	[dreg:$0x2] =	wrdreg s18  }
0xbf: {  	[dreg:$0x3] =	wrdreg s4  }
0xc0: {  	[dreg:$0x4] =	wrdreg s24  }
0xc1: {  	[dreg:$0x5] =	wrdreg $0xA  }
0xc2: {  	_ =	task.clear_ibuf [dreg:s22], $0x6FFFF;
	_ =	strace $0x90000049  }
0xc3: {  	s29 =	simm.s32 $0xA;
	_ =	strace $0x8000004B  }
0xc4: {  	_ =	swait.ge [sflag:s29], $0x1  }
0xc5: {  	[sflag:s29] =	ssyncadd.s32 $0xFFFFFFFF  }
0xc6: {  	_ =	strace $0x9000004B  }
0xc7: {  	_ =	sfence  }
0xc8: {  	s30 =	sld [smem:$0x0];
	_ =	sdelay $0x2  }
0xc9: {  	s31 =	sshll.u32 s1, $0xD;
	s1 =	sshrl.u32 s1, $0x2  }
0xca: {  	s4 =	sand.u32 $0x4000, s31;
	s1 =	sadd.s32 s1, s30  }
0xcb: {  	s0 =	sor.u32 s4, s0;
	s1 =	sshll.u32 s1, $0x11  }
0xcc: {  	s0 =	sor.u32 s1, s0  }
0xcd: {  	s0 =	sadd.s32 $0x8F2B, s0  }
0xce: {  	[sflag:s0] =	ssyncadd.remote.s32 $0x1  }
0xcf: {  	_ =	sfence.sel $0xFFFF  }
0xd0: {  	[dreg:$0x0] =	wrdreg $0xFFFFFFFF;
	(pc) =	sbr.abs _section_cstart, $3  }
0xd1: {  	[dreg:$0x1] =	wrdreg $0xFFFFFFFF  }
0xd2: {  	_ =	task.clear_ibuf [dreg:s22], $0x2FFFF;
	_ =	strace $0x9FFFFFFF  }
0xd3: {  	(tm) =	ssettm $0x7FFFFFFF  }
tec
execute0_lowered:
.L_overlay_start_1:
0x0: {  	(tag) =	ssettag $0x1  }
0x1: {  	s0 =	rddreg [dreg:$0x0]  }
0x2: {  	s8 =	rddreg [dreg:$0x1]  }
0x3: {  	s5 =	rddreg [dreg:$0x2];
	s2 =	simm.s32 $0x0;
	s3 =	srdreg.scid  }
0x4: {  	s1 =	stileid.u32;
	s28 =	simm.s32 $0x4400;
	s29 =	simm.s32 $0x8400  }
0x5: {  	s30 =	simm.s32 $0xC400;
	s31 =	simm.s32 $0x1;
	[smem:$0x7FF] =	sst s2  }
0x6: {  	s6 =	sand.u32 $0x1, s3;
	s3 =	sadd.s32 $0x502800, s5;
	s4 =	sadd.s32 $0x482800, s5  }
0x7: {  	s7 =	sshll.u32 s1, $0xA;
	s12 =	sadd.s32 $0x582800, s5;
	s9 =	sshll.u32 s6, $0x9  }
0x8: {  	s16 =	sadd.s32 $0x5C2800, s5;
	s6 =	ssub.s32 $0x2, s6;
	s9 =	sor.u32 s9, s7  }
0x9: {  	_ =	strace $0x8000004A;
	s11 =	sshrl.u32 s6, $0x1;
	s18 =	sshrl.u32 s9, $0x3  }
0xa: {  	s10 =	sor.u32 $0x80, s9;
	s17 =	ssub.s32 s6, s11;
	s22 =	sor.u32 $0x100, s9  }
0xb: {  	s13 =	sor.u32 $0x180, s9;
	s25 =	sshll.u32 s9, $0x4;
	s19 =	sadd.s32 s0, s18  }
0xc: {  	s5 =	sadd.s32 s8, s18;
	s20 =	sshrl.u32 s10, $0x3;
	s24 =	sshrl.u32 s22, $0x3  }
0xd: {  	s14 =	sshrl.u32 s13, $0x3;
	s9 =	sadd.s32 s12, s25;
	s26 =	sshll.u32 s10, $0x4  }
0xe: {  	s15 =	sshll.u32 s22, $0x4;
	s18 =	sshll.u32 s13, $0x4;
	s13 =	sadd.s32 s16, s25  }
0xf: {  	s17 =	smax.u32 s17, $0x1;
	s22 =	simm.s32 $0x100;
	[dreg:$0x4] =	wrdreg s19  }
0x10: {  	s25 =	simm.s32 $0x380;
	[dreg:$0x5] =	wrdreg s5;
	s21 =	sadd.s32 s0, s20  }
0x11: {  	s23 =	sadd.s32 s8, s20;
	s5 =	sadd.s32 s0, s24;
	s6 =	sadd.s32 s8, s24  }
0x12: {  	s7 =	sadd.s32 s0, s14;
	s8 =	sadd.s32 s8, s14;
	s10 =	sadd.s32 s12, s26  }
0x13: {  	s11 =	sadd.s32 s12, s15;
	s12 =	sadd.s32 s12, s18;
	s14 =	sadd.s32 s16, s26  }
0x14: {  	s15 =	sadd.s32 s16, s15;
	s16 =	sadd.s32 s16, s18;
	s18 =	simm.s32 $0x3  }
0x15: {  	s19 =	simm.s32 $0x200;
	s20 =	simm.s32 $0x80;
	s24 =	simm.s32 $0x180  }
0x16: {  	s26 =	simm.s32 $0x400;
	s0 =	simm.s32 $0x2;
	[dreg:$0x6] =	wrdreg s21  }
0x17: {  	[dreg:$0x7] =	wrdreg s23;
	s21 =	simm.s32 $0x280;
	s23 =	simm.s32 $0x300  }
.LBB2_1:
0x18: {  	s1 =	rddreg [dreg:$0x4]  }
0x19: {  	[tilespmem:s2], [sflag:$0x3] =	stream.linear.gather [hbm4b:s1+s2], $0x80, $0x38;
	[tilespmem:$0x10400] =	vst v63  }
0x1a: {  	_ =	swait.ge [sflag:s18], $0x80  }
0x1b: {  	[sflag:s18] =	ssyncset.done $0x0  }
0x1c: {  	s1 =	rddreg [dreg:$0x5];
	[sflag:s18] =	ssyncadd.s32 $0xFFFFFF80  }
0x1d: {  	[tilespmem:s19], [sflag:$0x3] =	stream.linear.gather [hbm4b:s1+s2], $0x80, $0x38;
	[tilespmem:$0x10400] =	vst v63  }
0x1e: {  	_ =	swait.ge [sflag:s18], $0x80  }
0x1f: {  	[sflag:s18] =	ssyncset.done $0x0  }
0x20: {  	s1 =	rddreg [dreg:$0x6];
	[sflag:s18] =	ssyncadd.s32 $0xFFFFFF80  }
0x21: {  	[tilespmem:s20], [sflag:$0x3] =	stream.linear.gather [hbm4b:s1+s2], $0x80, $0x38;
	[tilespmem:$0x10400] =	vst v63  }
0x22: {  	_ =	swait.ge [sflag:s18], $0x80  }
0x23: {  	[sflag:s18] =	ssyncset.done $0x0  }
0x24: {  	s1 =	rddreg [dreg:$0x7];
	[sflag:s18] =	ssyncadd.s32 $0xFFFFFF80  }
0x25: {  	[tilespmem:s21], [sflag:$0x3] =	stream.linear.gather [hbm4b:s1+s2], $0x80, $0x38;
	[tilespmem:$0x10400] =	vst v63  }
0x26: {  	_ =	swait.ge [sflag:s18], $0x80  }
0x27: {  	[sflag:s18] =	ssyncset.done $0x0  }
0x28: {  	[sflag:s18] =	ssyncadd.s32 $0xFFFFFF80  }
0x29: {  	[tilespmem:s22], [sflag:$0x3] =	stream.linear.gather [hbm4b:s5+s2], $0x80, $0x38;
	[tilespmem:$0x10400] =	vst v63  }
0x2a: {  	_ =	swait.ge [sflag:s18], $0x80  }
0x2b: {  	[sflag:s18] =	ssyncset.done $0x0  }
0x2c: {  	[sflag:s18] =	ssyncadd.s32 $0xFFFFFF80  }
0x2d: {  	[tilespmem:s23], [sflag:$0x3] =	stream.linear.gather [hbm4b:s6+s2], $0x80, $0x38;
	[tilespmem:$0x10400] =	vst v63  }
0x2e: {  	_ =	swait.ge [sflag:s18], $0x80  }
0x2f: {  	[sflag:s18] =	ssyncset.done $0x0  }
0x30: {  	[sflag:s18] =	ssyncadd.s32 $0xFFFFFF80  }
0x31: {  	[tilespmem:s24], [sflag:$0x3] =	stream.linear.gather [hbm4b:s7+s2], $0x80, $0x38;
	[tilespmem:$0x10400] =	vst v63  }
0x32: {  	_ =	swait.ge [sflag:s18], $0x80  }
0x33: {  	[sflag:s18] =	ssyncset.done $0x0  }
0x34: {  	[sflag:s18] =	ssyncadd.s32 $0xFFFFFF80  }
0x35: {  	[tilespmem:s25], [sflag:$0x3] =	stream.linear.gather [hbm4b:s8+s2], $0x80, $0x38;
	[tilespmem:$0x10400] =	vst v63  }
0x36: {  	_ =	swait.ge [sflag:s18], $0x80  }
0x37: {  	[sflag:s18] =	ssyncset.done $0x0  }
0x38: {  	[sflag:s18] =	ssyncadd.s32 $0xFFFFFF80  }
0x39: {  	v0 =	vld [tilespmem:$0x0]  }
0x3a: {  	v1 =	vld [tilespmem:$0x200]  }
0x3b: {  	v2 =	vld [tilespmem:$0x10]  }
0x3c: {  	v3 =	vld [tilespmem:$0x210]  }
0x3d: {  	v4 =	vld [tilespmem:$0x20]  }
0x3e: {  	v5 =	vld [tilespmem:$0x220];
	v0 =	vand.u32 $0x7FFF, v0  }
0x3f: {  	v57 =	vld [tilespmem:$0x30];
	v56 =	vand.u32 $0x7FFF, v1;
	[tilespmem:$0x0] =	vst v0  }
0x40: {  	v59 =	vld [tilespmem:$0x230];
	v58 =	vand.u32 $0x7FFF, v2;
	[tilespmem:$0x200] =	vst v56  }
0x41: {  	v61 =	vld [tilespmem:$0x40];
	v60 =	vand.u32 $0x7FFF, v3;
	[tilespmem:$0x10] =	vst v58  }
0x42: {  	v63 =	vld [tilespmem:$0x240];
	v62 =	vand.u32 $0x7FFF, v4;
	[tilespmem:$0x210] =	vst v60  }
0x43: {  	v9 =	vld [tilespmem:$0x50];
	v8 =	vand.u32 $0x7FFF, v5;
	[tilespmem:$0x20] =	vst v62  }
0x44: {  	v11 =	vld [tilespmem:$0x250];
	v10 =	vand.u32 $0x7FFF, v57;
	[tilespmem:$0x220] =	vst v8  }
0x45: {  	v13 =	vld [tilespmem:$0x60];
	v12 =	vand.u32 $0x7FFF, v59;
	[tilespmem:$0x30] =	vst v10  }
0x46: {  	v15 =	vld [tilespmem:$0x260];
	v14 =	vand.u32 $0x7FFF, v61;
	[tilespmem:$0x230] =	vst v12  }
0x47: {  	v17 =	vld [tilespmem:$0x70];
	v16 =	vand.u32 $0x7FFF, v63;
	[tilespmem:$0x40] =	vst v14  }
0x48: {  	v19 =	vld [tilespmem:$0x270];
	v18 =	vand.u32 $0x7FFF, v9;
	[tilespmem:$0x240] =	vst v16  }
0x49: {  	v21 =	vld [tilespmem:$0x80];
	v20 =	vand.u32 $0x7FFF, v11;
	[tilespmem:$0x50] =	vst v18  }
0x4a: {  	v23 =	vld [tilespmem:$0x280];
	v22 =	vand.u32 $0x7FFF, v13;
	[tilespmem:$0x250] =	vst v20  }
0x4b: {  	v25 =	vld [tilespmem:$0x90];
	v24 =	vand.u32 $0x7FFF, v15;
	[tilespmem:$0x60] =	vst v22  }
0x4c: {  	v27 =	vld [tilespmem:$0x290];
	v26 =	vand.u32 $0x7FFF, v17;
	[tilespmem:$0x260] =	vst v24  }
0x4d: {  	v29 =	vld [tilespmem:$0xA0];
	v28 =	vand.u32 $0x7FFF, v19;
	[tilespmem:$0x70] =	vst v26  }
0x4e: {  	v31 =	vld [tilespmem:$0x2A0];
	v30 =	vand.u32 $0x7FFF, v21;
	[tilespmem:$0x270] =	vst v28  }
0x4f: {  	v33 =	vld [tilespmem:$0xB0];
	v32 =	vand.u32 $0x7FFF, v23;
	[tilespmem:$0x80] =	vst v30  }
0x50: {  	v35 =	vld [tilespmem:$0x2B0];
	v34 =	vand.u32 $0x7FFF, v25;
	[tilespmem:$0x280] =	vst v32  }
0x51: {  	v37 =	vld [tilespmem:$0xC0];
	v36 =	vand.u32 $0x7FFF, v27;
	[tilespmem:$0x90] =	vst v34  }
0x52: {  	v39 =	vld [tilespmem:$0x2C0];
	v38 =	vand.u32 $0x7FFF, v29;
	[tilespmem:$0x290] =	vst v36  }
0x53: {  	v41 =	vld [tilespmem:$0xD0];
	v40 =	vand.u32 $0x7FFF, v31;
	[tilespmem:$0xA0] =	vst v38  }
0x54: {  	v43 =	vld [tilespmem:$0x2D0];
	v42 =	vand.u32 $0x7FFF, v33;
	[tilespmem:$0x2A0] =	vst v40  }
0x55: {  	v45 =	vld [tilespmem:$0xE0];
	v44 =	vand.u32 $0x7FFF, v35;
	[tilespmem:$0xB0] =	vst v42  }
0x56: {  	v55 =	vld [tilespmem:$0x300];
	v46 =	vand.u32 $0x7FFF, v37;
	[tilespmem:$0x2B0] =	vst v44  }
0x57: {  	v47 =	vld [tilespmem:$0x2E0];
	v48 =	vand.u32 $0x7FFF, v39;
	[tilespmem:$0xC0] =	vst v46  }
0x58: {  	v49 =	vld [tilespmem:$0xF0];
	v50 =	vand.u32 $0x7FFF, v41;
	[tilespmem:$0x2C0] =	vst v48  }
0x59: {  	v51 =	vld [tilespmem:$0x2F0];
	v52 =	vand.u32 $0x7FFF, v43;
	[tilespmem:$0xD0] =	vst v50  }
0x5a: {  	v53 =	vld [tilespmem:$0x100];
	v54 =	vand.u32 $0x7FFF, v45;
	[tilespmem:$0x2D0] =	vst v52  }
0x5b: {  	v57 =	vld [tilespmem:$0x110];
	v7 =	vand.u32 $0x7FFF, v55;
	[tilespmem:$0xE0] =	vst v54  }
0x5c: {  	v59 =	vld [tilespmem:$0x310];
	v56 =	vand.u32 $0x7FFF, v47;
	[tilespmem:$0x300] =	vst v7  }
0x5d: {  	v61 =	vld [tilespmem:$0x120];
	v58 =	vand.u32 $0x7FFF, v49;
	[tilespmem:$0x2E0] =	vst v56  }
0x5e: {  	v63 =	vld [tilespmem:$0x320];
	v60 =	vand.u32 $0x7FFF, v51;
	[tilespmem:$0xF0] =	vst v58  }
0x5f: {  	v62 =	vand.u32 $0x7FFF, v53;
	v8 =	vld [tilespmem:$0x130];
	[tilespmem:$0x2F0] =	vst v60  }
0x60: {  	v10 =	vld [tilespmem:$0x330];
	[tilespmem:$0x100] =	vst v62;
	v9 =	vand.u32 $0x7FFF, v57  }
0x61: {  	v12 =	vld [tilespmem:$0x140];
	v11 =	vand.u32 $0x7FFF, v59;
	[tilespmem:$0x110] =	vst v9  }
0x62: {  	v14 =	vld [tilespmem:$0x340];
	v13 =	vand.u32 $0x7FFF, v61;
	[tilespmem:$0x310] =	vst v11  }
0x63: {  	v16 =	vld [tilespmem:$0x150];
	v15 =	vand.u32 $0x7FFF, v63;
	[tilespmem:$0x120] =	vst v13  }
0x64: {  	v18 =	vld [tilespmem:$0x350];
	[tilespmem:$0x320] =	vst v15;
	v17 =	vand.u32 $0x7FFF, v8  }
0x65: {  	v20 =	vld [tilespmem:$0x160];
	v19 =	vand.u32 $0x7FFF, v10;
	[tilespmem:$0x130] =	vst v17  }
0x66: {  	v22 =	vld [tilespmem:$0x360];
	v21 =	vand.u32 $0x7FFF, v12;
	[tilespmem:$0x330] =	vst v19  }
0x67: {  	v24 =	vld [tilespmem:$0x170];
	v23 =	vand.u32 $0x7FFF, v14;
	[tilespmem:$0x140] =	vst v21  }
0x68: {  	v26 =	vld [tilespmem:$0x370];
	v25 =	vand.u32 $0x7FFF, v16;
	[tilespmem:$0x340] =	vst v23  }
0x69: {  	v28 =	vld [tilespmem:$0x180];
	v27 =	vand.u32 $0x7FFF, v18;
	[tilespmem:$0x150] =	vst v25  }
0x6a: {  	v30 =	vld [tilespmem:$0x380];
	v29 =	vand.u32 $0x7FFF, v20;
	[tilespmem:$0x350] =	vst v27  }
0x6b: {  	v32 =	vld [tilespmem:$0x190];
	v31 =	vand.u32 $0x7FFF, v22;
	[tilespmem:$0x160] =	vst v29  }
0x6c: {  	v34 =	vld [tilespmem:$0x390];
	v33 =	vand.u32 $0x7FFF, v24;
	[tilespmem:$0x360] =	vst v31  }
0x6d: {  	v36 =	vld [tilespmem:$0x1A0];
	v35 =	vand.u32 $0x7FFF, v26;
	[tilespmem:$0x170] =	vst v33  }
0x6e: {  	v38 =	vld [tilespmem:$0x3A0];
	v37 =	vand.u32 $0x7FFF, v28;
	[tilespmem:$0x370] =	vst v35  }
0x6f: {  	v40 =	vld [tilespmem:$0x1B0];
	v39 =	vand.u32 $0x7FFF, v30;
	[tilespmem:$0x180] =	vst v37  }
0x70: {  	v42 =	vld [tilespmem:$0x3B0];
	v41 =	vand.u32 $0x7FFF, v32;
	[tilespmem:$0x380] =	vst v39  }
0x71: {  	v44 =	vld [tilespmem:$0x1C0];
	v43 =	vand.u32 $0x7FFF, v34;
	[tilespmem:$0x190] =	vst v41  }
0x72: {  	v46 =	vld [tilespmem:$0x3C0];
	v45 =	vand.u32 $0x7FFF, v36;
	[tilespmem:$0x390] =	vst v43  }
0x73: {  	v48 =	vld [tilespmem:$0x1D0];
	v47 =	vand.u32 $0x7FFF, v38;
	[tilespmem:$0x1A0] =	vst v45  }
0x74: {  	v50 =	vld [tilespmem:$0x3D0];
	v49 =	vand.u32 $0x7FFF, v40;
	[tilespmem:$0x3A0] =	vst v47  }
0x75: {  	v52 =	vld [tilespmem:$0x1E0];
	v51 =	vand.u32 $0x7FFF, v42;
	[tilespmem:$0x1B0] =	vst v49  }
0x76: {  	v54 =	vld [tilespmem:$0x3E0];
	v53 =	vand.u32 $0x7FFF, v44;
	[tilespmem:$0x3B0] =	vst v51  }
0x77: {  	v56 =	vld [tilespmem:$0x1F0];
	v55 =	vand.u32 $0x7FFF, v46;
	[tilespmem:$0x1C0] =	vst v53  }
0x78: {  	v58 =	vld [tilespmem:$0x3F0];
	v57 =	vand.u32 $0x7FFF, v48;
	[tilespmem:$0x3C0] =	vst v55  }
0x79: {  	v59 =	vand.u32 $0x7FFF, v50;
	[tilespmem:$0x1D0] =	vst v57  }
0x7a: {  	v60 =	vand.u32 $0x7FFF, v52;
	[tilespmem:$0x3D0] =	vst v59  }
0x7b: {  	v61 =	vand.u32 $0x7FFF, v54;
	[tilespmem:$0x1E0] =	vst v60  }
0x7c: {  	[tilespmem:$0x3E0] =	vst v61;
	v62 =	vand.u32 $0x7FFF, v56  }
0x7d: {  	v63 =	vand.u32 $0x7FFF, v58;
	[tilespmem:$0x1F0] =	vst v62  }
0x7e: {  	[tilespmem:$0x3F0] =	vst v63  }
0x7f: {  	[tilespmem:s26], [sflag:$0x1] =	stream.indirect.gather [hbm4b:s3+s20], $0x80, s2, s20, $0xb8;
	[tilespmem:$0x10400] =	vst v63  }
0x80: {  	_ = 	snop  }
0x81: {  	[tilespmem:s28], [sflag:$0x1] =	stream.indirect.gather [hbm4b:s3+s20], $0x80, s20, s20, $0xb8;
	[tilespmem:$0x10400] =	vst v63  }
0x82: {  	_ = 	snop  }
0x83: {  	[tilespmem:s29], [sflag:$0x1] =	stream.indirect.gather [hbm4b:s3+s20], $0x80, s22, s20, $0xb8;
	[tilespmem:$0x10400] =	vst v63  }
0x84: {  	_ = 	snop  }
0x85: {  	[tilespmem:s30], [sflag:$0x1] =	stream.indirect.gather [hbm4b:s3+s20], $0x80, s24, s20, $0xb8;
	[tilespmem:$0x10400] =	vst v63  }
0x86: {  	_ =	swait.ge [sflag:s31], $0x4000  }
0x87: {  	[sflag:s31] =	ssyncset.done $0x0  }
0x88: {  	[sflag:s31] =	ssyncadd.s32 $0xFFFFC000  }
0x89: {  	[hbm4b:s9+s2] =	stream.linear.scatter [tilespmem:s26], [sflag:$0x2], $0x4000, $0x38;
	[tilespmem:$0x10400] =	vst v63  }
0x8a: {  	_ =	swait.ge [sflag:s0], $0x4000  }
0x8b: {  	[sflag:s0] =	ssyncset.done $0x0  }
0x8c: {  	[sflag:s0] =	ssyncadd.s32 $0xFFFFC000  }
0x8d: {  	[tilespmem:s26], [sflag:$0x1] =	stream.indirect.gather [hbm4b:s4+s20], $0x80, s19, s20, $0xb8;
	[tilespmem:$0x10400] =	vst v63  }
0x8e: {  	_ =	swait.ge [sflag:s31], $0x4000  }
0x8f: {  	[sflag:s31] =	ssyncset.done $0x0  }
0x90: {  	[sflag:s31] =	ssyncadd.s32 $0xFFFFC000  }
0x91: {  	[hbm4b:s10+s2] =	stream.linear.scatter [tilespmem:s28], [sflag:$0x2], $0x4000, $0x38;
	[tilespmem:$0x10400] =	vst v63  }
0x92: {  	_ =	swait.ge [sflag:s0], $0x4000  }
0x93: {  	[sflag:s0] =	ssyncset.done $0x0  }
0x94: {  	[sflag:s0] =	ssyncadd.s32 $0xFFFFC000  }
0x95: {  	[tilespmem:s28], [sflag:$0x1] =	stream.indirect.gather [hbm4b:s4+s20], $0x80, s21, s20, $0xb8;
	[tilespmem:$0x10400] =	vst v63  }
0x96: {  	_ =	swait.ge [sflag:s31], $0x4000  }
0x97: {  	[sflag:s31] =	ssyncset.done $0x0  }
0x98: {  	[sflag:s31] =	ssyncadd.s32 $0xFFFFC000  }
0x99: {  	[hbm4b:s11+s2] =	stream.linear.scatter [tilespmem:s29], [sflag:$0x2], $0x4000, $0x38;
	[tilespmem:$0x10400] =	vst v63  }
0x9a: {  	_ =	swait.ge [sflag:s0], $0x4000  }
0x9b: {  	[sflag:s0] =	ssyncset.done $0x0  }
0x9c: {  	[sflag:s0] =	ssyncadd.s32 $0xFFFFC000  }
0x9d: {  	[tilespmem:s29], [sflag:$0x1] =	stream.indirect.gather [hbm4b:s4+s20], $0x80, s23, s20, $0xb8;
	[tilespmem:$0x10400] =	vst v63  }
0x9e: {  	_ =	swait.ge [sflag:s31], $0x4000  }
0x9f: {  	[sflag:s31] =	ssyncset.done $0x0  }
0xa0: {  	[sflag:s31] =	ssyncadd.s32 $0xFFFFC000  }
0xa1: {  	[hbm4b:s12+s2] =	stream.linear.scatter [tilespmem:s30], [sflag:$0x2], $0x4000, $0x38;
	[tilespmem:$0x10400] =	vst v63  }
0xa2: {  	_ =	swait.ge [sflag:s0], $0x4000  }
0xa3: {  	[sflag:s0] =	ssyncset.done $0x0  }
0xa4: {  	[sflag:s0] =	ssyncadd.s32 $0xFFFFC000  }
0xa5: {  	[tilespmem:s30], [sflag:$0x1] =	stream.indirect.gather [hbm4b:s4+s20], $0x80, s25, s20, $0xb8;
	[tilespmem:$0x10400] =	vst v63  }
0xa6: {  	_ =	swait.ge [sflag:s31], $0x4000  }
0xa7: {  	[sflag:s31] =	ssyncset.done $0x0  }
0xa8: {  	[sflag:s31] =	ssyncadd.s32 $0xFFFFC000  }
0xa9: {  	[hbm4b:s13+s2] =	stream.linear.scatter [tilespmem:s26], [sflag:$0x2], $0x4000, $0x38;
	[tilespmem:$0x10400] =	vst v63  }
0xaa: {  	_ =	swait.ge [sflag:s31], $0x4000  }
0xab: {  	[sflag:s31] =	ssyncset.done $0x0  }
0xac: {  	[sflag:s31] =	ssyncadd.s32 $0xFFFFC000  }
0xad: {  	[hbm4b:s14+s2] =	stream.linear.scatter [tilespmem:s28], [sflag:$0x2], $0x4000, $0x38;
	[tilespmem:$0x10400] =	vst v63  }
0xae: {  	_ =	swait.ge [sflag:s31], $0x4000  }
0xaf: {  	[sflag:s31] =	ssyncset.done $0x0  }
0xb0: {  	[sflag:s31] =	ssyncadd.s32 $0xFFFFC000  }
0xb1: {  	[hbm4b:s15+s2] =	stream.linear.scatter [tilespmem:s29], [sflag:$0x2], $0x4000, $0x38;
	[tilespmem:$0x10400] =	vst v63  }
0xb2: {  	_ =	swait.ge [sflag:s31], $0x4000  }
0xb3: {  	[sflag:s31] =	ssyncset.done $0x0  }
0xb4: {  	[sflag:s31] =	ssyncadd.s32 $0xFFFFC000  }
0xb5: {  	[hbm4b:s16+s2] =	stream.linear.scatter [tilespmem:s30], [sflag:$0x2], $0x4000, $0x38;
	[tilespmem:$0x10400] =	vst v63  }
0xb6: {  	_ =	swait.ge [sflag:s0], $0x4000  }
0xb7: {  	[sflag:s0] =	ssyncset.done $0x0  }
0xb8: {  	[sflag:s0] =	ssyncadd.s32 $0xFFFFC000  }
0xb9: {  	_ =	swait.ge [sflag:s0], $0x4000  }
0xba: {  	[sflag:s0] =	ssyncset.done $0x0  }
0xbb: {  	[sflag:s0] =	ssyncadd.s32 $0xFFFFC000  }
0xbc: {  	p0 =	sne.s32 s17, $0x1;
	_ =	swait.ge [sflag:s0], $0x4000  }
.Ltmp0:
0xbd: {  	[sflag:s0] =	ssyncset.done $0x0;
	(pc) =	sbr.rel @p0 .LBB2_1-.Ltmp0, $4  }
0xbe: {  	[sflag:s0] =	ssyncadd.s32 $0xFFFFC000  }
0xbf: {  	_ =	swait.ge [sflag:s0], $0x4000  }
0xc0: {  	[sflag:s0] =	ssyncset.done $0x0  }
0xc1: {  	s17 =	sadd.s32 $0xFFFFFFFF, s17;
	[sflag:s0] =	ssyncadd.s32 $0xFFFFC000  }
0xc2: {  	_ =	sfence.sel $0x180000  }
0xc3: {  	[bflag:$0x0] =	sbarrier.arrive $0xFFFF  }
0xc4: {  	_ =	strace $0x9000004A  }
0xc5: {  	s0 =	stileid.u32;
	[bflag:$0x2] =	sbarrier.arrive $0xFFFF  }
0xc6: {  	p0 =	sne.s32 s0, $0x0;
	s0 =	rddreg [dreg:$0x3]  }
0xc7: {  	s0 =	sadd.s32 @!p0 $0x100000, s0  }
0xc8: {  	[sflag:s0] =	ssyncadd.tile.s32 @!p0 $0x1;
	_ =	shalt  }
.Lfunc_end2:
_tile_overlayer_lowered:
.L_overlay_start_2:
0xc9: {  	(tag) =	ssettag $0x2  }
0xca: {  	s0 =	rddreg [dreg:$0x0];
	s2 =	stileid.u32  }
0xcb: {  	s1 =	rddreg [dreg:$0x1];
	p0 =	sne.s32 s2, $0x0  }
0xcc: {  	s3 =	rddreg [dreg:$0x2];
	[bflag:$0x3] =	sbarrier.arrive $0xFFFF;
	s2 =	simm.s32 @!p0 $0x1C03  }
0xcd: {  	[timem:s3], [sflag:s2] =	dma.local @!p0 [hbm:s0], s1  }
0xce: {  	s0 =	simm.s32 @!p0 $0x3  }
0xcf: {  	_ =	swait.ge @!p0 [sflag:s0], s1  }
0xd0: {  	s1 =	ssub.s32 @!p0 $0x0, s1;
	[sflag:s0] =	ssyncset.done @!p0 $0x0  }
0xd1: {  	[sflag:s0] =	ssyncadd.s32 @!p0 s1  }
0xd2: {  	[bflag:$0x3] =	sbarrier.arrive $0xFFFF  }
0xd3: {  	_ =	shalt  }

// kernel: kernel.7.cloned.1.call-start
scs
__scs_entry_jumppad:
0x0: {  	(pc) =	sbr.rel $0x88, $3  }
0x1: {  	(tag) =	ssettag $0x0;
	lr =	simm.s32 $0x1  }
0x2: {  	[smem:$0x3F93] =	sst lr;
	_ =	strace $0xD0000000  }
0x3: {  	_ = 	snop  }
0x4: {  	_ = 	snop  }
0x5: {  	_ = 	snop  }
0x6: {  	_ = 	snop  }
0x7: {  	_ = 	snop  }
__scs_overlays_trampoline_lowered:
0x8: {  	[smem:$0x3FA2] =	sst s0  }
0x9: {  	[smem:$0x3FA3] =	sst s1  }
0xa: {  	[smem:$0x3FA4] =	sst s2  }
0xb: {  	[smem:$0x3FA5] =	sst s3  }
0xc: {  	[smem:$0x3FA6] =	sst s4  }
0xd: {  	[smem:$0x3FA7] =	sst s5  }
0xe: {  	[smem:$0x3FA8] =	sst s6  }
0xf: {  	[smem:$0x3FA9] =	sst s7  }
0x10: {  	[smem:$0x3FAA] =	sst s8  }
0x11: {  	[smem:$0x3FAB] =	sst s9;
	s0 =	simm.s32 @!p0 $0x0  }
0x12: {  	s1 =	sld [smem:$0x3F91];
	s0 =	simm.s32 @p0 $0x1  }
0x13: {  	[smem:$0x3FAC] =	sst s0;
	s0 =	simm.s32 @!p1 $0x0  }
0x14: {  	s2 =	sld [smem:$0x3F90];
	s0 =	simm.s32 @p1 $0x1  }
0x15: {  	[smem:$0x3FAD] =	sst s0;
	s0 =	simm.s32 @!p2 $0x0  }
0x16: {  	s3 =	sld [smem:$0x3FDB];
	s0 =	simm.s32 @p2 $0x1  }
0x17: {  	s4 =	simm.s32 $0x1BF5;
	[smem:$0x3FAF] =	sst s0  }
0x18: {  	s0 =	sld [smem:$0x3F92];
	_ =	swait.ge [sflag:s4], $0x0  }
0x19: {  	s7 =	sld [smem:$0x3F93]  }
0x1a: {  	s8 =	sadd.s32 $0xFFFFE003, lr  }
0x1b: {  	s9 =	sadd.s32 $0xFFFFFEF7, lr;
	s5 =	simm.s32 $0xFFFFFFFF;
	p2 =	slt.u32 s8, $0xFFFFF086  }
0x1c: {  	p1 =	slt.u32 s9, $0xF7A;
	s5 =	simm.s32 @!p2 $0x0  }
0x1d: {  	s5 =	simm.s32 @p1 $0x1;
	p0 =	seq.s32 s7, s2  }
0x1e: {  	s7 =	smul.u32 @!p0 $0xF7A, s2;
	p2 =	seq.s32 @!p0 s5, $0x0  }
0x1f: {  	s9 =	smul.u32 $0xF7A, s1;
	s8 =	simm.s32 @!p0 $0x1BF5;
	p2 =	por !p2, p0  }
0x20: {  	[sflag:s8] =	ssyncset.s32 @!p0 $0xFFFFF086;
	s6 =	sadd.s32 @!p0 s3, s7;
	s7 =	simm.s32 @!p0 $0x108  }
0x21: {  	s3 =	sadd.s32 s3, s9;
	s6 =	sadd.s32 @!p0 $0x88, s6;
	s7 =	simm.s32 @p2 $0x1082  }
0x22: {  	[simem:s7], [sflag:s8] =	dma.local @!p0 [hbm:s6], $0xF7A  }
0x23: {  	s9 =	sor.u32 $0xD0000000, s2;
	s6 =	simm.s32 $0x108;
	_ =	swait.ge @!p0 [sflag:s8], $0x0  }
0x24: {  	s3 =	sadd.s32 $0x88, s3;
	s6 =	simm.s32 @!p1 $0x1082;
	[sflag:s4] =	ssyncset.s32 $0xFFFFF086  }
0x25: {  	[simem:s6], [sflag:s4] =	dma.local [hbm:s3], $0xF7A  }
0x26: {  	[smem:$0x3F93] =	sst s1;
	(tag) =	ssettag s2;
	_ =	strace s9  }
0x27: {  	s1 =	sld [smem:$0x3FA3]  }
0x28: {  	s2 =	sld [smem:$0x3FA4]  }
0x29: {  	s4 =	sld [smem:$0x3FA6]  }
0x2a: {  	p0 =	seq.s32 s5, $0x0;
	s5 =	sld [smem:$0x3FA7]  }
0x2b: {  	s6 =	sld [smem:$0x3FA8]  }
0x2c: {  	s7 =	sld [smem:$0x3FA9]  }
0x2d: {  	s3 =	simm.s32 $0x108;
	s8 =	sld [smem:$0x3FAA]  }
0x2e: {  	s3 =	simm.s32 @!p0 $0x1082;
	s9 =	sld [smem:$0x3FAB]  }
0x2f: {  	lr =	sadd.s32 s0, s3;
	s0 =	sld [smem:$0x3FA2]  }
0x30: {  	s3 =	sld [smem:$0x3FA5]  }
0x31: {  	[smem:$0x3FAE] =	sst s10  }
0x32: {  	s10 =	sld [smem:$0x3FAC];
	_ =	sdelay $0x3  }
0x33: {  	p0 =	seq.s32 s10, $0x1;
	s10 =	sld [smem:$0x3FAE];
	_ =	sdelay $0x3  }
0x34: {  	[smem:$0x3FAE] =	sst s10  }
0x35: {  	s10 =	sld [smem:$0x3FAD];
	_ =	sdelay $0x3  }
0x36: {  	p1 =	seq.s32 s10, $0x1;
	s10 =	sld [smem:$0x3FAE];
	_ =	sdelay $0x3  }
0x37: {  	[smem:$0x3FAE] =	sst s10  }
0x38: {  	s10 =	sld [smem:$0x3FAF]  }
0x39: {  	_ = 	snop;
	(pc) =	sbr.ind lr, $3  }
0x3a: {  	_ = 	snop  }
0x3b: {  	_ = 	snop  }
0x3c: {  	p2 =	seq.s32 s10, $0x1;
	s10 =	sld [smem:$0x3FAE]  }
0x3d: {  	_ =	shalt  }
0x3e: {  	_ =	shalt  }
0x3f: {  	_ =	shalt  }
0x40: {  	_ =	shalt  }
0x41: {  	_ =	shalt  }
0x42: {  	_ =	shalt  }
0x43: {  	_ =	shalt  }
0x44: {  	_ =	shalt  }
0x45: {  	_ =	shalt  }
0x46: {  	_ =	shalt  }
0x47: {  	_ =	shalt  }
0x48: {  	_ =	shalt  }
0x49: {  	_ =	shalt  }
0x4a: {  	_ =	shalt  }
0x4b: {  	_ =	shalt  }
0x4c: {  	_ =	shalt  }
0x4d: {  	_ =	shalt  }
0x4e: {  	_ =	shalt  }
0x4f: {  	_ =	shalt  }
0x50: {  	_ =	shalt  }
0x51: {  	_ =	shalt  }
0x52: {  	_ =	shalt  }
0x53: {  	_ =	shalt  }
0x54: {  	_ =	shalt  }
0x55: {  	_ =	shalt  }
0x56: {  	_ =	shalt  }
0x57: {  	_ =	shalt  }
0x58: {  	_ =	shalt  }
0x59: {  	_ =	shalt  }
0x5a: {  	_ =	shalt  }
0x5b: {  	_ =	shalt  }
0x5c: {  	_ =	shalt  }
0x5d: {  	_ =	shalt  }
0x5e: {  	_ =	shalt  }
0x5f: {  	_ =	shalt  }
0x60: {  	_ =	shalt  }
0x61: {  	_ =	shalt  }
0x62: {  	_ =	shalt  }
0x63: {  	_ =	shalt  }
0x64: {  	_ =	shalt  }
0x65: {  	_ =	shalt  }
0x66: {  	_ =	shalt  }
0x67: {  	_ =	shalt  }
0x68: {  	_ =	shalt  }
0x69: {  	_ =	shalt  }
0x6a: {  	_ =	shalt  }
0x6b: {  	_ =	shalt  }
0x6c: {  	_ =	shalt  }
0x6d: {  	_ =	shalt  }
0x6e: {  	_ =	shalt  }
0x6f: {  	_ =	shalt  }
0x70: {  	_ =	shalt  }
0x71: {  	_ =	shalt  }
0x72: {  	_ =	shalt  }
0x73: {  	_ =	shalt  }
0x74: {  	_ =	shalt  }
0x75: {  	_ =	shalt  }
0x76: {  	_ =	shalt  }
0x77: {  	_ =	shalt  }
0x78: {  	_ =	shalt  }
0x79: {  	_ =	shalt  }
0x7a: {  	_ =	shalt  }
0x7b: {  	_ =	shalt  }
0x7c: {  	_ =	shalt  }
0x7d: {  	_ =	shalt  }
0x7e: {  	_ =	shalt  }
0x7f: {  	_ =	shalt  }
0x80: {  	_ =	shalt  }
0x81: {  	_ =	shalt  }
0x82: {  	_ =	shalt  }
0x83: {  	_ =	shalt  }
0x84: {  	_ =	shalt  }
0x85: {  	_ =	shalt  }
0x86: {  	_ =	shalt  }
0x87: {  	_ =	shalt  }
.Lfunc_end0:
.L_simem_size_0:
called_computation_lowered:
.L_overlay_start_0:
0x88: {  	s2 =	sld [smem:$0x3FD9]  }
0x89: {  	s3 =	sld [smem:$0x3FFE];
	_ =	sdelay $0x1  }
0x8a: {  	s1 =	srdreg.scid  }
0x8b: {  	s0 =	sand.u32 $0x1, s1  }
0x8c: {  	s17 =	sshll.u32 s0, $0xA;
	s2 =	sadd.s32 s3, s2  }
0x8d: {  	s2 =	sadd.s32 s2, s17  }
0x8e: {  	[smem:$0x3FBA] =	sst s2  }
0x8f: {  	_ = 	snop  }
0x90: {  	s2 =	sld [smem:$0x3FC9]  }
0x91: {  	s18 =	sld [smem:$0x3FC8];
	(tm) =	ssettm $0x1  }
0x92: {  	s4 =	sld [smem:$0x3FFB];
	_ =	sdelay $0x3  }
0x93: {  	_ =	strace s4  }
0x94: {  	s4 =	sld [smem:$0x3FFC];
	_ =	sdelay $0x3  }
0x95: {  	_ =	strace s4  }
0x96: {  	s4 =	sld [smem:$0x3FFD];
	_ =	sdelay $0x3  }
0x97: {  	_ =	strace s4  }
0x98: {  	_ =	strace $0x8FFFFFFF  }
0x99: {  	s19 =	sld [smem:$0x3FDB];
	_ =	sdelay $0x1  }
0x9a: {  	s5 =	simm.s32 $_scs_section_size  }
0x9b: {  	s6 =	simm.s32 $_size__tile_overlayer_lowered;
	s7 =	simm.s32 $_tile_overlayer_lowered  }
0x9c: {  	s22 =	simm.s32 $0x1BFF;
	s21 =	sshll.u32 s7, $0x1;
	s4 =	sadd.s32 s5, s19  }
0x9d: {  	s8 =	simm.s32 $0x0;
	s20 =	sshll.u32 s6, $0x1;
	s6 =	sadd.s32 s21, s4  }
0x9e: {  	[timem:s8], [sflag:s22] =	dma.local [hbm:s6], s20  }
0x9f: {  	_ =	swait.ge [sflag:s22], s20  }
0xa0: {  	s5 =	ssub.s32 $0x0, s20;
	[sflag:s22] =	ssyncset.done $0x0  }
0xa1: {  	[sflag:s22] =	ssyncadd.s32 s5;
	_ =	sdelay $0x1  }
0xa2: {  	s23 =	simm.s32 $0x1B8B  }
0xa3: {  	_ =	swait.ge [sflag:s23], $0x1  }
0xa4: {  	[sflag:s23] =	ssyncset.done $0x0  }
0xa5: {  	s25 =	simm.s32 $0x1B8E;
	s24 =	sld [smem:$0x3FFE];
	[sflag:s23] =	ssyncadd.s32 $0xFFFFFFFF  }
0xa6: {  	s26 =	simm.s32 $execute0_lowered;
	[smem:$0x3FD2] =	sst s25  }
0xa7: {  	s6 =	sshll.u32 s26, $0x1;
	_ =	strace $0x80000046;
	[dreg:$0x1] =	wrdreg $0xFFFFFFFF  }
0xa8: {  	s28 =	simm.s32 $_size_execute0_lowered;
	s4 =	sadd.s32 s4, s6;
	[dreg:$0x0] =	wrdreg $0x0  }
0xa9: {  	s6 =	sshll.u32 s28, $0x1;
	[dreg:$0x2] =	wrdreg s4  }
0xaa: {  	[dreg:$0x3] =	wrdreg s6  }
0xab: {  	[dreg:$0x4] =	wrdreg $0xC0  }
0xac: {  	_ =	task [dreg:s8], $0x5FFFF  }
0xad: {  	[dreg:$0x1] =	wrdreg $0xFFFFFFFF  }
0xae: {  	[dreg:$0x0] =	wrdreg $0x60  }
0xaf: {  	[dreg:$0x2] =	wrdreg s2  }
0xb0: {  	[dreg:$0x3] =	wrdreg s18  }
0xb1: {  	[dreg:$0x4] =	wrdreg s24  }
0xb2: {  	[dreg:$0x5] =	wrdreg $0x9  }
0xb3: {  	_ =	task.clear_ibuf [dreg:s8], $0x6FFFF;
	_ =	strace $0x90000046  }
0xb4: {  	s29 =	simm.s32 $0x9;
	_ =	strace $0x80000048  }
0xb5: {  	_ =	swait.ge [sflag:s29], $0x1  }
0xb6: {  	[sflag:s29] =	ssyncadd.s32 $0xFFFFFFFF  }
0xb7: {  	_ =	strace $0x90000048  }
0xb8: {  	_ =	sfence  }
0xb9: {  	s30 =	sld [smem:$0x0];
	_ =	sdelay $0x2  }
0xba: {  	s31 =	sshll.u32 s1, $0xD;
	s1 =	sshrl.u32 s1, $0x2  }
0xbb: {  	s3 =	sand.u32 $0x4000, s31;
	s1 =	sadd.s32 s1, s30  }
0xbc: {  	s0 =	sor.u32 s3, s0;
	s1 =	sshll.u32 s1, $0x11  }
0xbd: {  	s0 =	sor.u32 s1, s0  }
0xbe: {  	s0 =	sadd.s32 $0x8F2B, s0  }
0xbf: {  	[sflag:s0] =	ssyncadd.remote.s32 $0x1  }
0xc0: {  	_ =	sfence.sel $0xFFFF  }
0xc1: {  	[dreg:$0x0] =	wrdreg $0xFFFFFFFF;
	(pc) =	sbr.abs _section_cstart, $3  }
0xc2: {  	[dreg:$0x1] =	wrdreg $0xFFFFFFFF  }
0xc3: {  	_ =	task.clear_ibuf [dreg:s8], $0x2FFFF;
	_ =	strace $0x9FFFFFFF  }
0xc4: {  	(tm) =	ssettm $0x7FFFFFFF  }
0xc5: {  	_ =	shalt  }
tec
execute0_lowered:
.L_overlay_start_1:
0x0: {  	(tag) =	ssettag $0x1  }
0x1: {  	s0 =	rddreg [dreg:$0x0]  }
0x2: {  	s8 =	rddreg [dreg:$0x1]  }
0x3: {  	s5 =	rddreg [dreg:$0x2];
	s2 =	simm.s32 $0x0;
	s3 =	srdreg.scid  }
0x4: {  	s1 =	stileid.u32;
	s28 =	simm.s32 $0x4400;
	s29 =	simm.s32 $0x8400  }
0x5: {  	s30 =	simm.s32 $0xC400;
	s31 =	simm.s32 $0x1;
	[smem:$0x7FF] =	sst s2  }
0x6: {  	s6 =	sand.u32 $0x1, s3;
	s7 =	sshll.u32 s1, $0xA;
	s4 =	sadd.s32 $0x202800, s5  }
0x7: {  	s3 =	sadd.s32 $0x2800, s5;
	s12 =	sadd.s32 $0x402800, s5;
	s9 =	sshll.u32 s6, $0x9  }
0x8: {  	s16 =	sadd.s32 $0x442800, s5;
	s6 =	ssub.s32 $0x2, s6;
	s9 =	sor.u32 s9, s7  }
0x9: {  	_ =	strace $0x80000047;
	s11 =	sshrl.u32 s6, $0x1;
	s18 =	sshrl.u32 s9, $0x3  }
0xa: {  	s10 =	sor.u32 $0x80, s9;
	s17 =	ssub.s32 s6, s11;
	s22 =	sor.u32 $0x100, s9  }
0xb: {  	s13 =	sor.u32 $0x180, s9;
	s25 =	sshll.u32 s9, $0x4;
	s19 =	sadd.s32 s0, s18  }
0xc: {  	s5 =	sadd.s32 s8, s18;
	s20 =	sshrl.u32 s10, $0x3;
	s24 =	sshrl.u32 s22, $0x3  }
0xd: {  	s14 =	sshrl.u32 s13, $0x3;
	s9 =	sadd.s32 s12, s25;
	s26 =	sshll.u32 s10, $0x4  }
0xe: {  	s15 =	sshll.u32 s22, $0x4;
	s18 =	sshll.u32 s13, $0x4;
	s13 =	sadd.s32 s16, s25  }
0xf: {  	s17 =	smax.u32 s17, $0x1;
	s22 =	simm.s32 $0x100;
	[dreg:$0x4] =	wrdreg s19  }
0x10: {  	s25 =	simm.s32 $0x380;
	[dreg:$0x5] =	wrdreg s5;
	s21 =	sadd.s32 s0, s20  }
0x11: {  	s23 =	sadd.s32 s8, s20;
	s5 =	sadd.s32 s0, s24;
	s6 =	sadd.s32 s8, s24  }
0x12: {  	s7 =	sadd.s32 s0, s14;
	s8 =	sadd.s32 s8, s14;
	s10 =	sadd.s32 s12, s26  }
0x13: {  	s11 =	sadd.s32 s12, s15;
	s12 =	sadd.s32 s12, s18;
	s14 =	sadd.s32 s16, s26  }
0x14: {  	s15 =	sadd.s32 s16, s15;
	s16 =	sadd.s32 s16, s18;
	s18 =	simm.s32 $0x3  }
0x15: {  	s19 =	simm.s32 $0x200;
	s20 =	simm.s32 $0x80;
	s24 =	simm.s32 $0x180  }
0x16: {  	s26 =	simm.s32 $0x400;
	s0 =	simm.s32 $0x2;
	[dreg:$0x6] =	wrdreg s21  }
0x17: {  	[dreg:$0x7] =	wrdreg s23;
	s21 =	simm.s32 $0x280;
	s23 =	simm.s32 $0x300  }
.LBB2_1:
0x18: {  	s1 =	rddreg [dreg:$0x4]  }
0x19: {  	[tilespmem:s2], [sflag:$0x3] =	stream.linear.gather [hbm4b:s1+s2], $0x80, $0x38;
	[tilespmem:$0x10400] =	vst v63  }
0x1a: {  	_ =	swait.ge [sflag:s18], $0x80  }
0x1b: {  	[sflag:s18] =	ssyncset.done $0x0  }
0x1c: {  	s1 =	rddreg [dreg:$0x5];
	[sflag:s18] =	ssyncadd.s32 $0xFFFFFF80  }
0x1d: {  	[tilespmem:s19], [sflag:$0x3] =	stream.linear.gather [hbm4b:s1+s2], $0x80, $0x38;
	[tilespmem:$0x10400] =	vst v63  }
0x1e: {  	_ =	swait.ge [sflag:s18], $0x80  }
0x1f: {  	[sflag:s18] =	ssyncset.done $0x0  }
0x20: {  	s1 =	rddreg [dreg:$0x6];
	[sflag:s18] =	ssyncadd.s32 $0xFFFFFF80  }
0x21: {  	[tilespmem:s20], [sflag:$0x3] =	stream.linear.gather [hbm4b:s1+s2], $0x80, $0x38;
	[tilespmem:$0x10400] =	vst v63  }
0x22: {  	_ =	swait.ge [sflag:s18], $0x80  }
0x23: {  	[sflag:s18] =	ssyncset.done $0x0  }
0x24: {  	s1 =	rddreg [dreg:$0x7];
	[sflag:s18] =	ssyncadd.s32 $0xFFFFFF80  }
0x25: {  	[tilespmem:s21], [sflag:$0x3] =	stream.linear.gather [hbm4b:s1+s2], $0x80, $0x38;
	[tilespmem:$0x10400] =	vst v63  }
0x26: {  	_ =	swait.ge [sflag:s18], $0x80  }
0x27: {  	[sflag:s18] =	ssyncset.done $0x0  }
0x28: {  	[sflag:s18] =	ssyncadd.s32 $0xFFFFFF80  }
0x29: {  	[tilespmem:s22], [sflag:$0x3] =	stream.linear.gather [hbm4b:s5+s2], $0x80, $0x38;
	[tilespmem:$0x10400] =	vst v63  }
0x2a: {  	_ =	swait.ge [sflag:s18], $0x80  }
0x2b: {  	[sflag:s18] =	ssyncset.done $0x0  }
0x2c: {  	[sflag:s18] =	ssyncadd.s32 $0xFFFFFF80  }
0x2d: {  	[tilespmem:s23], [sflag:$0x3] =	stream.linear.gather [hbm4b:s6+s2], $0x80, $0x38;
	[tilespmem:$0x10400] =	vst v63  }
0x2e: {  	_ =	swait.ge [sflag:s18], $0x80  }
0x2f: {  	[sflag:s18] =	ssyncset.done $0x0  }
0x30: {  	[sflag:s18] =	ssyncadd.s32 $0xFFFFFF80  }
0x31: {  	[tilespmem:s24], [sflag:$0x3] =	stream.linear.gather [hbm4b:s7+s2], $0x80, $0x38;
	[tilespmem:$0x10400] =	vst v63  }
0x32: {  	_ =	swait.ge [sflag:s18], $0x80  }
0x33: {  	[sflag:s18] =	ssyncset.done $0x0  }
0x34: {  	[sflag:s18] =	ssyncadd.s32 $0xFFFFFF80  }
0x35: {  	[tilespmem:s25], [sflag:$0x3] =	stream.linear.gather [hbm4b:s8+s2], $0x80, $0x38;
	[tilespmem:$0x10400] =	vst v63  }
0x36: {  	_ =	swait.ge [sflag:s18], $0x80  }
0x37: {  	[sflag:s18] =	ssyncset.done $0x0  }
0x38: {  	[sflag:s18] =	ssyncadd.s32 $0xFFFFFF80  }
0x39: {  	v0 =	vld [tilespmem:$0x0]  }
0x3a: {  	v1 =	vld [tilespmem:$0x200]  }
0x3b: {  	v2 =	vld [tilespmem:$0x10]  }
0x3c: {  	v3 =	vld [tilespmem:$0x210]  }
0x3d: {  	v4 =	vld [tilespmem:$0x20]  }
0x3e: {  	v5 =	vld [tilespmem:$0x220];
	v0 =	vand.u32 $0x1FFFF, v0  }
0x3f: {  	v57 =	vld [tilespmem:$0x30];
	v56 =	vand.u32 $0x1FFFF, v1;
	[tilespmem:$0x0] =	vst v0  }
0x40: {  	v59 =	vld [tilespmem:$0x230];
	v58 =	vand.u32 $0x1FFFF, v2;
	[tilespmem:$0x200] =	vst v56  }
0x41: {  	v61 =	vld [tilespmem:$0x40];
	v60 =	vand.u32 $0x1FFFF, v3;
	[tilespmem:$0x10] =	vst v58  }
0x42: {  	v63 =	vld [tilespmem:$0x240];
	v62 =	vand.u32 $0x1FFFF, v4;
	[tilespmem:$0x210] =	vst v60  }
0x43: {  	v9 =	vld [tilespmem:$0x50];
	v8 =	vand.u32 $0x1FFFF, v5;
	[tilespmem:$0x20] =	vst v62  }
0x44: {  	v11 =	vld [tilespmem:$0x250];
	v10 =	vand.u32 $0x1FFFF, v57;
	[tilespmem:$0x220] =	vst v8  }
0x45: {  	v13 =	vld [tilespmem:$0x60];
	v12 =	vand.u32 $0x1FFFF, v59;
	[tilespmem:$0x30] =	vst v10  }
0x46: {  	v15 =	vld [tilespmem:$0x260];
	v14 =	vand.u32 $0x1FFFF, v61;
	[tilespmem:$0x230] =	vst v12  }
0x47: {  	v17 =	vld [tilespmem:$0x70];
	v16 =	vand.u32 $0x1FFFF, v63;
	[tilespmem:$0x40] =	vst v14  }
0x48: {  	v19 =	vld [tilespmem:$0x270];
	v18 =	vand.u32 $0x1FFFF, v9;
	[tilespmem:$0x240] =	vst v16  }
0x49: {  	v21 =	vld [tilespmem:$0x80];
	v20 =	vand.u32 $0x1FFFF, v11;
	[tilespmem:$0x50] =	vst v18  }
0x4a: {  	v23 =	vld [tilespmem:$0x280];
	v22 =	vand.u32 $0x1FFFF, v13;
	[tilespmem:$0x250] =	vst v20  }
0x4b: {  	v25 =	vld [tilespmem:$0x90];
	v24 =	vand.u32 $0x1FFFF, v15;
	[tilespmem:$0x60] =	vst v22  }
0x4c: {  	v27 =	vld [tilespmem:$0x290];
	v26 =	vand.u32 $0x1FFFF, v17;
	[tilespmem:$0x260] =	vst v24  }
0x4d: {  	v29 =	vld [tilespmem:$0xA0];
	v28 =	vand.u32 $0x1FFFF, v19;
	[tilespmem:$0x70] =	vst v26  }
0x4e: {  	v31 =	vld [tilespmem:$0x2A0];
	v30 =	vand.u32 $0x1FFFF, v21;
	[tilespmem:$0x270] =	vst v28  }
0x4f: {  	v33 =	vld [tilespmem:$0xB0];
	v32 =	vand.u32 $0x1FFFF, v23;
	[tilespmem:$0x80] =	vst v30  }
0x50: {  	v35 =	vld [tilespmem:$0x2B0];
	v34 =	vand.u32 $0x1FFFF, v25;
	[tilespmem:$0x280] =	vst v32  }
0x51: {  	v37 =	vld [tilespmem:$0xC0];
	v36 =	vand.u32 $0x1FFFF, v27;
	[tilespmem:$0x90] =	vst v34  }
0x52: {  	v39 =	vld [tilespmem:$0x2C0];
	v38 =	vand.u32 $0x1FFFF, v29;
	[tilespmem:$0x290] =	vst v36  }
0x53: {  	v41 =	vld [tilespmem:$0xD0];
	v40 =	vand.u32 $0x1FFFF, v31;
	[tilespmem:$0xA0] =	vst v38  }
0x54: {  	v43 =	vld [tilespmem:$0x2D0];
	v42 =	vand.u32 $0x1FFFF, v33;
	[tilespmem:$0x2A0] =	vst v40  }
0x55: {  	v45 =	vld [tilespmem:$0xE0];
	v44 =	vand.u32 $0x1FFFF, v35;
	[tilespmem:$0xB0] =	vst v42  }
0x56: {  	v55 =	vld [tilespmem:$0x300];
	v46 =	vand.u32 $0x1FFFF, v37;
	[tilespmem:$0x2B0] =	vst v44  }
0x57: {  	v47 =	vld [tilespmem:$0x2E0];
	v48 =	vand.u32 $0x1FFFF, v39;
	[tilespmem:$0xC0] =	vst v46  }
0x58: {  	v49 =	vld [tilespmem:$0xF0];
	v50 =	vand.u32 $0x1FFFF, v41;
	[tilespmem:$0x2C0] =	vst v48  }
0x59: {  	v51 =	vld [tilespmem:$0x2F0];
	v52 =	vand.u32 $0x1FFFF, v43;
	[tilespmem:$0xD0] =	vst v50  }
0x5a: {  	v53 =	vld [tilespmem:$0x100];
	v54 =	vand.u32 $0x1FFFF, v45;
	[tilespmem:$0x2D0] =	vst v52  }
0x5b: {  	v57 =	vld [tilespmem:$0x110];
	v7 =	vand.u32 $0x1FFFF, v55;
	[tilespmem:$0xE0] =	vst v54  }
0x5c: {  	v59 =	vld [tilespmem:$0x310];
	v56 =	vand.u32 $0x1FFFF, v47;
	[tilespmem:$0x300] =	vst v7  }
0x5d: {  	v61 =	vld [tilespmem:$0x120];
	v58 =	vand.u32 $0x1FFFF, v49;
	[tilespmem:$0x2E0] =	vst v56  }
0x5e: {  	v63 =	vld [tilespmem:$0x320];
	v60 =	vand.u32 $0x1FFFF, v51;
	[tilespmem:$0xF0] =	vst v58  }
0x5f: {  	v62 =	vand.u32 $0x1FFFF, v53;
	v8 =	vld [tilespmem:$0x130];
	[tilespmem:$0x2F0] =	vst v60  }
0x60: {  	v10 =	vld [tilespmem:$0x330];
	[tilespmem:$0x100] =	vst v62;
	v9 =	vand.u32 $0x1FFFF, v57  }
0x61: {  	v12 =	vld [tilespmem:$0x140];
	v11 =	vand.u32 $0x1FFFF, v59;
	[tilespmem:$0x110] =	vst v9  }
0x62: {  	v14 =	vld [tilespmem:$0x340];
	v13 =	vand.u32 $0x1FFFF, v61;
	[tilespmem:$0x310] =	vst v11  }
0x63: {  	v16 =	vld [tilespmem:$0x150];
	v15 =	vand.u32 $0x1FFFF, v63;
	[tilespmem:$0x120] =	vst v13  }
0x64: {  	v18 =	vld [tilespmem:$0x350];
	[tilespmem:$0x320] =	vst v15;
	v17 =	vand.u32 $0x1FFFF, v8  }
0x65: {  	v20 =	vld [tilespmem:$0x160];
	v19 =	vand.u32 $0x1FFFF, v10;
	[tilespmem:$0x130] =	vst v17  }
0x66: {  	v22 =	vld [tilespmem:$0x360];
	v21 =	vand.u32 $0x1FFFF, v12;
	[tilespmem:$0x330] =	vst v19  }
0x67: {  	v24 =	vld [tilespmem:$0x170];
	v23 =	vand.u32 $0x1FFFF, v14;
	[tilespmem:$0x140] =	vst v21  }
0x68: {  	v26 =	vld [tilespmem:$0x370];
	v25 =	vand.u32 $0x1FFFF, v16;
	[tilespmem:$0x340] =	vst v23  }
0x69: {  	v28 =	vld [tilespmem:$0x180];
	v27 =	vand.u32 $0x1FFFF, v18;
	[tilespmem:$0x150] =	vst v25  }
0x6a: {  	v30 =	vld [tilespmem:$0x380];
	v29 =	vand.u32 $0x1FFFF, v20;
	[tilespmem:$0x350] =	vst v27  }
0x6b: {  	v32 =	vld [tilespmem:$0x190];
	v31 =	vand.u32 $0x1FFFF, v22;
	[tilespmem:$0x160] =	vst v29  }
0x6c: {  	v34 =	vld [tilespmem:$0x390];
	v33 =	vand.u32 $0x1FFFF, v24;
	[tilespmem:$0x360] =	vst v31  }
0x6d: {  	v36 =	vld [tilespmem:$0x1A0];
	v35 =	vand.u32 $0x1FFFF, v26;
	[tilespmem:$0x170] =	vst v33  }
0x6e: {  	v38 =	vld [tilespmem:$0x3A0];
	v37 =	vand.u32 $0x1FFFF, v28;
	[tilespmem:$0x370] =	vst v35  }
0x6f: {  	v40 =	vld [tilespmem:$0x1B0];
	v39 =	vand.u32 $0x1FFFF, v30;
	[tilespmem:$0x180] =	vst v37  }
0x70: {  	v42 =	vld [tilespmem:$0x3B0];
	v41 =	vand.u32 $0x1FFFF, v32;
	[tilespmem:$0x380] =	vst v39  }
0x71: {  	v44 =	vld [tilespmem:$0x1C0];
	v43 =	vand.u32 $0x1FFFF, v34;
	[tilespmem:$0x190] =	vst v41  }
0x72: {  	v46 =	vld [tilespmem:$0x3C0];
	v45 =	vand.u32 $0x1FFFF, v36;
	[tilespmem:$0x390] =	vst v43  }
0x73: {  	v48 =	vld [tilespmem:$0x1D0];
	v47 =	vand.u32 $0x1FFFF, v38;
	[tilespmem:$0x1A0] =	vst v45  }
0x74: {  	v50 =	vld [tilespmem:$0x3D0];
	v49 =	vand.u32 $0x1FFFF, v40;
	[tilespmem:$0x3A0] =	vst v47  }
0x75: {  	v52 =	vld [tilespmem:$0x1E0];
	v51 =	vand.u32 $0x1FFFF, v42;
	[tilespmem:$0x1B0] =	vst v49  }
0x76: {  	v54 =	vld [tilespmem:$0x3E0];
	v53 =	vand.u32 $0x1FFFF, v44;
	[tilespmem:$0x3B0] =	vst v51  }
0x77: {  	v56 =	vld [tilespmem:$0x1F0];
	v55 =	vand.u32 $0x1FFFF, v46;
	[tilespmem:$0x1C0] =	vst v53  }
0x78: {  	v58 =	vld [tilespmem:$0x3F0];
	v57 =	vand.u32 $0x1FFFF, v48;
	[tilespmem:$0x3C0] =	vst v55  }
0x79: {  	v59 =	vand.u32 $0x1FFFF, v50;
	[tilespmem:$0x1D0] =	vst v57  }
0x7a: {  	v60 =	vand.u32 $0x1FFFF, v52;
	[tilespmem:$0x3D0] =	vst v59  }
0x7b: {  	v61 =	vand.u32 $0x1FFFF, v54;
	[tilespmem:$0x1E0] =	vst v60  }
0x7c: {  	[tilespmem:$0x3E0] =	vst v61;
	v62 =	vand.u32 $0x1FFFF, v56  }
0x7d: {  	v63 =	vand.u32 $0x1FFFF, v58;
	[tilespmem:$0x1F0] =	vst v62  }
0x7e: {  	[tilespmem:$0x3F0] =	vst v63  }
0x7f: {  	[tilespmem:s26], [sflag:$0x1] =	stream.indirect.gather [hbm4b:s3+s20], $0x80, s2, s20, $0xb8;
	[tilespmem:$0x10400] =	vst v63  }
0x80: {  	_ = 	snop  }
0x81: {  	[tilespmem:s28], [sflag:$0x1] =	stream.indirect.gather [hbm4b:s3+s20], $0x80, s20, s20, $0xb8;
	[tilespmem:$0x10400] =	vst v63  }
0x82: {  	_ = 	snop  }
0x83: {  	[tilespmem:s29], [sflag:$0x1] =	stream.indirect.gather [hbm4b:s3+s20], $0x80, s22, s20, $0xb8;
	[tilespmem:$0x10400] =	vst v63  }
0x84: {  	_ = 	snop  }
0x85: {  	[tilespmem:s30], [sflag:$0x1] =	stream.indirect.gather [hbm4b:s3+s20], $0x80, s24, s20, $0xb8;
	[tilespmem:$0x10400] =	vst v63  }
0x86: {  	_ =	swait.ge [sflag:s31], $0x4000  }
0x87: {  	[sflag:s31] =	ssyncset.done $0x0  }
0x88: {  	[sflag:s31] =	ssyncadd.s32 $0xFFFFC000  }
0x89: {  	[hbm4b:s9+s2] =	stream.linear.scatter [tilespmem:s26], [sflag:$0x2], $0x4000, $0x38;
	[tilespmem:$0x10400] =	vst v63  }
0x8a: {  	_ =	swait.ge [sflag:s0], $0x4000  }
0x8b: {  	[sflag:s0] =	ssyncset.done $0x0  }
0x8c: {  	[sflag:s0] =	ssyncadd.s32 $0xFFFFC000  }
0x8d: {  	[tilespmem:s26], [sflag:$0x1] =	stream.indirect.gather [hbm4b:s4+s20], $0x80, s19, s20, $0xb8;
	[tilespmem:$0x10400] =	vst v63  }
0x8e: {  	_ =	swait.ge [sflag:s31], $0x4000  }
0x8f: {  	[sflag:s31] =	ssyncset.done $0x0  }
0x90: {  	[sflag:s31] =	ssyncadd.s32 $0xFFFFC000  }
0x91: {  	[hbm4b:s10+s2] =	stream.linear.scatter [tilespmem:s28], [sflag:$0x2], $0x4000, $0x38;
	[tilespmem:$0x10400] =	vst v63  }
0x92: {  	_ =	swait.ge [sflag:s0], $0x4000  }
0x93: {  	[sflag:s0] =	ssyncset.done $0x0  }
0x94: {  	[sflag:s0] =	ssyncadd.s32 $0xFFFFC000  }
0x95: {  	[tilespmem:s28], [sflag:$0x1] =	stream.indirect.gather [hbm4b:s4+s20], $0x80, s21, s20, $0xb8;
	[tilespmem:$0x10400] =	vst v63  }
0x96: {  	_ =	swait.ge [sflag:s31], $0x4000  }
0x97: {  	[sflag:s31] =	ssyncset.done $0x0  }
0x98: {  	[sflag:s31] =	ssyncadd.s32 $0xFFFFC000  }
0x99: {  	[hbm4b:s11+s2] =	stream.linear.scatter [tilespmem:s29], [sflag:$0x2], $0x4000, $0x38;
	[tilespmem:$0x10400] =	vst v63  }
0x9a: {  	_ =	swait.ge [sflag:s0], $0x4000  }
0x9b: {  	[sflag:s0] =	ssyncset.done $0x0  }
0x9c: {  	[sflag:s0] =	ssyncadd.s32 $0xFFFFC000  }
0x9d: {  	[tilespmem:s29], [sflag:$0x1] =	stream.indirect.gather [hbm4b:s4+s20], $0x80, s23, s20, $0xb8;
	[tilespmem:$0x10400] =	vst v63  }
0x9e: {  	_ =	swait.ge [sflag:s31], $0x4000  }
0x9f: {  	[sflag:s31] =	ssyncset.done $0x0  }
0xa0: {  	[sflag:s31] =	ssyncadd.s32 $0xFFFFC000  }
0xa1: {  	[hbm4b:s12+s2] =	stream.linear.scatter [tilespmem:s30], [sflag:$0x2], $0x4000, $0x38;
	[tilespmem:$0x10400] =	vst v63  }
0xa2: {  	_ =	swait.ge [sflag:s0], $0x4000  }
0xa3: {  	[sflag:s0] =	ssyncset.done $0x0  }
0xa4: {  	[sflag:s0] =	ssyncadd.s32 $0xFFFFC000  }
0xa5: {  	[tilespmem:s30], [sflag:$0x1] =	stream.indirect.gather [hbm4b:s4+s20], $0x80, s25, s20, $0xb8;
	[tilespmem:$0x10400] =	vst v63  }
0xa6: {  	_ =	swait.ge [sflag:s31], $0x4000  }
0xa7: {  	[sflag:s31] =	ssyncset.done $0x0  }
0xa8: {  	[sflag:s31] =	ssyncadd.s32 $0xFFFFC000  }
0xa9: {  	[hbm4b:s13+s2] =	stream.linear.scatter [tilespmem:s26], [sflag:$0x2], $0x4000, $0x38;
	[tilespmem:$0x10400] =	vst v63  }
0xaa: {  	_ =	swait.ge [sflag:s31], $0x4000  }
0xab: {  	[sflag:s31] =	ssyncset.done $0x0  }
0xac: {  	[sflag:s31] =	ssyncadd.s32 $0xFFFFC000  }
0xad: {  	[hbm4b:s14+s2] =	stream.linear.scatter [tilespmem:s28], [sflag:$0x2], $0x4000, $0x38;
	[tilespmem:$0x10400] =	vst v63  }
0xae: {  	_ =	swait.ge [sflag:s31], $0x4000  }
0xaf: {  	[sflag:s31] =	ssyncset.done $0x0  }
0xb0: {  	[sflag:s31] =	ssyncadd.s32 $0xFFFFC000  }
0xb1: {  	[hbm4b:s15+s2] =	stream.linear.scatter [tilespmem:s29], [sflag:$0x2], $0x4000, $0x38;
	[tilespmem:$0x10400] =	vst v63  }
0xb2: {  	_ =	swait.ge [sflag:s31], $0x4000  }
0xb3: {  	[sflag:s31] =	ssyncset.done $0x0  }
0xb4: {  	[sflag:s31] =	ssyncadd.s32 $0xFFFFC000  }
0xb5: {  	[hbm4b:s16+s2] =	stream.linear.scatter [tilespmem:s30], [sflag:$0x2], $0x4000, $0x38;
	[tilespmem:$0x10400] =	vst v63  }
0xb6: {  	_ =	swait.ge [sflag:s0], $0x4000  }
0xb7: {  	[sflag:s0] =	ssyncset.done $0x0  }
0xb8: {  	[sflag:s0] =	ssyncadd.s32 $0xFFFFC000  }
0xb9: {  	_ =	swait.ge [sflag:s0], $0x4000  }
0xba: {  	[sflag:s0] =	ssyncset.done $0x0  }
0xbb: {  	[sflag:s0] =	ssyncadd.s32 $0xFFFFC000  }
0xbc: {  	p0 =	sne.s32 s17, $0x1;
	_ =	swait.ge [sflag:s0], $0x4000  }
.Ltmp0:
0xbd: {  	[sflag:s0] =	ssyncset.done $0x0;
	(pc) =	sbr.rel @p0 .LBB2_1-.Ltmp0, $4  }
0xbe: {  	[sflag:s0] =	ssyncadd.s32 $0xFFFFC000  }
0xbf: {  	_ =	swait.ge [sflag:s0], $0x4000  }
0xc0: {  	[sflag:s0] =	ssyncset.done $0x0  }
0xc1: {  	s17 =	sadd.s32 $0xFFFFFFFF, s17;
	[sflag:s0] =	ssyncadd.s32 $0xFFFFC000  }
0xc2: {  	_ =	sfence.sel $0x180000  }
0xc3: {  	[bflag:$0x0] =	sbarrier.arrive $0xFFFF  }
0xc4: {  	_ =	strace $0x90000047  }
0xc5: {  	s0 =	stileid.u32;
	[bflag:$0x2] =	sbarrier.arrive $0xFFFF  }
0xc6: {  	p0 =	sne.s32 s0, $0x0;
	s0 =	rddreg [dreg:$0x3]  }
0xc7: {  	s0 =	sadd.s32 @!p0 $0x100000, s0  }
0xc8: {  	[sflag:s0] =	ssyncadd.tile.s32 @!p0 $0x1;
	_ =	shalt  }
.Lfunc_end2:
_tile_overlayer_lowered:
.L_overlay_start_2:
0xc9: {  	(tag) =	ssettag $0x2  }
0xca: {  	s0 =	rddreg [dreg:$0x0];
	s2 =	stileid.u32  }
0xcb: {  	s1 =	rddreg [dreg:$0x1];
	p0 =	sne.s32 s2, $0x0  }
0xcc: {  	s3 =	rddreg [dreg:$0x2];
	[bflag:$0x3] =	sbarrier.arrive $0xFFFF;
	s2 =	simm.s32 @!p0 $0x1C03  }
0xcd: {  	[timem:s3], [sflag:s2] =	dma.local @!p0 [hbm:s0], s1  }
0xce: {  	s0 =	simm.s32 @!p0 $0x3  }
0xcf: {  	_ =	swait.ge @!p0 [sflag:s0], s1  }
0xd0: {  	s1 =	ssub.s32 @!p0 $0x0, s1;
	[sflag:s0] =	ssyncset.done @!p0 $0x0  }
0xd1: {  	[sflag:s0] =	ssyncadd.s32 @!p0 s1  }
0xd2: {  	[bflag:$0x3] =	sbarrier.arrive $0xFFFF  }
0xd3: {  	_ =	shalt  }

</sc_bundles>
